<compile_context>
chip_gen: v7x
topology: tpu7x:2x2x1
jax: 0.10.2.dev20260603
libtpu: 0.0.44.dev20260713+nightly
codegen_flags: <defaults>
</compile_context>

<pallas_src>
import functools

import jax
import jax.numpy as jnp
from jax import lax
from jax.experimental import pallas as pl
from jax.experimental.pallas import tpu as pltpu
from jax.experimental.pallas import tpu_sc as plsc

NC = 2
NS = 16
LW = 128
CH = 4

_SC_PARAMS = pltpu.CompilerParams(use_tc_tiling_on_sc=False)
if "needs_layout_passes" in pltpu.CompilerParams.__dataclass_fields__:
  import dataclasses as _dc
  _SC_PARAMS = _dc.replace(_SC_PARAMS, needs_layout_passes=False)


def _tc_project(emb, W, att_s, att_d, n, bm=1024):
  d = emb.shape[1]
  hc = W.shape[1]
  c2 = hc // 2
  grid = (pl.cdiv(n, bm),)

  def body(emb_r, w_r, as_r, ad_r, zlo_r, zhi_r, az_r):
    zb = jnp.dot(emb_r[...], w_r[...], preferred_element_type=jnp.float32)
    zlo_r[...] = zb[:, :c2]
    zhi_r[...] = zb[:, c2:]
    az_r[pl.ds(0, 1), :] = jnp.sum(zb * as_r[...], axis=1)[None, :]
    az_r[pl.ds(1, 1), :] = jnp.sum(zb * ad_r[...], axis=1)[None, :]

  return pl.pallas_call(
      body,
      grid=grid,
      in_specs=[
          pl.BlockSpec((bm, d), lambda i: (i, 0)),
          pl.BlockSpec((d, hc), lambda i: (0, 0)),
          pl.BlockSpec((1, hc), lambda i: (0, 0)),
          pl.BlockSpec((1, hc), lambda i: (0, 0)),
      ],
      out_specs=[
          pl.BlockSpec((bm, c2), lambda i: (i, 0)),
          pl.BlockSpec((bm, c2), lambda i: (i, 0)),
          pl.BlockSpec((2, bm), lambda i: (0, i)),
      ],
      out_shape=[
          jax.ShapeDtypeStruct((n, c2), jnp.float32),
          jax.ShapeDtypeStruct((n, c2), jnp.float32),
          jax.ShapeDtypeStruct((2, n), jnp.float32),
      ],
  )(emb, W, att_s, att_d)


def _sc_tables(x2, zlo, zhi, azs, azd, npad, c2):
  gx = npad // LW
  gper = gx // NS
  mesh = plsc.VectorSubcoreMesh(core_axis_name="c", subcore_axis_name="s")

  @functools.partial(
      pl.kernel,
      out_type=[
          jax.ShapeDtypeStruct((npad, c2), jnp.float32),
          jax.ShapeDtypeStruct((npad, c2), jnp.float32),
          jax.ShapeDtypeStruct((npad,), jnp.float32),
          jax.ShapeDtypeStruct((npad,), jnp.float32),
      ],
      mesh=mesh,
      compiler_params=_SC_PARAMS,
      scratch_types=[
          pltpu.VMEM((LW,), jnp.int32),
          pltpu.VMEM((LW, c2), jnp.float32),
          pltpu.VMEM((LW,), jnp.float32),
          pltpu.SemaphoreType.DMA,
      ],
  )
  def kern(x2_r, zlo_r, zhi_r, azs_r, azd_r,
           xwlo_r, xwhi_r, asrc_r, adst_r, idx_v, rows_v, sca_v, sem):
    c = lax.axis_index("c")
    s = lax.axis_index("s")

    @pl.loop(0, gper)
    def _(k):
      gw = s * gper + k
      pltpu.sync_copy(x2_r.at[gw], idx_v)

      @pl.when(c == 0)
      def _():
        d = [pltpu.async_copy(zlo_r.at[idx_v], rows_v, sem),
             pltpu.async_copy(azs_r.at[idx_v], sca_v, sem)]
        for x in d:
          x.wait()
        d = [pltpu.async_copy(rows_v, xwlo_r.at[pl.ds(gw * LW, LW)], sem),
             pltpu.async_copy(sca_v, asrc_r.at[pl.ds(gw * LW, LW)], sem)]
        for x in d:
          x.wait()

      @pl.when(c == 1)
      def _():
        d = [pltpu.async_copy(zhi_r.at[idx_v], rows_v, sem),
             pltpu.async_copy(azd_r.at[idx_v], sca_v, sem)]
        for x in d:
          x.wait()
        d = [pltpu.async_copy(rows_v, xwhi_r.at[pl.ds(gw * LW, LW)], sem),
             pltpu.async_copy(sca_v, adst_r.at[pl.ds(gw * LW, LW)], sem)]
        for x in d:
          x.wait()

  return kern(x2, zlo, zhi, azs, azd)


def _sc_edges(src2, dst2, xwlo, xwhi, asrc, adst, bias2, npad, c2):
  g = src2.shape[0]
  gt = g // NS
  nch = gt // CH
  rt = npad // NS
  nrch = rt // LW
  gper = (npad // LW) // NS
  mesh = plsc.VectorSubcoreMesh(core_axis_name="c", subcore_axis_name="s")

  @functools.partial(
      pl.kernel,
      out_type=[
          jax.ShapeDtypeStruct((npad, c2), jnp.float32),
          jax.ShapeDtypeStruct((npad, c2), jnp.float32),
          jax.ShapeDtypeStruct((g, LW), jnp.float32),
          jax.ShapeDtypeStruct((g, LW), jnp.float32),
      ],
      mesh=mesh,
      compiler_params=_SC_PARAMS,
      scratch_types=[
          pltpu.VMEM_SHARED((npad, c2), jnp.float32),
          pltpu.VMEM_SHARED((npad,), jnp.float32),
          pltpu.VMEM((CH, LW), jnp.int32),
          pltpu.VMEM((CH, LW), jnp.int32),
          pltpu.VMEM((CH, LW), jnp.float32),
          pltpu.VMEM((CH, LW), jnp.float32),
          pltpu.VMEM((CH, LW), jnp.float32),
          pltpu.VMEM((CH * LW, c2), jnp.float32),
          pltpu.VMEM((LW,), jnp.float32),
          pltpu.VMEM((2, c2), jnp.float32),
          pltpu.SemaphoreType.DMA,
          pltpu.SemaphoreType.DMA,
          pltpu.SemaphoreType.DMA,
      ],
  )
  def kern(src_r, dst_r, xwlo_r, xwhi_r, asrc_r, adst_r, bias_r,
           outlo_r, outhi_r, alpha_r, wsp_r,
           num_s, den_s,
           src_v, dst_v, av, bv, wv, rows_v, zden, bias_v,
           sem, sem2, sem3):
    c = lax.axis_index("c")
    s = lax.axis_index("s")
    base = s * rt
    z16 = jnp.zeros((16,), jnp.float32)

    @pl.loop(0, LW)
    def _(i):
      rows_v[i, pl.ds(0, 16)] = z16
      rows_v[i, pl.ds(16, 16)] = z16

    @pl.loop(0, LW // 16)
    def _(i):
      zden[pl.ds(i * 16, 16)] = z16

    @pl.loop(0, nrch)
    def _(k):
      pltpu.sync_copy(rows_v.at[pl.ds(0, LW)],
                      num_s.at[pl.ds(base + k * LW, LW)])
      pltpu.sync_copy(zden, den_s.at[pl.ds(base + k * LW, LW)])

    pltpu.sync_copy(bias_r, bias_v)
    plsc.subcore_barrier()

    @pl.loop(0, nch)
    def _(ch):
      g0 = s * gt + ch * CH
      d = [pltpu.async_copy(src_r.at[pl.ds(g0, CH)], src_v, sem),
           pltpu.async_copy(dst_r.at[pl.ds(g0, CH)], dst_v, sem)]
      for x in d:
        x.wait()

      HH = CH // 2
      HB = HH * LW

      @pl.when(c == 0)
      def _():
        for j in range(HH):
          pltpu.async_copy(xwlo_r.at[src_v.at[j]],
                           rows_v.at[pl.ds(j * LW, LW)], sem)

      @pl.when(c == 1)
      def _():
        for j in range(HH):
          pltpu.async_copy(xwhi_r.at[src_v.at[j]],
                           rows_v.at[pl.ds(j * LW, LW)], sem)

      d = []
      for j in range(CH):
        d.append(pltpu.async_copy(asrc_r.at[src_v.at[j]], av.at[j], sem2))
        d.append(pltpu.async_copy(adst_r.at[dst_v.at[j]], bv.at[j], sem2))
      for x in d:
        x.wait()
      for j in range(CH):
        for t in range(LW // 16):
          sl = pl.ds(t * 16, 16)
          a = av[j, sl] + bv[j, sl]
          a = jnp.maximum(a, 0.2 * a)
          wv[j, sl] = jnp.exp(a)
      ds_ = []
      for j in range(CH):
        ds_.append(pltpu.async_copy(wv.at[j], den_s.at[dst_v.at[j]], sem2,
                                    add=True))

      @pl.when(c == 0)
      def _():
        pltpu.sync_copy(wv, alpha_r.at[pl.ds(g0, CH)])
        for j in range(HH, CH):
          pltpu.async_copy(xwlo_r.at[src_v.at[j]],
                           rows_v.at[pl.ds(j * LW, LW)], sem3)

      @pl.when(c == 1)
      def _():
        pltpu.sync_copy(wv, wsp_r.at[pl.ds(g0, CH)])
        for j in range(HH, CH):
          pltpu.async_copy(xwhi_r.at[src_v.at[j]],
                           rows_v.at[pl.ds(j * LW, LW)], sem3)

      pltpu.make_async_copy(xwlo_r.at[pl.ds(0, HB)],
                            rows_v.at[pl.ds(0, HB)], sem).wait()

      @pl.loop(0, HB, unroll=8)
      def _(e):
        jj = jnp.full((16,), e >> 7, jnp.int32)
        ll = jnp.full((16,), e & (LW - 1), jnp.int32)
        vb = plsc.load_gather(wv, [jj, ll])
        rows_v[e, pl.ds(0, 16)] = rows_v[e, pl.ds(0, 16)] * vb
        rows_v[e, pl.ds(16, 16)] = rows_v[e, pl.ds(16, 16)] * vb

      d = []
      for j in range(HH):
        d.append(pltpu.async_copy(rows_v.at[pl.ds(j * LW, LW)],
                                  num_s.at[dst_v.at[j]], sem, add=True))

      pltpu.make_async_copy(xwlo_r.at[pl.ds(0, HB)],
                            rows_v.at[pl.ds(HB, HB)], sem3).wait()

      @pl.loop(HB, CH * LW, unroll=8)
      def _(e):
        jj = jnp.full((16,), e >> 7, jnp.int32)
        ll = jnp.full((16,), e & (LW - 1), jnp.int32)
        vb = plsc.load_gather(wv, [jj, ll])
        rows_v[e, pl.ds(0, 16)] = rows_v[e, pl.ds(0, 16)] * vb
        rows_v[e, pl.ds(16, 16)] = rows_v[e, pl.ds(16, 16)] * vb

      for j in range(HH, CH):
        d.append(pltpu.async_copy(rows_v.at[pl.ds(j * LW, LW)],
                                  num_s.at[dst_v.at[j]], sem3, add=True))
      for x in d:
        x.wait()
      for x in ds_:
        x.wait()

    plsc.subcore_barrier()

    @pl.loop(0, nch)
    def _(ch):
      g0 = s * gt + ch * CH
      pltpu.sync_copy(dst_r.at[pl.ds(g0, CH)], dst_v)
      d = []
      for j in range(CH):
        d.append(pltpu.async_copy(den_s.at[dst_v.at[j]], av.at[j], sem))

      @pl.when(c == 0)
      def _():
        pltpu.sync_copy(alpha_r.at[pl.ds(g0, CH)], wv)

      @pl.when(c == 1)
      def _():
        pltpu.sync_copy(wsp_r.at[pl.ds(g0, CH)], wv)

      for x in d:
        x.wait()
      for j in range(CH):
        for t in range(LW // 16):
          sl = pl.ds(t * 16, 16)
          bv[j, sl] = wv[j, sl] / (av[j, sl] + 1e-16)

      @pl.when(c == 0)
      def _():
        pltpu.sync_copy(bv, alpha_r.at[pl.ds(g0, CH)])

    plsc.subcore_barrier()

    cc0 = jnp.full((16,), c == 0, jnp.bool_)
    b0 = jnp.where(cc0, bias_v[0, pl.ds(0, 16)], bias_v[1, pl.ds(0, 16)])
    b1 = jnp.where(cc0, bias_v[0, pl.ds(16, 16)], bias_v[1, pl.ds(16, 16)])

    @pl.loop(0, nrch)
    def _(k):
      r0 = base + k * LW
      d = [pltpu.async_copy(num_s.at[pl.ds(r0, LW)],
                            rows_v.at[pl.ds(0, LW)], sem),
           pltpu.async_copy(den_s.at[pl.ds(r0, LW)], zden, sem)]
      for x in d:
        x.wait()

      @pl.loop(0, LW // 16)
      def _(t):
        sl = pl.ds(t * 16, 16)
        zden[sl] = 1.0 / (zden[sl] + 1e-16)

      @pl.loop(0, LW, unroll=4)
      def _(i):
        vb = plsc.load_gather(zden, [jnp.full((16,), i, jnp.int32)])
        v0 = rows_v[i, pl.ds(0, 16)] * vb + b0
        rows_v[i, pl.ds(0, 16)] = jnp.maximum(v0, 0.01 * v0)
        v1 = rows_v[i, pl.ds(16, 16)] * vb + b1
        rows_v[i, pl.ds(16, 16)] = jnp.maximum(v1, 0.01 * v1)

      @pl.when(c == 0)
      def _():
        pltpu.sync_copy(rows_v.at[pl.ds(0, LW)], outlo_r.at[pl.ds(r0, LW)])

      @pl.when(c == 1)
      def _():
        pltpu.sync_copy(rows_v.at[pl.ds(0, LW)], outhi_r.at[pl.ds(r0, LW)])

  return kern(src2, dst2, xwlo, xwhi, asrc, adst, bias2)


def _round_up(v, m):
  return (v + m - 1) // m * m


@jax.jit
def kernel(x, edge_index, emb, W, att_src, att_dst, bias):
  n, d = emb.shape
  hc = W.shape[1]
  c2 = hc // 2
  e = edge_index.shape[1]
  et = e + n

  npad = _round_up(n + 1, NS * LW)
  epad = _round_up(et, NS * CH * LW)

  zlo, zhi, az = _tc_project(emb, W,
                             att_src.reshape(1, hc).astype(jnp.float32),
                             att_dst.reshape(1, hc).astype(jnp.float32),
                             n)

  x_i = x.astype(jnp.int32)
  x2 = jnp.zeros((npad,), jnp.int32).at[:n].set(x_i).reshape(npad // LW, LW)

  xwlo, xwhi, asrc, adst = _sc_tables(x2, zlo, zhi, az[0], az[1], npad, c2)

  ei = edge_index.astype(jnp.int32)
  loops = jnp.arange(n, dtype=jnp.int32)
  srcp = jnp.concatenate(
      [ei[0], loops, jnp.zeros((epad - et,), jnp.int32)]).reshape(-1, LW)
  dstp = jnp.concatenate(
      [ei[1], loops, jnp.full((epad - et,), n, jnp.int32)]).reshape(-1, LW)
  bias2 = bias.astype(jnp.float32).reshape(2, c2)

  outlo, outhi, alpha2 = _sc_edges(srcp, dstp, xwlo, xwhi, asrc, adst,
                                   bias2, npad, c2)[:3]

  out = jnp.concatenate([outlo[:n], outhi[:n]], axis=1)
  alpha = alpha2.reshape(-1)[:et].reshape(et, 1)
  return out, alpha

# --- scband reference (transcript-rebuilt; emitter-appended) ---
"""Pipeline reference for scband-gat-layer-60215441490521 (READ-ONLY COPY).

The authoritative reference and input builder live on the scoring server;
editing this copy changes nothing except your own understanding.
"""

import jax, jax.numpy as jnp
import numpy as np

N = 50000
E = 800000
D = 64
H = 1
C = 64

def setup_inputs(seed: int = 0) -> dict:
    key = jax.random.key(seed)
    k1, k2, k3, k4, k5, k6 = jax.random.split(key, 6)
    x = jax.random.randint(k1, (N,), 0, N)
    edge_index = jax.random.randint(k2, (2, E), 0, N)
    emb = jax.random.normal(k3, (N, D), dtype=jnp.float32) * 0.02
    W = jax.random.normal(k4, (D, H * C), dtype=jnp.float32) * (1.0 / np.sqrt(D))
    att_src = jax.random.normal(k5, (1, H, C), dtype=jnp.float32) * 0.1
    att_dst = jax.random.normal(k6, (1, H, C), dtype=jnp.float32) * 0.1
    bias = jnp.zeros((H * C,), dtype=jnp.float32)
    return {"x": x, "edge_index": edge_index, "emb": emb, "W": W,
            "att_src": att_src, "att_dst": att_dst, "bias": bias}


def _segment_softmax(alpha, seg, num_segments):
    amax = jax.ops.segment_max(alpha, seg, num_segments=num_segments)
    amax = jnp.where(jnp.isfinite(amax), amax, 0.0)
    ex = jnp.exp(alpha - amax[seg])
    denom = jax.ops.segment_sum(ex, seg, num_segments=num_segments)
    return ex / (denom[seg] + 1e-16)


def reference(x, edge_index, emb, W, att_src, att_dst, bias):
    # nn.Embedding lookup
    x_embed = jnp.take(emb, x, axis=0)  # [N, D]
    # PyG GATConv with add_self_loops=True (default)
    loops = jnp.arange(N, dtype=edge_index.dtype)
    ei = jnp.concatenate([edge_index, jnp.stack([loops, loops])], axis=1)
    src, dst = ei[0], ei[1]
    xw = (x_embed @ W).reshape(N, H, C)
    a_src = (xw * att_src).sum(-1)  # [N, H]
    a_dst = (xw * att_dst).sum(-1)  # [N, H]
    alpha = a_src[src] + a_dst[dst]  # [E+N, H]
    alpha = jax.nn.leaky_relu(alpha, negative_slope=0.2)
    alpha = _segment_softmax(alpha, dst, N)
    # dropout on attention coeffs: eval mode -> identity
    msg = xw[src] * alpha[:, :, None]  # [E+N, H, C]
    agg = jax.ops.segment_sum(msg, dst, num_segments=N)  # [N, H, C]
    x_gat = agg.reshape(N, H * C) + bias
    # x_cat computed but unused in original forward; skipped
    out = jax.nn.leaky_relu(x_gat, negative_slope=0.01)
    # outer dropout: eval mode -> identity
    return out, alpha

if __name__ == "__main__":
    import jax
    _d = setup_inputs()
    print(jax.jit(kernel)(*tuple(_d.values())))

</pallas_src>

<mosaic_0001>
#map = affine_map<(d0, d1) -> (0, 0)>
#map1 = affine_map<(d0, d1) -> (0)>
module attributes {stable_mosaic.version = 14 : i64} {
  func.func @kern(%arg0: i32, %arg1: i32, %arg2: memref<6656x128xi32, #tpu.memory_space<hbm>>, %arg3: memref<6656x128xi32, #tpu.memory_space<hbm>>, %arg4: memref<51200x32xf32, #tpu.memory_space<hbm>>, %arg5: memref<51200x32xf32, #tpu.memory_space<hbm>>, %arg6: memref<51200xf32, #tpu.memory_space<hbm>>, %arg7: memref<51200xf32, #tpu.memory_space<hbm>>, %arg8: memref<2x32xf32, #tpu.memory_space<hbm>>, %arg9: memref<51200x32xf32, #tpu.memory_space<hbm>>, %arg10: memref<51200x32xf32, #tpu.memory_space<hbm>>, %arg11: memref<6656x128xf32, #tpu.memory_space<hbm>>, %arg12: memref<6656x128xf32, #tpu.memory_space<hbm>>, %arg13: memref<51200x32xf32, #tpu.memory_space<vmem_shared>>, %arg14: memref<51200xf32, #tpu.memory_space<vmem_shared>>, %arg15: memref<4x128xi32, #tpu.memory_space<vmem>>, %arg16: memref<4x128xi32, #tpu.memory_space<vmem>>, %arg17: memref<4x128xf32, #tpu.memory_space<vmem>>, %arg18: memref<4x128xf32, #tpu.memory_space<vmem>>, %arg19: memref<4x128xf32, #tpu.memory_space<vmem>>, %arg20: memref<512x32xf32, #tpu.memory_space<vmem>>, %arg21: memref<128xf32, #tpu.memory_space<vmem>>, %arg22: memref<2x32xf32, #tpu.memory_space<vmem>>, %arg23: memref<!tpu.dma_semaphore, #tpu.memory_space<semaphore_mem>>, %arg24: memref<!tpu.dma_semaphore, #tpu.memory_space<semaphore_mem>>, %arg25: memref<!tpu.dma_semaphore, #tpu.memory_space<semaphore_mem>>) attributes {dimension_semantics = [#tpu.dimension_semantics<core_parallel>, #tpu.dimension_semantics<subcore_parallel>], iteration_bounds = array<i64: 2, 16>, scalar_prefetch = 0 : i64, scratch_operands = 13 : i64, tpu.core_type = #tpu.core_type<sc_vector_subcore>, window_params = [{transform_indices = #map}, {transform_indices = #map}, {transform_indices = #map}, {transform_indices = #map}, {transform_indices = #map1}, {transform_indices = #map1}, {transform_indices = #map}, {transform_indices = #map}, {transform_indices = #map}, {transform_indices = #map}, {transform_indices = #map}]} {
    %mul3A = arith.constant 3200 : i32
    %mul3A_0 = arith.muli %arg1, %mul3A : i32
    %broadcast_in_dim3A = arith.constant 0.000000e+00 : f32
    %broadcast_in_dim3A_1 = vector.broadcast %broadcast_in_dim3A : f32 to vector<16xf32>
    %scan3A = arith.constant 0 : i32
    %scan3A_2 = arith.constant 128 : i32
    %scan3A_3 = arith.addi %scan3A, %scan3A_2 : i32
    %scan3A_4 = arith.constant 1 : i32
    scf.for %scan3A_51 = %scan3A to %scan3A_3 step %scan3A_4  : i32 {
      %mul3A_52 = arith.constant 1 : i32
      %mul3A_53 = arith.muli %scan3A_51, %mul3A_52 : i32
      %add3A = arith.constant 0 : i32
      %add3A_54 = arith.addi %add3A, %mul3A_53 : i32
      %swap3A = arith.index_cast %add3A_54 : i32 to index
      %swap3A_55 = arith.constant 0 : index
      %swap3A_56 = tpu.vector_load %arg20[%swap3A, %swap3A_55] {strides = array<i32>} : memref<512x32xf32, #tpu.memory_space<vmem>>, vector<16xf32>,
      tpu.vector_store %arg20[%swap3A, %swap3A_55], %broadcast_in_dim3A_1 {strides = array<i32>} : memref<512x32xf32, #tpu.memory_space<vmem>>, vector<16xf32>,
      %swap3A_57 = arith.index_cast %add3A_54 : i32 to index
      %swap3A_58 = arith.constant 16 : index
      %swap3A_59 = tpu.vector_load %arg20[%swap3A_57, %swap3A_58] {strides = array<i32>} : memref<512x32xf32, #tpu.memory_space<vmem>>, vector<16xf32>,
      tpu.vector_store %arg20[%swap3A_57, %swap3A_58], %broadcast_in_dim3A_1 {strides = array<i32>} : memref<512x32xf32, #tpu.memory_space<vmem>>, vector<16xf32>,
    }
    %scan3A_5 = arith.constant 128 : i32
    %scan3A_6 = arith.constant 0 : i32
    %scan3A_7 = arith.constant 8 : i32
    %scan3A_8 = arith.addi %scan3A_6, %scan3A_7 : i32
    %scan3A_9 = arith.constant 1 : i32
    scf.for %scan3A_51 = %scan3A_6 to %scan3A_8 step %scan3A_9  : i32 {
      %mul3A_52 = arith.constant 1 : i32
      %mul3A_53 = arith.muli %scan3A_51, %mul3A_52 : i32
      %add3A = arith.constant 0 : i32
      %add3A_54 = arith.addi %add3A, %mul3A_53 : i32
      %mul3A_55 = arith.constant 16 : i32
      %mul3A_56 = arith.muli %add3A_54, %mul3A_55 : i32
      %swap3A = arith.index_cast %mul3A_56 : i32 to index
      %swap3A_57 = tpu.vector_load %arg21[%swap3A] {strides = array<i32>} : memref<128xf32, #tpu.memory_space<vmem>>, vector<16xf32>,
      tpu.vector_store %arg21[%swap3A], %broadcast_in_dim3A_1 {strides = array<i32>} : memref<128xf32, #tpu.memory_space<vmem>>, vector<16xf32>,
    }
    %scan3A_10 = arith.constant 8 : i32
    %scan3A_11 = arith.constant 0 : i32
    %scan3A_12 = arith.constant 25 : i32
    %scan3A_13 = arith.addi %scan3A_11, %scan3A_12 : i32
    %scan3A_14 = arith.constant 1 : i32
    scf.for %scan3A_51 = %scan3A_11 to %scan3A_13 step %scan3A_14  : i32 {
      %mul3A_52 = arith.constant 1 : i32
      %mul3A_53 = arith.muli %scan3A_51, %mul3A_52 : i32
      %add3A = arith.constant 0 : i32
      %add3A_54 = arith.addi %add3A, %mul3A_53 : i32
      %mul3A_55 = arith.constant 128 : i32
      %mul3A_56 = arith.muli %add3A_54, %mul3A_55 : i32
      %add3A_57 = arith.addi %mul3A_0, %mul3A_56 : i32
      "tpu.region"() ({
        %run_scoped3A = tpu.sem_alloc : memref<!tpu.dma_semaphore, #tpu.memory_space<semaphore_mem>>
        %dma_start3A = arith.constant 0 : i32
        %dma_start3A_61 = arith.constant 0 : i32
        %dma_start3A_62 = tpu.memref_slice %arg20[%dma_start3A, %dma_start3A_61] : memref<512x32xf32, #tpu.memory_space<vmem>> -> memref<128x32xf32, #tpu.memory_space<vmem>>
        %dma_start3A_63 = arith.constant 0 : i32
        %dma_start3A_64 = tpu.memref_slice %arg13[%add3A_57, %dma_start3A_63] : memref<51200x32xf32, #tpu.memory_space<vmem_shared>> -> memref<128x32xf32, #tpu.memory_space<vmem_shared>>
        %dma_start3A_65 = arith.constant 0 : i32
        %dma_start3A_66 = tpu.memref_slice %arg13[%add3A_57, %dma_start3A_65] : memref<51200x32xf32, #tpu.memory_space<vmem_shared>> -> memref<128x32xf32, #tpu.memory_space<vmem_shared>>
        %dma_start3A_67 = arith.constant 0 : i32
        %dma_start3A_68 = arith.constant 0 : i32
        %dma_start3A_69 = tpu.memref_slice %arg20[%dma_start3A_67, %dma_start3A_68] : memref<512x32xf32, #tpu.memory_space<vmem>> -> memref<128x32xf32, #tpu.memory_space<vmem>>
        tpu.enqueue_dma source(%dma_start3A_69 : memref<128x32xf32, #tpu.memory_space<vmem>>) target(%dma_start3A_66 : memref<128x32xf32, #tpu.memory_space<vmem_shared>>) target_semaphore(%run_scoped3A : memref<!tpu.dma_semaphore, #tpu.memory_space<semaphore_mem>>)
        %dma_wait3A = arith.constant 0 : i32
        %dma_wait3A_70 = arith.constant 0 : i32
        %dma_wait3A_71 = tpu.memref_slice %arg20[%dma_wait3A, %dma_wait3A_70] : memref<512x32xf32, #tpu.memory_space<vmem>> -> memref<128x32xf32, #tpu.memory_space<vmem>>
        %dma_wait3A_72 = arith.constant 0 : i32
        %dma_wait3A_73 = tpu.memref_slice %arg13[%add3A_57, %dma_wait3A_72] : memref<51200x32xf32, #tpu.memory_space<vmem_shared>> -> memref<128x32xf32, #tpu.memory_space<vmem_shared>>
        %dma_wait3A_74 = arith.constant 0 : i32
        %dma_wait3A_75 = tpu.memref_slice %arg13[%add3A_57, %dma_wait3A_74] : memref<51200x32xf32, #tpu.memory_space<vmem_shared>> -> memref<128x32xf32, #tpu.memory_space<vmem_shared>>
        %dma_wait3A_76 = arith.constant 0 : i32
        %dma_wait3A_77 = arith.constant 0 : i32
        %dma_wait3A_78 = tpu.memref_slice %arg20[%dma_wait3A_76, %dma_wait3A_77] : memref<512x32xf32, #tpu.memory_space<vmem>> -> memref<128x32xf32, #tpu.memory_space<vmem>>
        tpu.wait_dma2 semaphore(%run_scoped3A : memref<!tpu.dma_semaphore, #tpu.memory_space<semaphore_mem>>) src(%dma_wait3A_78 : memref<128x32xf32, #tpu.memory_space<vmem>>) dst(%dma_wait3A_75 : memref<128x32xf32, #tpu.memory_space<vmem_shared>>)
        tpu.yield
      }) : () -> ()
      %mul3A_58 = arith.constant 128 : i32
      %mul3A_59 = arith.muli %add3A_54, %mul3A_58 : i32
      %add3A_60 = arith.addi %mul3A_0, %mul3A_59 : i32
      "tpu.region"() ({
        %run_scoped3A = tpu.sem_alloc : memref<!tpu.dma_semaphore, #tpu.memory_space<semaphore_mem>>
        %dma_start3A = tpu.memref_slice %arg14[%add3A_60] : memref<51200xf32, #tpu.memory_space<vmem_shared>> -> memref<128xf32, #tpu.memory_space<vmem_shared>>
        %dma_start3A_61 = tpu.memref_slice %arg14[%add3A_60] : memref<51200xf32, #tpu.memory_space<vmem_shared>> -> memref<128xf32, #tpu.memory_space<vmem_shared>>
        tpu.enqueue_dma source(%arg21 : memref<128xf32, #tpu.memory_space<vmem>>) target(%dma_start3A_61 : memref<128xf32, #tpu.memory_space<vmem_shared>>) target_semaphore(%run_scoped3A : memref<!tpu.dma_semaphore, #tpu.memory_space<semaphore_mem>>)
        %dma_wait3A = tpu.memref_slice %arg14[%add3A_60] : memref<51200xf32, #tpu.memory_space<vmem_shared>> -> memref<128xf32, #tpu.memory_space<vmem_shared>>
        %dma_wait3A_62 = tpu.memref_slice %arg14[%add3A_60] : memref<51200xf32, #tpu.memory_space<vmem_shared>> -> memref<128xf32, #tpu.memory_space<vmem_shared>>
        tpu.wait_dma2 semaphore(%run_scoped3A : memref<!tpu.dma_semaphore, #tpu.memory_space<semaphore_mem>>) src(%arg21 : memref<128xf32, #tpu.memory_space<vmem>>) dst(%dma_wait3A_62 : memref<128xf32, #tpu.memory_space<vmem_shared>>)
        tpu.yield
      }) : () -> ()
    }
    %scan3A_15 = arith.constant 25 : i32
    "tpu.region"() ({
      %run_scoped3A = tpu.sem_alloc : memref<!tpu.dma_semaphore, #tpu.memory_space<semaphore_mem>>
      tpu.enqueue_dma source(%arg8 : memref<2x32xf32, #tpu.memory_space<hbm>>) target(%arg22 : memref<2x32xf32, #tpu.memory_space<vmem>>) target_semaphore(%run_scoped3A : memref<!tpu.dma_semaphore, #tpu.memory_space<semaphore_mem>>)
      tpu.wait_dma2 semaphore(%run_scoped3A : memref<!tpu.dma_semaphore, #tpu.memory_space<semaphore_mem>>) src(%arg8 : memref<2x32xf32, #tpu.memory_space<hbm>>) dst(%arg22 : memref<2x32xf32, #tpu.memory_space<vmem>>)
      tpu.yield
    }) : () -> ()
    %barrier3A = arith.constant 0 : index
    tpu.barrier barrier_id(%barrier3A)
    %scan3A_16 = arith.constant 0 : i32
    %scan3A_17 = arith.constant 104 : i32
    %scan3A_18 = arith.addi %scan3A_16, %scan3A_17 : i32
    %scan3A_19 = arith.constant 1 : i32
    scf.for %scan3A_51 = %scan3A_16 to %scan3A_18 step %scan3A_19  : i32 {
      %mul3A_52 = arith.constant 1 : i32
      %mul3A_53 = arith.muli %scan3A_51, %mul3A_52 : i32
      %add3A = arith.constant 0 : i32
      %add3A_54 = arith.addi %add3A, %mul3A_53 : i32
      %mul3A_55 = arith.constant 416 : i32
      %mul3A_56 = arith.muli %arg1, %mul3A_55 : i32
      %mul3A_57 = arith.constant 4 : i32
      %mul3A_58 = arith.muli %add3A_54, %mul3A_57 : i32
      %add3A_59 = arith.addi %mul3A_56, %mul3A_58 : i32
      %dma_start3A = arith.constant 0 : i32
      %dma_start3A_60 = tpu.memref_slice %arg2[%add3A_59, %dma_start3A] : memref<6656x128xi32, #tpu.memory_space<hbm>> -> memref<4x128xi32, #tpu.memory_space<hbm>>
      %dma_start3A_61 = arith.constant 0 : i32
      %dma_start3A_62 = tpu.memref_slice %arg2[%add3A_59, %dma_start3A_61] : memref<6656x128xi32, #tpu.memory_space<hbm>> -> memref<4x128xi32, #tpu.memory_space<hbm>>
      tpu.enqueue_dma source(%dma_start3A_62 : memref<4x128xi32, #tpu.memory_space<hbm>>) target(%arg15 : memref<4x128xi32, #tpu.memory_space<vmem>>) target_semaphore(%arg23 : memref<!tpu.dma_semaphore, #tpu.memory_space<semaphore_mem>>)
      %dma_start3A_63 = arith.constant 0 : i32
      %dma_start3A_64 = tpu.memref_slice %arg3[%add3A_59, %dma_start3A_63] : memref<6656x128xi32, #tpu.memory_space<hbm>> -> memref<4x128xi32, #tpu.memory_space<hbm>>
      %dma_start3A_65 = arith.constant 0 : i32
      %dma_start3A_66 = tpu.memref_slice %arg3[%add3A_59, %dma_start3A_65] : memref<6656x128xi32, #tpu.memory_space<hbm>> -> memref<4x128xi32, #tpu.memory_space<hbm>>
      tpu.enqueue_dma source(%dma_start3A_66 : memref<4x128xi32, #tpu.memory_space<hbm>>) target(%arg16 : memref<4x128xi32, #tpu.memory_space<vmem>>) target_semaphore(%arg23 : memref<!tpu.dma_semaphore, #tpu.memory_space<semaphore_mem>>)
      %dma_wait3A = arith.constant 0 : i32
      %dma_wait3A_67 = tpu.memref_slice %arg2[%add3A_59, %dma_wait3A] : memref<6656x128xi32, #tpu.memory_space<hbm>> -> memref<4x128xi32, #tpu.memory_space<hbm>>
      %dma_wait3A_68 = arith.constant 0 : i32
      %dma_wait3A_69 = tpu.memref_slice %arg2[%add3A_59, %dma_wait3A_68] : memref<6656x128xi32, #tpu.memory_space<hbm>> -> memref<4x128xi32, #tpu.memory_space<hbm>>
      tpu.wait_dma2 semaphore(%arg23 : memref<!tpu.dma_semaphore, #tpu.memory_space<semaphore_mem>>) src(%dma_wait3A_69 : memref<4x128xi32, #tpu.memory_space<hbm>>) dst(%arg15 : memref<4x128xi32, #tpu.memory_space<vmem>>)
      %dma_wait3A_70 = arith.constant 0 : i32
      %dma_wait3A_71 = tpu.memref_slice %arg3[%add3A_59, %dma_wait3A_70] : memref<6656x128xi32, #tpu.memory_space<hbm>> -> memref<4x128xi32, #tpu.memory_space<hbm>>
      %dma_wait3A_72 = arith.constant 0 : i32
      %dma_wait3A_73 = tpu.memref_slice %arg3[%add3A_59, %dma_wait3A_72] : memref<6656x128xi32, #tpu.memory_space<hbm>> -> memref<4x128xi32, #tpu.memory_space<hbm>>
      tpu.wait_dma2 semaphore(%arg23 : memref<!tpu.dma_semaphore, #tpu.memory_space<semaphore_mem>>) src(%dma_wait3A_73 : memref<4x128xi32, #tpu.memory_space<hbm>>) dst(%arg16 : memref<4x128xi32, #tpu.memory_space<vmem>>)
      %eq3A_74 = arith.constant 0 : i32
      %eq3A_75 = arith.cmpi eq, %arg0, %eq3A_74 : i32
      %convert_element_type3A = arith.extui %eq3A_75 : i1 to i32
      %cond3A = arith.constant 0 : i32
      %cond3A_76 = arith.cmpi ne, %convert_element_type3A, %cond3A : i32
      scf.if %cond3A_76 {
        %dma_start3A_1019 = arith.constant 0 : i32
        %dma_start3A_1020 = arith.constant 0 : i32
        %dma_start3A_1021 = arith.constant 0 : i32
        %dma_start3A_1022 = tpu.memref_slice %arg20[%dma_start3A_1020, %dma_start3A_1021] : memref<512x32xf32, #tpu.memory_space<vmem>> -> memref<128x32xf32, #tpu.memory_space<vmem>>
        %dma_start3A_1023 = arith.constant 0 : i32
        %dma_start3A_1024 = tpu.memref_slice %arg15[%dma_start3A_1019, %dma_start3A_1023] : memref<4x128xi32, #tpu.memory_space<vmem>> -> memref<1x128xi32, #tpu.memory_space<vmem>>
        %dma_start3A_1025 = tpu.memref_squeeze %dma_start3A_1024 : memref<1x128xi32, #tpu.memory_space<vmem>> -> memref<128xi32, #tpu.memory_space<vmem>>
        %dma_start3A_1026 = arith.constant 0 : i32
        %dma_start3A_1027 = arith.constant 0 : i32
        %dma_start3A_1028 = tpu.memref_slice %arg4[%dma_start3A_1026, %dma_start3A_1027] : memref<51200x32xf32, #tpu.memory_space<hbm>> -> memref<51200x32xf32, #tpu.memory_space<hbm>>
        tpu.enqueue_indirect_dma source(%dma_start3A_1028 : memref<51200x32xf32, #tpu.memory_space<hbm>>) target(%dma_start3A_1022 : memref<128x32xf32, #tpu.memory_space<vmem>>) offsets(%dma_start3A_1025 : memref<128xi32, #tpu.memory_space<vmem>>) semaphore(%arg23 : memref<!tpu.dma_semaphore, #tpu.memory_space<semaphore_mem>>)
        %dma_start3A_1029 = arith.constant 1 : i32
        %dma_start3A_1030 = arith.constant 128 : i32
        %dma_start3A_1031 = arith.constant 0 : i32
        %dma_start3A_1032 = tpu.memref_slice %arg20[%dma_start3A_1030, %dma_start3A_1031] : memref<512x32xf32, #tpu.memory_space<vmem>> -> memref<128x32xf32, #tpu.memory_space<vmem>>
        %dma_start3A_1033 = arith.constant 0 : i32
        %dma_start3A_1034 = tpu.memref_slice %arg15[%dma_start3A_1029, %dma_start3A_1033] : memref<4x128xi32, #tpu.memory_space<vmem>> -> memref<1x128xi32, #tpu.memory_space<vmem>>
        %dma_start3A_1035 = tpu.memref_squeeze %dma_start3A_1034 : memref<1x128xi32, #tpu.memory_space<vmem>> -> memref<128xi32, #tpu.memory_space<vmem>>
        %dma_start3A_1036 = arith.constant 0 : i32
        %dma_start3A_1037 = arith.constant 0 : i32
        %dma_start3A_1038 = tpu.memref_slice %arg4[%dma_start3A_1036, %dma_start3A_1037] : memref<51200x32xf32, #tpu.memory_space<hbm>> -> memref<51200x32xf32, #tpu.memory_space<hbm>>
        tpu.enqueue_indirect_dma source(%dma_start3A_1038 : memref<51200x32xf32, #tpu.memory_space<hbm>>) target(%dma_start3A_1032 : memref<128x32xf32, #tpu.memory_space<vmem>>) offsets(%dma_start3A_1035 : memref<128xi32, #tpu.memory_space<vmem>>) semaphore(%arg23 : memref<!tpu.dma_semaphore, #tpu.memory_space<semaphore_mem>>)
      } else {
      }
      %eq3A_77 = arith.constant 1 : i32
      %eq3A_78 = arith.cmpi eq, %arg0, %eq3A_77 : i32
      %convert_element_type3A_79 = arith.extui %eq3A_78 : i1 to i32
      %cond3A_80 = arith.constant 0 : i32
      %cond3A_81 = arith.cmpi ne, %convert_element_type3A_79, %cond3A_80 : i32
      scf.if %cond3A_81 {
        %dma_start3A_1019 = arith.constant 0 : i32
        %dma_start3A_1020 = arith.constant 0 : i32
        %dma_start3A_1021 = arith.constant 0 : i32
        %dma_start3A_1022 = tpu.memref_slice %arg20[%dma_start3A_1020, %dma_start3A_1021] : memref<512x32xf32, #tpu.memory_space<vmem>> -> memref<128x32xf32, #tpu.memory_space<vmem>>
        %dma_start3A_1023 = arith.constant 0 : i32
        %dma_start3A_1024 = tpu.memref_slice %arg15[%dma_start3A_1019, %dma_start3A_1023] : memref<4x128xi32, #tpu.memory_space<vmem>> -> memref<1x128xi32, #tpu.memory_space<vmem>>
        %dma_start3A_1025 = tpu.memref_squeeze %dma_start3A_1024 : memref<1x128xi32, #tpu.memory_space<vmem>> -> memref<128xi32, #tpu.memory_space<vmem>>
        %dma_start3A_1026 = arith.constant 0 : i32
        %dma_start3A_1027 = arith.constant 0 : i32
        %dma_start3A_1028 = tpu.memref_slice %arg5[%dma_start3A_1026, %dma_start3A_1027] : memref<51200x32xf32, #tpu.memory_space<hbm>> -> memref<51200x32xf32, #tpu.memory_space<hbm>>
        tpu.enqueue_indirect_dma source(%dma_start3A_1028 : memref<51200x32xf32, #tpu.memory_space<hbm>>) target(%dma_start3A_1022 : memref<128x32xf32, #tpu.memory_space<vmem>>) offsets(%dma_start3A_1025 : memref<128xi32, #tpu.memory_space<vmem>>) semaphore(%arg23 : memref<!tpu.dma_semaphore, #tpu.memory_space<semaphore_mem>>)
        %dma_start3A_1029 = arith.constant 1 : i32
        %dma_start3A_1030 = arith.constant 128 : i32
        %dma_start3A_1031 = arith.constant 0 : i32
        %dma_start3A_1032 = tpu.memref_slice %arg20[%dma_start3A_1030, %dma_start3A_1031] : memref<512x32xf32, #tpu.memory_space<vmem>> -> memref<128x32xf32, #tpu.memory_space<vmem>>
        %dma_start3A_1033 = arith.constant 0 : i32
        %dma_start3A_1034 = tpu.memref_slice %arg15[%dma_start3A_1029, %dma_start3A_1033] : memref<4x128xi32, #tpu.memory_space<vmem>> -> memref<1x128xi32, #tpu.memory_space<vmem>>
        %dma_start3A_1035 = tpu.memref_squeeze %dma_start3A_1034 : memref<1x128xi32, #tpu.memory_space<vmem>> -> memref<128xi32, #tpu.memory_space<vmem>>
        %dma_start3A_1036 = arith.constant 0 : i32
        %dma_start3A_1037 = arith.constant 0 : i32
        %dma_start3A_1038 = tpu.memref_slice %arg5[%dma_start3A_1036, %dma_start3A_1037] : memref<51200x32xf32, #tpu.memory_space<hbm>> -> memref<51200x32xf32, #tpu.memory_space<hbm>>
        tpu.enqueue_indirect_dma source(%dma_start3A_1038 : memref<51200x32xf32, #tpu.memory_space<hbm>>) target(%dma_start3A_1032 : memref<128x32xf32, #tpu.memory_space<vmem>>) offsets(%dma_start3A_1035 : memref<128xi32, #tpu.memory_space<vmem>>) semaphore(%arg23 : memref<!tpu.dma_semaphore, #tpu.memory_space<semaphore_mem>>)
      } else {
      }
      %dma_start3A_82 = arith.constant 0 : i32
      %dma_start3A_83 = arith.constant 0 : i32
      %dma_start3A_84 = arith.constant 0 : i32
      %dma_start3A_85 = tpu.memref_slice %arg17[%dma_start3A_83, %dma_start3A_84] : memref<4x128xf32, #tpu.memory_space<vmem>> -> memref<1x128xf32, #tpu.memory_space<vmem>>
      %dma_start3A_86 = tpu.memref_squeeze %dma_start3A_85 : memref<1x128xf32, #tpu.memory_space<vmem>> -> memref<128xf32, #tpu.memory_space<vmem>>
      %dma_start3A_87 = arith.constant 0 : i32
      %dma_start3A_88 = tpu.memref_slice %arg15[%dma_start3A_82, %dma_start3A_87] : memref<4x128xi32, #tpu.memory_space<vmem>> -> memref<1x128xi32, #tpu.memory_space<vmem>>
      %dma_start3A_89 = tpu.memref_squeeze %dma_start3A_88 : memref<1x128xi32, #tpu.memory_space<vmem>> -> memref<128xi32, #tpu.memory_space<vmem>>
      %dma_start3A_90 = arith.constant 0 : i32
      %dma_start3A_91 = tpu.memref_slice %arg6[%dma_start3A_90] : memref<51200xf32, #tpu.memory_space<hbm>> -> memref<51200xf32, #tpu.memory_space<hbm>>
      tpu.enqueue_indirect_dma source(%dma_start3A_91 : memref<51200xf32, #tpu.memory_space<hbm>>) target(%dma_start3A_86 : memref<128xf32, #tpu.memory_space<vmem>>) offsets(%dma_start3A_89 : memref<128xi32, #tpu.memory_space<vmem>>) semaphore(%arg24 : memref<!tpu.dma_semaphore, #tpu.memory_space<semaphore_mem>>)
      %dma_start3A_92 = arith.constant 0 : i32
      %dma_start3A_93 = arith.constant 0 : i32
      %dma_start3A_94 = arith.constant 0 : i32
      %dma_start3A_95 = tpu.memref_slice %arg18[%dma_start3A_93, %dma_start3A_94] : memref<4x128xf32, #tpu.memory_space<vmem>> -> memref<1x128xf32, #tpu.memory_space<vmem>>
      %dma_start3A_96 = tpu.memref_squeeze %dma_start3A_95 : memref<1x128xf32, #tpu.memory_space<vmem>> -> memref<128xf32, #tpu.memory_space<vmem>>
      %dma_start3A_97 = arith.constant 0 : i32
      %dma_start3A_98 = tpu.memref_slice %arg16[%dma_start3A_92, %dma_start3A_97] : memref<4x128xi32, #tpu.memory_space<vmem>> -> memref<1x128xi32, #tpu.memory_space<vmem>>
      %dma_start3A_99 = tpu.memref_squeeze %dma_start3A_98 : memref<1x128xi32, #tpu.memory_space<vmem>> -> memref<128xi32, #tpu.memory_space<vmem>>
      %dma_start3A_100 = arith.constant 0 : i32
      %dma_start3A_101 = tpu.memref_slice %arg7[%dma_start3A_100] : memref<51200xf32, #tpu.memory_space<hbm>> -> memref<51200xf32, #tpu.memory_space<hbm>>
      tpu.enqueue_indirect_dma source(%dma_start3A_101 : memref<51200xf32, #tpu.memory_space<hbm>>) target(%dma_start3A_96 : memref<128xf32, #tpu.memory_space<vmem>>) offsets(%dma_start3A_99 : memref<128xi32, #tpu.memory_space<vmem>>) semaphore(%arg24 : memref<!tpu.dma_semaphore, #tpu.memory_space<semaphore_mem>>)
      %dma_start3A_102 = arith.constant 1 : i32
      %dma_start3A_103 = arith.constant 1 : i32
      %dma_start3A_104 = arith.constant 0 : i32
      %dma_start3A_105 = tpu.memref_slice %arg17[%dma_start3A_103, %dma_start3A_104] : memref<4x128xf32, #tpu.memory_space<vmem>> -> memref<1x128xf32, #tpu.memory_space<vmem>>
      %dma_start3A_106 = tpu.memref_squeeze %dma_start3A_105 : memref<1x128xf32, #tpu.memory_space<vmem>> -> memref<128xf32, #tpu.memory_space<vmem>>
      %dma_start3A_107 = arith.constant 0 : i32
      %dma_start3A_108 = tpu.memref_slice %arg15[%dma_start3A_102, %dma_start3A_107] : memref<4x128xi32, #tpu.memory_space<vmem>> -> memref<1x128xi32, #tpu.memory_space<vmem>>
      %dma_start3A_109 = tpu.memref_squeeze %dma_start3A_108 : memref<1x128xi32, #tpu.memory_space<vmem>> -> memref<128xi32, #tpu.memory_space<vmem>>
      %dma_start3A_110 = arith.constant 0 : i32
      %dma_start3A_111 = tpu.memref_slice %arg6[%dma_start3A_110] : memref<51200xf32, #tpu.memory_space<hbm>> -> memref<51200xf32, #tpu.memory_space<hbm>>
      tpu.enqueue_indirect_dma source(%dma_start3A_111 : memref<51200xf32, #tpu.memory_space<hbm>>) target(%dma_start3A_106 : memref<128xf32, #tpu.memory_space<vmem>>) offsets(%dma_start3A_109 : memref<128xi32, #tpu.memory_space<vmem>>) semaphore(%arg24 : memref<!tpu.dma_semaphore, #tpu.memory_space<semaphore_mem>>)
      %dma_start3A_112 = arith.constant 1 : i32
      %dma_start3A_113 = arith.constant 1 : i32
      %dma_start3A_114 = arith.constant 0 : i32
      %dma_start3A_115 = tpu.memref_slice %arg18[%dma_start3A_113, %dma_start3A_114] : memref<4x128xf32, #tpu.memory_space<vmem>> -> memref<1x128xf32, #tpu.memory_space<vmem>>
      %dma_start3A_116 = tpu.memref_squeeze %dma_start3A_115 : memref<1x128xf32, #tpu.memory_space<vmem>> -> memref<128xf32, #tpu.memory_space<vmem>>
      %dma_start3A_117 = arith.constant 0 : i32
      %dma_start3A_118 = tpu.memref_slice %arg16[%dma_start3A_112, %dma_start3A_117] : memref<4x128xi32, #tpu.memory_space<vmem>> -> memref<1x128xi32, #tpu.memory_space<vmem>>
      %dma_start3A_119 = tpu.memref_squeeze %dma_start3A_118 : memref<1x128xi32, #tpu.memory_space<vmem>> -> memref<128xi32, #tpu.memory_space<vmem>>
      %dma_start3A_120 = arith.constant 0 : i32
      %dma_start3A_121 = tpu.memref_slice %arg7[%dma_start3A_120] : memref<51200xf32, #tpu.memory_space<hbm>> -> memref<51200xf32, #tpu.memory_space<hbm>>
      tpu.enqueue_indirect_dma source(%dma_start3A_121 : memref<51200xf32, #tpu.memory_space<hbm>>) target(%dma_start3A_116 : memref<128xf32, #tpu.memory_space<vmem>>) offsets(%dma_start3A_119 : memref<128xi32, #tpu.memory_space<vmem>>) semaphore(%arg24 : memref<!tpu.dma_semaphore, #tpu.memory_space<semaphore_mem>>)
      %dma_start3A_122 = arith.constant 2 : i32
      %dma_start3A_123 = arith.constant 2 : i32
      %dma_start3A_124 = arith.constant 0 : i32
      %dma_start3A_125 = tpu.memref_slice %arg17[%dma_start3A_123, %dma_start3A_124] : memref<4x128xf32, #tpu.memory_space<vmem>> -> memref<1x128xf32, #tpu.memory_space<vmem>>
      %dma_start3A_126 = tpu.memref_squeeze %dma_start3A_125 : memref<1x128xf32, #tpu.memory_space<vmem>> -> memref<128xf32, #tpu.memory_space<vmem>>
      %dma_start3A_127 = arith.constant 0 : i32
      %dma_start3A_128 = tpu.memref_slice %arg15[%dma_start3A_122, %dma_start3A_127] : memref<4x128xi32, #tpu.memory_space<vmem>> -> memref<1x128xi32, #tpu.memory_space<vmem>>
      %dma_start3A_129 = tpu.memref_squeeze %dma_start3A_128 : memref<1x128xi32, #tpu.memory_space<vmem>> -> memref<128xi32, #tpu.memory_space<vmem>>
      %dma_start3A_130 = arith.constant 0 : i32
      %dma_start3A_131 = tpu.memref_slice %arg6[%dma_start3A_130] : memref<51200xf32, #tpu.memory_space<hbm>> -> memref<51200xf32, #tpu.memory_space<hbm>>
      tpu.enqueue_indirect_dma source(%dma_start3A_131 : memref<51200xf32, #tpu.memory_space<hbm>>) target(%dma_start3A_126 : memref<128xf32, #tpu.memory_space<vmem>>) offsets(%dma_start3A_129 : memref<128xi32, #tpu.memory_space<vmem>>) semaphore(%arg24 : memref<!tpu.dma_semaphore, #tpu.memory_space<semaphore_mem>>)
      %dma_start3A_132 = arith.constant 2 : i32
      %dma_start3A_133 = arith.constant 2 : i32
      %dma_start3A_134 = arith.constant 0 : i32
      %dma_start3A_135 = tpu.memref_slice %arg18[%dma_start3A_133, %dma_start3A_134] : memref<4x128xf32, #tpu.memory_space<vmem>> -> memref<1x128xf32, #tpu.memory_space<vmem>>
      %dma_start3A_136 = tpu.memref_squeeze %dma_start3A_135 : memref<1x128xf32, #tpu.memory_space<vmem>> -> memref<128xf32, #tpu.memory_space<vmem>>
      %dma_start3A_137 = arith.constant 0 : i32
      %dma_start3A_138 = tpu.memref_slice %arg16[%dma_start3A_132, %dma_start3A_137] : memref<4x128xi32, #tpu.memory_space<vmem>> -> memref<1x128xi32, #tpu.memory_space<vmem>>
      %dma_start3A_139 = tpu.memref_squeeze %dma_start3A_138 : memref<1x128xi32, #tpu.memory_space<vmem>> -> memref<128xi32, #tpu.memory_space<vmem>>
      %dma_start3A_140 = arith.constant 0 : i32
      %dma_start3A_141 = tpu.memref_slice %arg7[%dma_start3A_140] : memref<51200xf32, #tpu.memory_space<hbm>> -> memref<51200xf32, #tpu.memory_space<hbm>>
      tpu.enqueue_indirect_dma source(%dma_start3A_141 : memref<51200xf32, #tpu.memory_space<hbm>>) target(%dma_start3A_136 : memref<128xf32, #tpu.memory_space<vmem>>) offsets(%dma_start3A_139 : memref<128xi32, #tpu.memory_space<vmem>>) semaphore(%arg24 : memref<!tpu.dma_semaphore, #tpu.memory_space<semaphore_mem>>)
      %dma_start3A_142 = arith.constant 3 : i32
      %dma_start3A_143 = arith.constant 3 : i32
      %dma_start3A_144 = arith.constant 0 : i32
      %dma_start3A_145 = tpu.memref_slice %arg17[%dma_start3A_143, %dma_start3A_144] : memref<4x128xf32, #tpu.memory_space<vmem>> -> memref<1x128xf32, #tpu.memory_space<vmem>>
      %dma_start3A_146 = tpu.memref_squeeze %dma_start3A_145 : memref<1x128xf32, #tpu.memory_space<vmem>> -> memref<128xf32, #tpu.memory_space<vmem>>
      %dma_start3A_147 = arith.constant 0 : i32
      %dma_start3A_148 = tpu.memref_slice %arg15[%dma_start3A_142, %dma_start3A_147] : memref<4x128xi32, #tpu.memory_space<vmem>> -> memref<1x128xi32, #tpu.memory_space<vmem>>
      %dma_start3A_149 = tpu.memref_squeeze %dma_start3A_148 : memref<1x128xi32, #tpu.memory_space<vmem>> -> memref<128xi32, #tpu.memory_space<vmem>>
      %dma_start3A_150 = arith.constant 0 : i32
      %dma_start3A_151 = tpu.memref_slice %arg6[%dma_start3A_150] : memref<51200xf32, #tpu.memory_space<hbm>> -> memref<51200xf32, #tpu.memory_space<hbm>>
      tpu.enqueue_indirect_dma source(%dma_start3A_151 : memref<51200xf32, #tpu.memory_space<hbm>>) target(%dma_start3A_146 : memref<128xf32, #tpu.memory_space<vmem>>) offsets(%dma_start3A_149 : memref<128xi32, #tpu.memory_space<vmem>>) semaphore(%arg24 : memref<!tpu.dma_semaphore, #tpu.memory_space<semaphore_mem>>)
      %dma_start3A_152 = arith.constant 3 : i32
      %dma_start3A_153 = arith.constant 3 : i32
      %dma_start3A_154 = arith.constant 0 : i32
      %dma_start3A_155 = tpu.memref_slice %arg18[%dma_start3A_153, %dma_start3A_154] : memref<4x128xf32, #tpu.memory_space<vmem>> -> memref<1x128xf32, #tpu.memory_space<vmem>>
      %dma_start3A_156 = tpu.memref_squeeze %dma_start3A_155 : memref<1x128xf32, #tpu.memory_space<vmem>> -> memref<128xf32, #tpu.memory_space<vmem>>
      %dma_start3A_157 = arith.constant 0 : i32
      %dma_start3A_158 = tpu.memref_slice %arg16[%dma_start3A_152, %dma_start3A_157] : memref<4x128xi32, #tpu.memory_space<vmem>> -> memref<1x128xi32, #tpu.memory_space<vmem>>
      %dma_start3A_159 = tpu.memref_squeeze %dma_start3A_158 : memref<1x128xi32, #tpu.memory_space<vmem>> -> memref<128xi32, #tpu.memory_space<vmem>>
      %dma_start3A_160 = arith.constant 0 : i32
      %dma_start3A_161 = tpu.memref_slice %arg7[%dma_start3A_160] : memref<51200xf32, #tpu.memory_space<hbm>> -> memref<51200xf32, #tpu.memory_space<hbm>>
      tpu.enqueue_indirect_dma source(%dma_start3A_161 : memref<51200xf32, #tpu.memory_space<hbm>>) target(%dma_start3A_156 : memref<128xf32, #tpu.memory_space<vmem>>) offsets(%dma_start3A_159 : memref<128xi32, #tpu.memory_space<vmem>>) semaphore(%arg24 : memref<!tpu.dma_semaphore, #tpu.memory_space<semaphore_mem>>)
      %dma_wait3A_162 = arith.constant 0 : i32
      %dma_wait3A_163 = arith.constant 0 : i32
      %dma_wait3A_164 = arith.constant 0 : i32
      %dma_wait3A_165 = tpu.memref_slice %arg17[%dma_wait3A_163, %dma_wait3A_164] : memref<4x128xf32, #tpu.memory_space<vmem>> -> memref<1x128xf32, #tpu.memory_space<vmem>>
      %dma_wait3A_166 = tpu.memref_squeeze %dma_wait3A_165 : memref<1x128xf32, #tpu.memory_space<vmem>> -> memref<128xf32, #tpu.memory_space<vmem>>
      %dma_wait3A_167 = arith.constant 0 : i32
      %dma_wait3A_168 = tpu.memref_slice %arg15[%dma_wait3A_162, %dma_wait3A_167] : memref<4x128xi32, #tpu.memory_space<vmem>> -> memref<1x128xi32, #tpu.memory_space<vmem>>
      %dma_wait3A_169 = tpu.memref_squeeze %dma_wait3A_168 : memref<1x128xi32, #tpu.memory_space<vmem>> -> memref<128xi32, #tpu.memory_space<vmem>>
      %dma_wait3A_170 = arith.constant 0 : i32
      %dma_wait3A_171 = tpu.memref_slice %arg6[%dma_wait3A_170] : memref<51200xf32, #tpu.memory_space<hbm>> -> memref<51200xf32, #tpu.memory_space<hbm>>
      tpu.wait_indirect_dma semaphore(%arg24 : memref<!tpu.dma_semaphore, #tpu.memory_space<semaphore_mem>>) src(%dma_wait3A_171 : memref<51200xf32, #tpu.memory_space<hbm>>) dst(%dma_wait3A_166 : memref<128xf32, #tpu.memory_space<vmem>>)
      %dma_wait3A_172 = arith.constant 0 : i32
      %dma_wait3A_173 = arith.constant 0 : i32
      %dma_wait3A_174 = arith.constant 0 : i32
      %dma_wait3A_175 = tpu.memref_slice %arg18[%dma_wait3A_173, %dma_wait3A_174] : memref<4x128xf32, #tpu.memory_space<vmem>> -> memref<1x128xf32, #tpu.memory_space<vmem>>
      %dma_wait3A_176 = tpu.memref_squeeze %dma_wait3A_175 : memref<1x128xf32, #tpu.memory_space<vmem>> -> memref<128xf32, #tpu.memory_space<vmem>>
      %dma_wait3A_177 = arith.constant 0 : i32
      %dma_wait3A_178 = tpu.memref_slice %arg16[%dma_wait3A_172, %dma_wait3A_177] : memref<4x128xi32, #tpu.memory_space<vmem>> -> memref<1x128xi32, #tpu.memory_space<vmem>>
      %dma_wait3A_179 = tpu.memref_squeeze %dma_wait3A_178 : memref<1x128xi32, #tpu.memory_space<vmem>> -> memref<128xi32, #tpu.memory_space<vmem>>
      %dma_wait3A_180 = arith.constant 0 : i32
      %dma_wait3A_181 = tpu.memref_slice %arg7[%dma_wait3A_180] : memref<51200xf32, #tpu.memory_space<hbm>> -> memref<51200xf32, #tpu.memory_space<hbm>>
      tpu.wait_indirect_dma semaphore(%arg24 : memref<!tpu.dma_semaphore, #tpu.memory_space<semaphore_mem>>) src(%dma_wait3A_181 : memref<51200xf32, #tpu.memory_space<hbm>>) dst(%dma_wait3A_176 : memref<128xf32, #tpu.memory_space<vmem>>)
      %dma_wait3A_182 = arith.constant 1 : i32
      %dma_wait3A_183 = arith.constant 1 : i32
      %dma_wait3A_184 = arith.constant 0 : i32
      %dma_wait3A_185 = tpu.memref_slice %arg17[%dma_wait3A_183, %dma_wait3A_184] : memref<4x128xf32, #tpu.memory_space<vmem>> -> memref<1x128xf32, #tpu.memory_space<vmem>>
      %dma_wait3A_186 = tpu.memref_squeeze %dma_wait3A_185 : memref<1x128xf32, #tpu.memory_space<vmem>> -> memref<128xf32, #tpu.memory_space<vmem>>
      %dma_wait3A_187 = arith.constant 0 : i32
      %dma_wait3A_188 = tpu.memref_slice %arg15[%dma_wait3A_182, %dma_wait3A_187] : memref<4x128xi32, #tpu.memory_space<vmem>> -> memref<1x128xi32, #tpu.memory_space<vmem>>
      %dma_wait3A_189 = tpu.memref_squeeze %dma_wait3A_188 : memref<1x128xi32, #tpu.memory_space<vmem>> -> memref<128xi32, #tpu.memory_space<vmem>>
      %dma_wait3A_190 = arith.constant 0 : i32
      %dma_wait3A_191 = tpu.memref_slice %arg6[%dma_wait3A_190] : memref<51200xf32, #tpu.memory_space<hbm>> -> memref<51200xf32, #tpu.memory_space<hbm>>
      tpu.wait_indirect_dma semaphore(%arg24 : memref<!tpu.dma_semaphore, #tpu.memory_space<semaphore_mem>>) src(%dma_wait3A_191 : memref<51200xf32, #tpu.memory_space<hbm>>) dst(%dma_wait3A_186 : memref<128xf32, #tpu.memory_space<vmem>>)
      %dma_wait3A_192 = arith.constant 1 : i32
      %dma_wait3A_193 = arith.constant 1 : i32
      %dma_wait3A_194 = arith.constant 0 : i32
      %dma_wait3A_195 = tpu.memref_slice %arg18[%dma_wait3A_193, %dma_wait3A_194] : memref<4x128xf32, #tpu.memory_space<vmem>> -> memref<1x128xf32, #tpu.memory_space<vmem>>
      %dma_wait3A_196 = tpu.memref_squeeze %dma_wait3A_195 : memref<1x128xf32, #tpu.memory_space<vmem>> -> memref<128xf32, #tpu.memory_space<vmem>>
      %dma_wait3A_197 = arith.constant 0 : i32
      %dma_wait3A_198 = tpu.memref_slice %arg16[%dma_wait3A_192, %dma_wait3A_197] : memref<4x128xi32, #tpu.memory_space<vmem>> -> memref<1x128xi32, #tpu.memory_space<vmem>>
      %dma_wait3A_199 = tpu.memref_squeeze %dma_wait3A_198 : memref<1x128xi32, #tpu.memory_space<vmem>> -> memref<128xi32, #tpu.memory_space<vmem>>
      %dma_wait3A_200 = arith.constant 0 : i32
      %dma_wait3A_201 = tpu.memref_slice %arg7[%dma_wait3A_200] : memref<51200xf32, #tpu.memory_space<hbm>> -> memref<51200xf32, #tpu.memory_space<hbm>>
      tpu.wait_indirect_dma semaphore(%arg24 : memref<!tpu.dma_semaphore, #tpu.memory_space<semaphore_mem>>) src(%dma_wait3A_201 : memref<51200xf32, #tpu.memory_space<hbm>>) dst(%dma_wait3A_196 : memref<128xf32, #tpu.memory_space<vmem>>)
      %dma_wait3A_202 = arith.constant 2 : i32
      %dma_wait3A_203 = arith.constant 2 : i32
      %dma_wait3A_204 = arith.constant 0 : i32
      %dma_wait3A_205 = tpu.memref_slice %arg17[%dma_wait3A_203, %dma_wait3A_204] : memref<4x128xf32, #tpu.memory_space<vmem>> -> memref<1x128xf32, #tpu.memory_space<vmem>>
      %dma_wait3A_206 = tpu.memref_squeeze %dma_wait3A_205 : memref<1x128xf32, #tpu.memory_space<vmem>> -> memref<128xf32, #tpu.memory_space<vmem>>
      %dma_wait3A_207 = arith.constant 0 : i32
      %dma_wait3A_208 = tpu.memref_slice %arg15[%dma_wait3A_202, %dma_wait3A_207] : memref<4x128xi32, #tpu.memory_space<vmem>> -> memref<1x128xi32, #tpu.memory_space<vmem>>
      %dma_wait3A_209 = tpu.memref_squeeze %dma_wait3A_208 : memref<1x128xi32, #tpu.memory_space<vmem>> -> memref<128xi32, #tpu.memory_space<vmem>>
      %dma_wait3A_210 = arith.constant 0 : i32
      %dma_wait3A_211 = tpu.memref_slice %arg6[%dma_wait3A_210] : memref<51200xf32, #tpu.memory_space<hbm>> -> memref<51200xf32, #tpu.memory_space<hbm>>
      tpu.wait_indirect_dma semaphore(%arg24 : memref<!tpu.dma_semaphore, #tpu.memory_space<semaphore_mem>>) src(%dma_wait3A_211 : memref<51200xf32, #tpu.memory_space<hbm>>) dst(%dma_wait3A_206 : memref<128xf32, #tpu.memory_space<vmem>>)
      %dma_wait3A_212 = arith.constant 2 : i32
      %dma_wait3A_213 = arith.constant 2 : i32
      %dma_wait3A_214 = arith.constant 0 : i32
      %dma_wait3A_215 = tpu.memref_slice %arg18[%dma_wait3A_213, %dma_wait3A_214] : memref<4x128xf32, #tpu.memory_space<vmem>> -> memref<1x128xf32, #tpu.memory_space<vmem>>
      %dma_wait3A_216 = tpu.memref_squeeze %dma_wait3A_215 : memref<1x128xf32, #tpu.memory_space<vmem>> -> memref<128xf32, #tpu.memory_space<vmem>>
      %dma_wait3A_217 = arith.constant 0 : i32
      %dma_wait3A_218 = tpu.memref_slice %arg16[%dma_wait3A_212, %dma_wait3A_217] : memref<4x128xi32, #tpu.memory_space<vmem>> -> memref<1x128xi32, #tpu.memory_space<vmem>>
      %dma_wait3A_219 = tpu.memref_squeeze %dma_wait3A_218 : memref<1x128xi32, #tpu.memory_space<vmem>> -> memref<128xi32, #tpu.memory_space<vmem>>
      %dma_wait3A_220 = arith.constant 0 : i32
      %dma_wait3A_221 = tpu.memref_slice %arg7[%dma_wait3A_220] : memref<51200xf32, #tpu.memory_space<hbm>> -> memref<51200xf32, #tpu.memory_space<hbm>>
      tpu.wait_indirect_dma semaphore(%arg24 : memref<!tpu.dma_semaphore, #tpu.memory_space<semaphore_mem>>) src(%dma_wait3A_221 : memref<51200xf32, #tpu.memory_space<hbm>>) dst(%dma_wait3A_216 : memref<128xf32, #tpu.memory_space<vmem>>)
      %dma_wait3A_222 = arith.constant 3 : i32
      %dma_wait3A_223 = arith.constant 3 : i32
      %dma_wait3A_224 = arith.constant 0 : i32
      %dma_wait3A_225 = tpu.memref_slice %arg17[%dma_wait3A_223, %dma_wait3A_224] : memref<4x128xf32, #tpu.memory_space<vmem>> -> memref<1x128xf32, #tpu.memory_space<vmem>>
      %dma_wait3A_226 = tpu.memref_squeeze %dma_wait3A_225 : memref<1x128xf32, #tpu.memory_space<vmem>> -> memref<128xf32, #tpu.memory_space<vmem>>
      %dma_wait3A_227 = arith.constant 0 : i32
      %dma_wait3A_228 = tpu.memref_slice %arg15[%dma_wait3A_222, %dma_wait3A_227] : memref<4x128xi32, #tpu.memory_space<vmem>> -> memref<1x128xi32, #tpu.memory_space<vmem>>
      %dma_wait3A_229 = tpu.memref_squeeze %dma_wait3A_228 : memref<1x128xi32, #tpu.memory_space<vmem>> -> memref<128xi32, #tpu.memory_space<vmem>>
      %dma_wait3A_230 = arith.constant 0 : i32
      %dma_wait3A_231 = tpu.memref_slice %arg6[%dma_wait3A_230] : memref<51200xf32, #tpu.memory_space<hbm>> -> memref<51200xf32, #tpu.memory_space<hbm>>
      tpu.wait_indirect_dma semaphore(%arg24 : memref<!tpu.dma_semaphore, #tpu.memory_space<semaphore_mem>>) src(%dma_wait3A_231 : memref<51200xf32, #tpu.memory_space<hbm>>) dst(%dma_wait3A_226 : memref<128xf32, #tpu.memory_space<vmem>>)
      %dma_wait3A_232 = arith.constant 3 : i32
      %dma_wait3A_233 = arith.constant 3 : i32
      %dma_wait3A_234 = arith.constant 0 : i32
      %dma_wait3A_235 = tpu.memref_slice %arg18[%dma_wait3A_233, %dma_wait3A_234] : memref<4x128xf32, #tpu.memory_space<vmem>> -> memref<1x128xf32, #tpu.memory_space<vmem>>
      %dma_wait3A_236 = tpu.memref_squeeze %dma_wait3A_235 : memref<1x128xf32, #tpu.memory_space<vmem>> -> memref<128xf32, #tpu.memory_space<vmem>>
      %dma_wait3A_237 = arith.constant 0 : i32
      %dma_wait3A_238 = tpu.memref_slice %arg16[%dma_wait3A_232, %dma_wait3A_237] : memref<4x128xi32, #tpu.memory_space<vmem>> -> memref<1x128xi32, #tpu.memory_space<vmem>>
      %dma_wait3A_239 = tpu.memref_squeeze %dma_wait3A_238 : memref<1x128xi32, #tpu.memory_space<vmem>> -> memref<128xi32, #tpu.memory_space<vmem>>
      %dma_wait3A_240 = arith.constant 0 : i32
      %dma_wait3A_241 = tpu.memref_slice %arg7[%dma_wait3A_240] : memref<51200xf32, #tpu.memory_space<hbm>> -> memref<51200xf32, #tpu.memory_space<hbm>>
      tpu.wait_indirect_dma semaphore(%arg24 : memref<!tpu.dma_semaphore, #tpu.memory_space<semaphore_mem>>) src(%dma_wait3A_241 : memref<51200xf32, #tpu.memory_space<hbm>>) dst(%dma_wait3A_236 : memref<128xf32, #tpu.memory_space<vmem>>)
      %get3A_242 = arith.constant 0 : i32
      %get3A_243 = arith.index_cast %get3A_242 : i32 to index
      %get3A_244 = arith.constant 0 : index
      %get3A_245 = tpu.vector_load %arg17[%get3A_243, %get3A_244] {strides = array<i32>} : memref<4x128xf32, #tpu.memory_space<vmem>>, vector<16xf32>,
      %get3A_246 = arith.constant 0 : i32
      %get3A_247 = arith.index_cast %get3A_246 : i32 to index
      %get3A_248 = arith.constant 0 : index
      %get3A_249 = tpu.vector_load %arg18[%get3A_247, %get3A_248] {strides = array<i32>} : memref<4x128xf32, #tpu.memory_space<vmem>>, vector<16xf32>,
      %add3A_250 = arith.addf %get3A_245, %get3A_249 : vector<16xf32>
      %mul3A_251 = arith.constant 2.000000e-01 : f32
      %mul3A_252 = vector.broadcast %mul3A_251 : f32 to vector<16xf32>
      %mul3A_253 = arith.mulf %mul3A_252, %add3A_250 : vector<16xf32>
      %max3A = arith.maximumf %add3A_250, %mul3A_253 : vector<16xf32>
      %exp3A = math.exp %max3A : vector<16xf32>
      %swap3A = arith.constant 0 : i32
      %swap3A_254 = arith.index_cast %swap3A : i32 to index
      %swap3A_255 = arith.constant 0 : index
      %swap3A_256 = tpu.vector_load %arg19[%swap3A_254, %swap3A_255] {strides = array<i32>} : memref<4x128xf32, #tpu.memory_space<vmem>>, vector<16xf32>,
      tpu.vector_store %arg19[%swap3A_254, %swap3A_255], %exp3A {strides = array<i32>} : memref<4x128xf32, #tpu.memory_space<vmem>>, vector<16xf32>,
      %get3A_257 = arith.constant 0 : i32
      %get3A_258 = arith.index_cast %get3A_257 : i32 to index
      %get3A_259 = arith.constant 16 : index
      %get3A_260 = tpu.vector_load %arg17[%get3A_258, %get3A_259] {strides = array<i32>} : memref<4x128xf32, #tpu.memory_space<vmem>>, vector<16xf32>,
      %get3A_261 = arith.constant 0 : i32
      %get3A_262 = arith.index_cast %get3A_261 : i32 to index
      %get3A_263 = arith.constant 16 : index
      %get3A_264 = tpu.vector_load %arg18[%get3A_262, %get3A_263] {strides = array<i32>} : memref<4x128xf32, #tpu.memory_space<vmem>>, vector<16xf32>,
      %add3A_265 = arith.addf %get3A_260, %get3A_264 : vector<16xf32>
      %mul3A_266 = arith.constant 2.000000e-01 : f32
      %mul3A_267 = vector.broadcast %mul3A_266 : f32 to vector<16xf32>
      %mul3A_268 = arith.mulf %mul3A_267, %add3A_265 : vector<16xf32>
      %max3A_269 = arith.maximumf %add3A_265, %mul3A_268 : vector<16xf32>
      %exp3A_270 = math.exp %max3A_269 : vector<16xf32>
      %swap3A_271 = arith.constant 0 : i32
      %swap3A_272 = arith.index_cast %swap3A_271 : i32 to index
      %swap3A_273 = arith.constant 16 : index
      %swap3A_274 = tpu.vector_load %arg19[%swap3A_272, %swap3A_273] {strides = array<i32>} : memref<4x128xf32, #tpu.memory_space<vmem>>, vector<16xf32>,
      tpu.vector_store %arg19[%swap3A_272, %swap3A_273], %exp3A_270 {strides = array<i32>} : memref<4x128xf32, #tpu.memory_space<vmem>>, vector<16xf32>,
      %get3A_275 = arith.constant 0 : i32
      %get3A_276 = arith.index_cast %get3A_275 : i32 to index
      %get3A_277 = arith.constant 32 : index
      %get3A_278 = tpu.vector_load %arg17[%get3A_276, %get3A_277] {strides = array<i32>} : memref<4x128xf32, #tpu.memory_space<vmem>>, vector<16xf32>,
      %get3A_279 = arith.constant 0 : i32
      %get3A_280 = arith.index_cast %get3A_279 : i32 to index
      %get3A_281 = arith.constant 32 : index
      %get3A_282 = tpu.vector_load %arg18[%get3A_280, %get3A_281] {strides = array<i32>} : memref<4x128xf32, #tpu.memory_space<vmem>>, vector<16xf32>,
      %add3A_283 = arith.addf %get3A_278, %get3A_282 : vector<16xf32>
      %mul3A_284 = arith.constant 2.000000e-01 : f32
      %mul3A_285 = vector.broadcast %mul3A_284 : f32 to vector<16xf32>
      %mul3A_286 = arith.mulf %mul3A_285, %add3A_283 : vector<16xf32>
      %max3A_287 = arith.maximumf %add3A_283, %mul3A_286 : vector<16xf32>
      %exp3A_288 = math.exp %max3A_287 : vector<16xf32>
      %swap3A_289 = arith.constant 0 : i32
      %swap3A_290 = arith.index_cast %swap3A_289 : i32 to index
      %swap3A_291 = arith.constant 32 : index
      %swap3A_292 = tpu.vector_load %arg19[%swap3A_290, %swap3A_291] {strides = array<i32>} : memref<4x128xf32, #tpu.memory_space<vmem>>, vector<16xf32>,
      tpu.vector_store %arg19[%swap3A_290, %swap3A_291], %exp3A_288 {strides = array<i32>} : memref<4x128xf32, #tpu.memory_space<vmem>>, vector<16xf32>,
      %get3A_293 = arith.constant 0 : i32
      %get3A_294 = arith.index_cast %get3A_293 : i32 to index
      %get3A_295 = arith.constant 48 : index
      %get3A_296 = tpu.vector_load %arg17[%get3A_294, %get3A_295] {strides = array<i32>} : memref<4x128xf32, #tpu.memory_space<vmem>>, vector<16xf32>,
      %get3A_297 = arith.constant 0 : i32
      %get3A_298 = arith.index_cast %get3A_297 : i32 to index
      %get3A_299 = arith.constant 48 : index
      %get3A_300 = tpu.vector_load %arg18[%get3A_298, %get3A_299] {strides = array<i32>} : memref<4x128xf32, #tpu.memory_space<vmem>>, vector<16xf32>,
      %add3A_301 = arith.addf %get3A_296, %get3A_300 : vector<16xf32>
      %mul3A_302 = arith.constant 2.000000e-01 : f32
      %mul3A_303 = vector.broadcast %mul3A_302 : f32 to vector<16xf32>
      %mul3A_304 = arith.mulf %mul3A_303, %add3A_301 : vector<16xf32>
      %max3A_305 = arith.maximumf %add3A_301, %mul3A_304 : vector<16xf32>
      %exp3A_306 = math.exp %max3A_305 : vector<16xf32>
      %swap3A_307 = arith.constant 0 : i32
      %swap3A_308 = arith.index_cast %swap3A_307 : i32 to index
      %swap3A_309 = arith.constant 48 : index
      %swap3A_310 = tpu.vector_load %arg19[%swap3A_308, %swap3A_309] {strides = array<i32>} : memref<4x128xf32, #tpu.memory_space<vmem>>, vector<16xf32>,
      tpu.vector_store %arg19[%swap3A_308, %swap3A_309], %exp3A_306 {strides = array<i32>} : memref<4x128xf32, #tpu.memory_space<vmem>>, vector<16xf32>,
      %get3A_311 = arith.constant 0 : i32
      %get3A_312 = arith.index_cast %get3A_311 : i32 to index
      %get3A_313 = arith.constant 64 : index
      %get3A_314 = tpu.vector_load %arg17[%get3A_312, %get3A_313] {strides = array<i32>} : memref<4x128xf32, #tpu.memory_space<vmem>>, vector<16xf32>,
      %get3A_315 = arith.constant 0 : i32
      %get3A_316 = arith.index_cast %get3A_315 : i32 to index
      %get3A_317 = arith.constant 64 : index
      %get3A_318 = tpu.vector_load %arg18[%get3A_316, %get3A_317] {strides = array<i32>} : memref<4x128xf32, #tpu.memory_space<vmem>>, vector<16xf32>,
      %add3A_319 = arith.addf %get3A_314, %get3A_318 : vector<16xf32>
      %mul3A_320 = arith.constant 2.000000e-01 : f32
      %mul3A_321 = vector.broadcast %mul3A_320 : f32 to vector<16xf32>
      %mul3A_322 = arith.mulf %mul3A_321, %add3A_319 : vector<16xf32>
      %max3A_323 = arith.maximumf %add3A_319, %mul3A_322 : vector<16xf32>
      %exp3A_324 = math.exp %max3A_323 : vector<16xf32>
      %swap3A_325 = arith.constant 0 : i32
      %swap3A_326 = arith.index_cast %swap3A_325 : i32 to index
      %swap3A_327 = arith.constant 64 : index
      %swap3A_328 = tpu.vector_load %arg19[%swap3A_326, %swap3A_327] {strides = array<i32>} : memref<4x128xf32, #tpu.memory_space<vmem>>, vector<16xf32>,
      tpu.vector_store %arg19[%swap3A_326, %swap3A_327], %exp3A_324 {strides = array<i32>} : memref<4x128xf32, #tpu.memory_space<vmem>>, vector<16xf32>,
      %get3A_329 = arith.constant 0 : i32
      %get3A_330 = arith.index_cast %get3A_329 : i32 to index
      %get3A_331 = arith.constant 80 : index
      %get3A_332 = tpu.vector_load %arg17[%get3A_330, %get3A_331] {strides = array<i32>} : memref<4x128xf32, #tpu.memory_space<vmem>>, vector<16xf32>,
      %get3A_333 = arith.constant 0 : i32
      %get3A_334 = arith.index_cast %get3A_333 : i32 to index
      %get3A_335 = arith.constant 80 : index
      %get3A_336 = tpu.vector_load %arg18[%get3A_334, %get3A_335] {strides = array<i32>} : memref<4x128xf32, #tpu.memory_space<vmem>>, vector<16xf32>,
      %add3A_337 = arith.addf %get3A_332, %get3A_336 : vector<16xf32>
      %mul3A_338 = arith.constant 2.000000e-01 : f32
      %mul3A_339 = vector.broadcast %mul3A_338 : f32 to vector<16xf32>
      %mul3A_340 = arith.mulf %mul3A_339, %add3A_337 : vector<16xf32>
      %max3A_341 = arith.maximumf %add3A_337, %mul3A_340 : vector<16xf32>
      %exp3A_342 = math.exp %max3A_341 : vector<16xf32>
      %swap3A_343 = arith.constant 0 : i32
      %swap3A_344 = arith.index_cast %swap3A_343 : i32 to index
      %swap3A_345 = arith.constant 80 : index
      %swap3A_346 = tpu.vector_load %arg19[%swap3A_344, %swap3A_345] {strides = array<i32>} : memref<4x128xf32, #tpu.memory_space<vmem>>, vector<16xf32>,
      tpu.vector_store %arg19[%swap3A_344, %swap3A_345], %exp3A_342 {strides = array<i32>} : memref<4x128xf32, #tpu.memory_space<vmem>>, vector<16xf32>,
      %get3A_347 = arith.constant 0 : i32
      %get3A_348 = arith.index_cast %get3A_347 : i32 to index
      %get3A_349 = arith.constant 96 : index
      %get3A_350 = tpu.vector_load %arg17[%get3A_348, %get3A_349] {strides = array<i32>} : memref<4x128xf32, #tpu.memory_space<vmem>>, vector<16xf32>,
      %get3A_351 = arith.constant 0 : i32
      %get3A_352 = arith.index_cast %get3A_351 : i32 to index
      %get3A_353 = arith.constant 96 : index
      %get3A_354 = tpu.vector_load %arg18[%get3A_352, %get3A_353] {strides = array<i32>} : memref<4x128xf32, #tpu.memory_space<vmem>>, vector<16xf32>,
      %add3A_355 = arith.addf %get3A_350, %get3A_354 : vector<16xf32>
      %mul3A_356 = arith.constant 2.000000e-01 : f32
      %mul3A_357 = vector.broadcast %mul3A_356 : f32 to vector<16xf32>
      %mul3A_358 = arith.mulf %mul3A_357, %add3A_355 : vector<16xf32>
      %max3A_359 = arith.maximumf %add3A_355, %mul3A_358 : vector<16xf32>
      %exp3A_360 = math.exp %max3A_359 : vector<16xf32>
      %swap3A_361 = arith.constant 0 : i32
      %swap3A_362 = arith.index_cast %swap3A_361 : i32 to index
      %swap3A_363 = arith.constant 96 : index
      %swap3A_364 = tpu.vector_load %arg19[%swap3A_362, %swap3A_363] {strides = array<i32>} : memref<4x128xf32, #tpu.memory_space<vmem>>, vector<16xf32>,
      tpu.vector_store %arg19[%swap3A_362, %swap3A_363], %exp3A_360 {strides = array<i32>} : memref<4x128xf32, #tpu.memory_space<vmem>>, vector<16xf32>,
      %get3A_365 = arith.constant 0 : i32
      %get3A_366 = arith.index_cast %get3A_365 : i32 to index
      %get3A_367 = arith.constant 112 : index
      %get3A_368 = tpu.vector_load %arg17[%get3A_366, %get3A_367] {strides = array<i32>} : memref<4x128xf32, #tpu.memory_space<vmem>>, vector<16xf32>,
      %get3A_369 = arith.constant 0 : i32
      %get3A_370 = arith.index_cast %get3A_369 : i32 to index
      %get3A_371 = arith.constant 112 : index
      %get3A_372 = tpu.vector_load %arg18[%get3A_370, %get3A_371] {strides = array<i32>} : memref<4x128xf32, #tpu.memory_space<vmem>>, vector<16xf32>,
      %add3A_373 = arith.addf %get3A_368, %get3A_372 : vector<16xf32>
      %mul3A_374 = arith.constant 2.000000e-01 : f32
      %mul3A_375 = vector.broadcast %mul3A_374 : f32 to vector<16xf32>
      %mul3A_376 = arith.mulf %mul3A_375, %add3A_373 : vector<16xf32>
      %max3A_377 = arith.maximumf %add3A_373, %mul3A_376 : vector<16xf32>
      %exp3A_378 = math.exp %max3A_377 : vector<16xf32>
      %swap3A_379 = arith.constant 0 : i32
      %swap3A_380 = arith.index_cast %swap3A_379 : i32 to index
      %swap3A_381 = arith.constant 112 : index
      %swap3A_382 = tpu.vector_load %arg19[%swap3A_380, %swap3A_381] {strides = array<i32>} : memref<4x128xf32, #tpu.memory_space<vmem>>, vector<16xf32>,
      tpu.vector_store %arg19[%swap3A_380, %swap3A_381], %exp3A_378 {strides = array<i32>} : memref<4x128xf32, #tpu.memory_space<vmem>>, vector<16xf32>,
      %get3A_383 = arith.constant 1 : i32
      %get3A_384 = arith.index_cast %get3A_383 : i32 to index
      %get3A_385 = arith.constant 0 : index
      %get3A_386 = tpu.vector_load %arg17[%get3A_384, %get3A_385] {strides = array<i32>} : memref<4x128xf32, #tpu.memory_space<vmem>>, vector<16xf32>,
      %get3A_387 = arith.constant 1 : i32
      %get3A_388 = arith.index_cast %get3A_387 : i32 to index
      %get3A_389 = arith.constant 0 : index
      %get3A_390 = tpu.vector_load %arg18[%get3A_388, %get3A_389] {strides = array<i32>} : memref<4x128xf32, #tpu.memory_space<vmem>>, vector<16xf32>,
      %add3A_391 = arith.addf %get3A_386, %get3A_390 : vector<16xf32>
      %mul3A_392 = arith.constant 2.000000e-01 : f32
      %mul3A_393 = vector.broadcast %mul3A_392 : f32 to vector<16xf32>
      %mul3A_394 = arith.mulf %mul3A_393, %add3A_391 : vector<16xf32>
      %max3A_395 = arith.maximumf %add3A_391, %mul3A_394 : vector<16xf32>
      %exp3A_396 = math.exp %max3A_395 : vector<16xf32>
      %swap3A_397 = arith.constant 1 : i32
      %swap3A_398 = arith.index_cast %swap3A_397 : i32 to index
      %swap3A_399 = arith.constant 0 : index
      %swap3A_400 = tpu.vector_load %arg19[%swap3A_398, %swap3A_399] {strides = array<i32>} : memref<4x128xf32, #tpu.memory_space<vmem>>, vector<16xf32>,
      tpu.vector_store %arg19[%swap3A_398, %swap3A_399], %exp3A_396 {strides = array<i32>} : memref<4x128xf32, #tpu.memory_space<vmem>>, vector<16xf32>,
      %get3A_401 = arith.constant 1 : i32
      %get3A_402 = arith.index_cast %get3A_401 : i32 to index
      %get3A_403 = arith.constant 16 : index
      %get3A_404 = tpu.vector_load %arg17[%get3A_402, %get3A_403] {strides = array<i32>} : memref<4x128xf32, #tpu.memory_space<vmem>>, vector<16xf32>,
      %get3A_405 = arith.constant 1 : i32
      %get3A_406 = arith.index_cast %get3A_405 : i32 to index
      %get3A_407 = arith.constant 16 : index
      %get3A_408 = tpu.vector_load %arg18[%get3A_406, %get3A_407] {strides = array<i32>} : memref<4x128xf32, #tpu.memory_space<vmem>>, vector<16xf32>,
      %add3A_409 = arith.addf %get3A_404, %get3A_408 : vector<16xf32>
      %mul3A_410 = arith.constant 2.000000e-01 : f32
      %mul3A_411 = vector.broadcast %mul3A_410 : f32 to vector<16xf32>
      %mul3A_412 = arith.mulf %mul3A_411, %add3A_409 : vector<16xf32>
      %max3A_413 = arith.maximumf %add3A_409, %mul3A_412 : vector<16xf32>
      %exp3A_414 = math.exp %max3A_413 : vector<16xf32>
      %swap3A_415 = arith.constant 1 : i32
      %swap3A_416 = arith.index_cast %swap3A_415 : i32 to index
      %swap3A_417 = arith.constant 16 : index
      %swap3A_418 = tpu.vector_load %arg19[%swap3A_416, %swap3A_417] {strides = array<i32>} : memref<4x128xf32, #tpu.memory_space<vmem>>, vector<16xf32>,
      tpu.vector_store %arg19[%swap3A_416, %swap3A_417], %exp3A_414 {strides = array<i32>} : memref<4x128xf32, #tpu.memory_space<vmem>>, vector<16xf32>,
      %get3A_419 = arith.constant 1 : i32
      %get3A_420 = arith.index_cast %get3A_419 : i32 to index
      %get3A_421 = arith.constant 32 : index
      %get3A_422 = tpu.vector_load %arg17[%get3A_420, %get3A_421] {strides = array<i32>} : memref<4x128xf32, #tpu.memory_space<vmem>>, vector<16xf32>,
      %get3A_423 = arith.constant 1 : i32
      %get3A_424 = arith.index_cast %get3A_423 : i32 to index
      %get3A_425 = arith.constant 32 : index
      %get3A_426 = tpu.vector_load %arg18[%get3A_424, %get3A_425] {strides = array<i32>} : memref<4x128xf32, #tpu.memory_space<vmem>>, vector<16xf32>,
      %add3A_427 = arith.addf %get3A_422, %get3A_426 : vector<16xf32>
      %mul3A_428 = arith.constant 2.000000e-01 : f32
      %mul3A_429 = vector.broadcast %mul3A_428 : f32 to vector<16xf32>
      %mul3A_430 = arith.mulf %mul3A_429, %add3A_427 : vector<16xf32>
      %max3A_431 = arith.maximumf %add3A_427, %mul3A_430 : vector<16xf32>
      %exp3A_432 = math.exp %max3A_431 : vector<16xf32>
      %swap3A_433 = arith.constant 1 : i32
      %swap3A_434 = arith.index_cast %swap3A_433 : i32 to index
      %swap3A_435 = arith.constant 32 : index
      %swap3A_436 = tpu.vector_load %arg19[%swap3A_434, %swap3A_435] {strides = array<i32>} : memref<4x128xf32, #tpu.memory_space<vmem>>, vector<16xf32>,
      tpu.vector_store %arg19[%swap3A_434, %swap3A_435], %exp3A_432 {strides = array<i32>} : memref<4x128xf32, #tpu.memory_space<vmem>>, vector<16xf32>,
      %get3A_437 = arith.constant 1 : i32
      %get3A_438 = arith.index_cast %get3A_437 : i32 to index
      %get3A_439 = arith.constant 48 : index
      %get3A_440 = tpu.vector_load %arg17[%get3A_438, %get3A_439] {strides = array<i32>} : memref<4x128xf32, #tpu.memory_space<vmem>>, vector<16xf32>,
      %get3A_441 = arith.constant 1 : i32
      %get3A_442 = arith.index_cast %get3A_441 : i32 to index
      %get3A_443 = arith.constant 48 : index
      %get3A_444 = tpu.vector_load %arg18[%get3A_442, %get3A_443] {strides = array<i32>} : memref<4x128xf32, #tpu.memory_space<vmem>>, vector<16xf32>,
      %add3A_445 = arith.addf %get3A_440, %get3A_444 : vector<16xf32>
      %mul3A_446 = arith.constant 2.000000e-01 : f32
      %mul3A_447 = vector.broadcast %mul3A_446 : f32 to vector<16xf32>
      %mul3A_448 = arith.mulf %mul3A_447, %add3A_445 : vector<16xf32>
      %max3A_449 = arith.maximumf %add3A_445, %mul3A_448 : vector<16xf32>
      %exp3A_450 = math.exp %max3A_449 : vector<16xf32>
      %swap3A_451 = arith.constant 1 : i32
      %swap3A_452 = arith.index_cast %swap3A_451 : i32 to index
      %swap3A_453 = arith.constant 48 : index
      %swap3A_454 = tpu.vector_load %arg19[%swap3A_452, %swap3A_453] {strides = array<i32>} : memref<4x128xf32, #tpu.memory_space<vmem>>, vector<16xf32>,
      tpu.vector_store %arg19[%swap3A_452, %swap3A_453], %exp3A_450 {strides = array<i32>} : memref<4x128xf32, #tpu.memory_space<vmem>>, vector<16xf32>,
      %get3A_455 = arith.constant 1 : i32
      %get3A_456 = arith.index_cast %get3A_455 : i32 to index
      %get3A_457 = arith.constant 64 : index
      %get3A_458 = tpu.vector_load %arg17[%get3A_456, %get3A_457] {strides = array<i32>} : memref<4x128xf32, #tpu.memory_space<vmem>>, vector<16xf32>,
      %get3A_459 = arith.constant 1 : i32
      %get3A_460 = arith.index_cast %get3A_459 : i32 to index
      %get3A_461 = arith.constant 64 : index
      %get3A_462 = tpu.vector_load %arg18[%get3A_460, %get3A_461] {strides = array<i32>} : memref<4x128xf32, #tpu.memory_space<vmem>>, vector<16xf32>,
      %add3A_463 = arith.addf %get3A_458, %get3A_462 : vector<16xf32>
      %mul3A_464 = arith.constant 2.000000e-01 : f32
      %mul3A_465 = vector.broadcast %mul3A_464 : f32 to vector<16xf32>
      %mul3A_466 = arith.mulf %mul3A_465, %add3A_463 : vector<16xf32>
      %max3A_467 = arith.maximumf %add3A_463, %mul3A_466 : vector<16xf32>
      %exp3A_468 = math.exp %max3A_467 : vector<16xf32>
      %swap3A_469 = arith.constant 1 : i32
      %swap3A_470 = arith.index_cast %swap3A_469 : i32 to index
      %swap3A_471 = arith.constant 64 : index
      %swap3A_472 = tpu.vector_load %arg19[%swap3A_470, %swap3A_471] {strides = array<i32>} : memref<4x128xf32, #tpu.memory_space<vmem>>, vector<16xf32>,
      tpu.vector_store %arg19[%swap3A_470, %swap3A_471], %exp3A_468 {strides = array<i32>} : memref<4x128xf32, #tpu.memory_space<vmem>>, vector<16xf32>,
      %get3A_473 = arith.constant 1 : i32
      %get3A_474 = arith.index_cast %get3A_473 : i32 to index
      %get3A_475 = arith.constant 80 : index
      %get3A_476 = tpu.vector_load %arg17[%get3A_474, %get3A_475] {strides = array<i32>} : memref<4x128xf32, #tpu.memory_space<vmem>>, vector<16xf32>,
      %get3A_477 = arith.constant 1 : i32
      %get3A_478 = arith.index_cast %get3A_477 : i32 to index
      %get3A_479 = arith.constant 80 : index
      %get3A_480 = tpu.vector_load %arg18[%get3A_478, %get3A_479] {strides = array<i32>} : memref<4x128xf32, #tpu.memory_space<vmem>>, vector<16xf32>,
      %add3A_481 = arith.addf %get3A_476, %get3A_480 : vector<16xf32>
      %mul3A_482 = arith.constant 2.000000e-01 : f32
      %mul3A_483 = vector.broadcast %mul3A_482 : f32 to vector<16xf32>
      %mul3A_484 = arith.mulf %mul3A_483, %add3A_481 : vector<16xf32>
      %max3A_485 = arith.maximumf %add3A_481, %mul3A_484 : vector<16xf32>
      %exp3A_486 = math.exp %max3A_485 : vector<16xf32>
      %swap3A_487 = arith.constant 1 : i32
      %swap3A_488 = arith.index_cast %swap3A_487 : i32 to index
      %swap3A_489 = arith.constant 80 : index
      %swap3A_490 = tpu.vector_load %arg19[%swap3A_488, %swap3A_489] {strides = array<i32>} : memref<4x128xf32, #tpu.memory_space<vmem>>, vector<16xf32>,
      tpu.vector_store %arg19[%swap3A_488, %swap3A_489], %exp3A_486 {strides = array<i32>} : memref<4x128xf32, #tpu.memory_space<vmem>>, vector<16xf32>,
      %get3A_491 = arith.constant 1 : i32
      %get3A_492 = arith.index_cast %get3A_491 : i32 to index
      %get3A_493 = arith.constant 96 : index
      %get3A_494 = tpu.vector_load %arg17[%get3A_492, %get3A_493] {strides = array<i32>} : memref<4x128xf32, #tpu.memory_space<vmem>>, vector<16xf32>,
      %get3A_495 = arith.constant 1 : i32
      %get3A_496 = arith.index_cast %get3A_495 : i32 to index
      %get3A_497 = arith.constant 96 : index
      %get3A_498 = tpu.vector_load %arg18[%get3A_496, %get3A_497] {strides = array<i32>} : memref<4x128xf32, #tpu.memory_space<vmem>>, vector<16xf32>,
      %add3A_499 = arith.addf %get3A_494, %get3A_498 : vector<16xf32>
      %mul3A_500 = arith.constant 2.000000e-01 : f32
      %mul3A_501 = vector.broadcast %mul3A_500 : f32 to vector<16xf32>
      %mul3A_502 = arith.mulf %mul3A_501, %add3A_499 : vector<16xf32>
      %max3A_503 = arith.maximumf %add3A_499, %mul3A_502 : vector<16xf32>
      %exp3A_504 = math.exp %max3A_503 : vector<16xf32>
      %swap3A_505 = arith.constant 1 : i32
      %swap3A_506 = arith.index_cast %swap3A_505 : i32 to index
      %swap3A_507 = arith.constant 96 : index
      %swap3A_508 = tpu.vector_load %arg19[%swap3A_506, %swap3A_507] {strides = array<i32>} : memref<4x128xf32, #tpu.memory_space<vmem>>, vector<16xf32>,
      tpu.vector_store %arg19[%swap3A_506, %swap3A_507], %exp3A_504 {strides = array<i32>} : memref<4x128xf32, #tpu.memory_space<vmem>>, vector<16xf32>,
      %get3A_509 = arith.constant 1 : i32
      %get3A_510 = arith.index_cast %get3A_509 : i32 to index
      %get3A_511 = arith.constant 112 : index
      %get3A_512 = tpu.vector_load %arg17[%get3A_510, %get3A_511] {strides = array<i32>} : memref<4x128xf32, #tpu.memory_space<vmem>>, vector<16xf32>,
      %get3A_513 = arith.constant 1 : i32
      %get3A_514 = arith.index_cast %get3A_513 : i32 to index
      %get3A_515 = arith.constant 112 : index
      %get3A_516 = tpu.vector_load %arg18[%get3A_514, %get3A_515] {strides = array<i32>} : memref<4x128xf32, #tpu.memory_space<vmem>>, vector<16xf32>,
      %add3A_517 = arith.addf %get3A_512, %get3A_516 : vector<16xf32>
      %mul3A_518 = arith.constant 2.000000e-01 : f32
      %mul3A_519 = vector.broadcast %mul3A_518 : f32 to vector<16xf32>
      %mul3A_520 = arith.mulf %mul3A_519, %add3A_517 : vector<16xf32>
      %max3A_521 = arith.maximumf %add3A_517, %mul3A_520 : vector<16xf32>
      %exp3A_522 = math.exp %max3A_521 : vector<16xf32>
      %swap3A_523 = arith.constant 1 : i32
      %swap3A_524 = arith.index_cast %swap3A_523 : i32 to index
      %swap3A_525 = arith.constant 112 : index
      %swap3A_526 = tpu.vector_load %arg19[%swap3A_524, %swap3A_525] {strides = array<i32>} : memref<4x128xf32, #tpu.memory_space<vmem>>, vector<16xf32>,
      tpu.vector_store %arg19[%swap3A_524, %swap3A_525], %exp3A_522 {strides = array<i32>} : memref<4x128xf32, #tpu.memory_space<vmem>>, vector<16xf32>,
      %get3A_527 = arith.constant 2 : i32
      %get3A_528 = arith.index_cast %get3A_527 : i32 to index
      %get3A_529 = arith.constant 0 : index
      %get3A_530 = tpu.vector_load %arg17[%get3A_528, %get3A_529] {strides = array<i32>} : memref<4x128xf32, #tpu.memory_space<vmem>>, vector<16xf32>,
      %get3A_531 = arith.constant 2 : i32
      %get3A_532 = arith.index_cast %get3A_531 : i32 to index
      %get3A_533 = arith.constant 0 : index
      %get3A_534 = tpu.vector_load %arg18[%get3A_532, %get3A_533] {strides = array<i32>} : memref<4x128xf32, #tpu.memory_space<vmem>>, vector<16xf32>,
      %add3A_535 = arith.addf %get3A_530, %get3A_534 : vector<16xf32>
      %mul3A_536 = arith.constant 2.000000e-01 : f32
      %mul3A_537 = vector.broadcast %mul3A_536 : f32 to vector<16xf32>
      %mul3A_538 = arith.mulf %mul3A_537, %add3A_535 : vector<16xf32>
      %max3A_539 = arith.maximumf %add3A_535, %mul3A_538 : vector<16xf32>
      %exp3A_540 = math.exp %max3A_539 : vector<16xf32>
      %swap3A_541 = arith.constant 2 : i32
      %swap3A_542 = arith.index_cast %swap3A_541 : i32 to index
      %swap3A_543 = arith.constant 0 : index
      %swap3A_544 = tpu.vector_load %arg19[%swap3A_542, %swap3A_543] {strides = array<i32>} : memref<4x128xf32, #tpu.memory_space<vmem>>, vector<16xf32>,
      tpu.vector_store %arg19[%swap3A_542, %swap3A_543], %exp3A_540 {strides = array<i32>} : memref<4x128xf32, #tpu.memory_space<vmem>>, vector<16xf32>,
      %get3A_545 = arith.constant 2 : i32
      %get3A_546 = arith.index_cast %get3A_545 : i32 to index
      %get3A_547 = arith.constant 16 : index
      %get3A_548 = tpu.vector_load %arg17[%get3A_546, %get3A_547] {strides = array<i32>} : memref<4x128xf32, #tpu.memory_space<vmem>>, vector<16xf32>,
      %get3A_549 = arith.constant 2 : i32
      %get3A_550 = arith.index_cast %get3A_549 : i32 to index
      %get3A_551 = arith.constant 16 : index
      %get3A_552 = tpu.vector_load %arg18[%get3A_550, %get3A_551] {strides = array<i32>} : memref<4x128xf32, #tpu.memory_space<vmem>>, vector<16xf32>,
      %add3A_553 = arith.addf %get3A_548, %get3A_552 : vector<16xf32>
      %mul3A_554 = arith.constant 2.000000e-01 : f32
      %mul3A_555 = vector.broadcast %mul3A_554 : f32 to vector<16xf32>
      %mul3A_556 = arith.mulf %mul3A_555, %add3A_553 : vector<16xf32>
      %max3A_557 = arith.maximumf %add3A_553, %mul3A_556 : vector<16xf32>
      %exp3A_558 = math.exp %max3A_557 : vector<16xf32>
      %swap3A_559 = arith.constant 2 : i32
      %swap3A_560 = arith.index_cast %swap3A_559 : i32 to index
      %swap3A_561 = arith.constant 16 : index
      %swap3A_562 = tpu.vector_load %arg19[%swap3A_560, %swap3A_561] {strides = array<i32>} : memref<4x128xf32, #tpu.memory_space<vmem>>, vector<16xf32>,
      tpu.vector_store %arg19[%swap3A_560, %swap3A_561], %exp3A_558 {strides = array<i32>} : memref<4x128xf32, #tpu.memory_space<vmem>>, vector<16xf32>,
      %get3A_563 = arith.constant 2 : i32
      %get3A_564 = arith.index_cast %get3A_563 : i32 to index
      %get3A_565 = arith.constant 32 : index
      %get3A_566 = tpu.vector_load %arg17[%get3A_564, %get3A_565] {strides = array<i32>} : memref<4x128xf32, #tpu.memory_space<vmem>>, vector<16xf32>,
      %get3A_567 = arith.constant 2 : i32
      %get3A_568 = arith.index_cast %get3A_567 : i32 to index
      %get3A_569 = arith.constant 32 : index
      %get3A_570 = tpu.vector_load %arg18[%get3A_568, %get3A_569] {strides = array<i32>} : memref<4x128xf32, #tpu.memory_space<vmem>>, vector<16xf32>,
      %add3A_571 = arith.addf %get3A_566, %get3A_570 : vector<16xf32>
      %mul3A_572 = arith.constant 2.000000e-01 : f32
      %mul3A_573 = vector.broadcast %mul3A_572 : f32 to vector<16xf32>
      %mul3A_574 = arith.mulf %mul3A_573, %add3A_571 : vector<16xf32>
      %max3A_575 = arith.maximumf %add3A_571, %mul3A_574 : vector<16xf32>
      %exp3A_576 = math.exp %max3A_575 : vector<16xf32>
      %swap3A_577 = arith.constant 2 : i32
      %swap3A_578 = arith.index_cast %swap3A_577 : i32 to index
      %swap3A_579 = arith.constant 32 : index
      %swap3A_580 = tpu.vector_load %arg19[%swap3A_578, %swap3A_579] {strides = array<i32>} : memref<4x128xf32, #tpu.memory_space<vmem>>, vector<16xf32>,
      tpu.vector_store %arg19[%swap3A_578, %swap3A_579], %exp3A_576 {strides = array<i32>} : memref<4x128xf32, #tpu.memory_space<vmem>>, vector<16xf32>,
      %get3A_581 = arith.constant 2 : i32
      %get3A_582 = arith.index_cast %get3A_581 : i32 to index
      %get3A_583 = arith.constant 48 : index
      %get3A_584 = tpu.vector_load %arg17[%get3A_582, %get3A_583] {strides = array<i32>} : memref<4x128xf32, #tpu.memory_space<vmem>>, vector<16xf32>,
      %get3A_585 = arith.constant 2 : i32
      %get3A_586 = arith.index_cast %get3A_585 : i32 to index
      %get3A_587 = arith.constant 48 : index
      %get3A_588 = tpu.vector_load %arg18[%get3A_586, %get3A_587] {strides = array<i32>} : memref<4x128xf32, #tpu.memory_space<vmem>>, vector<16xf32>,
      %add3A_589 = arith.addf %get3A_584, %get3A_588 : vector<16xf32>
      %mul3A_590 = arith.constant 2.000000e-01 : f32
      %mul3A_591 = vector.broadcast %mul3A_590 : f32 to vector<16xf32>
      %mul3A_592 = arith.mulf %mul3A_591, %add3A_589 : vector<16xf32>
      %max3A_593 = arith.maximumf %add3A_589, %mul3A_592 : vector<16xf32>
      %exp3A_594 = math.exp %max3A_593 : vector<16xf32>
      %swap3A_595 = arith.constant 2 : i32
      %swap3A_596 = arith.index_cast %swap3A_595 : i32 to index
      %swap3A_597 = arith.constant 48 : index
      %swap3A_598 = tpu.vector_load %arg19[%swap3A_596, %swap3A_597] {strides = array<i32>} : memref<4x128xf32, #tpu.memory_space<vmem>>, vector<16xf32>,
      tpu.vector_store %arg19[%swap3A_596, %swap3A_597], %exp3A_594 {strides = array<i32>} : memref<4x128xf32, #tpu.memory_space<vmem>>, vector<16xf32>,
      %get3A_599 = arith.constant 2 : i32
      %get3A_600 = arith.index_cast %get3A_599 : i32 to index
      %get3A_601 = arith.constant 64 : index
      %get3A_602 = tpu.vector_load %arg17[%get3A_600, %get3A_601] {strides = array<i32>} : memref<4x128xf32, #tpu.memory_space<vmem>>, vector<16xf32>,
      %get3A_603 = arith.constant 2 : i32
      %get3A_604 = arith.index_cast %get3A_603 : i32 to index
      %get3A_605 = arith.constant 64 : index
      %get3A_606 = tpu.vector_load %arg18[%get3A_604, %get3A_605] {strides = array<i32>} : memref<4x128xf32, #tpu.memory_space<vmem>>, vector<16xf32>,
      %add3A_607 = arith.addf %get3A_602, %get3A_606 : vector<16xf32>
      %mul3A_608 = arith.constant 2.000000e-01 : f32
      %mul3A_609 = vector.broadcast %mul3A_608 : f32 to vector<16xf32>
      %mul3A_610 = arith.mulf %mul3A_609, %add3A_607 : vector<16xf32>
      %max3A_611 = arith.maximumf %add3A_607, %mul3A_610 : vector<16xf32>
      %exp3A_612 = math.exp %max3A_611 : vector<16xf32>
      %swap3A_613 = arith.constant 2 : i32
      %swap3A_614 = arith.index_cast %swap3A_613 : i32 to index
      %swap3A_615 = arith.constant 64 : index
      %swap3A_616 = tpu.vector_load %arg19[%swap3A_614, %swap3A_615] {strides = array<i32>} : memref<4x128xf32, #tpu.memory_space<vmem>>, vector<16xf32>,
      tpu.vector_store %arg19[%swap3A_614, %swap3A_615], %exp3A_612 {strides = array<i32>} : memref<4x128xf32, #tpu.memory_space<vmem>>, vector<16xf32>,
      %get3A_617 = arith.constant 2 : i32
      %get3A_618 = arith.index_cast %get3A_617 : i32 to index
      %get3A_619 = arith.constant 80 : index
      %get3A_620 = tpu.vector_load %arg17[%get3A_618, %get3A_619] {strides = array<i32>} : memref<4x128xf32, #tpu.memory_space<vmem>>, vector<16xf32>,
      %get3A_621 = arith.constant 2 : i32
      %get3A_622 = arith.index_cast %get3A_621 : i32 to index
      %get3A_623 = arith.constant 80 : index
      %get3A_624 = tpu.vector_load %arg18[%get3A_622, %get3A_623] {strides = array<i32>} : memref<4x128xf32, #tpu.memory_space<vmem>>, vector<16xf32>,
      %add3A_625 = arith.addf %get3A_620, %get3A_624 : vector<16xf32>
      %mul3A_626 = arith.constant 2.000000e-01 : f32
      %mul3A_627 = vector.broadcast %mul3A_626 : f32 to vector<16xf32>
      %mul3A_628 = arith.mulf %mul3A_627, %add3A_625 : vector<16xf32>
      %max3A_629 = arith.maximumf %add3A_625, %mul3A_628 : vector<16xf32>
      %exp3A_630 = math.exp %max3A_629 : vector<16xf32>
      %swap3A_631 = arith.constant 2 : i32
      %swap3A_632 = arith.index_cast %swap3A_631 : i32 to index
      %swap3A_633 = arith.constant 80 : index
      %swap3A_634 = tpu.vector_load %arg19[%swap3A_632, %swap3A_633] {strides = array<i32>} : memref<4x128xf32, #tpu.memory_space<vmem>>, vector<16xf32>,
      tpu.vector_store %arg19[%swap3A_632, %swap3A_633], %exp3A_630 {strides = array<i32>} : memref<4x128xf32, #tpu.memory_space<vmem>>, vector<16xf32>,
      %get3A_635 = arith.constant 2 : i32
      %get3A_636 = arith.index_cast %get3A_635 : i32 to index
      %get3A_637 = arith.constant 96 : index
      %get3A_638 = tpu.vector_load %arg17[%get3A_636, %get3A_637] {strides = array<i32>} : memref<4x128xf32, #tpu.memory_space<vmem>>, vector<16xf32>,
      %get3A_639 = arith.constant 2 : i32
      %get3A_640 = arith.index_cast %get3A_639 : i32 to index
      %get3A_641 = arith.constant 96 : index
      %get3A_642 = tpu.vector_load %arg18[%get3A_640, %get3A_641] {strides = array<i32>} : memref<4x128xf32, #tpu.memory_space<vmem>>, vector<16xf32>,
      %add3A_643 = arith.addf %get3A_638, %get3A_642 : vector<16xf32>
      %mul3A_644 = arith.constant 2.000000e-01 : f32
      %mul3A_645 = vector.broadcast %mul3A_644 : f32 to vector<16xf32>
      %mul3A_646 = arith.mulf %mul3A_645, %add3A_643 : vector<16xf32>
      %max3A_647 = arith.maximumf %add3A_643, %mul3A_646 : vector<16xf32>
      %exp3A_648 = math.exp %max3A_647 : vector<16xf32>
      %swap3A_649 = arith.constant 2 : i32
      %swap3A_650 = arith.index_cast %swap3A_649 : i32 to index
      %swap3A_651 = arith.constant 96 : index
      %swap3A_652 = tpu.vector_load %arg19[%swap3A_650, %swap3A_651] {strides = array<i32>} : memref<4x128xf32, #tpu.memory_space<vmem>>, vector<16xf32>,
      tpu.vector_store %arg19[%swap3A_650, %swap3A_651], %exp3A_648 {strides = array<i32>} : memref<4x128xf32, #tpu.memory_space<vmem>>, vector<16xf32>,
      %get3A_653 = arith.constant 2 : i32
      %get3A_654 = arith.index_cast %get3A_653 : i32 to index
      %get3A_655 = arith.constant 112 : index
      %get3A_656 = tpu.vector_load %arg17[%get3A_654, %get3A_655] {strides = array<i32>} : memref<4x128xf32, #tpu.memory_space<vmem>>, vector<16xf32>,
      %get3A_657 = arith.constant 2 : i32
      %get3A_658 = arith.index_cast %get3A_657 : i32 to index
      %get3A_659 = arith.constant 112 : index
      %get3A_660 = tpu.vector_load %arg18[%get3A_658, %get3A_659] {strides = array<i32>} : memref<4x128xf32, #tpu.memory_space<vmem>>, vector<16xf32>,
      %add3A_661 = arith.addf %get3A_656, %get3A_660 : vector<16xf32>
      %mul3A_662 = arith.constant 2.000000e-01 : f32
      %mul3A_663 = vector.broadcast %mul3A_662 : f32 to vector<16xf32>
      %mul3A_664 = arith.mulf %mul3A_663, %add3A_661 : vector<16xf32>
      %max3A_665 = arith.maximumf %add3A_661, %mul3A_664 : vector<16xf32>
      %exp3A_666 = math.exp %max3A_665 : vector<16xf32>
      %swap3A_667 = arith.constant 2 : i32
      %swap3A_668 = arith.index_cast %swap3A_667 : i32 to index
      %swap3A_669 = arith.constant 112 : index
      %swap3A_670 = tpu.vector_load %arg19[%swap3A_668, %swap3A_669] {strides = array<i32>} : memref<4x128xf32, #tpu.memory_space<vmem>>, vector<16xf32>,
      tpu.vector_store %arg19[%swap3A_668, %swap3A_669], %exp3A_666 {strides = array<i32>} : memref<4x128xf32, #tpu.memory_space<vmem>>, vector<16xf32>,
      %get3A_671 = arith.constant 3 : i32
      %get3A_672 = arith.index_cast %get3A_671 : i32 to index
      %get3A_673 = arith.constant 0 : index
      %get3A_674 = tpu.vector_load %arg17[%get3A_672, %get3A_673] {strides = array<i32>} : memref<4x128xf32, #tpu.memory_space<vmem>>, vector<16xf32>,
      %get3A_675 = arith.constant 3 : i32
      %get3A_676 = arith.index_cast %get3A_675 : i32 to index
      %get3A_677 = arith.constant 0 : index
      %get3A_678 = tpu.vector_load %arg18[%get3A_676, %get3A_677] {strides = array<i32>} : memref<4x128xf32, #tpu.memory_space<vmem>>, vector<16xf32>,
      %add3A_679 = arith.addf %get3A_674, %get3A_678 : vector<16xf32>
      %mul3A_680 = arith.constant 2.000000e-01 : f32
      %mul3A_681 = vector.broadcast %mul3A_680 : f32 to vector<16xf32>
      %mul3A_682 = arith.mulf %mul3A_681, %add3A_679 : vector<16xf32>
      %max3A_683 = arith.maximumf %add3A_679, %mul3A_682 : vector<16xf32>
      %exp3A_684 = math.exp %max3A_683 : vector<16xf32>
      %swap3A_685 = arith.constant 3 : i32
      %swap3A_686 = arith.index_cast %swap3A_685 : i32 to index
      %swap3A_687 = arith.constant 0 : index
      %swap3A_688 = tpu.vector_load %arg19[%swap3A_686, %swap3A_687] {strides = array<i32>} : memref<4x128xf32, #tpu.memory_space<vmem>>, vector<16xf32>,
      tpu.vector_store %arg19[%swap3A_686, %swap3A_687], %exp3A_684 {strides = array<i32>} : memref<4x128xf32, #tpu.memory_space<vmem>>, vector<16xf32>,
      %get3A_689 = arith.constant 3 : i32
      %get3A_690 = arith.index_cast %get3A_689 : i32 to index
      %get3A_691 = arith.constant 16 : index
      %get3A_692 = tpu.vector_load %arg17[%get3A_690, %get3A_691] {strides = array<i32>} : memref<4x128xf32, #tpu.memory_space<vmem>>, vector<16xf32>,
      %get3A_693 = arith.constant 3 : i32
      %get3A_694 = arith.index_cast %get3A_693 : i32 to index
      %get3A_695 = arith.constant 16 : index
      %get3A_696 = tpu.vector_load %arg18[%get3A_694, %get3A_695] {strides = array<i32>} : memref<4x128xf32, #tpu.memory_space<vmem>>, vector<16xf32>,
      %add3A_697 = arith.addf %get3A_692, %get3A_696 : vector<16xf32>
      %mul3A_698 = arith.constant 2.000000e-01 : f32
      %mul3A_699 = vector.broadcast %mul3A_698 : f32 to vector<16xf32>
      %mul3A_700 = arith.mulf %mul3A_699, %add3A_697 : vector<16xf32>
      %max3A_701 = arith.maximumf %add3A_697, %mul3A_700 : vector<16xf32>
      %exp3A_702 = math.exp %max3A_701 : vector<16xf32>
      %swap3A_703 = arith.constant 3 : i32
      %swap3A_704 = arith.index_cast %swap3A_703 : i32 to index
      %swap3A_705 = arith.constant 16 : index
      %swap3A_706 = tpu.vector_load %arg19[%swap3A_704, %swap3A_705] {strides = array<i32>} : memref<4x128xf32, #tpu.memory_space<vmem>>, vector<16xf32>,
      tpu.vector_store %arg19[%swap3A_704, %swap3A_705], %exp3A_702 {strides = array<i32>} : memref<4x128xf32, #tpu.memory_space<vmem>>, vector<16xf32>,
      %get3A_707 = arith.constant 3 : i32
      %get3A_708 = arith.index_cast %get3A_707 : i32 to index
      %get3A_709 = arith.constant 32 : index
      %get3A_710 = tpu.vector_load %arg17[%get3A_708, %get3A_709] {strides = array<i32>} : memref<4x128xf32, #tpu.memory_space<vmem>>, vector<16xf32>,
      %get3A_711 = arith.constant 3 : i32
      %get3A_712 = arith.index_cast %get3A_711 : i32 to index
      %get3A_713 = arith.constant 32 : index
      %get3A_714 = tpu.vector_load %arg18[%get3A_712, %get3A_713] {strides = array<i32>} : memref<4x128xf32, #tpu.memory_space<vmem>>, vector<16xf32>,
      %add3A_715 = arith.addf %get3A_710, %get3A_714 : vector<16xf32>
      %mul3A_716 = arith.constant 2.000000e-01 : f32
      %mul3A_717 = vector.broadcast %mul3A_716 : f32 to vector<16xf32>
      %mul3A_718 = arith.mulf %mul3A_717, %add3A_715 : vector<16xf32>
      %max3A_719 = arith.maximumf %add3A_715, %mul3A_718 : vector<16xf32>
      %exp3A_720 = math.exp %max3A_719 : vector<16xf32>
      %swap3A_721 = arith.constant 3 : i32
      %swap3A_722 = arith.index_cast %swap3A_721 : i32 to index
      %swap3A_723 = arith.constant 32 : index
      %swap3A_724 = tpu.vector_load %arg19[%swap3A_722, %swap3A_723] {strides = array<i32>} : memref<4x128xf32, #tpu.memory_space<vmem>>, vector<16xf32>,
      tpu.vector_store %arg19[%swap3A_722, %swap3A_723], %exp3A_720 {strides = array<i32>} : memref<4x128xf32, #tpu.memory_space<vmem>>, vector<16xf32>,
      %get3A_725 = arith.constant 3 : i32
      %get3A_726 = arith.index_cast %get3A_725 : i32 to index
      %get3A_727 = arith.constant 48 : index
      %get3A_728 = tpu.vector_load %arg17[%get3A_726, %get3A_727] {strides = array<i32>} : memref<4x128xf32, #tpu.memory_space<vmem>>, vector<16xf32>,
      %get3A_729 = arith.constant 3 : i32
      %get3A_730 = arith.index_cast %get3A_729 : i32 to index
      %get3A_731 = arith.constant 48 : index
      %get3A_732 = tpu.vector_load %arg18[%get3A_730, %get3A_731] {strides = array<i32>} : memref<4x128xf32, #tpu.memory_space<vmem>>, vector<16xf32>,
      %add3A_733 = arith.addf %get3A_728, %get3A_732 : vector<16xf32>
      %mul3A_734 = arith.constant 2.000000e-01 : f32
      %mul3A_735 = vector.broadcast %mul3A_734 : f32 to vector<16xf32>
      %mul3A_736 = arith.mulf %mul3A_735, %add3A_733 : vector<16xf32>
      %max3A_737 = arith.maximumf %add3A_733, %mul3A_736 : vector<16xf32>
      %exp3A_738 = math.exp %max3A_737 : vector<16xf32>
      %swap3A_739 = arith.constant 3 : i32
      %swap3A_740 = arith.index_cast %swap3A_739 : i32 to index
      %swap3A_741 = arith.constant 48 : index
      %swap3A_742 = tpu.vector_load %arg19[%swap3A_740, %swap3A_741] {strides = array<i32>} : memref<4x128xf32, #tpu.memory_space<vmem>>, vector<16xf32>,
      tpu.vector_store %arg19[%swap3A_740, %swap3A_741], %exp3A_738 {strides = array<i32>} : memref<4x128xf32, #tpu.memory_space<vmem>>, vector<16xf32>,
      %get3A_743 = arith.constant 3 : i32
      %get3A_744 = arith.index_cast %get3A_743 : i32 to index
      %get3A_745 = arith.constant 64 : index
      %get3A_746 = tpu.vector_load %arg17[%get3A_744, %get3A_745] {strides = array<i32>} : memref<4x128xf32, #tpu.memory_space<vmem>>, vector<16xf32>,
      %get3A_747 = arith.constant 3 : i32
      %get3A_748 = arith.index_cast %get3A_747 : i32 to index
      %get3A_749 = arith.constant 64 : index
      %get3A_750 = tpu.vector_load %arg18[%get3A_748, %get3A_749] {strides = array<i32>} : memref<4x128xf32, #tpu.memory_space<vmem>>, vector<16xf32>,
      %add3A_751 = arith.addf %get3A_746, %get3A_750 : vector<16xf32>
      %mul3A_752 = arith.constant 2.000000e-01 : f32
      %mul3A_753 = vector.broadcast %mul3A_752 : f32 to vector<16xf32>
      %mul3A_754 = arith.mulf %mul3A_753, %add3A_751 : vector<16xf32>
      %max3A_755 = arith.maximumf %add3A_751, %mul3A_754 : vector<16xf32>
      %exp3A_756 = math.exp %max3A_755 : vector<16xf32>
      %swap3A_757 = arith.constant 3 : i32
      %swap3A_758 = arith.index_cast %swap3A_757 : i32 to index
      %swap3A_759 = arith.constant 64 : index
      %swap3A_760 = tpu.vector_load %arg19[%swap3A_758, %swap3A_759] {strides = array<i32>} : memref<4x128xf32, #tpu.memory_space<vmem>>, vector<16xf32>,
      tpu.vector_store %arg19[%swap3A_758, %swap3A_759], %exp3A_756 {strides = array<i32>} : memref<4x128xf32, #tpu.memory_space<vmem>>, vector<16xf32>,
      %get3A_761 = arith.constant 3 : i32
      %get3A_762 = arith.index_cast %get3A_761 : i32 to index
      %get3A_763 = arith.constant 80 : index
      %get3A_764 = tpu.vector_load %arg17[%get3A_762, %get3A_763] {strides = array<i32>} : memref<4x128xf32, #tpu.memory_space<vmem>>, vector<16xf32>,
      %get3A_765 = arith.constant 3 : i32
      %get3A_766 = arith.index_cast %get3A_765 : i32 to index
      %get3A_767 = arith.constant 80 : index
      %get3A_768 = tpu.vector_load %arg18[%get3A_766, %get3A_767] {strides = array<i32>} : memref<4x128xf32, #tpu.memory_space<vmem>>, vector<16xf32>,
      %add3A_769 = arith.addf %get3A_764, %get3A_768 : vector<16xf32>
      %mul3A_770 = arith.constant 2.000000e-01 : f32
      %mul3A_771 = vector.broadcast %mul3A_770 : f32 to vector<16xf32>
      %mul3A_772 = arith.mulf %mul3A_771, %add3A_769 : vector<16xf32>
      %max3A_773 = arith.maximumf %add3A_769, %mul3A_772 : vector<16xf32>
      %exp3A_774 = math.exp %max3A_773 : vector<16xf32>
      %swap3A_775 = arith.constant 3 : i32
      %swap3A_776 = arith.index_cast %swap3A_775 : i32 to index
      %swap3A_777 = arith.constant 80 : index
      %swap3A_778 = tpu.vector_load %arg19[%swap3A_776, %swap3A_777] {strides = array<i32>} : memref<4x128xf32, #tpu.memory_space<vmem>>, vector<16xf32>,
      tpu.vector_store %arg19[%swap3A_776, %swap3A_777], %exp3A_774 {strides = array<i32>} : memref<4x128xf32, #tpu.memory_space<vmem>>, vector<16xf32>,
      %get3A_779 = arith.constant 3 : i32
      %get3A_780 = arith.index_cast %get3A_779 : i32 to index
      %get3A_781 = arith.constant 96 : index
      %get3A_782 = tpu.vector_load %arg17[%get3A_780, %get3A_781] {strides = array<i32>} : memref<4x128xf32, #tpu.memory_space<vmem>>, vector<16xf32>,
      %get3A_783 = arith.constant 3 : i32
      %get3A_784 = arith.index_cast %get3A_783 : i32 to index
      %get3A_785 = arith.constant 96 : index
      %get3A_786 = tpu.vector_load %arg18[%get3A_784, %get3A_785] {strides = array<i32>} : memref<4x128xf32, #tpu.memory_space<vmem>>, vector<16xf32>,
      %add3A_787 = arith.addf %get3A_782, %get3A_786 : vector<16xf32>
      %mul3A_788 = arith.constant 2.000000e-01 : f32
      %mul3A_789 = vector.broadcast %mul3A_788 : f32 to vector<16xf32>
      %mul3A_790 = arith.mulf %mul3A_789, %add3A_787 : vector<16xf32>
      %max3A_791 = arith.maximumf %add3A_787, %mul3A_790 : vector<16xf32>
      %exp3A_792 = math.exp %max3A_791 : vector<16xf32>
      %swap3A_793 = arith.constant 3 : i32
      %swap3A_794 = arith.index_cast %swap3A_793 : i32 to index
      %swap3A_795 = arith.constant 96 : index
      %swap3A_796 = tpu.vector_load %arg19[%swap3A_794, %swap3A_795] {strides = array<i32>} : memref<4x128xf32, #tpu.memory_space<vmem>>, vector<16xf32>,
      tpu.vector_store %arg19[%swap3A_794, %swap3A_795], %exp3A_792 {strides = array<i32>} : memref<4x128xf32, #tpu.memory_space<vmem>>, vector<16xf32>,
      %get3A_797 = arith.constant 3 : i32
      %get3A_798 = arith.index_cast %get3A_797 : i32 to index
      %get3A_799 = arith.constant 112 : index
      %get3A_800 = tpu.vector_load %arg17[%get3A_798, %get3A_799] {strides = array<i32>} : memref<4x128xf32, #tpu.memory_space<vmem>>, vector<16xf32>,
      %get3A_801 = arith.constant 3 : i32
      %get3A_802 = arith.index_cast %get3A_801 : i32 to index
      %get3A_803 = arith.constant 112 : index
      %get3A_804 = tpu.vector_load %arg18[%get3A_802, %get3A_803] {strides = array<i32>} : memref<4x128xf32, #tpu.memory_space<vmem>>, vector<16xf32>,
      %add3A_805 = arith.addf %get3A_800, %get3A_804 : vector<16xf32>
      %mul3A_806 = arith.constant 2.000000e-01 : f32
      %mul3A_807 = vector.broadcast %mul3A_806 : f32 to vector<16xf32>
      %mul3A_808 = arith.mulf %mul3A_807, %add3A_805 : vector<16xf32>
      %max3A_809 = arith.maximumf %add3A_805, %mul3A_808 : vector<16xf32>
      %exp3A_810 = math.exp %max3A_809 : vector<16xf32>
      %swap3A_811 = arith.constant 3 : i32
      %swap3A_812 = arith.index_cast %swap3A_811 : i32 to index
      %swap3A_813 = arith.constant 112 : index
      %swap3A_814 = tpu.vector_load %arg19[%swap3A_812, %swap3A_813] {strides = array<i32>} : memref<4x128xf32, #tpu.memory_space<vmem>>, vector<16xf32>,
      tpu.vector_store %arg19[%swap3A_812, %swap3A_813], %exp3A_810 {strides = array<i32>} : memref<4x128xf32, #tpu.memory_space<vmem>>, vector<16xf32>,
      %dma_start3A_815 = arith.constant 0 : i32
      %dma_start3A_816 = arith.constant 0 : i32
      %dma_start3A_817 = arith.constant 0 : i32
      %dma_start3A_818 = tpu.memref_slice %arg19[%dma_start3A_815, %dma_start3A_817] : memref<4x128xf32, #tpu.memory_space<vmem>> -> memref<1x128xf32, #tpu.memory_space<vmem>>
      %dma_start3A_819 = tpu.memref_squeeze %dma_start3A_818 : memref<1x128xf32, #tpu.memory_space<vmem>> -> memref<128xf32, #tpu.memory_space<vmem>>
      %dma_start3A_820 = arith.constant 0 : i32
      %dma_start3A_821 = tpu.memref_slice %arg16[%dma_start3A_816, %dma_start3A_820] : memref<4x128xi32, #tpu.memory_space<vmem>> -> memref<1x128xi32, #tpu.memory_space<vmem>>
      %dma_start3A_822 = tpu.memref_squeeze %dma_start3A_821 : memref<1x128xi32, #tpu.memory_space<vmem>> -> memref<128xi32, #tpu.memory_space<vmem>>
      %dma_start3A_823 = arith.constant 0 : i32
      %dma_start3A_824 = tpu.memref_slice %arg14[%dma_start3A_823] : memref<51200xf32, #tpu.memory_space<vmem_shared>> -> memref<51200xf32, #tpu.memory_space<vmem_shared>>
      tpu.enqueue_indirect_dma source(%dma_start3A_819 : memref<128xf32, #tpu.memory_space<vmem>>) target(%dma_start3A_824 : memref<51200xf32, #tpu.memory_space<vmem_shared>>) offsets(%dma_start3A_822 : memref<128xi32, #tpu.memory_space<vmem>>) semaphore(%arg24 : memref<!tpu.dma_semaphore, #tpu.memory_space<semaphore_mem>>) {add = true}
      %dma_start3A_825 = arith.constant 1 : i32
      %dma_start3A_826 = arith.constant 1 : i32
      %dma_start3A_827 = arith.constant 0 : i32
      %dma_start3A_828 = tpu.memref_slice %arg19[%dma_start3A_825, %dma_start3A_827] : memref<4x128xf32, #tpu.memory_space<vmem>> -> memref<1x128xf32, #tpu.memory_space<vmem>>
      %dma_start3A_829 = tpu.memref_squeeze %dma_start3A_828 : memref<1x128xf32, #tpu.memory_space<vmem>> -> memref<128xf32, #tpu.memory_space<vmem>>
      %dma_start3A_830 = arith.constant 0 : i32
      %dma_start3A_831 = tpu.memref_slice %arg16[%dma_start3A_826, %dma_start3A_830] : memref<4x128xi32, #tpu.memory_space<vmem>> -> memref<1x128xi32, #tpu.memory_space<vmem>>
      %dma_start3A_832 = tpu.memref_squeeze %dma_start3A_831 : memref<1x128xi32, #tpu.memory_space<vmem>> -> memref<128xi32, #tpu.memory_space<vmem>>
      %dma_start3A_833 = arith.constant 0 : i32
      %dma_start3A_834 = tpu.memref_slice %arg14[%dma_start3A_833] : memref<51200xf32, #tpu.memory_space<vmem_shared>> -> memref<51200xf32, #tpu.memory_space<vmem_shared>>
      tpu.enqueue_indirect_dma source(%dma_start3A_829 : memref<128xf32, #tpu.memory_space<vmem>>) target(%dma_start3A_834 : memref<51200xf32, #tpu.memory_space<vmem_shared>>) offsets(%dma_start3A_832 : memref<128xi32, #tpu.memory_space<vmem>>) semaphore(%arg24 : memref<!tpu.dma_semaphore, #tpu.memory_space<semaphore_mem>>) {add = true}
      %dma_start3A_835 = arith.constant 2 : i32
      %dma_start3A_836 = arith.constant 2 : i32
      %dma_start3A_837 = arith.constant 0 : i32
      %dma_start3A_838 = tpu.memref_slice %arg19[%dma_start3A_835, %dma_start3A_837] : memref<4x128xf32, #tpu.memory_space<vmem>> -> memref<1x128xf32, #tpu.memory_space<vmem>>
      %dma_start3A_839 = tpu.memref_squeeze %dma_start3A_838 : memref<1x128xf32, #tpu.memory_space<vmem>> -> memref<128xf32, #tpu.memory_space<vmem>>
      %dma_start3A_840 = arith.constant 0 : i32
      %dma_start3A_841 = tpu.memref_slice %arg16[%dma_start3A_836, %dma_start3A_840] : memref<4x128xi32, #tpu.memory_space<vmem>> -> memref<1x128xi32, #tpu.memory_space<vmem>>
      %dma_start3A_842 = tpu.memref_squeeze %dma_start3A_841 : memref<1x128xi32, #tpu.memory_space<vmem>> -> memref<128xi32, #tpu.memory_space<vmem>>
      %dma_start3A_843 = arith.constant 0 : i32
      %dma_start3A_844 = tpu.memref_slice %arg14[%dma_start3A_843] : memref<51200xf32, #tpu.memory_space<vmem_shared>> -> memref<51200xf32, #tpu.memory_space<vmem_shared>>
      tpu.enqueue_indirect_dma source(%dma_start3A_839 : memref<128xf32, #tpu.memory_space<vmem>>) target(%dma_start3A_844 : memref<51200xf32, #tpu.memory_space<vmem_shared>>) offsets(%dma_start3A_842 : memref<128xi32, #tpu.memory_space<vmem>>) semaphore(%arg24 : memref<!tpu.dma_semaphore, #tpu.memory_space<semaphore_mem>>) {add = true}
      %dma_start3A_845 = arith.constant 3 : i32
      %dma_start3A_846 = arith.constant 3 : i32
      %dma_start3A_847 = arith.constant 0 : i32
      %dma_start3A_848 = tpu.memref_slice %arg19[%dma_start3A_845, %dma_start3A_847] : memref<4x128xf32, #tpu.memory_space<vmem>> -> memref<1x128xf32, #tpu.memory_space<vmem>>
      %dma_start3A_849 = tpu.memref_squeeze %dma_start3A_848 : memref<1x128xf32, #tpu.memory_space<vmem>> -> memref<128xf32, #tpu.memory_space<vmem>>
      %dma_start3A_850 = arith.constant 0 : i32
      %dma_start3A_851 = tpu.memref_slice %arg16[%dma_start3A_846, %dma_start3A_850] : memref<4x128xi32, #tpu.memory_space<vmem>> -> memref<1x128xi32, #tpu.memory_space<vmem>>
      %dma_start3A_852 = tpu.memref_squeeze %dma_start3A_851 : memref<1x128xi32, #tpu.memory_space<vmem>> -> memref<128xi32, #tpu.memory_space<vmem>>
      %dma_start3A_853 = arith.constant 0 : i32
      %dma_start3A_854 = tpu.memref_slice %arg14[%dma_start3A_853] : memref<51200xf32, #tpu.memory_space<vmem_shared>> -> memref<51200xf32, #tpu.memory_space<vmem_shared>>
      tpu.enqueue_indirect_dma source(%dma_start3A_849 : memref<128xf32, #tpu.memory_space<vmem>>) target(%dma_start3A_854 : memref<51200xf32, #tpu.memory_space<vmem_shared>>) offsets(%dma_start3A_852 : memref<128xi32, #tpu.memory_space<vmem>>) semaphore(%arg24 : memref<!tpu.dma_semaphore, #tpu.memory_space<semaphore_mem>>) {add = true}
      %eq3A_855 = arith.constant 0 : i32
      %eq3A_856 = arith.cmpi eq, %arg0, %eq3A_855 : i32
      %convert_element_type3A_857 = arith.extui %eq3A_856 : i1 to i32
      %cond3A_858 = arith.constant 0 : i32
      %cond3A_859 = arith.cmpi ne, %convert_element_type3A_857, %cond3A_858 : i32
      scf.if %cond3A_859 {
        "tpu.region"() ({
          %run_scoped3A = tpu.sem_alloc : memref<!tpu.dma_semaphore, #tpu.memory_space<semaphore_mem>>
          %dma_start3A_1039 = arith.constant 0 : i32
          %dma_start3A_1040 = tpu.memref_slice %arg11[%add3A_59, %dma_start3A_1039] : memref<6656x128xf32, #tpu.memory_space<hbm>> -> memref<4x128xf32, #tpu.memory_space<hbm>>
          %dma_start3A_1041 = arith.constant 0 : i32
          %dma_start3A_1042 = tpu.memref_slice %arg11[%add3A_59, %dma_start3A_1041] : memref<6656x128xf32, #tpu.memory_space<hbm>> -> memref<4x128xf32, #tpu.memory_space<hbm>>
          tpu.enqueue_dma source(%arg19 : memref<4x128xf32, #tpu.memory_space<vmem>>) target(%dma_start3A_1042 : memref<4x128xf32, #tpu.memory_space<hbm>>) target_semaphore(%run_scoped3A : memref<!tpu.dma_semaphore, #tpu.memory_space<semaphore_mem>>)
          %dma_wait3A_1043 = arith.constant 0 : i32
          %dma_wait3A_1044 = tpu.memref_slice %arg11[%add3A_59, %dma_wait3A_1043] : memref<6656x128xf32, #tpu.memory_space<hbm>> -> memref<4x128xf32, #tpu.memory_space<hbm>>
          %dma_wait3A_1045 = arith.constant 0 : i32
          %dma_wait3A_1046 = tpu.memref_slice %arg11[%add3A_59, %dma_wait3A_1045] : memref<6656x128xf32, #tpu.memory_space<hbm>> -> memref<4x128xf32, #tpu.memory_space<hbm>>
          tpu.wait_dma2 semaphore(%run_scoped3A : memref<!tpu.dma_semaphore, #tpu.memory_space<semaphore_mem>>) src(%arg19 : memref<4x128xf32, #tpu.memory_space<vmem>>) dst(%dma_wait3A_1046 : memref<4x128xf32, #tpu.memory_space<hbm>>)
          tpu.yield
        }) : () -> ()
        %dma_start3A_1019 = arith.constant 2 : i32
        %dma_start3A_1020 = arith.constant 256 : i32
        %dma_start3A_1021 = arith.constant 0 : i32
        %dma_start3A_1022 = tpu.memref_slice %arg20[%dma_start3A_1020, %dma_start3A_1021] : memref<512x32xf32, #tpu.memory_space<vmem>> -> memref<128x32xf32, #tpu.memory_space<vmem>>
        %dma_start3A_1023 = arith.constant 0 : i32
        %dma_start3A_1024 = tpu.memref_slice %arg15[%dma_start3A_1019, %dma_start3A_1023] : memref<4x128xi32, #tpu.memory_space<vmem>> -> memref<1x128xi32, #tpu.memory_space<vmem>>
        %dma_start3A_1025 = tpu.memref_squeeze %dma_start3A_1024 : memref<1x128xi32, #tpu.memory_space<vmem>> -> memref<128xi32, #tpu.memory_space<vmem>>
        %dma_start3A_1026 = arith.constant 0 : i32
        %dma_start3A_1027 = arith.constant 0 : i32
        %dma_start3A_1028 = tpu.memref_slice %arg4[%dma_start3A_1026, %dma_start3A_1027] : memref<51200x32xf32, #tpu.memory_space<hbm>> -> memref<51200x32xf32, #tpu.memory_space<hbm>>
        tpu.enqueue_indirect_dma source(%dma_start3A_1028 : memref<51200x32xf32, #tpu.memory_space<hbm>>) target(%dma_start3A_1022 : memref<128x32xf32, #tpu.memory_space<vmem>>) offsets(%dma_start3A_1025 : memref<128xi32, #tpu.memory_space<vmem>>) semaphore(%arg25 : memref<!tpu.dma_semaphore, #tpu.memory_space<semaphore_mem>>)
        %dma_start3A_1029 = arith.constant 3 : i32
        %dma_start3A_1030 = arith.constant 384 : i32
        %dma_start3A_1031 = arith.constant 0 : i32
        %dma_start3A_1032 = tpu.memref_slice %arg20[%dma_start3A_1030, %dma_start3A_1031] : memref<512x32xf32, #tpu.memory_space<vmem>> -> memref<128x32xf32, #tpu.memory_space<vmem>>
        %dma_start3A_1033 = arith.constant 0 : i32
        %dma_start3A_1034 = tpu.memref_slice %arg15[%dma_start3A_1029, %dma_start3A_1033] : memref<4x128xi32, #tpu.memory_space<vmem>> -> memref<1x128xi32, #tpu.memory_space<vmem>>
        %dma_start3A_1035 = tpu.memref_squeeze %dma_start3A_1034 : memref<1x128xi32, #tpu.memory_space<vmem>> -> memref<128xi32, #tpu.memory_space<vmem>>
        %dma_start3A_1036 = arith.constant 0 : i32
        %dma_start3A_1037 = arith.constant 0 : i32
        %dma_start3A_1038 = tpu.memref_slice %arg4[%dma_start3A_1036, %dma_start3A_1037] : memref<51200x32xf32, #tpu.memory_space<hbm>> -> memref<51200x32xf32, #tpu.memory_space<hbm>>
        tpu.enqueue_indirect_dma source(%dma_start3A_1038 : memref<51200x32xf32, #tpu.memory_space<hbm>>) target(%dma_start3A_1032 : memref<128x32xf32, #tpu.memory_space<vmem>>) offsets(%dma_start3A_1035 : memref<128xi32, #tpu.memory_space<vmem>>) semaphore(%arg25 : memref<!tpu.dma_semaphore, #tpu.memory_space<semaphore_mem>>)
      } else {
      }
      %eq3A_860 = arith.constant 1 : i32
      %eq3A_861 = arith.cmpi eq, %arg0, %eq3A_860 : i32
      %convert_element_type3A_862 = arith.extui %eq3A_861 : i1 to i32
      %cond3A_863 = arith.constant 0 : i32
      %cond3A_864 = arith.cmpi ne, %convert_element_type3A_862, %cond3A_863 : i32
      scf.if %cond3A_864 {
        "tpu.region"() ({
          %run_scoped3A = tpu.sem_alloc : memref<!tpu.dma_semaphore, #tpu.memory_space<semaphore_mem>>
          %dma_start3A_1039 = arith.constant 0 : i32
          %dma_start3A_1040 = tpu.memref_slice %arg12[%add3A_59, %dma_start3A_1039] : memref<6656x128xf32, #tpu.memory_space<hbm>> -> memref<4x128xf32, #tpu.memory_space<hbm>>
          %dma_start3A_1041 = arith.constant 0 : i32
          %dma_start3A_1042 = tpu.memref_slice %arg12[%add3A_59, %dma_start3A_1041] : memref<6656x128xf32, #tpu.memory_space<hbm>> -> memref<4x128xf32, #tpu.memory_space<hbm>>
          tpu.enqueue_dma source(%arg19 : memref<4x128xf32, #tpu.memory_space<vmem>>) target(%dma_start3A_1042 : memref<4x128xf32, #tpu.memory_space<hbm>>) target_semaphore(%run_scoped3A : memref<!tpu.dma_semaphore, #tpu.memory_space<semaphore_mem>>)
          %dma_wait3A_1043 = arith.constant 0 : i32
          %dma_wait3A_1044 = tpu.memref_slice %arg12[%add3A_59, %dma_wait3A_1043] : memref<6656x128xf32, #tpu.memory_space<hbm>> -> memref<4x128xf32, #tpu.memory_space<hbm>>
          %dma_wait3A_1045 = arith.constant 0 : i32
          %dma_wait3A_1046 = tpu.memref_slice %arg12[%add3A_59, %dma_wait3A_1045] : memref<6656x128xf32, #tpu.memory_space<hbm>> -> memref<4x128xf32, #tpu.memory_space<hbm>>
          tpu.wait_dma2 semaphore(%run_scoped3A : memref<!tpu.dma_semaphore, #tpu.memory_space<semaphore_mem>>) src(%arg19 : memref<4x128xf32, #tpu.memory_space<vmem>>) dst(%dma_wait3A_1046 : memref<4x128xf32, #tpu.memory_space<hbm>>)
          tpu.yield
        }) : () -> ()
        %dma_start3A_1019 = arith.constant 2 : i32
        %dma_start3A_1020 = arith.constant 256 : i32
        %dma_start3A_1021 = arith.constant 0 : i32
        %dma_start3A_1022 = tpu.memref_slice %arg20[%dma_start3A_1020, %dma_start3A_1021] : memref<512x32xf32, #tpu.memory_space<vmem>> -> memref<128x32xf32, #tpu.memory_space<vmem>>
        %dma_start3A_1023 = arith.constant 0 : i32
        %dma_start3A_1024 = tpu.memref_slice %arg15[%dma_start3A_1019, %dma_start3A_1023] : memref<4x128xi32, #tpu.memory_space<vmem>> -> memref<1x128xi32, #tpu.memory_space<vmem>>
        %dma_start3A_1025 = tpu.memref_squeeze %dma_start3A_1024 : memref<1x128xi32, #tpu.memory_space<vmem>> -> memref<128xi32, #tpu.memory_space<vmem>>
        %dma_start3A_1026 = arith.constant 0 : i32
        %dma_start3A_1027 = arith.constant 0 : i32
        %dma_start3A_1028 = tpu.memref_slice %arg5[%dma_start3A_1026, %dma_start3A_1027] : memref<51200x32xf32, #tpu.memory_space<hbm>> -> memref<51200x32xf32, #tpu.memory_space<hbm>>
        tpu.enqueue_indirect_dma source(%dma_start3A_1028 : memref<51200x32xf32, #tpu.memory_space<hbm>>) target(%dma_start3A_1022 : memref<128x32xf32, #tpu.memory_space<vmem>>) offsets(%dma_start3A_1025 : memref<128xi32, #tpu.memory_space<vmem>>) semaphore(%arg25 : memref<!tpu.dma_semaphore, #tpu.memory_space<semaphore_mem>>)
        %dma_start3A_1029 = arith.constant 3 : i32
        %dma_start3A_1030 = arith.constant 384 : i32
        %dma_start3A_1031 = arith.constant 0 : i32
        %dma_start3A_1032 = tpu.memref_slice %arg20[%dma_start3A_1030, %dma_start3A_1031] : memref<512x32xf32, #tpu.memory_space<vmem>> -> memref<128x32xf32, #tpu.memory_space<vmem>>
        %dma_start3A_1033 = arith.constant 0 : i32
        %dma_start3A_1034 = tpu.memref_slice %arg15[%dma_start3A_1029, %dma_start3A_1033] : memref<4x128xi32, #tpu.memory_space<vmem>> -> memref<1x128xi32, #tpu.memory_space<vmem>>
        %dma_start3A_1035 = tpu.memref_squeeze %dma_start3A_1034 : memref<1x128xi32, #tpu.memory_space<vmem>> -> memref<128xi32, #tpu.memory_space<vmem>>
        %dma_start3A_1036 = arith.constant 0 : i32
        %dma_start3A_1037 = arith.constant 0 : i32
        %dma_start3A_1038 = tpu.memref_slice %arg5[%dma_start3A_1036, %dma_start3A_1037] : memref<51200x32xf32, #tpu.memory_space<hbm>> -> memref<51200x32xf32, #tpu.memory_space<hbm>>
        tpu.enqueue_indirect_dma source(%dma_start3A_1038 : memref<51200x32xf32, #tpu.memory_space<hbm>>) target(%dma_start3A_1032 : memref<128x32xf32, #tpu.memory_space<vmem>>) offsets(%dma_start3A_1035 : memref<128xi32, #tpu.memory_space<vmem>>) semaphore(%arg25 : memref<!tpu.dma_semaphore, #tpu.memory_space<semaphore_mem>>)
      } else {
      }
      %dma_wait3A_865 = arith.constant 0 : i32
      %dma_wait3A_866 = arith.constant 0 : i32
      %dma_wait3A_867 = tpu.memref_slice %arg20[%dma_wait3A_865, %dma_wait3A_866] : memref<512x32xf32, #tpu.memory_space<vmem>> -> memref<256x32xf32, #tpu.memory_space<vmem>>
      %dma_wait3A_868 = arith.constant 0 : i32
      %dma_wait3A_869 = arith.constant 0 : i32
      %dma_wait3A_870 = tpu.memref_slice %arg4[%dma_wait3A_868, %dma_wait3A_869] : memref<51200x32xf32, #tpu.memory_space<hbm>> -> memref<256x32xf32, #tpu.memory_space<hbm>>
      %dma_wait3A_871 = arith.constant 0 : i32
      %dma_wait3A_872 = arith.constant 0 : i32
      %dma_wait3A_873 = tpu.memref_slice %arg20[%dma_wait3A_871, %dma_wait3A_872] : memref<512x32xf32, #tpu.memory_space<vmem>> -> memref<256x32xf32, #tpu.memory_space<vmem>>
      %dma_wait3A_874 = arith.constant 0 : i32
      %dma_wait3A_875 = arith.constant 0 : i32
      %dma_wait3A_876 = tpu.memref_slice %arg4[%dma_wait3A_874, %dma_wait3A_875] : memref<51200x32xf32, #tpu.memory_space<hbm>> -> memref<256x32xf32, #tpu.memory_space<hbm>>
      tpu.wait_dma2 semaphore(%arg23 : memref<!tpu.dma_semaphore, #tpu.memory_space<semaphore_mem>>) src(%dma_wait3A_876 : memref<256x32xf32, #tpu.memory_space<hbm>>) dst(%dma_wait3A_873 : memref<256x32xf32, #tpu.memory_space<vmem>>)
      %scan3A_877 = arith.constant 0 : i32
      %scan3A_878 = arith.constant 256 : i32
      %scan3A_879 = arith.addi %scan3A_877, %scan3A_878 : i32
      %scan3A_880 = arith.constant 8 : i32
      scf.for %scan3A_1019 = %scan3A_877 to %scan3A_879 step %scan3A_880  : i32 {
        %mul3A_1020 = arith.constant 1 : i32
        %mul3A_1021 = arith.muli %scan3A_1019, %mul3A_1020 : i32
        %add3A_1022 = arith.constant 0 : i32
        %add3A_1023 = arith.addi %add3A_1022, %mul3A_1021 : i32
        %shift_right_arithmetic3A = arith.constant 7 : i32
        %shift_right_arithmetic3A_1024 = arith.shrsi %add3A_1023, %shift_right_arithmetic3A : i32
        %broadcast_in_dim3A_1025 = vector.broadcast %shift_right_arithmetic3A_1024 : i32 to vector<16xi32>
        %and3A = arith.constant 127 : i32
        %and3A_1026 = arith.andi %add3A_1023, %and3A : i32
        %broadcast_in_dim3A_1027 = vector.broadcast %and3A_1026 : i32 to vector<16xi32>
        %gather3A = tpu.vector_load_idx %arg19[%broadcast_in_dim3A_1025, %broadcast_in_dim3A_1027] : memref<4x128xf32, #tpu.memory_space<vmem>>[vector<16xi32>, vector<16xi32>], vector<16xf32>,
        %get3A_1028 = arith.index_cast %add3A_1023 : i32 to index
        %get3A_1029 = arith.constant 0 : index
        %get3A_1030 = tpu.vector_load %arg20[%get3A_1028, %get3A_1029] {strides = array<i32>} : memref<512x32xf32, #tpu.memory_space<vmem>>, vector<16xf32>,
        %mul3A_1031 = arith.mulf %get3A_1030, %gather3A : vector<16xf32>
        %swap3A_1032 = arith.index_cast %add3A_1023 : i32 to index
        %swap3A_1033 = arith.constant 0 : index
        %swap3A_1034 = tpu.vector_load %arg20[%swap3A_1032, %swap3A_1033] {strides = array<i32>} : memref<512x32xf32, #tpu.memory_space<vmem>>, vector<16xf32>,
        tpu.vector_store %arg20[%swap3A_1032, %swap3A_1033], %mul3A_1031 {strides = array<i32>} : memref<512x32xf32, #tpu.memory_space<vmem>>, vector<16xf32>,
        %get3A_1035 = arith.index_cast %add3A_1023 : i32 to index
        %get3A_1036 = arith.constant 16 : index
        %get3A_1037 = tpu.vector_load %arg20[%get3A_1035, %get3A_1036] {strides = array<i32>} : memref<512x32xf32, #tpu.memory_space<vmem>>, vector<16xf32>,
        %mul3A_1038 = arith.mulf %get3A_1037, %gather3A : vector<16xf32>
        %swap3A_1039 = arith.index_cast %add3A_1023 : i32 to index
        %swap3A_1040 = arith.constant 16 : index
        %swap3A_1041 = tpu.vector_load %arg20[%swap3A_1039, %swap3A_1040] {strides = array<i32>} : memref<512x32xf32, #tpu.memory_space<vmem>>, vector<16xf32>,
        tpu.vector_store %arg20[%swap3A_1039, %swap3A_1040], %mul3A_1038 {strides = array<i32>} : memref<512x32xf32, #tpu.memory_space<vmem>>, vector<16xf32>,
        %scan3A_1042 = arith.constant 1 : i32
        %scan3A_1043 = arith.addi %scan3A_1019, %scan3A_1042 : i32
        %mul3A_1044 = arith.constant 1 : i32
        %mul3A_1045 = arith.muli %scan3A_1043, %mul3A_1044 : i32
        %add3A_1046 = arith.constant 0 : i32
        %add3A_1047 = arith.addi %add3A_1046, %mul3A_1045 : i32
        %shift_right_arithmetic3A_1048 = arith.constant 7 : i32
        %shift_right_arithmetic3A_1049 = arith.shrsi %add3A_1047, %shift_right_arithmetic3A_1048 : i32
        %broadcast_in_dim3A_1050 = vector.broadcast %shift_right_arithmetic3A_1049 : i32 to vector<16xi32>
        %and3A_1051 = arith.constant 127 : i32
        %and3A_1052 = arith.andi %add3A_1047, %and3A_1051 : i32
        %broadcast_in_dim3A_1053 = vector.broadcast %and3A_1052 : i32 to vector<16xi32>
        %gather3A_1054 = tpu.vector_load_idx %arg19[%broadcast_in_dim3A_1050, %broadcast_in_dim3A_1053] : memref<4x128xf32, #tpu.memory_space<vmem>>[vector<16xi32>, vector<16xi32>], vector<16xf32>,
        %get3A_1055 = arith.index_cast %add3A_1047 : i32 to index
        %get3A_1056 = arith.constant 0 : index
        %get3A_1057 = tpu.vector_load %arg20[%get3A_1055, %get3A_1056] {strides = array<i32>} : memref<512x32xf32, #tpu.memory_space<vmem>>, vector<16xf32>,
        %mul3A_1058 = arith.mulf %get3A_1057, %gather3A_1054 : vector<16xf32>
        %swap3A_1059 = arith.index_cast %add3A_1047 : i32 to index
        %swap3A_1060 = arith.constant 0 : index
        %swap3A_1061 = tpu.vector_load %arg20[%swap3A_1059, %swap3A_1060] {strides = array<i32>} : memref<512x32xf32, #tpu.memory_space<vmem>>, vector<16xf32>,
        tpu.vector_store %arg20[%swap3A_1059, %swap3A_1060], %mul3A_1058 {strides = array<i32>} : memref<512x32xf32, #tpu.memory_space<vmem>>, vector<16xf32>,
        %get3A_1062 = arith.index_cast %add3A_1047 : i32 to index
        %get3A_1063 = arith.constant 16 : index
        %get3A_1064 = tpu.vector_load %arg20[%get3A_1062, %get3A_1063] {strides = array<i32>} : memref<512x32xf32, #tpu.memory_space<vmem>>, vector<16xf32>,
        %mul3A_1065 = arith.mulf %get3A_1064, %gather3A_1054 : vector<16xf32>
        %swap3A_1066 = arith.index_cast %add3A_1047 : i32 to index
        %swap3A_1067 = arith.constant 16 : index
        %swap3A_1068 = tpu.vector_load %arg20[%swap3A_1066, %swap3A_1067] {strides = array<i32>} : memref<512x32xf32, #tpu.memory_space<vmem>>, vector<16xf32>,
        tpu.vector_store %arg20[%swap3A_1066, %swap3A_1067], %mul3A_1065 {strides = array<i32>} : memref<512x32xf32, #tpu.memory_space<vmem>>, vector<16xf32>,
        %scan3A_1069 = arith.constant 2 : i32
        %scan3A_1070 = arith.addi %scan3A_1019, %scan3A_1069 : i32
        %mul3A_1071 = arith.constant 1 : i32
        %mul3A_1072 = arith.muli %scan3A_1070, %mul3A_1071 : i32
        %add3A_1073 = arith.constant 0 : i32
        %add3A_1074 = arith.addi %add3A_1073, %mul3A_1072 : i32
        %shift_right_arithmetic3A_1075 = arith.constant 7 : i32
        %shift_right_arithmetic3A_1076 = arith.shrsi %add3A_1074, %shift_right_arithmetic3A_1075 : i32
        %broadcast_in_dim3A_1077 = vector.broadcast %shift_right_arithmetic3A_1076 : i32 to vector<16xi32>
        %and3A_1078 = arith.constant 127 : i32
        %and3A_1079 = arith.andi %add3A_1074, %and3A_1078 : i32
        %broadcast_in_dim3A_1080 = vector.broadcast %and3A_1079 : i32 to vector<16xi32>
        %gather3A_1081 = tpu.vector_load_idx %arg19[%broadcast_in_dim3A_1077, %broadcast_in_dim3A_1080] : memref<4x128xf32, #tpu.memory_space<vmem>>[vector<16xi32>, vector<16xi32>], vector<16xf32>,
        %get3A_1082 = arith.index_cast %add3A_1074 : i32 to index
        %get3A_1083 = arith.constant 0 : index
        %get3A_1084 = tpu.vector_load %arg20[%get3A_1082, %get3A_1083] {strides = array<i32>} : memref<512x32xf32, #tpu.memory_space<vmem>>, vector<16xf32>,
        %mul3A_1085 = arith.mulf %get3A_1084, %gather3A_1081 : vector<16xf32>
        %swap3A_1086 = arith.index_cast %add3A_1074 : i32 to index
        %swap3A_1087 = arith.constant 0 : index
        %swap3A_1088 = tpu.vector_load %arg20[%swap3A_1086, %swap3A_1087] {strides = array<i32>} : memref<512x32xf32, #tpu.memory_space<vmem>>, vector<16xf32>,
        tpu.vector_store %arg20[%swap3A_1086, %swap3A_1087], %mul3A_1085 {strides = array<i32>} : memref<512x32xf32, #tpu.memory_space<vmem>>, vector<16xf32>,
        %get3A_1089 = arith.index_cast %add3A_1074 : i32 to index
        %get3A_1090 = arith.constant 16 : index
        %get3A_1091 = tpu.vector_load %arg20[%get3A_1089, %get3A_1090] {strides = array<i32>} : memref<512x32xf32, #tpu.memory_space<vmem>>, vector<16xf32>,
        %mul3A_1092 = arith.mulf %get3A_1091, %gather3A_1081 : vector<16xf32>
        %swap3A_1093 = arith.index_cast %add3A_1074 : i32 to index
        %swap3A_1094 = arith.constant 16 : index
        %swap3A_1095 = tpu.vector_load %arg20[%swap3A_1093, %swap3A_1094] {strides = array<i32>} : memref<512x32xf32, #tpu.memory_space<vmem>>, vector<16xf32>,
        tpu.vector_store %arg20[%swap3A_1093, %swap3A_1094], %mul3A_1092 {strides = array<i32>} : memref<512x32xf32, #tpu.memory_space<vmem>>, vector<16xf32>,
        %scan3A_1096 = arith.constant 3 : i32
        %scan3A_1097 = arith.addi %scan3A_1019, %scan3A_1096 : i32
        %mul3A_1098 = arith.constant 1 : i32
        %mul3A_1099 = arith.muli %scan3A_1097, %mul3A_1098 : i32
        %add3A_1100 = arith.constant 0 : i32
        %add3A_1101 = arith.addi %add3A_1100, %mul3A_1099 : i32
        %shift_right_arithmetic3A_1102 = arith.constant 7 : i32
        %shift_right_arithmetic3A_1103 = arith.shrsi %add3A_1101, %shift_right_arithmetic3A_1102 : i32
        %broadcast_in_dim3A_1104 = vector.broadcast %shift_right_arithmetic3A_1103 : i32 to vector<16xi32>
        %and3A_1105 = arith.constant 127 : i32
        %and3A_1106 = arith.andi %add3A_1101, %and3A_1105 : i32
        %broadcast_in_dim3A_1107 = vector.broadcast %and3A_1106 : i32 to vector<16xi32>
        %gather3A_1108 = tpu.vector_load_idx %arg19[%broadcast_in_dim3A_1104, %broadcast_in_dim3A_1107] : memref<4x128xf32, #tpu.memory_space<vmem>>[vector<16xi32>, vector<16xi32>], vector<16xf32>,
        %get3A_1109 = arith.index_cast %add3A_1101 : i32 to index
        %get3A_1110 = arith.constant 0 : index
        %get3A_1111 = tpu.vector_load %arg20[%get3A_1109, %get3A_1110] {strides = array<i32>} : memref<512x32xf32, #tpu.memory_space<vmem>>, vector<16xf32>,
        %mul3A_1112 = arith.mulf %get3A_1111, %gather3A_1108 : vector<16xf32>
        %swap3A_1113 = arith.index_cast %add3A_1101 : i32 to index
        %swap3A_1114 = arith.constant 0 : index
        %swap3A_1115 = tpu.vector_load %arg20[%swap3A_1113, %swap3A_1114] {strides = array<i32>} : memref<512x32xf32, #tpu.memory_space<vmem>>, vector<16xf32>,
        tpu.vector_store %arg20[%swap3A_1113, %swap3A_1114], %mul3A_1112 {strides = array<i32>} : memref<512x32xf32, #tpu.memory_space<vmem>>, vector<16xf32>,
        %get3A_1116 = arith.index_cast %add3A_1101 : i32 to index
        %get3A_1117 = arith.constant 16 : index
        %get3A_1118 = tpu.vector_load %arg20[%get3A_1116, %get3A_1117] {strides = array<i32>} : memref<512x32xf32, #tpu.memory_space<vmem>>, vector<16xf32>,
        %mul3A_1119 = arith.mulf %get3A_1118, %gather3A_1108 : vector<16xf32>
        %swap3A_1120 = arith.index_cast %add3A_1101 : i32 to index
        %swap3A_1121 = arith.constant 16 : index
        %swap3A_1122 = tpu.vector_load %arg20[%swap3A_1120, %swap3A_1121] {strides = array<i32>} : memref<512x32xf32, #tpu.memory_space<vmem>>, vector<16xf32>,
        tpu.vector_store %arg20[%swap3A_1120, %swap3A_1121], %mul3A_1119 {strides = array<i32>} : memref<512x32xf32, #tpu.memory_space<vmem>>, vector<16xf32>,
        %scan3A_1123 = arith.constant 4 : i32
        %scan3A_1124 = arith.addi %scan3A_1019, %scan3A_1123 : i32
        %mul3A_1125 = arith.constant 1 : i32
        %mul3A_1126 = arith.muli %scan3A_1124, %mul3A_1125 : i32
        %add3A_1127 = arith.constant 0 : i32
        %add3A_1128 = arith.addi %add3A_1127, %mul3A_1126 : i32
        %shift_right_arithmetic3A_1129 = arith.constant 7 : i32
        %shift_right_arithmetic3A_1130 = arith.shrsi %add3A_1128, %shift_right_arithmetic3A_1129 : i32
        %broadcast_in_dim3A_1131 = vector.broadcast %shift_right_arithmetic3A_1130 : i32 to vector<16xi32>
        %and3A_1132 = arith.constant 127 : i32
        %and3A_1133 = arith.andi %add3A_1128, %and3A_1132 : i32
        %broadcast_in_dim3A_1134 = vector.broadcast %and3A_1133 : i32 to vector<16xi32>
        %gather3A_1135 = tpu.vector_load_idx %arg19[%broadcast_in_dim3A_1131, %broadcast_in_dim3A_1134] : memref<4x128xf32, #tpu.memory_space<vmem>>[vector<16xi32>, vector<16xi32>], vector<16xf32>,
        %get3A_1136 = arith.index_cast %add3A_1128 : i32 to index
        %get3A_1137 = arith.constant 0 : index
        %get3A_1138 = tpu.vector_load %arg20[%get3A_1136, %get3A_1137] {strides = array<i32>} : memref<512x32xf32, #tpu.memory_space<vmem>>, vector<16xf32>,
        %mul3A_1139 = arith.mulf %get3A_1138, %gather3A_1135 : vector<16xf32>
        %swap3A_1140 = arith.index_cast %add3A_1128 : i32 to index
        %swap3A_1141 = arith.constant 0 : index
        %swap3A_1142 = tpu.vector_load %arg20[%swap3A_1140, %swap3A_1141] {strides = array<i32>} : memref<512x32xf32, #tpu.memory_space<vmem>>, vector<16xf32>,
        tpu.vector_store %arg20[%swap3A_1140, %swap3A_1141], %mul3A_1139 {strides = array<i32>} : memref<512x32xf32, #tpu.memory_space<vmem>>, vector<16xf32>,
        %get3A_1143 = arith.index_cast %add3A_1128 : i32 to index
        %get3A_1144 = arith.constant 16 : index
        %get3A_1145 = tpu.vector_load %arg20[%get3A_1143, %get3A_1144] {strides = array<i32>} : memref<512x32xf32, #tpu.memory_space<vmem>>, vector<16xf32>,
        %mul3A_1146 = arith.mulf %get3A_1145, %gather3A_1135 : vector<16xf32>
        %swap3A_1147 = arith.index_cast %add3A_1128 : i32 to index
        %swap3A_1148 = arith.constant 16 : index
        %swap3A_1149 = tpu.vector_load %arg20[%swap3A_1147, %swap3A_1148] {strides = array<i32>} : memref<512x32xf32, #tpu.memory_space<vmem>>, vector<16xf32>,
        tpu.vector_store %arg20[%swap3A_1147, %swap3A_1148], %mul3A_1146 {strides = array<i32>} : memref<512x32xf32, #tpu.memory_space<vmem>>, vector<16xf32>,
        %scan3A_1150 = arith.constant 5 : i32
        %scan3A_1151 = arith.addi %scan3A_1019, %scan3A_1150 : i32
        %mul3A_1152 = arith.constant 1 : i32
        %mul3A_1153 = arith.muli %scan3A_1151, %mul3A_1152 : i32
        %add3A_1154 = arith.constant 0 : i32
        %add3A_1155 = arith.addi %add3A_1154, %mul3A_1153 : i32
        %shift_right_arithmetic3A_1156 = arith.constant 7 : i32
        %shift_right_arithmetic3A_1157 = arith.shrsi %add3A_1155, %shift_right_arithmetic3A_1156 : i32
        %broadcast_in_dim3A_1158 = vector.broadcast %shift_right_arithmetic3A_1157 : i32 to vector<16xi32>
        %and3A_1159 = arith.constant 127 : i32
        %and3A_1160 = arith.andi %add3A_1155, %and3A_1159 : i32
        %broadcast_in_dim3A_1161 = vector.broadcast %and3A_1160 : i32 to vector<16xi32>
        %gather3A_1162 = tpu.vector_load_idx %arg19[%broadcast_in_dim3A_1158, %broadcast_in_dim3A_1161] : memref<4x128xf32, #tpu.memory_space<vmem>>[vector<16xi32>, vector<16xi32>], vector<16xf32>,
        %get3A_1163 = arith.index_cast %add3A_1155 : i32 to index
        %get3A_1164 = arith.constant 0 : index
        %get3A_1165 = tpu.vector_load %arg20[%get3A_1163, %get3A_1164] {strides = array<i32>} : memref<512x32xf32, #tpu.memory_space<vmem>>, vector<16xf32>,
        %mul3A_1166 = arith.mulf %get3A_1165, %gather3A_1162 : vector<16xf32>
        %swap3A_1167 = arith.index_cast %add3A_1155 : i32 to index
        %swap3A_1168 = arith.constant 0 : index
        %swap3A_1169 = tpu.vector_load %arg20[%swap3A_1167, %swap3A_1168] {strides = array<i32>} : memref<512x32xf32, #tpu.memory_space<vmem>>, vector<16xf32>,
        tpu.vector_store %arg20[%swap3A_1167, %swap3A_1168], %mul3A_1166 {strides = array<i32>} : memref<512x32xf32, #tpu.memory_space<vmem>>, vector<16xf32>,
        %get3A_1170 = arith.index_cast %add3A_1155 : i32 to index
        %get3A_1171 = arith.constant 16 : index
        %get3A_1172 = tpu.vector_load %arg20[%get3A_1170, %get3A_1171] {strides = array<i32>} : memref<512x32xf32, #tpu.memory_space<vmem>>, vector<16xf32>,
        %mul3A_1173 = arith.mulf %get3A_1172, %gather3A_1162 : vector<16xf32>
        %swap3A_1174 = arith.index_cast %add3A_1155 : i32 to index
        %swap3A_1175 = arith.constant 16 : index
        %swap3A_1176 = tpu.vector_load %arg20[%swap3A_1174, %swap3A_1175] {strides = array<i32>} : memref<512x32xf32, #tpu.memory_space<vmem>>, vector<16xf32>,
        tpu.vector_store %arg20[%swap3A_1174, %swap3A_1175], %mul3A_1173 {strides = array<i32>} : memref<512x32xf32, #tpu.memory_space<vmem>>, vector<16xf32>,
        %scan3A_1177 = arith.constant 6 : i32
        %scan3A_1178 = arith.addi %scan3A_1019, %scan3A_1177 : i32
        %mul3A_1179 = arith.constant 1 : i32
        %mul3A_1180 = arith.muli %scan3A_1178, %mul3A_1179 : i32
        %add3A_1181 = arith.constant 0 : i32
        %add3A_1182 = arith.addi %add3A_1181, %mul3A_1180 : i32
        %shift_right_arithmetic3A_1183 = arith.constant 7 : i32
        %shift_right_arithmetic3A_1184 = arith.shrsi %add3A_1182, %shift_right_arithmetic3A_1183 : i32
        %broadcast_in_dim3A_1185 = vector.broadcast %shift_right_arithmetic3A_1184 : i32 to vector<16xi32>
        %and3A_1186 = arith.constant 127 : i32
        %and3A_1187 = arith.andi %add3A_1182, %and3A_1186 : i32
        %broadcast_in_dim3A_1188 = vector.broadcast %and3A_1187 : i32 to vector<16xi32>
        %gather3A_1189 = tpu.vector_load_idx %arg19[%broadcast_in_dim3A_1185, %broadcast_in_dim3A_1188] : memref<4x128xf32, #tpu.memory_space<vmem>>[vector<16xi32>, vector<16xi32>], vector<16xf32>,
        %get3A_1190 = arith.index_cast %add3A_1182 : i32 to index
        %get3A_1191 = arith.constant 0 : index
        %get3A_1192 = tpu.vector_load %arg20[%get3A_1190, %get3A_1191] {strides = array<i32>} : memref<512x32xf32, #tpu.memory_space<vmem>>, vector<16xf32>,
        %mul3A_1193 = arith.mulf %get3A_1192, %gather3A_1189 : vector<16xf32>
        %swap3A_1194 = arith.index_cast %add3A_1182 : i32 to index
        %swap3A_1195 = arith.constant 0 : index
        %swap3A_1196 = tpu.vector_load %arg20[%swap3A_1194, %swap3A_1195] {strides = array<i32>} : memref<512x32xf32, #tpu.memory_space<vmem>>, vector<16xf32>,
        tpu.vector_store %arg20[%swap3A_1194, %swap3A_1195], %mul3A_1193 {strides = array<i32>} : memref<512x32xf32, #tpu.memory_space<vmem>>, vector<16xf32>,
        %get3A_1197 = arith.index_cast %add3A_1182 : i32 to index
        %get3A_1198 = arith.constant 16 : index
        %get3A_1199 = tpu.vector_load %arg20[%get3A_1197, %get3A_1198] {strides = array<i32>} : memref<512x32xf32, #tpu.memory_space<vmem>>, vector<16xf32>,
        %mul3A_1200 = arith.mulf %get3A_1199, %gather3A_1189 : vector<16xf32>
        %swap3A_1201 = arith.index_cast %add3A_1182 : i32 to index
        %swap3A_1202 = arith.constant 16 : index
        %swap3A_1203 = tpu.vector_load %arg20[%swap3A_1201, %swap3A_1202] {strides = array<i32>} : memref<512x32xf32, #tpu.memory_space<vmem>>, vector<16xf32>,
        tpu.vector_store %arg20[%swap3A_1201, %swap3A_1202], %mul3A_1200 {strides = array<i32>} : memref<512x32xf32, #tpu.memory_space<vmem>>, vector<16xf32>,
        %scan3A_1204 = arith.constant 7 : i32
        %scan3A_1205 = arith.addi %scan3A_1019, %scan3A_1204 : i32
        %mul3A_1206 = arith.constant 1 : i32
        %mul3A_1207 = arith.muli %scan3A_1205, %mul3A_1206 : i32
        %add3A_1208 = arith.constant 0 : i32
        %add3A_1209 = arith.addi %add3A_1208, %mul3A_1207 : i32
        %shift_right_arithmetic3A_1210 = arith.constant 7 : i32
        %shift_right_arithmetic3A_1211 = arith.shrsi %add3A_1209, %shift_right_arithmetic3A_1210 : i32
        %broadcast_in_dim3A_1212 = vector.broadcast %shift_right_arithmetic3A_1211 : i32 to vector<16xi32>
        %and3A_1213 = arith.constant 127 : i32
        %and3A_1214 = arith.andi %add3A_1209, %and3A_1213 : i32
        %broadcast_in_dim3A_1215 = vector.broadcast %and3A_1214 : i32 to vector<16xi32>
        %gather3A_1216 = tpu.vector_load_idx %arg19[%broadcast_in_dim3A_1212, %broadcast_in_dim3A_1215] : memref<4x128xf32, #tpu.memory_space<vmem>>[vector<16xi32>, vector<16xi32>], vector<16xf32>,
        %get3A_1217 = arith.index_cast %add3A_1209 : i32 to index
        %get3A_1218 = arith.constant 0 : index
        %get3A_1219 = tpu.vector_load %arg20[%get3A_1217, %get3A_1218] {strides = array<i32>} : memref<512x32xf32, #tpu.memory_space<vmem>>, vector<16xf32>,
        %mul3A_1220 = arith.mulf %get3A_1219, %gather3A_1216 : vector<16xf32>
        %swap3A_1221 = arith.index_cast %add3A_1209 : i32 to index
        %swap3A_1222 = arith.constant 0 : index
        %swap3A_1223 = tpu.vector_load %arg20[%swap3A_1221, %swap3A_1222] {strides = array<i32>} : memref<512x32xf32, #tpu.memory_space<vmem>>, vector<16xf32>,
        tpu.vector_store %arg20[%swap3A_1221, %swap3A_1222], %mul3A_1220 {strides = array<i32>} : memref<512x32xf32, #tpu.memory_space<vmem>>, vector<16xf32>,
        %get3A_1224 = arith.index_cast %add3A_1209 : i32 to index
        %get3A_1225 = arith.constant 16 : index
        %get3A_1226 = tpu.vector_load %arg20[%get3A_1224, %get3A_1225] {strides = array<i32>} : memref<512x32xf32, #tpu.memory_space<vmem>>, vector<16xf32>,
        %mul3A_1227 = arith.mulf %get3A_1226, %gather3A_1216 : vector<16xf32>
        %swap3A_1228 = arith.index_cast %add3A_1209 : i32 to index
        %swap3A_1229 = arith.constant 16 : index
        %swap3A_1230 = tpu.vector_load %arg20[%swap3A_1228, %swap3A_1229] {strides = array<i32>} : memref<512x32xf32, #tpu.memory_space<vmem>>, vector<16xf32>,
        tpu.vector_store %arg20[%swap3A_1228, %swap3A_1229], %mul3A_1227 {strides = array<i32>} : memref<512x32xf32, #tpu.memory_space<vmem>>, vector<16xf32>,
      }
      %scan3A_881 = arith.constant 256 : i32
      %dma_start3A_882 = arith.constant 0 : i32
      %dma_start3A_883 = arith.constant 0 : i32
      %dma_start3A_884 = arith.constant 0 : i32
      %dma_start3A_885 = tpu.memref_slice %arg20[%dma_start3A_883, %dma_start3A_884] : memref<512x32xf32, #tpu.memory_space<vmem>> -> memref<128x32xf32, #tpu.memory_space<vmem>>
      %dma_start3A_886 = arith.constant 0 : i32
      %dma_start3A_887 = tpu.memref_slice %arg16[%dma_start3A_882, %dma_start3A_886] : memref<4x128xi32, #tpu.memory_space<vmem>> -> memref<1x128xi32, #tpu.memory_space<vmem>>
      %dma_start3A_888 = tpu.memref_squeeze %dma_start3A_887 : memref<1x128xi32, #tpu.memory_space<vmem>> -> memref<128xi32, #tpu.memory_space<vmem>>
      %dma_start3A_889 = arith.constant 0 : i32
      %dma_start3A_890 = arith.constant 0 : i32
      %dma_start3A_891 = tpu.memref_slice %arg13[%dma_start3A_889, %dma_start3A_890] : memref<51200x32xf32, #tpu.memory_space<vmem_shared>> -> memref<51200x32xf32, #tpu.memory_space<vmem_shared>>
      tpu.enqueue_indirect_dma source(%dma_start3A_885 : memref<128x32xf32, #tpu.memory_space<vmem>>) target(%dma_start3A_891 : memref<51200x32xf32, #tpu.memory_space<vmem_shared>>) offsets(%dma_start3A_888 : memref<128xi32, #tpu.memory_space<vmem>>) semaphore(%arg23 : memref<!tpu.dma_semaphore, #tpu.memory_space<semaphore_mem>>) {add = true}
      %dma_start3A_892 = arith.constant 1 : i32
      %dma_start3A_893 = arith.constant 128 : i32
      %dma_start3A_894 = arith.constant 0 : i32
      %dma_start3A_895 = tpu.memref_slice %arg20[%dma_start3A_893, %dma_start3A_894] : memref<512x32xf32, #tpu.memory_space<vmem>> -> memref<128x32xf32, #tpu.memory_space<vmem>>
      %dma_start3A_896 = arith.constant 0 : i32
      %dma_start3A_897 = tpu.memref_slice %arg16[%dma_start3A_892, %dma_start3A_896] : memref<4x128xi32, #tpu.memory_space<vmem>> -> memref<1x128xi32, #tpu.memory_space<vmem>>
      %dma_start3A_898 = tpu.memref_squeeze %dma_start3A_897 : memref<1x128xi32, #tpu.memory_space<vmem>> -> memref<128xi32, #tpu.memory_space<vmem>>
      %dma_start3A_899 = arith.constant 0 : i32
      %dma_start3A_900 = arith.constant 0 : i32
      %dma_start3A_901 = tpu.memref_slice %arg13[%dma_start3A_899, %dma_start3A_900] : memref<51200x32xf32, #tpu.memory_space<vmem_shared>> -> memref<51200x32xf32, #tpu.memory_space<vmem_shared>>
      tpu.enqueue_indirect_dma source(%dma_start3A_895 : memref<128x32xf32, #tpu.memory_space<vmem>>) target(%dma_start3A_901 : memref<51200x32xf32, #tpu.memory_space<vmem_shared>>) offsets(%dma_start3A_898 : memref<128xi32, #tpu.memory_space<vmem>>) semaphore(%arg23 : memref<!tpu.dma_semaphore, #tpu.memory_space<semaphore_mem>>) {add = true}
      %dma_wait3A_902 = arith.constant 256 : i32
      %dma_wait3A_903 = arith.constant 0 : i32
      %dma_wait3A_904 = tpu.memref_slice %arg20[%dma_wait3A_902, %dma_wait3A_903] : memref<512x32xf32, #tpu.memory_space<vmem>> -> memref<256x32xf32, #tpu.memory_space<vmem>>
      %dma_wait3A_905 = arith.constant 0 : i32
      %dma_wait3A_906 = arith.constant 0 : i32
      %dma_wait3A_907 = tpu.memref_slice %arg4[%dma_wait3A_905, %dma_wait3A_906] : memref<51200x32xf32, #tpu.memory_space<hbm>> -> memref<256x32xf32, #tpu.memory_space<hbm>>
      %dma_wait3A_908 = arith.constant 256 : i32
      %dma_wait3A_909 = arith.constant 0 : i32
      %dma_wait3A_910 = tpu.memref_slice %arg20[%dma_wait3A_908, %dma_wait3A_909] : memref<512x32xf32, #tpu.memory_space<vmem>> -> memref<256x32xf32, #tpu.memory_space<vmem>>
      %dma_wait3A_911 = arith.constant 0 : i32
      %dma_wait3A_912 = arith.constant 0 : i32
      %dma_wait3A_913 = tpu.memref_slice %arg4[%dma_wait3A_911, %dma_wait3A_912] : memref<51200x32xf32, #tpu.memory_space<hbm>> -> memref<256x32xf32, #tpu.memory_space<hbm>>
      tpu.wait_dma2 semaphore(%arg25 : memref<!tpu.dma_semaphore, #tpu.memory_space<semaphore_mem>>) src(%dma_wait3A_913 : memref<256x32xf32, #tpu.memory_space<hbm>>) dst(%dma_wait3A_910 : memref<256x32xf32, #tpu.memory_space<vmem>>)
      %scan3A_914 = arith.constant 0 : i32
      %scan3A_915 = arith.constant 256 : i32
      %scan3A_916 = arith.addi %scan3A_914, %scan3A_915 : i32
      %scan3A_917 = arith.constant 8 : i32
      scf.for %scan3A_1019 = %scan3A_914 to %scan3A_916 step %scan3A_917  : i32 {
        %mul3A_1020 = arith.constant 1 : i32
        %mul3A_1021 = arith.muli %scan3A_1019, %mul3A_1020 : i32
        %add3A_1022 = arith.constant 256 : i32
        %add3A_1023 = arith.addi %add3A_1022, %mul3A_1021 : i32
        %shift_right_arithmetic3A = arith.constant 7 : i32
        %shift_right_arithmetic3A_1024 = arith.shrsi %add3A_1023, %shift_right_arithmetic3A : i32
        %broadcast_in_dim3A_1025 = vector.broadcast %shift_right_arithmetic3A_1024 : i32 to vector<16xi32>
        %and3A = arith.constant 127 : i32
        %and3A_1026 = arith.andi %add3A_1023, %and3A : i32
        %broadcast_in_dim3A_1027 = vector.broadcast %and3A_1026 : i32 to vector<16xi32>
        %gather3A = tpu.vector_load_idx %arg19[%broadcast_in_dim3A_1025, %broadcast_in_dim3A_1027] : memref<4x128xf32, #tpu.memory_space<vmem>>[vector<16xi32>, vector<16xi32>], vector<16xf32>,
        %get3A_1028 = arith.index_cast %add3A_1023 : i32 to index
        %get3A_1029 = arith.constant 0 : index
        %get3A_1030 = tpu.vector_load %arg20[%get3A_1028, %get3A_1029] {strides = array<i32>} : memref<512x32xf32, #tpu.memory_space<vmem>>, vector<16xf32>,
        %mul3A_1031 = arith.mulf %get3A_1030, %gather3A : vector<16xf32>
        %swap3A_1032 = arith.index_cast %add3A_1023 : i32 to index
        %swap3A_1033 = arith.constant 0 : index
        %swap3A_1034 = tpu.vector_load %arg20[%swap3A_1032, %swap3A_1033] {strides = array<i32>} : memref<512x32xf32, #tpu.memory_space<vmem>>, vector<16xf32>,
        tpu.vector_store %arg20[%swap3A_1032, %swap3A_1033], %mul3A_1031 {strides = array<i32>} : memref<512x32xf32, #tpu.memory_space<vmem>>, vector<16xf32>,
        %get3A_1035 = arith.index_cast %add3A_1023 : i32 to index
        %get3A_1036 = arith.constant 16 : index
        %get3A_1037 = tpu.vector_load %arg20[%get3A_1035, %get3A_1036] {strides = array<i32>} : memref<512x32xf32, #tpu.memory_space<vmem>>, vector<16xf32>,
        %mul3A_1038 = arith.mulf %get3A_1037, %gather3A : vector<16xf32>
        %swap3A_1039 = arith.index_cast %add3A_1023 : i32 to index
        %swap3A_1040 = arith.constant 16 : index
        %swap3A_1041 = tpu.vector_load %arg20[%swap3A_1039, %swap3A_1040] {strides = array<i32>} : memref<512x32xf32, #tpu.memory_space<vmem>>, vector<16xf32>,
        tpu.vector_store %arg20[%swap3A_1039, %swap3A_1040], %mul3A_1038 {strides = array<i32>} : memref<512x32xf32, #tpu.memory_space<vmem>>, vector<16xf32>,
        %scan3A_1042 = arith.constant 1 : i32
        %scan3A_1043 = arith.addi %scan3A_1019, %scan3A_1042 : i32
        %mul3A_1044 = arith.constant 1 : i32
        %mul3A_1045 = arith.muli %scan3A_1043, %mul3A_1044 : i32
        %add3A_1046 = arith.constant 256 : i32
        %add3A_1047 = arith.addi %add3A_1046, %mul3A_1045 : i32
        %shift_right_arithmetic3A_1048 = arith.constant 7 : i32
        %shift_right_arithmetic3A_1049 = arith.shrsi %add3A_1047, %shift_right_arithmetic3A_1048 : i32
        %broadcast_in_dim3A_1050 = vector.broadcast %shift_right_arithmetic3A_1049 : i32 to vector<16xi32>
        %and3A_1051 = arith.constant 127 : i32
        %and3A_1052 = arith.andi %add3A_1047, %and3A_1051 : i32
        %broadcast_in_dim3A_1053 = vector.broadcast %and3A_1052 : i32 to vector<16xi32>
        %gather3A_1054 = tpu.vector_load_idx %arg19[%broadcast_in_dim3A_1050, %broadcast_in_dim3A_1053] : memref<4x128xf32, #tpu.memory_space<vmem>>[vector<16xi32>, vector<16xi32>], vector<16xf32>,
        %get3A_1055 = arith.index_cast %add3A_1047 : i32 to index
        %get3A_1056 = arith.constant 0 : index
        %get3A_1057 = tpu.vector_load %arg20[%get3A_1055, %get3A_1056] {strides = array<i32>} : memref<512x32xf32, #tpu.memory_space<vmem>>, vector<16xf32>,
        %mul3A_1058 = arith.mulf %get3A_1057, %gather3A_1054 : vector<16xf32>
        %swap3A_1059 = arith.index_cast %add3A_1047 : i32 to index
        %swap3A_1060 = arith.constant 0 : index
        %swap3A_1061 = tpu.vector_load %arg20[%swap3A_1059, %swap3A_1060] {strides = array<i32>} : memref<512x32xf32, #tpu.memory_space<vmem>>, vector<16xf32>,
        tpu.vector_store %arg20[%swap3A_1059, %swap3A_1060], %mul3A_1058 {strides = array<i32>} : memref<512x32xf32, #tpu.memory_space<vmem>>, vector<16xf32>,
        %get3A_1062 = arith.index_cast %add3A_1047 : i32 to index
        %get3A_1063 = arith.constant 16 : index
        %get3A_1064 = tpu.vector_load %arg20[%get3A_1062, %get3A_1063] {strides = array<i32>} : memref<512x32xf32, #tpu.memory_space<vmem>>, vector<16xf32>,
        %mul3A_1065 = arith.mulf %get3A_1064, %gather3A_1054 : vector<16xf32>
        %swap3A_1066 = arith.index_cast %add3A_1047 : i32 to index
        %swap3A_1067 = arith.constant 16 : index
        %swap3A_1068 = tpu.vector_load %arg20[%swap3A_1066, %swap3A_1067] {strides = array<i32>} : memref<512x32xf32, #tpu.memory_space<vmem>>, vector<16xf32>,
        tpu.vector_store %arg20[%swap3A_1066, %swap3A_1067], %mul3A_1065 {strides = array<i32>} : memref<512x32xf32, #tpu.memory_space<vmem>>, vector<16xf32>,
        %scan3A_1069 = arith.constant 2 : i32
        %scan3A_1070 = arith.addi %scan3A_1019, %scan3A_1069 : i32
        %mul3A_1071 = arith.constant 1 : i32
        %mul3A_1072 = arith.muli %scan3A_1070, %mul3A_1071 : i32
        %add3A_1073 = arith.constant 256 : i32
        %add3A_1074 = arith.addi %add3A_1073, %mul3A_1072 : i32
        %shift_right_arithmetic3A_1075 = arith.constant 7 : i32
        %shift_right_arithmetic3A_1076 = arith.shrsi %add3A_1074, %shift_right_arithmetic3A_1075 : i32
        %broadcast_in_dim3A_1077 = vector.broadcast %shift_right_arithmetic3A_1076 : i32 to vector<16xi32>
        %and3A_1078 = arith.constant 127 : i32
        %and3A_1079 = arith.andi %add3A_1074, %and3A_1078 : i32
        %broadcast_in_dim3A_1080 = vector.broadcast %and3A_1079 : i32 to vector<16xi32>
        %gather3A_1081 = tpu.vector_load_idx %arg19[%broadcast_in_dim3A_1077, %broadcast_in_dim3A_1080] : memref<4x128xf32, #tpu.memory_space<vmem>>[vector<16xi32>, vector<16xi32>], vector<16xf32>,
        %get3A_1082 = arith.index_cast %add3A_1074 : i32 to index
        %get3A_1083 = arith.constant 0 : index
        %get3A_1084 = tpu.vector_load %arg20[%get3A_1082, %get3A_1083] {strides = array<i32>} : memref<512x32xf32, #tpu.memory_space<vmem>>, vector<16xf32>,
        %mul3A_1085 = arith.mulf %get3A_1084, %gather3A_1081 : vector<16xf32>
        %swap3A_1086 = arith.index_cast %add3A_1074 : i32 to index
        %swap3A_1087 = arith.constant 0 : index
        %swap3A_1088 = tpu.vector_load %arg20[%swap3A_1086, %swap3A_1087] {strides = array<i32>} : memref<512x32xf32, #tpu.memory_space<vmem>>, vector<16xf32>,
        tpu.vector_store %arg20[%swap3A_1086, %swap3A_1087], %mul3A_1085 {strides = array<i32>} : memref<512x32xf32, #tpu.memory_space<vmem>>, vector<16xf32>,
        %get3A_1089 = arith.index_cast %add3A_1074 : i32 to index
        %get3A_1090 = arith.constant 16 : index
        %get3A_1091 = tpu.vector_load %arg20[%get3A_1089, %get3A_1090] {strides = array<i32>} : memref<512x32xf32, #tpu.memory_space<vmem>>, vector<16xf32>,
        %mul3A_1092 = arith.mulf %get3A_1091, %gather3A_1081 : vector<16xf32>
        %swap3A_1093 = arith.index_cast %add3A_1074 : i32 to index
        %swap3A_1094 = arith.constant 16 : index
        %swap3A_1095 = tpu.vector_load %arg20[%swap3A_1093, %swap3A_1094] {strides = array<i32>} : memref<512x32xf32, #tpu.memory_space<vmem>>, vector<16xf32>,
        tpu.vector_store %arg20[%swap3A_1093, %swap3A_1094], %mul3A_1092 {strides = array<i32>} : memref<512x32xf32, #tpu.memory_space<vmem>>, vector<16xf32>,
        %scan3A_1096 = arith.constant 3 : i32
        %scan3A_1097 = arith.addi %scan3A_1019, %scan3A_1096 : i32
        %mul3A_1098 = arith.constant 1 : i32
        %mul3A_1099 = arith.muli %scan3A_1097, %mul3A_1098 : i32
        %add3A_1100 = arith.constant 256 : i32
        %add3A_1101 = arith.addi %add3A_1100, %mul3A_1099 : i32
        %shift_right_arithmetic3A_1102 = arith.constant 7 : i32
        %shift_right_arithmetic3A_1103 = arith.shrsi %add3A_1101, %shift_right_arithmetic3A_1102 : i32
        %broadcast_in_dim3A_1104 = vector.broadcast %shift_right_arithmetic3A_1103 : i32 to vector<16xi32>
        %and3A_1105 = arith.constant 127 : i32
        %and3A_1106 = arith.andi %add3A_1101, %and3A_1105 : i32
        %broadcast_in_dim3A_1107 = vector.broadcast %and3A_1106 : i32 to vector<16xi32>
        %gather3A_1108 = tpu.vector_load_idx %arg19[%broadcast_in_dim3A_1104, %broadcast_in_dim3A_1107] : memref<4x128xf32, #tpu.memory_space<vmem>>[vector<16xi32>, vector<16xi32>], vector<16xf32>,
        %get3A_1109 = arith.index_cast %add3A_1101 : i32 to index
        %get3A_1110 = arith.constant 0 : index
        %get3A_1111 = tpu.vector_load %arg20[%get3A_1109, %get3A_1110] {strides = array<i32>} : memref<512x32xf32, #tpu.memory_space<vmem>>, vector<16xf32>,
        %mul3A_1112 = arith.mulf %get3A_1111, %gather3A_1108 : vector<16xf32>
        %swap3A_1113 = arith.index_cast %add3A_1101 : i32 to index
        %swap3A_1114 = arith.constant 0 : index
        %swap3A_1115 = tpu.vector_load %arg20[%swap3A_1113, %swap3A_1114] {strides = array<i32>} : memref<512x32xf32, #tpu.memory_space<vmem>>, vector<16xf32>,
        tpu.vector_store %arg20[%swap3A_1113, %swap3A_1114], %mul3A_1112 {strides = array<i32>} : memref<512x32xf32, #tpu.memory_space<vmem>>, vector<16xf32>,
        %get3A_1116 = arith.index_cast %add3A_1101 : i32 to index
        %get3A_1117 = arith.constant 16 : index
        %get3A_1118 = tpu.vector_load %arg20[%get3A_1116, %get3A_1117] {strides = array<i32>} : memref<512x32xf32, #tpu.memory_space<vmem>>, vector<16xf32>,
        %mul3A_1119 = arith.mulf %get3A_1118, %gather3A_1108 : vector<16xf32>
        %swap3A_1120 = arith.index_cast %add3A_1101 : i32 to index
        %swap3A_1121 = arith.constant 16 : index
        %swap3A_1122 = tpu.vector_load %arg20[%swap3A_1120, %swap3A_1121] {strides = array<i32>} : memref<512x32xf32, #tpu.memory_space<vmem>>, vector<16xf32>,
        tpu.vector_store %arg20[%swap3A_1120, %swap3A_1121], %mul3A_1119 {strides = array<i32>} : memref<512x32xf32, #tpu.memory_space<vmem>>, vector<16xf32>,
        %scan3A_1123 = arith.constant 4 : i32
        %scan3A_1124 = arith.addi %scan3A_1019, %scan3A_1123 : i32
        %mul3A_1125 = arith.constant 1 : i32
        %mul3A_1126 = arith.muli %scan3A_1124, %mul3A_1125 : i32
        %add3A_1127 = arith.constant 256 : i32
        %add3A_1128 = arith.addi %add3A_1127, %mul3A_1126 : i32
        %shift_right_arithmetic3A_1129 = arith.constant 7 : i32
        %shift_right_arithmetic3A_1130 = arith.shrsi %add3A_1128, %shift_right_arithmetic3A_1129 : i32
        %broadcast_in_dim3A_1131 = vector.broadcast %shift_right_arithmetic3A_1130 : i32 to vector<16xi32>
        %and3A_1132 = arith.constant 127 : i32
        %and3A_1133 = arith.andi %add3A_1128, %and3A_1132 : i32
        %broadcast_in_dim3A_1134 = vector.broadcast %and3A_1133 : i32 to vector<16xi32>
        %gather3A_1135 = tpu.vector_load_idx %arg19[%broadcast_in_dim3A_1131, %broadcast_in_dim3A_1134] : memref<4x128xf32, #tpu.memory_space<vmem>>[vector<16xi32>, vector<16xi32>], vector<16xf32>,
        %get3A_1136 = arith.index_cast %add3A_1128 : i32 to index
        %get3A_1137 = arith.constant 0 : index
        %get3A_1138 = tpu.vector_load %arg20[%get3A_1136, %get3A_1137] {strides = array<i32>} : memref<512x32xf32, #tpu.memory_space<vmem>>, vector<16xf32>,
        %mul3A_1139 = arith.mulf %get3A_1138, %gather3A_1135 : vector<16xf32>
        %swap3A_1140 = arith.index_cast %add3A_1128 : i32 to index
        %swap3A_1141 = arith.constant 0 : index
        %swap3A_1142 = tpu.vector_load %arg20[%swap3A_1140, %swap3A_1141] {strides = array<i32>} : memref<512x32xf32, #tpu.memory_space<vmem>>, vector<16xf32>,
        tpu.vector_store %arg20[%swap3A_1140, %swap3A_1141], %mul3A_1139 {strides = array<i32>} : memref<512x32xf32, #tpu.memory_space<vmem>>, vector<16xf32>,
        %get3A_1143 = arith.index_cast %add3A_1128 : i32 to index
        %get3A_1144 = arith.constant 16 : index
        %get3A_1145 = tpu.vector_load %arg20[%get3A_1143, %get3A_1144] {strides = array<i32>} : memref<512x32xf32, #tpu.memory_space<vmem>>, vector<16xf32>,
        %mul3A_1146 = arith.mulf %get3A_1145, %gather3A_1135 : vector<16xf32>
        %swap3A_1147 = arith.index_cast %add3A_1128 : i32 to index
        %swap3A_1148 = arith.constant 16 : index
        %swap3A_1149 = tpu.vector_load %arg20[%swap3A_1147, %swap3A_1148] {strides = array<i32>} : memref<512x32xf32, #tpu.memory_space<vmem>>, vector<16xf32>,
        tpu.vector_store %arg20[%swap3A_1147, %swap3A_1148], %mul3A_1146 {strides = array<i32>} : memref<512x32xf32, #tpu.memory_space<vmem>>, vector<16xf32>,
        %scan3A_1150 = arith.constant 5 : i32
        %scan3A_1151 = arith.addi %scan3A_1019, %scan3A_1150 : i32
        %mul3A_1152 = arith.constant 1 : i32
        %mul3A_1153 = arith.muli %scan3A_1151, %mul3A_1152 : i32
        %add3A_1154 = arith.constant 256 : i32
        %add3A_1155 = arith.addi %add3A_1154, %mul3A_1153 : i32
        %shift_right_arithmetic3A_1156 = arith.constant 7 : i32
        %shift_right_arithmetic3A_1157 = arith.shrsi %add3A_1155, %shift_right_arithmetic3A_1156 : i32
        %broadcast_in_dim3A_1158 = vector.broadcast %shift_right_arithmetic3A_1157 : i32 to vector<16xi32>
        %and3A_1159 = arith.constant 127 : i32
        %and3A_1160 = arith.andi %add3A_1155, %and3A_1159 : i32
        %broadcast_in_dim3A_1161 = vector.broadcast %and3A_1160 : i32 to vector<16xi32>
        %gather3A_1162 = tpu.vector_load_idx %arg19[%broadcast_in_dim3A_1158, %broadcast_in_dim3A_1161] : memref<4x128xf32, #tpu.memory_space<vmem>>[vector<16xi32>, vector<16xi32>], vector<16xf32>,
        %get3A_1163 = arith.index_cast %add3A_1155 : i32 to index
        %get3A_1164 = arith.constant 0 : index
        %get3A_1165 = tpu.vector_load %arg20[%get3A_1163, %get3A_1164] {strides = array<i32>} : memref<512x32xf32, #tpu.memory_space<vmem>>, vector<16xf32>,
        %mul3A_1166 = arith.mulf %get3A_1165, %gather3A_1162 : vector<16xf32>
        %swap3A_1167 = arith.index_cast %add3A_1155 : i32 to index
        %swap3A_1168 = arith.constant 0 : index
        %swap3A_1169 = tpu.vector_load %arg20[%swap3A_1167, %swap3A_1168] {strides = array<i32>} : memref<512x32xf32, #tpu.memory_space<vmem>>, vector<16xf32>,
        tpu.vector_store %arg20[%swap3A_1167, %swap3A_1168], %mul3A_1166 {strides = array<i32>} : memref<512x32xf32, #tpu.memory_space<vmem>>, vector<16xf32>,
        %get3A_1170 = arith.index_cast %add3A_1155 : i32 to index
        %get3A_1171 = arith.constant 16 : index
        %get3A_1172 = tpu.vector_load %arg20[%get3A_1170, %get3A_1171] {strides = array<i32>} : memref<512x32xf32, #tpu.memory_space<vmem>>, vector<16xf32>,
        %mul3A_1173 = arith.mulf %get3A_1172, %gather3A_1162 : vector<16xf32>
        %swap3A_1174 = arith.index_cast %add3A_1155 : i32 to index
        %swap3A_1175 = arith.constant 16 : index
        %swap3A_1176 = tpu.vector_load %arg20[%swap3A_1174, %swap3A_1175] {strides = array<i32>} : memref<512x32xf32, #tpu.memory_space<vmem>>, vector<16xf32>,
        tpu.vector_store %arg20[%swap3A_1174, %swap3A_1175], %mul3A_1173 {strides = array<i32>} : memref<512x32xf32, #tpu.memory_space<vmem>>, vector<16xf32>,
        %scan3A_1177 = arith.constant 6 : i32
        %scan3A_1178 = arith.addi %scan3A_1019, %scan3A_1177 : i32
        %mul3A_1179 = arith.constant 1 : i32
        %mul3A_1180 = arith.muli %scan3A_1178, %mul3A_1179 : i32
        %add3A_1181 = arith.constant 256 : i32
        %add3A_1182 = arith.addi %add3A_1181, %mul3A_1180 : i32
        %shift_right_arithmetic3A_1183 = arith.constant 7 : i32
        %shift_right_arithmetic3A_1184 = arith.shrsi %add3A_1182, %shift_right_arithmetic3A_1183 : i32
        %broadcast_in_dim3A_1185 = vector.broadcast %shift_right_arithmetic3A_1184 : i32 to vector<16xi32>
        %and3A_1186 = arith.constant 127 : i32
        %and3A_1187 = arith.andi %add3A_1182, %and3A_1186 : i32
        %broadcast_in_dim3A_1188 = vector.broadcast %and3A_1187 : i32 to vector<16xi32>
        %gather3A_1189 = tpu.vector_load_idx %arg19[%broadcast_in_dim3A_1185, %broadcast_in_dim3A_1188] : memref<4x128xf32, #tpu.memory_space<vmem>>[vector<16xi32>, vector<16xi32>], vector<16xf32>,
        %get3A_1190 = arith.index_cast %add3A_1182 : i32 to index
        %get3A_1191 = arith.constant 0 : index
        %get3A_1192 = tpu.vector_load %arg20[%get3A_1190, %get3A_1191] {strides = array<i32>} : memref<512x32xf32, #tpu.memory_space<vmem>>, vector<16xf32>,
        %mul3A_1193 = arith.mulf %get3A_1192, %gather3A_1189 : vector<16xf32>
        %swap3A_1194 = arith.index_cast %add3A_1182 : i32 to index
        %swap3A_1195 = arith.constant 0 : index
        %swap3A_1196 = tpu.vector_load %arg20[%swap3A_1194, %swap3A_1195] {strides = array<i32>} : memref<512x32xf32, #tpu.memory_space<vmem>>, vector<16xf32>,
        tpu.vector_store %arg20[%swap3A_1194, %swap3A_1195], %mul3A_1193 {strides = array<i32>} : memref<512x32xf32, #tpu.memory_space<vmem>>, vector<16xf32>,
        %get3A_1197 = arith.index_cast %add3A_1182 : i32 to index
        %get3A_1198 = arith.constant 16 : index
        %get3A_1199 = tpu.vector_load %arg20[%get3A_1197, %get3A_1198] {strides = array<i32>} : memref<512x32xf32, #tpu.memory_space<vmem>>, vector<16xf32>,
        %mul3A_1200 = arith.mulf %get3A_1199, %gather3A_1189 : vector<16xf32>
        %swap3A_1201 = arith.index_cast %add3A_1182 : i32 to index
        %swap3A_1202 = arith.constant 16 : index
        %swap3A_1203 = tpu.vector_load %arg20[%swap3A_1201, %swap3A_1202] {strides = array<i32>} : memref<512x32xf32, #tpu.memory_space<vmem>>, vector<16xf32>,
        tpu.vector_store %arg20[%swap3A_1201, %swap3A_1202], %mul3A_1200 {strides = array<i32>} : memref<512x32xf32, #tpu.memory_space<vmem>>, vector<16xf32>,
        %scan3A_1204 = arith.constant 7 : i32
        %scan3A_1205 = arith.addi %scan3A_1019, %scan3A_1204 : i32
        %mul3A_1206 = arith.constant 1 : i32
        %mul3A_1207 = arith.muli %scan3A_1205, %mul3A_1206 : i32
        %add3A_1208 = arith.constant 256 : i32
        %add3A_1209 = arith.addi %add3A_1208, %mul3A_1207 : i32
        %shift_right_arithmetic3A_1210 = arith.constant 7 : i32
        %shift_right_arithmetic3A_1211 = arith.shrsi %add3A_1209, %shift_right_arithmetic3A_1210 : i32
        %broadcast_in_dim3A_1212 = vector.broadcast %shift_right_arithmetic3A_1211 : i32 to vector<16xi32>
        %and3A_1213 = arith.constant 127 : i32
        %and3A_1214 = arith.andi %add3A_1209, %and3A_1213 : i32
        %broadcast_in_dim3A_1215 = vector.broadcast %and3A_1214 : i32 to vector<16xi32>
        %gather3A_1216 = tpu.vector_load_idx %arg19[%broadcast_in_dim3A_1212, %broadcast_in_dim3A_1215] : memref<4x128xf32, #tpu.memory_space<vmem>>[vector<16xi32>, vector<16xi32>], vector<16xf32>,
        %get3A_1217 = arith.index_cast %add3A_1209 : i32 to index
        %get3A_1218 = arith.constant 0 : index
        %get3A_1219 = tpu.vector_load %arg20[%get3A_1217, %get3A_1218] {strides = array<i32>} : memref<512x32xf32, #tpu.memory_space<vmem>>, vector<16xf32>,
        %mul3A_1220 = arith.mulf %get3A_1219, %gather3A_1216 : vector<16xf32>
        %swap3A_1221 = arith.index_cast %add3A_1209 : i32 to index
        %swap3A_1222 = arith.constant 0 : index
        %swap3A_1223 = tpu.vector_load %arg20[%swap3A_1221, %swap3A_1222] {strides = array<i32>} : memref<512x32xf32, #tpu.memory_space<vmem>>, vector<16xf32>,
        tpu.vector_store %arg20[%swap3A_1221, %swap3A_1222], %mul3A_1220 {strides = array<i32>} : memref<512x32xf32, #tpu.memory_space<vmem>>, vector<16xf32>,
        %get3A_1224 = arith.index_cast %add3A_1209 : i32 to index
        %get3A_1225 = arith.constant 16 : index
        %get3A_1226 = tpu.vector_load %arg20[%get3A_1224, %get3A_1225] {strides = array<i32>} : memref<512x32xf32, #tpu.memory_space<vmem>>, vector<16xf32>,
        %mul3A_1227 = arith.mulf %get3A_1226, %gather3A_1216 : vector<16xf32>
        %swap3A_1228 = arith.index_cast %add3A_1209 : i32 to index
        %swap3A_1229 = arith.constant 16 : index
        %swap3A_1230 = tpu.vector_load %arg20[%swap3A_1228, %swap3A_1229] {strides = array<i32>} : memref<512x32xf32, #tpu.memory_space<vmem>>, vector<16xf32>,
        tpu.vector_store %arg20[%swap3A_1228, %swap3A_1229], %mul3A_1227 {strides = array<i32>} : memref<512x32xf32, #tpu.memory_space<vmem>>, vector<16xf32>,
      }
      %scan3A_918 = arith.constant 256 : i32
      %dma_start3A_919 = arith.constant 2 : i32
      %dma_start3A_920 = arith.constant 256 : i32
      %dma_start3A_921 = arith.constant 0 : i32
      %dma_start3A_922 = tpu.memref_slice %arg20[%dma_start3A_920, %dma_start3A_921] : memref<512x32xf32, #tpu.memory_space<vmem>> -> memref<128x32xf32, #tpu.memory_space<vmem>>
      %dma_start3A_923 = arith.constant 0 : i32
      %dma_start3A_924 = tpu.memref_slice %arg16[%dma_start3A_919, %dma_start3A_923] : memref<4x128xi32, #tpu.memory_space<vmem>> -> memref<1x128xi32, #tpu.memory_space<vmem>>
      %dma_start3A_925 = tpu.memref_squeeze %dma_start3A_924 : memref<1x128xi32, #tpu.memory_space<vmem>> -> memref<128xi32, #tpu.memory_space<vmem>>
      %dma_start3A_926 = arith.constant 0 : i32
      %dma_start3A_927 = arith.constant 0 : i32
      %dma_start3A_928 = tpu.memref_slice %arg13[%dma_start3A_926, %dma_start3A_927] : memref<51200x32xf32, #tpu.memory_space<vmem_shared>> -> memref<51200x32xf32, #tpu.memory_space<vmem_shared>>
      tpu.enqueue_indirect_dma source(%dma_start3A_922 : memref<128x32xf32, #tpu.memory_space<vmem>>) target(%dma_start3A_928 : memref<51200x32xf32, #tpu.memory_space<vmem_shared>>) offsets(%dma_start3A_925 : memref<128xi32, #tpu.memory_space<vmem>>) semaphore(%arg25 : memref<!tpu.dma_semaphore, #tpu.memory_space<semaphore_mem>>) {add = true}
      %dma_start3A_929 = arith.constant 3 : i32
      %dma_start3A_930 = arith.constant 384 : i32
      %dma_start3A_931 = arith.constant 0 : i32
      %dma_start3A_932 = tpu.memref_slice %arg20[%dma_start3A_930, %dma_start3A_931] : memref<512x32xf32, #tpu.memory_space<vmem>> -> memref<128x32xf32, #tpu.memory_space<vmem>>
      %dma_start3A_933 = arith.constant 0 : i32
      %dma_start3A_934 = tpu.memref_slice %arg16[%dma_start3A_929, %dma_start3A_933] : memref<4x128xi32, #tpu.memory_space<vmem>> -> memref<1x128xi32, #tpu.memory_space<vmem>>
      %dma_start3A_935 = tpu.memref_squeeze %dma_start3A_934 : memref<1x128xi32, #tpu.memory_space<vmem>> -> memref<128xi32, #tpu.memory_space<vmem>>
      %dma_start3A_936 = arith.constant 0 : i32
      %dma_start3A_937 = arith.constant 0 : i32
      %dma_start3A_938 = tpu.memref_slice %arg13[%dma_start3A_936, %dma_start3A_937] : memref<51200x32xf32, #tpu.memory_space<vmem_shared>> -> memref<51200x32xf32, #tpu.memory_space<vmem_shared>>
      tpu.enqueue_indirect_dma source(%dma_start3A_932 : memref<128x32xf32, #tpu.memory_space<vmem>>) target(%dma_start3A_938 : memref<51200x32xf32, #tpu.memory_space<vmem_shared>>) offsets(%dma_start3A_935 : memref<128xi32, #tpu.memory_space<vmem>>) semaphore(%arg25 : memref<!tpu.dma_semaphore, #tpu.memory_space<semaphore_mem>>) {add = true}
      %dma_wait3A_939 = arith.constant 0 : i32
      %dma_wait3A_940 = arith.constant 0 : i32
      %dma_wait3A_941 = arith.constant 0 : i32
      %dma_wait3A_942 = tpu.memref_slice %arg20[%dma_wait3A_940, %dma_wait3A_941] : memref<512x32xf32, #tpu.memory_space<vmem>> -> memref<128x32xf32, #tpu.memory_space<vmem>>
      %dma_wait3A_943 = arith.constant 0 : i32
      %dma_wait3A_944 = tpu.memref_slice %arg16[%dma_wait3A_939, %dma_wait3A_943] : memref<4x128xi32, #tpu.memory_space<vmem>> -> memref<1x128xi32, #tpu.memory_space<vmem>>
      %dma_wait3A_945 = tpu.memref_squeeze %dma_wait3A_944 : memref<1x128xi32, #tpu.memory_space<vmem>> -> memref<128xi32, #tpu.memory_space<vmem>>
      %dma_wait3A_946 = arith.constant 0 : i32
      %dma_wait3A_947 = arith.constant 0 : i32
      %dma_wait3A_948 = tpu.memref_slice %arg13[%dma_wait3A_946, %dma_wait3A_947] : memref<51200x32xf32, #tpu.memory_space<vmem_shared>> -> memref<51200x32xf32, #tpu.memory_space<vmem_shared>>
      tpu.wait_indirect_dma semaphore(%arg23 : memref<!tpu.dma_semaphore, #tpu.memory_space<semaphore_mem>>) src(%dma_wait3A_942 : memref<128x32xf32, #tpu.memory_space<vmem>>) dst(%dma_wait3A_948 : memref<51200x32xf32, #tpu.memory_space<vmem_shared>>)
      %dma_wait3A_949 = arith.constant 1 : i32
      %dma_wait3A_950 = arith.constant 128 : i32
      %dma_wait3A_951 = arith.constant 0 : i32
      %dma_wait3A_952 = tpu.memref_slice %arg20[%dma_wait3A_950, %dma_wait3A_951] : memref<512x32xf32, #tpu.memory_space<vmem>> -> memref<128x32xf32, #tpu.memory_space<vmem>>
      %dma_wait3A_953 = arith.constant 0 : i32
      %dma_wait3A_954 = tpu.memref_slice %arg16[%dma_wait3A_949, %dma_wait3A_953] : memref<4x128xi32, #tpu.memory_space<vmem>> -> memref<1x128xi32, #tpu.memory_space<vmem>>
      %dma_wait3A_955 = tpu.memref_squeeze %dma_wait3A_954 : memref<1x128xi32, #tpu.memory_space<vmem>> -> memref<128xi32, #tpu.memory_space<vmem>>
      %dma_wait3A_956 = arith.constant 0 : i32
      %dma_wait3A_957 = arith.constant 0 : i32
      %dma_wait3A_958 = tpu.memref_slice %arg13[%dma_wait3A_956, %dma_wait3A_957] : memref<51200x32xf32, #tpu.memory_space<vmem_shared>> -> memref<51200x32xf32, #tpu.memory_space<vmem_shared>>
      tpu.wait_indirect_dma semaphore(%arg23 : memref<!tpu.dma_semaphore, #tpu.memory_space<semaphore_mem>>) src(%dma_wait3A_952 : memref<128x32xf32, #tpu.memory_space<vmem>>) dst(%dma_wait3A_958 : memref<51200x32xf32, #tpu.memory_space<vmem_shared>>)
      %dma_wait3A_959 = arith.constant 2 : i32
      %dma_wait3A_960 = arith.constant 256 : i32
      %dma_wait3A_961 = arith.constant 0 : i32
      %dma_wait3A_962 = tpu.memref_slice %arg20[%dma_wait3A_960, %dma_wait3A_961] : memref<512x32xf32, #tpu.memory_space<vmem>> -> memref<128x32xf32, #tpu.memory_space<vmem>>
      %dma_wait3A_963 = arith.constant 0 : i32
      %dma_wait3A_964 = tpu.memref_slice %arg16[%dma_wait3A_959, %dma_wait3A_963] : memref<4x128xi32, #tpu.memory_space<vmem>> -> memref<1x128xi32, #tpu.memory_space<vmem>>
      %dma_wait3A_965 = tpu.memref_squeeze %dma_wait3A_964 : memref<1x128xi32, #tpu.memory_space<vmem>> -> memref<128xi32, #tpu.memory_space<vmem>>
      %dma_wait3A_966 = arith.constant 0 : i32
      %dma_wait3A_967 = arith.constant 0 : i32
      %dma_wait3A_968 = tpu.memref_slice %arg13[%dma_wait3A_966, %dma_wait3A_967] : memref<51200x32xf32, #tpu.memory_space<vmem_shared>> -> memref<51200x32xf32, #tpu.memory_space<vmem_shared>>
      tpu.wait_indirect_dma semaphore(%arg25 : memref<!tpu.dma_semaphore, #tpu.memory_space<semaphore_mem>>) src(%dma_wait3A_962 : memref<128x32xf32, #tpu.memory_space<vmem>>) dst(%dma_wait3A_968 : memref<51200x32xf32, #tpu.memory_space<vmem_shared>>)
      %dma_wait3A_969 = arith.constant 3 : i32
      %dma_wait3A_970 = arith.constant 384 : i32
      %dma_wait3A_971 = arith.constant 0 : i32
      %dma_wait3A_972 = tpu.memref_slice %arg20[%dma_wait3A_970, %dma_wait3A_971] : memref<512x32xf32, #tpu.memory_space<vmem>> -> memref<128x32xf32, #tpu.memory_space<vmem>>
      %dma_wait3A_973 = arith.constant 0 : i32
      %dma_wait3A_974 = tpu.memref_slice %arg16[%dma_wait3A_969, %dma_wait3A_973] : memref<4x128xi32, #tpu.memory_space<vmem>> -> memref<1x128xi32, #tpu.memory_space<vmem>>
      %dma_wait3A_975 = tpu.memref_squeeze %dma_wait3A_974 : memref<1x128xi32, #tpu.memory_space<vmem>> -> memref<128xi32, #tpu.memory_space<vmem>>
      %dma_wait3A_976 = arith.constant 0 : i32
      %dma_wait3A_977 = arith.constant 0 : i32
      %dma_wait3A_978 = tpu.memref_slice %arg13[%dma_wait3A_976, %dma_wait3A_977] : memref<51200x32xf32, #tpu.memory_space<vmem_shared>> -> memref<51200x32xf32, #tpu.memory_space<vmem_shared>>
      tpu.wait_indirect_dma semaphore(%arg25 : memref<!tpu.dma_semaphore, #tpu.memory_space<semaphore_mem>>) src(%dma_wait3A_972 : memref<128x32xf32, #tpu.memory_space<vmem>>) dst(%dma_wait3A_978 : memref<51200x32xf32, #tpu.memory_space<vmem_shared>>)
      %dma_wait3A_979 = arith.constant 0 : i32
      %dma_wait3A_980 = arith.constant 0 : i32
      %dma_wait3A_981 = arith.constant 0 : i32
      %dma_wait3A_982 = tpu.memref_slice %arg19[%dma_wait3A_979, %dma_wait3A_981] : memref<4x128xf32, #tpu.memory_space<vmem>> -> memref<1x128xf32, #tpu.memory_space<vmem>>
      %dma_wait3A_983 = tpu.memref_squeeze %dma_wait3A_982 : memref<1x128xf32, #tpu.memory_space<vmem>> -> memref<128xf32, #tpu.memory_space<vmem>>
      %dma_wait3A_984 = arith.constant 0 : i32
      %dma_wait3A_985 = tpu.memref_slice %arg16[%dma_wait3A_980, %dma_wait3A_984] : memref<4x128xi32, #tpu.memory_space<vmem>> -> memref<1x128xi32, #tpu.memory_space<vmem>>
      %dma_wait3A_986 = tpu.memref_squeeze %dma_wait3A_985 : memref<1x128xi32, #tpu.memory_space<vmem>> -> memref<128xi32, #tpu.memory_space<vmem>>
      %dma_wait3A_987 = arith.constant 0 : i32
      %dma_wait3A_988 = tpu.memref_slice %arg14[%dma_wait3A_987] : memref<51200xf32, #tpu.memory_space<vmem_shared>> -> memref<51200xf32, #tpu.memory_space<vmem_shared>>
      tpu.wait_indirect_dma semaphore(%arg24 : memref<!tpu.dma_semaphore, #tpu.memory_space<semaphore_mem>>) src(%dma_wait3A_983 : memref<128xf32, #tpu.memory_space<vmem>>) dst(%dma_wait3A_988 : memref<51200xf32, #tpu.memory_space<vmem_shared>>)
      %dma_wait3A_989 = arith.constant 1 : i32
      %dma_wait3A_990 = arith.constant 1 : i32
      %dma_wait3A_991 = arith.constant 0 : i32
      %dma_wait3A_992 = tpu.memref_slice %arg19[%dma_wait3A_989, %dma_wait3A_991] : memref<4x128xf32, #tpu.memory_space<vmem>> -> memref<1x128xf32, #tpu.memory_space<vmem>>
      %dma_wait3A_993 = tpu.memref_squeeze %dma_wait3A_992 : memref<1x128xf32, #tpu.memory_space<vmem>> -> memref<128xf32, #tpu.memory_space<vmem>>
      %dma_wait3A_994 = arith.constant 0 : i32
      %dma_wait3A_995 = tpu.memref_slice %arg16[%dma_wait3A_990, %dma_wait3A_994] : memref<4x128xi32, #tpu.memory_space<vmem>> -> memref<1x128xi32, #tpu.memory_space<vmem>>
      %dma_wait3A_996 = tpu.memref_squeeze %dma_wait3A_995 : memref<1x128xi32, #tpu.memory_space<vmem>> -> memref<128xi32, #tpu.memory_space<vmem>>
      %dma_wait3A_997 = arith.constant 0 : i32
      %dma_wait3A_998 = tpu.memref_slice %arg14[%dma_wait3A_997] : memref<51200xf32, #tpu.memory_space<vmem_shared>> -> memref<51200xf32, #tpu.memory_space<vmem_shared>>
      tpu.wait_indirect_dma semaphore(%arg24 : memref<!tpu.dma_semaphore, #tpu.memory_space<semaphore_mem>>) src(%dma_wait3A_993 : memref<128xf32, #tpu.memory_space<vmem>>) dst(%dma_wait3A_998 : memref<51200xf32, #tpu.memory_space<vmem_shared>>)
      %dma_wait3A_999 = arith.constant 2 : i32
      %dma_wait3A_1000 = arith.constant 2 : i32
      %dma_wait3A_1001 = arith.constant 0 : i32
      %dma_wait3A_1002 = tpu.memref_slice %arg19[%dma_wait3A_999, %dma_wait3A_1001] : memref<4x128xf32, #tpu.memory_space<vmem>> -> memref<1x128xf32, #tpu.memory_space<vmem>>
      %dma_wait3A_1003 = tpu.memref_squeeze %dma_wait3A_1002 : memref<1x128xf32, #tpu.memory_space<vmem>> -> memref<128xf32, #tpu.memory_space<vmem>>
      %dma_wait3A_1004 = arith.constant 0 : i32
      %dma_wait3A_1005 = tpu.memref_slice %arg16[%dma_wait3A_1000, %dma_wait3A_1004] : memref<4x128xi32, #tpu.memory_space<vmem>> -> memref<1x128xi32, #tpu.memory_space<vmem>>
      %dma_wait3A_1006 = tpu.memref_squeeze %dma_wait3A_1005 : memref<1x128xi32, #tpu.memory_space<vmem>> -> memref<128xi32, #tpu.memory_space<vmem>>
      %dma_wait3A_1007 = arith.constant 0 : i32
      %dma_wait3A_1008 = tpu.memref_slice %arg14[%dma_wait3A_1007] : memref<51200xf32, #tpu.memory_space<vmem_shared>> -> memref<51200xf32, #tpu.memory_space<vmem_shared>>
      tpu.wait_indirect_dma semaphore(%arg24 : memref<!tpu.dma_semaphore, #tpu.memory_space<semaphore_mem>>) src(%dma_wait3A_1003 : memref<128xf32, #tpu.memory_space<vmem>>) dst(%dma_wait3A_1008 : memref<51200xf32, #tpu.memory_space<vmem_shared>>)
      %dma_wait3A_1009 = arith.constant 3 : i32
      %dma_wait3A_1010 = arith.constant 3 : i32
      %dma_wait3A_1011 = arith.constant 0 : i32
      %dma_wait3A_1012 = tpu.memref_slice %arg19[%dma_wait3A_1009, %dma_wait3A_1011] : memref<4x128xf32, #tpu.memory_space<vmem>> -> memref<1x128xf32, #tpu.memory_space<vmem>>
      %dma_wait3A_1013 = tpu.memref_squeeze %dma_wait3A_1012 : memref<1x128xf32, #tpu.memory_space<vmem>> -> memref<128xf32, #tpu.memory_space<vmem>>
      %dma_wait3A_1014 = arith.constant 0 : i32
      %dma_wait3A_1015 = tpu.memref_slice %arg16[%dma_wait3A_1010, %dma_wait3A_1014] : memref<4x128xi32, #tpu.memory_space<vmem>> -> memref<1x128xi32, #tpu.memory_space<vmem>>
      %dma_wait3A_1016 = tpu.memref_squeeze %dma_wait3A_1015 : memref<1x128xi32, #tpu.memory_space<vmem>> -> memref<128xi32, #tpu.memory_space<vmem>>
      %dma_wait3A_1017 = arith.constant 0 : i32
      %dma_wait3A_1018 = tpu.memref_slice %arg14[%dma_wait3A_1017] : memref<51200xf32, #tpu.memory_space<vmem_shared>> -> memref<51200xf32, #tpu.memory_space<vmem_shared>>
      tpu.wait_indirect_dma semaphore(%arg24 : memref<!tpu.dma_semaphore, #tpu.memory_space<semaphore_mem>>) src(%dma_wait3A_1013 : memref<128xf32, #tpu.memory_space<vmem>>) dst(%dma_wait3A_1018 : memref<51200xf32, #tpu.memory_space<vmem_shared>>)
    }
    %scan3A_20 = arith.constant 104 : i32
    %barrier3A_21 = arith.constant 0 : index
    tpu.barrier barrier_id(%barrier3A_21)
    %scan3A_22 = arith.constant 0 : i32
    %scan3A_23 = arith.constant 104 : i32
    %scan3A_24 = arith.addi %scan3A_22, %scan3A_23 : i32
    %scan3A_25 = arith.constant 1 : i32
    scf.for %scan3A_51 = %scan3A_22 to %scan3A_24 step %scan3A_25  : i32 {
      %mul3A_52 = arith.constant 1 : i32
      %mul3A_53 = arith.muli %scan3A_51, %mul3A_52 : i32
      %add3A = arith.constant 0 : i32
      %add3A_54 = arith.addi %add3A, %mul3A_53 : i32
      %mul3A_55 = arith.constant 416 : i32
      %mul3A_56 = arith.muli %arg1, %mul3A_55 : i32
      %mul3A_57 = arith.constant 4 : i32
      %mul3A_58 = arith.muli %add3A_54, %mul3A_57 : i32
      %add3A_59 = arith.addi %mul3A_56, %mul3A_58 : i32
      "tpu.region"() ({
        %run_scoped3A = tpu.sem_alloc : memref<!tpu.dma_semaphore, #tpu.memory_space<semaphore_mem>>
        %dma_start3A_661 = arith.constant 0 : i32
        %dma_start3A_662 = tpu.memref_slice %arg3[%add3A_59, %dma_start3A_661] : memref<6656x128xi32, #tpu.memory_space<hbm>> -> memref<4x128xi32, #tpu.memory_space<hbm>>
        %dma_start3A_663 = arith.constant 0 : i32
        %dma_start3A_664 = tpu.memref_slice %arg3[%add3A_59, %dma_start3A_663] : memref<6656x128xi32, #tpu.memory_space<hbm>> -> memref<4x128xi32, #tpu.memory_space<hbm>>
        tpu.enqueue_dma source(%dma_start3A_664 : memref<4x128xi32, #tpu.memory_space<hbm>>) target(%arg16 : memref<4x128xi32, #tpu.memory_space<vmem>>) target_semaphore(%run_scoped3A : memref<!tpu.dma_semaphore, #tpu.memory_space<semaphore_mem>>)
        %dma_wait3A_665 = arith.constant 0 : i32
        %dma_wait3A_666 = tpu.memref_slice %arg3[%add3A_59, %dma_wait3A_665] : memref<6656x128xi32, #tpu.memory_space<hbm>> -> memref<4x128xi32, #tpu.memory_space<hbm>>
        %dma_wait3A_667 = arith.constant 0 : i32
        %dma_wait3A_668 = tpu.memref_slice %arg3[%add3A_59, %dma_wait3A_667] : memref<6656x128xi32, #tpu.memory_space<hbm>> -> memref<4x128xi32, #tpu.memory_space<hbm>>
        tpu.wait_dma2 semaphore(%run_scoped3A : memref<!tpu.dma_semaphore, #tpu.memory_space<semaphore_mem>>) src(%dma_wait3A_668 : memref<4x128xi32, #tpu.memory_space<hbm>>) dst(%arg16 : memref<4x128xi32, #tpu.memory_space<vmem>>)
        tpu.yield
      }) : () -> ()
      %dma_start3A = arith.constant 0 : i32
      %dma_start3A_60 = arith.constant 0 : i32
      %dma_start3A_61 = arith.constant 0 : i32
      %dma_start3A_62 = tpu.memref_slice %arg17[%dma_start3A_60, %dma_start3A_61] : memref<4x128xf32, #tpu.memory_space<vmem>> -> memref<1x128xf32, #tpu.memory_space<vmem>>
      %dma_start3A_63 = tpu.memref_squeeze %dma_start3A_62 : memref<1x128xf32, #tpu.memory_space<vmem>> -> memref<128xf32, #tpu.memory_space<vmem>>
      %dma_start3A_64 = arith.constant 0 : i32
      %dma_start3A_65 = tpu.memref_slice %arg16[%dma_start3A, %dma_start3A_64] : memref<4x128xi32, #tpu.memory_space<vmem>> -> memref<1x128xi32, #tpu.memory_space<vmem>>
      %dma_start3A_66 = tpu.memref_squeeze %dma_start3A_65 : memref<1x128xi32, #tpu.memory_space<vmem>> -> memref<128xi32, #tpu.memory_space<vmem>>
      %dma_start3A_67 = arith.constant 0 : i32
      %dma_start3A_68 = tpu.memref_slice %arg14[%dma_start3A_67] : memref<51200xf32, #tpu.memory_space<vmem_shared>> -> memref<51200xf32, #tpu.memory_space<vmem_shared>>
      tpu.enqueue_indirect_dma source(%dma_start3A_68 : memref<51200xf32, #tpu.memory_space<vmem_shared>>) target(%dma_start3A_63 : memref<128xf32, #tpu.memory_space<vmem>>) offsets(%dma_start3A_66 : memref<128xi32, #tpu.memory_space<vmem>>) semaphore(%arg23 : memref<!tpu.dma_semaphore, #tpu.memory_space<semaphore_mem>>)
      %dma_start3A_69 = arith.constant 1 : i32
      %dma_start3A_70 = arith.constant 1 : i32
      %dma_start3A_71 = arith.constant 0 : i32
      %dma_start3A_72 = tpu.memref_slice %arg17[%dma_start3A_70, %dma_start3A_71] : memref<4x128xf32, #tpu.memory_space<vmem>> -> memref<1x128xf32, #tpu.memory_space<vmem>>
      %dma_start3A_73 = tpu.memref_squeeze %dma_start3A_72 : memref<1x128xf32, #tpu.memory_space<vmem>> -> memref<128xf32, #tpu.memory_space<vmem>>
      %dma_start3A_74 = arith.constant 0 : i32
      %dma_start3A_75 = tpu.memref_slice %arg16[%dma_start3A_69, %dma_start3A_74] : memref<4x128xi32, #tpu.memory_space<vmem>> -> memref<1x128xi32, #tpu.memory_space<vmem>>
      %dma_start3A_76 = tpu.memref_squeeze %dma_start3A_75 : memref<1x128xi32, #tpu.memory_space<vmem>> -> memref<128xi32, #tpu.memory_space<vmem>>
      %dma_start3A_77 = arith.constant 0 : i32
      %dma_start3A_78 = tpu.memref_slice %arg14[%dma_start3A_77] : memref<51200xf32, #tpu.memory_space<vmem_shared>> -> memref<51200xf32, #tpu.memory_space<vmem_shared>>
      tpu.enqueue_indirect_dma source(%dma_start3A_78 : memref<51200xf32, #tpu.memory_space<vmem_shared>>) target(%dma_start3A_73 : memref<128xf32, #tpu.memory_space<vmem>>) offsets(%dma_start3A_76 : memref<128xi32, #tpu.memory_space<vmem>>) semaphore(%arg23 : memref<!tpu.dma_semaphore, #tpu.memory_space<semaphore_mem>>)
      %dma_start3A_79 = arith.constant 2 : i32
      %dma_start3A_80 = arith.constant 2 : i32
      %dma_start3A_81 = arith.constant 0 : i32
      %dma_start3A_82 = tpu.memref_slice %arg17[%dma_start3A_80, %dma_start3A_81] : memref<4x128xf32, #tpu.memory_space<vmem>> -> memref<1x128xf32, #tpu.memory_space<vmem>>
      %dma_start3A_83 = tpu.memref_squeeze %dma_start3A_82 : memref<1x128xf32, #tpu.memory_space<vmem>> -> memref<128xf32, #tpu.memory_space<vmem>>
      %dma_start3A_84 = arith.constant 0 : i32
      %dma_start3A_85 = tpu.memref_slice %arg16[%dma_start3A_79, %dma_start3A_84] : memref<4x128xi32, #tpu.memory_space<vmem>> -> memref<1x128xi32, #tpu.memory_space<vmem>>
      %dma_start3A_86 = tpu.memref_squeeze %dma_start3A_85 : memref<1x128xi32, #tpu.memory_space<vmem>> -> memref<128xi32, #tpu.memory_space<vmem>>
      %dma_start3A_87 = arith.constant 0 : i32
      %dma_start3A_88 = tpu.memref_slice %arg14[%dma_start3A_87] : memref<51200xf32, #tpu.memory_space<vmem_shared>> -> memref<51200xf32, #tpu.memory_space<vmem_shared>>
      tpu.enqueue_indirect_dma source(%dma_start3A_88 : memref<51200xf32, #tpu.memory_space<vmem_shared>>) target(%dma_start3A_83 : memref<128xf32, #tpu.memory_space<vmem>>) offsets(%dma_start3A_86 : memref<128xi32, #tpu.memory_space<vmem>>) semaphore(%arg23 : memref<!tpu.dma_semaphore, #tpu.memory_space<semaphore_mem>>)
      %dma_start3A_89 = arith.constant 3 : i32
      %dma_start3A_90 = arith.constant 3 : i32
      %dma_start3A_91 = arith.constant 0 : i32
      %dma_start3A_92 = tpu.memref_slice %arg17[%dma_start3A_90, %dma_start3A_91] : memref<4x128xf32, #tpu.memory_space<vmem>> -> memref<1x128xf32, #tpu.memory_space<vmem>>
      %dma_start3A_93 = tpu.memref_squeeze %dma_start3A_92 : memref<1x128xf32, #tpu.memory_space<vmem>> -> memref<128xf32, #tpu.memory_space<vmem>>
      %dma_start3A_94 = arith.constant 0 : i32
      %dma_start3A_95 = tpu.memref_slice %arg16[%dma_start3A_89, %dma_start3A_94] : memref<4x128xi32, #tpu.memory_space<vmem>> -> memref<1x128xi32, #tpu.memory_space<vmem>>
      %dma_start3A_96 = tpu.memref_squeeze %dma_start3A_95 : memref<1x128xi32, #tpu.memory_space<vmem>> -> memref<128xi32, #tpu.memory_space<vmem>>
      %dma_start3A_97 = arith.constant 0 : i32
      %dma_start3A_98 = tpu.memref_slice %arg14[%dma_start3A_97] : memref<51200xf32, #tpu.memory_space<vmem_shared>> -> memref<51200xf32, #tpu.memory_space<vmem_shared>>
      tpu.enqueue_indirect_dma source(%dma_start3A_98 : memref<51200xf32, #tpu.memory_space<vmem_shared>>) target(%dma_start3A_93 : memref<128xf32, #tpu.memory_space<vmem>>) offsets(%dma_start3A_96 : memref<128xi32, #tpu.memory_space<vmem>>) semaphore(%arg23 : memref<!tpu.dma_semaphore, #tpu.memory_space<semaphore_mem>>)
      %eq3A_99 = arith.constant 0 : i32
      %eq3A_100 = arith.cmpi eq, %arg0, %eq3A_99 : i32
      %convert_element_type3A = arith.extui %eq3A_100 : i1 to i32
      %cond3A = arith.constant 0 : i32
      %cond3A_101 = arith.cmpi ne, %convert_element_type3A, %cond3A : i32
      scf.if %cond3A_101 {
        "tpu.region"() ({
          %run_scoped3A = tpu.sem_alloc : memref<!tpu.dma_semaphore, #tpu.memory_space<semaphore_mem>>
          %dma_start3A_661 = arith.constant 0 : i32
          %dma_start3A_662 = tpu.memref_slice %arg11[%add3A_59, %dma_start3A_661] : memref<6656x128xf32, #tpu.memory_space<hbm>> -> memref<4x128xf32, #tpu.memory_space<hbm>>
          %dma_start3A_663 = arith.constant 0 : i32
          %dma_start3A_664 = tpu.memref_slice %arg11[%add3A_59, %dma_start3A_663] : memref<6656x128xf32, #tpu.memory_space<hbm>> -> memref<4x128xf32, #tpu.memory_space<hbm>>
          tpu.enqueue_dma source(%dma_start3A_664 : memref<4x128xf32, #tpu.memory_space<hbm>>) target(%arg19 : memref<4x128xf32, #tpu.memory_space<vmem>>) target_semaphore(%run_scoped3A : memref<!tpu.dma_semaphore, #tpu.memory_space<semaphore_mem>>)
          %dma_wait3A_665 = arith.constant 0 : i32
          %dma_wait3A_666 = tpu.memref_slice %arg11[%add3A_59, %dma_wait3A_665] : memref<6656x128xf32, #tpu.memory_space<hbm>> -> memref<4x128xf32, #tpu.memory_space<hbm>>
          %dma_wait3A_667 = arith.constant 0 : i32
          %dma_wait3A_668 = tpu.memref_slice %arg11[%add3A_59, %dma_wait3A_667] : memref<6656x128xf32, #tpu.memory_space<hbm>> -> memref<4x128xf32, #tpu.memory_space<hbm>>
          tpu.wait_dma2 semaphore(%run_scoped3A : memref<!tpu.dma_semaphore, #tpu.memory_space<semaphore_mem>>) src(%dma_wait3A_668 : memref<4x128xf32, #tpu.memory_space<hbm>>) dst(%arg19 : memref<4x128xf32, #tpu.memory_space<vmem>>)
          tpu.yield
        }) : () -> ()
      } else {
      }
      %eq3A_102 = arith.constant 1 : i32
      %eq3A_103 = arith.cmpi eq, %arg0, %eq3A_102 : i32
      %convert_element_type3A_104 = arith.extui %eq3A_103 : i1 to i32
      %cond3A_105 = arith.constant 0 : i32
      %cond3A_106 = arith.cmpi ne, %convert_element_type3A_104, %cond3A_105 : i32
      scf.if %cond3A_106 {
        "tpu.region"() ({
          %run_scoped3A = tpu.sem_alloc : memref<!tpu.dma_semaphore, #tpu.memory_space<semaphore_mem>>
          %dma_start3A_661 = arith.constant 0 : i32
          %dma_start3A_662 = tpu.memref_slice %arg12[%add3A_59, %dma_start3A_661] : memref<6656x128xf32, #tpu.memory_space<hbm>> -> memref<4x128xf32, #tpu.memory_space<hbm>>
          %dma_start3A_663 = arith.constant 0 : i32
          %dma_start3A_664 = tpu.memref_slice %arg12[%add3A_59, %dma_start3A_663] : memref<6656x128xf32, #tpu.memory_space<hbm>> -> memref<4x128xf32, #tpu.memory_space<hbm>>
          tpu.enqueue_dma source(%dma_start3A_664 : memref<4x128xf32, #tpu.memory_space<hbm>>) target(%arg19 : memref<4x128xf32, #tpu.memory_space<vmem>>) target_semaphore(%run_scoped3A : memref<!tpu.dma_semaphore, #tpu.memory_space<semaphore_mem>>)
          %dma_wait3A_665 = arith.constant 0 : i32
          %dma_wait3A_666 = tpu.memref_slice %arg12[%add3A_59, %dma_wait3A_665] : memref<6656x128xf32, #tpu.memory_space<hbm>> -> memref<4x128xf32, #tpu.memory_space<hbm>>
          %dma_wait3A_667 = arith.constant 0 : i32
          %dma_wait3A_668 = tpu.memref_slice %arg12[%add3A_59, %dma_wait3A_667] : memref<6656x128xf32, #tpu.memory_space<hbm>> -> memref<4x128xf32, #tpu.memory_space<hbm>>
          tpu.wait_dma2 semaphore(%run_scoped3A : memref<!tpu.dma_semaphore, #tpu.memory_space<semaphore_mem>>) src(%dma_wait3A_668 : memref<4x128xf32, #tpu.memory_space<hbm>>) dst(%arg19 : memref<4x128xf32, #tpu.memory_space<vmem>>)
          tpu.yield
        }) : () -> ()
      } else {
      }
      %dma_wait3A = arith.constant 0 : i32
      %dma_wait3A_107 = arith.constant 0 : i32
      %dma_wait3A_108 = arith.constant 0 : i32
      %dma_wait3A_109 = tpu.memref_slice %arg17[%dma_wait3A_107, %dma_wait3A_108] : memref<4x128xf32, #tpu.memory_space<vmem>> -> memref<1x128xf32, #tpu.memory_space<vmem>>
      %dma_wait3A_110 = tpu.memref_squeeze %dma_wait3A_109 : memref<1x128xf32, #tpu.memory_space<vmem>> -> memref<128xf32, #tpu.memory_space<vmem>>
      %dma_wait3A_111 = arith.constant 0 : i32
      %dma_wait3A_112 = tpu.memref_slice %arg16[%dma_wait3A, %dma_wait3A_111] : memref<4x128xi32, #tpu.memory_space<vmem>> -> memref<1x128xi32, #tpu.memory_space<vmem>>
      %dma_wait3A_113 = tpu.memref_squeeze %dma_wait3A_112 : memref<1x128xi32, #tpu.memory_space<vmem>> -> memref<128xi32, #tpu.memory_space<vmem>>
      %dma_wait3A_114 = arith.constant 0 : i32
      %dma_wait3A_115 = tpu.memref_slice %arg14[%dma_wait3A_114] : memref<51200xf32, #tpu.memory_space<vmem_shared>> -> memref<51200xf32, #tpu.memory_space<vmem_shared>>
      tpu.wait_indirect_dma semaphore(%arg23 : memref<!tpu.dma_semaphore, #tpu.memory_space<semaphore_mem>>) src(%dma_wait3A_115 : memref<51200xf32, #tpu.memory_space<vmem_shared>>) dst(%dma_wait3A_110 : memref<128xf32, #tpu.memory_space<vmem>>)
      %dma_wait3A_116 = arith.constant 1 : i32
      %dma_wait3A_117 = arith.constant 1 : i32
      %dma_wait3A_118 = arith.constant 0 : i32
      %dma_wait3A_119 = tpu.memref_slice %arg17[%dma_wait3A_117, %dma_wait3A_118] : memref<4x128xf32, #tpu.memory_space<vmem>> -> memref<1x128xf32, #tpu.memory_space<vmem>>
      %dma_wait3A_120 = tpu.memref_squeeze %dma_wait3A_119 : memref<1x128xf32, #tpu.memory_space<vmem>> -> memref<128xf32, #tpu.memory_space<vmem>>
      %dma_wait3A_121 = arith.constant 0 : i32
      %dma_wait3A_122 = tpu.memref_slice %arg16[%dma_wait3A_116, %dma_wait3A_121] : memref<4x128xi32, #tpu.memory_space<vmem>> -> memref<1x128xi32, #tpu.memory_space<vmem>>
      %dma_wait3A_123 = tpu.memref_squeeze %dma_wait3A_122 : memref<1x128xi32, #tpu.memory_space<vmem>> -> memref<128xi32, #tpu.memory_space<vmem>>
      %dma_wait3A_124 = arith.constant 0 : i32
      %dma_wait3A_125 = tpu.memref_slice %arg14[%dma_wait3A_124] : memref<51200xf32, #tpu.memory_space<vmem_shared>> -> memref<51200xf32, #tpu.memory_space<vmem_shared>>
      tpu.wait_indirect_dma semaphore(%arg23 : memref<!tpu.dma_semaphore, #tpu.memory_space<semaphore_mem>>) src(%dma_wait3A_125 : memref<51200xf32, #tpu.memory_space<vmem_shared>>) dst(%dma_wait3A_120 : memref<128xf32, #tpu.memory_space<vmem>>)
      %dma_wait3A_126 = arith.constant 2 : i32
      %dma_wait3A_127 = arith.constant 2 : i32
      %dma_wait3A_128 = arith.constant 0 : i32
      %dma_wait3A_129 = tpu.memref_slice %arg17[%dma_wait3A_127, %dma_wait3A_128] : memref<4x128xf32, #tpu.memory_space<vmem>> -> memref<1x128xf32, #tpu.memory_space<vmem>>
      %dma_wait3A_130 = tpu.memref_squeeze %dma_wait3A_129 : memref<1x128xf32, #tpu.memory_space<vmem>> -> memref<128xf32, #tpu.memory_space<vmem>>
      %dma_wait3A_131 = arith.constant 0 : i32
      %dma_wait3A_132 = tpu.memref_slice %arg16[%dma_wait3A_126, %dma_wait3A_131] : memref<4x128xi32, #tpu.memory_space<vmem>> -> memref<1x128xi32, #tpu.memory_space<vmem>>
      %dma_wait3A_133 = tpu.memref_squeeze %dma_wait3A_132 : memref<1x128xi32, #tpu.memory_space<vmem>> -> memref<128xi32, #tpu.memory_space<vmem>>
      %dma_wait3A_134 = arith.constant 0 : i32
      %dma_wait3A_135 = tpu.memref_slice %arg14[%dma_wait3A_134] : memref<51200xf32, #tpu.memory_space<vmem_shared>> -> memref<51200xf32, #tpu.memory_space<vmem_shared>>
      tpu.wait_indirect_dma semaphore(%arg23 : memref<!tpu.dma_semaphore, #tpu.memory_space<semaphore_mem>>) src(%dma_wait3A_135 : memref<51200xf32, #tpu.memory_space<vmem_shared>>) dst(%dma_wait3A_130 : memref<128xf32, #tpu.memory_space<vmem>>)
      %dma_wait3A_136 = arith.constant 3 : i32
      %dma_wait3A_137 = arith.constant 3 : i32
      %dma_wait3A_138 = arith.constant 0 : i32
      %dma_wait3A_139 = tpu.memref_slice %arg17[%dma_wait3A_137, %dma_wait3A_138] : memref<4x128xf32, #tpu.memory_space<vmem>> -> memref<1x128xf32, #tpu.memory_space<vmem>>
      %dma_wait3A_140 = tpu.memref_squeeze %dma_wait3A_139 : memref<1x128xf32, #tpu.memory_space<vmem>> -> memref<128xf32, #tpu.memory_space<vmem>>
      %dma_wait3A_141 = arith.constant 0 : i32
      %dma_wait3A_142 = tpu.memref_slice %arg16[%dma_wait3A_136, %dma_wait3A_141] : memref<4x128xi32, #tpu.memory_space<vmem>> -> memref<1x128xi32, #tpu.memory_space<vmem>>
      %dma_wait3A_143 = tpu.memref_squeeze %dma_wait3A_142 : memref<1x128xi32, #tpu.memory_space<vmem>> -> memref<128xi32, #tpu.memory_space<vmem>>
      %dma_wait3A_144 = arith.constant 0 : i32
      %dma_wait3A_145 = tpu.memref_slice %arg14[%dma_wait3A_144] : memref<51200xf32, #tpu.memory_space<vmem_shared>> -> memref<51200xf32, #tpu.memory_space<vmem_shared>>
      tpu.wait_indirect_dma semaphore(%arg23 : memref<!tpu.dma_semaphore, #tpu.memory_space<semaphore_mem>>) src(%dma_wait3A_145 : memref<51200xf32, #tpu.memory_space<vmem_shared>>) dst(%dma_wait3A_140 : memref<128xf32, #tpu.memory_space<vmem>>)
      %get3A_146 = arith.constant 0 : i32
      %get3A_147 = arith.index_cast %get3A_146 : i32 to index
      %get3A_148 = arith.constant 0 : index
      %get3A_149 = tpu.vector_load %arg19[%get3A_147, %get3A_148] {strides = array<i32>} : memref<4x128xf32, #tpu.memory_space<vmem>>, vector<16xf32>,
      %get3A_150 = arith.constant 0 : i32
      %get3A_151 = arith.index_cast %get3A_150 : i32 to index
      %get3A_152 = arith.constant 0 : index
      %get3A_153 = tpu.vector_load %arg17[%get3A_151, %get3A_152] {strides = array<i32>} : memref<4x128xf32, #tpu.memory_space<vmem>>, vector<16xf32>,
      %add3A_154 = arith.constant 1.000000e-16 : f32
      %add3A_155 = vector.broadcast %add3A_154 : f32 to vector<16xf32>
      %add3A_156 = arith.addf %get3A_153, %add3A_155 : vector<16xf32>
      %div3A = arith.divf %get3A_149, %add3A_156 : vector<16xf32>
      %swap3A = arith.constant 0 : i32
      %swap3A_157 = arith.index_cast %swap3A : i32 to index
      %swap3A_158 = arith.constant 0 : index
      %swap3A_159 = tpu.vector_load %arg18[%swap3A_157, %swap3A_158] {strides = array<i32>} : memref<4x128xf32, #tpu.memory_space<vmem>>, vector<16xf32>,
      tpu.vector_store %arg18[%swap3A_157, %swap3A_158], %div3A {strides = array<i32>} : memref<4x128xf32, #tpu.memory_space<vmem>>, vector<16xf32>,
      %get3A_160 = arith.constant 0 : i32
      %get3A_161 = arith.index_cast %get3A_160 : i32 to index
      %get3A_162 = arith.constant 16 : index
      %get3A_163 = tpu.vector_load %arg19[%get3A_161, %get3A_162] {strides = array<i32>} : memref<4x128xf32, #tpu.memory_space<vmem>>, vector<16xf32>,
      %get3A_164 = arith.constant 0 : i32
      %get3A_165 = arith.index_cast %get3A_164 : i32 to index
      %get3A_166 = arith.constant 16 : index
      %get3A_167 = tpu.vector_load %arg17[%get3A_165, %get3A_166] {strides = array<i32>} : memref<4x128xf32, #tpu.memory_space<vmem>>, vector<16xf32>,
      %add3A_168 = arith.constant 1.000000e-16 : f32
      %add3A_169 = vector.broadcast %add3A_168 : f32 to vector<16xf32>
      %add3A_170 = arith.addf %get3A_167, %add3A_169 : vector<16xf32>
      %div3A_171 = arith.divf %get3A_163, %add3A_170 : vector<16xf32>
      %swap3A_172 = arith.constant 0 : i32
      %swap3A_173 = arith.index_cast %swap3A_172 : i32 to index
      %swap3A_174 = arith.constant 16 : index
      %swap3A_175 = tpu.vector_load %arg18[%swap3A_173, %swap3A_174] {strides = array<i32>} : memref<4x128xf32, #tpu.memory_space<vmem>>, vector<16xf32>,
      tpu.vector_store %arg18[%swap3A_173, %swap3A_174], %div3A_171 {strides = array<i32>} : memref<4x128xf32, #tpu.memory_space<vmem>>, vector<16xf32>,
      %get3A_176 = arith.constant 0 : i32
      %get3A_177 = arith.index_cast %get3A_176 : i32 to index
      %get3A_178 = arith.constant 32 : index
      %get3A_179 = tpu.vector_load %arg19[%get3A_177, %get3A_178] {strides = array<i32>} : memref<4x128xf32, #tpu.memory_space<vmem>>, vector<16xf32>,
      %get3A_180 = arith.constant 0 : i32
      %get3A_181 = arith.index_cast %get3A_180 : i32 to index
      %get3A_182 = arith.constant 32 : index
      %get3A_183 = tpu.vector_load %arg17[%get3A_181, %get3A_182] {strides = array<i32>} : memref<4x128xf32, #tpu.memory_space<vmem>>, vector<16xf32>,
      %add3A_184 = arith.constant 1.000000e-16 : f32
      %add3A_185 = vector.broadcast %add3A_184 : f32 to vector<16xf32>
      %add3A_186 = arith.addf %get3A_183, %add3A_185 : vector<16xf32>
      %div3A_187 = arith.divf %get3A_179, %add3A_186 : vector<16xf32>
      %swap3A_188 = arith.constant 0 : i32
      %swap3A_189 = arith.index_cast %swap3A_188 : i32 to index
      %swap3A_190 = arith.constant 32 : index
      %swap3A_191 = tpu.vector_load %arg18[%swap3A_189, %swap3A_190] {strides = array<i32>} : memref<4x128xf32, #tpu.memory_space<vmem>>, vector<16xf32>,
      tpu.vector_store %arg18[%swap3A_189, %swap3A_190], %div3A_187 {strides = array<i32>} : memref<4x128xf32, #tpu.memory_space<vmem>>, vector<16xf32>,
      %get3A_192 = arith.constant 0 : i32
      %get3A_193 = arith.index_cast %get3A_192 : i32 to index
      %get3A_194 = arith.constant 48 : index
      %get3A_195 = tpu.vector_load %arg19[%get3A_193, %get3A_194] {strides = array<i32>} : memref<4x128xf32, #tpu.memory_space<vmem>>, vector<16xf32>,
      %get3A_196 = arith.constant 0 : i32
      %get3A_197 = arith.index_cast %get3A_196 : i32 to index
      %get3A_198 = arith.constant 48 : index
      %get3A_199 = tpu.vector_load %arg17[%get3A_197, %get3A_198] {strides = array<i32>} : memref<4x128xf32, #tpu.memory_space<vmem>>, vector<16xf32>,
      %add3A_200 = arith.constant 1.000000e-16 : f32
      %add3A_201 = vector.broadcast %add3A_200 : f32 to vector<16xf32>
      %add3A_202 = arith.addf %get3A_199, %add3A_201 : vector<16xf32>
      %div3A_203 = arith.divf %get3A_195, %add3A_202 : vector<16xf32>
      %swap3A_204 = arith.constant 0 : i32
      %swap3A_205 = arith.index_cast %swap3A_204 : i32 to index
      %swap3A_206 = arith.constant 48 : index
      %swap3A_207 = tpu.vector_load %arg18[%swap3A_205, %swap3A_206] {strides = array<i32>} : memref<4x128xf32, #tpu.memory_space<vmem>>, vector<16xf32>,
      tpu.vector_store %arg18[%swap3A_205, %swap3A_206], %div3A_203 {strides = array<i32>} : memref<4x128xf32, #tpu.memory_space<vmem>>, vector<16xf32>,
      %get3A_208 = arith.constant 0 : i32
      %get3A_209 = arith.index_cast %get3A_208 : i32 to index
      %get3A_210 = arith.constant 64 : index
      %get3A_211 = tpu.vector_load %arg19[%get3A_209, %get3A_210] {strides = array<i32>} : memref<4x128xf32, #tpu.memory_space<vmem>>, vector<16xf32>,
      %get3A_212 = arith.constant 0 : i32
      %get3A_213 = arith.index_cast %get3A_212 : i32 to index
      %get3A_214 = arith.constant 64 : index
      %get3A_215 = tpu.vector_load %arg17[%get3A_213, %get3A_214] {strides = array<i32>} : memref<4x128xf32, #tpu.memory_space<vmem>>, vector<16xf32>,
      %add3A_216 = arith.constant 1.000000e-16 : f32
      %add3A_217 = vector.broadcast %add3A_216 : f32 to vector<16xf32>
      %add3A_218 = arith.addf %get3A_215, %add3A_217 : vector<16xf32>
      %div3A_219 = arith.divf %get3A_211, %add3A_218 : vector<16xf32>
      %swap3A_220 = arith.constant 0 : i32
      %swap3A_221 = arith.index_cast %swap3A_220 : i32 to index
      %swap3A_222 = arith.constant 64 : index
      %swap3A_223 = tpu.vector_load %arg18[%swap3A_221, %swap3A_222] {strides = array<i32>} : memref<4x128xf32, #tpu.memory_space<vmem>>, vector<16xf32>,
      tpu.vector_store %arg18[%swap3A_221, %swap3A_222], %div3A_219 {strides = array<i32>} : memref<4x128xf32, #tpu.memory_space<vmem>>, vector<16xf32>,
      %get3A_224 = arith.constant 0 : i32
      %get3A_225 = arith.index_cast %get3A_224 : i32 to index
      %get3A_226 = arith.constant 80 : index
      %get3A_227 = tpu.vector_load %arg19[%get3A_225, %get3A_226] {strides = array<i32>} : memref<4x128xf32, #tpu.memory_space<vmem>>, vector<16xf32>,
      %get3A_228 = arith.constant 0 : i32
      %get3A_229 = arith.index_cast %get3A_228 : i32 to index
      %get3A_230 = arith.constant 80 : index
      %get3A_231 = tpu.vector_load %arg17[%get3A_229, %get3A_230] {strides = array<i32>} : memref<4x128xf32, #tpu.memory_space<vmem>>, vector<16xf32>,
      %add3A_232 = arith.constant 1.000000e-16 : f32
      %add3A_233 = vector.broadcast %add3A_232 : f32 to vector<16xf32>
      %add3A_234 = arith.addf %get3A_231, %add3A_233 : vector<16xf32>
      %div3A_235 = arith.divf %get3A_227, %add3A_234 : vector<16xf32>
      %swap3A_236 = arith.constant 0 : i32
      %swap3A_237 = arith.index_cast %swap3A_236 : i32 to index
      %swap3A_238 = arith.constant 80 : index
      %swap3A_239 = tpu.vector_load %arg18[%swap3A_237, %swap3A_238] {strides = array<i32>} : memref<4x128xf32, #tpu.memory_space<vmem>>, vector<16xf32>,
      tpu.vector_store %arg18[%swap3A_237, %swap3A_238], %div3A_235 {strides = array<i32>} : memref<4x128xf32, #tpu.memory_space<vmem>>, vector<16xf32>,
      %get3A_240 = arith.constant 0 : i32
      %get3A_241 = arith.index_cast %get3A_240 : i32 to index
      %get3A_242 = arith.constant 96 : index
      %get3A_243 = tpu.vector_load %arg19[%get3A_241, %get3A_242] {strides = array<i32>} : memref<4x128xf32, #tpu.memory_space<vmem>>, vector<16xf32>,
      %get3A_244 = arith.constant 0 : i32
      %get3A_245 = arith.index_cast %get3A_244 : i32 to index
      %get3A_246 = arith.constant 96 : index
      %get3A_247 = tpu.vector_load %arg17[%get3A_245, %get3A_246] {strides = array<i32>} : memref<4x128xf32, #tpu.memory_space<vmem>>, vector<16xf32>,
      %add3A_248 = arith.constant 1.000000e-16 : f32
      %add3A_249 = vector.broadcast %add3A_248 : f32 to vector<16xf32>
      %add3A_250 = arith.addf %get3A_247, %add3A_249 : vector<16xf32>
      %div3A_251 = arith.divf %get3A_243, %add3A_250 : vector<16xf32>
      %swap3A_252 = arith.constant 0 : i32
      %swap3A_253 = arith.index_cast %swap3A_252 : i32 to index
      %swap3A_254 = arith.constant 96 : index
      %swap3A_255 = tpu.vector_load %arg18[%swap3A_253, %swap3A_254] {strides = array<i32>} : memref<4x128xf32, #tpu.memory_space<vmem>>, vector<16xf32>,
      tpu.vector_store %arg18[%swap3A_253, %swap3A_254], %div3A_251 {strides = array<i32>} : memref<4x128xf32, #tpu.memory_space<vmem>>, vector<16xf32>,
      %get3A_256 = arith.constant 0 : i32
      %get3A_257 = arith.index_cast %get3A_256 : i32 to index
      %get3A_258 = arith.constant 112 : index
      %get3A_259 = tpu.vector_load %arg19[%get3A_257, %get3A_258] {strides = array<i32>} : memref<4x128xf32, #tpu.memory_space<vmem>>, vector<16xf32>,
      %get3A_260 = arith.constant 0 : i32
      %get3A_261 = arith.index_cast %get3A_260 : i32 to index
      %get3A_262 = arith.constant 112 : index
      %get3A_263 = tpu.vector_load %arg17[%get3A_261, %get3A_262] {strides = array<i32>} : memref<4x128xf32, #tpu.memory_space<vmem>>, vector<16xf32>,
      %add3A_264 = arith.constant 1.000000e-16 : f32
      %add3A_265 = vector.broadcast %add3A_264 : f32 to vector<16xf32>
      %add3A_266 = arith.addf %get3A_263, %add3A_265 : vector<16xf32>
      %div3A_267 = arith.divf %get3A_259, %add3A_266 : vector<16xf32>
      %swap3A_268 = arith.constant 0 : i32
      %swap3A_269 = arith.index_cast %swap3A_268 : i32 to index
      %swap3A_270 = arith.constant 112 : index
      %swap3A_271 = tpu.vector_load %arg18[%swap3A_269, %swap3A_270] {strides = array<i32>} : memref<4x128xf32, #tpu.memory_space<vmem>>, vector<16xf32>,
      tpu.vector_store %arg18[%swap3A_269, %swap3A_270], %div3A_267 {strides = array<i32>} : memref<4x128xf32, #tpu.memory_space<vmem>>, vector<16xf32>,
      %get3A_272 = arith.constant 1 : i32
      %get3A_273 = arith.index_cast %get3A_272 : i32 to index
      %get3A_274 = arith.constant 0 : index
      %get3A_275 = tpu.vector_load %arg19[%get3A_273, %get3A_274] {strides = array<i32>} : memref<4x128xf32, #tpu.memory_space<vmem>>, vector<16xf32>,
      %get3A_276 = arith.constant 1 : i32
      %get3A_277 = arith.index_cast %get3A_276 : i32 to index
      %get3A_278 = arith.constant 0 : index
      %get3A_279 = tpu.vector_load %arg17[%get3A_277, %get3A_278] {strides = array<i32>} : memref<4x128xf32, #tpu.memory_space<vmem>>, vector<16xf32>,
      %add3A_280 = arith.constant 1.000000e-16 : f32
      %add3A_281 = vector.broadcast %add3A_280 : f32 to vector<16xf32>
      %add3A_282 = arith.addf %get3A_279, %add3A_281 : vector<16xf32>
      %div3A_283 = arith.divf %get3A_275, %add3A_282 : vector<16xf32>
      %swap3A_284 = arith.constant 1 : i32
      %swap3A_285 = arith.index_cast %swap3A_284 : i32 to index
      %swap3A_286 = arith.constant 0 : index
      %swap3A_287 = tpu.vector_load %arg18[%swap3A_285, %swap3A_286] {strides = array<i32>} : memref<4x128xf32, #tpu.memory_space<vmem>>, vector<16xf32>,
      tpu.vector_store %arg18[%swap3A_285, %swap3A_286], %div3A_283 {strides = array<i32>} : memref<4x128xf32, #tpu.memory_space<vmem>>, vector<16xf32>,
      %get3A_288 = arith.constant 1 : i32
      %get3A_289 = arith.index_cast %get3A_288 : i32 to index
      %get3A_290 = arith.constant 16 : index
      %get3A_291 = tpu.vector_load %arg19[%get3A_289, %get3A_290] {strides = array<i32>} : memref<4x128xf32, #tpu.memory_space<vmem>>, vector<16xf32>,
      %get3A_292 = arith.constant 1 : i32
      %get3A_293 = arith.index_cast %get3A_292 : i32 to index
      %get3A_294 = arith.constant 16 : index
      %get3A_295 = tpu.vector_load %arg17[%get3A_293, %get3A_294] {strides = array<i32>} : memref<4x128xf32, #tpu.memory_space<vmem>>, vector<16xf32>,
      %add3A_296 = arith.constant 1.000000e-16 : f32
      %add3A_297 = vector.broadcast %add3A_296 : f32 to vector<16xf32>
      %add3A_298 = arith.addf %get3A_295, %add3A_297 : vector<16xf32>
      %div3A_299 = arith.divf %get3A_291, %add3A_298 : vector<16xf32>
      %swap3A_300 = arith.constant 1 : i32
      %swap3A_301 = arith.index_cast %swap3A_300 : i32 to index
      %swap3A_302 = arith.constant 16 : index
      %swap3A_303 = tpu.vector_load %arg18[%swap3A_301, %swap3A_302] {strides = array<i32>} : memref<4x128xf32, #tpu.memory_space<vmem>>, vector<16xf32>,
      tpu.vector_store %arg18[%swap3A_301, %swap3A_302], %div3A_299 {strides = array<i32>} : memref<4x128xf32, #tpu.memory_space<vmem>>, vector<16xf32>,
      %get3A_304 = arith.constant 1 : i32
      %get3A_305 = arith.index_cast %get3A_304 : i32 to index
      %get3A_306 = arith.constant 32 : index
      %get3A_307 = tpu.vector_load %arg19[%get3A_305, %get3A_306] {strides = array<i32>} : memref<4x128xf32, #tpu.memory_space<vmem>>, vector<16xf32>,
      %get3A_308 = arith.constant 1 : i32
      %get3A_309 = arith.index_cast %get3A_308 : i32 to index
      %get3A_310 = arith.constant 32 : index
      %get3A_311 = tpu.vector_load %arg17[%get3A_309, %get3A_310] {strides = array<i32>} : memref<4x128xf32, #tpu.memory_space<vmem>>, vector<16xf32>,
      %add3A_312 = arith.constant 1.000000e-16 : f32
      %add3A_313 = vector.broadcast %add3A_312 : f32 to vector<16xf32>
      %add3A_314 = arith.addf %get3A_311, %add3A_313 : vector<16xf32>
      %div3A_315 = arith.divf %get3A_307, %add3A_314 : vector<16xf32>
      %swap3A_316 = arith.constant 1 : i32
      %swap3A_317 = arith.index_cast %swap3A_316 : i32 to index
      %swap3A_318 = arith.constant 32 : index
      %swap3A_319 = tpu.vector_load %arg18[%swap3A_317, %swap3A_318] {strides = array<i32>} : memref<4x128xf32, #tpu.memory_space<vmem>>, vector<16xf32>,
      tpu.vector_store %arg18[%swap3A_317, %swap3A_318], %div3A_315 {strides = array<i32>} : memref<4x128xf32, #tpu.memory_space<vmem>>, vector<16xf32>,
      %get3A_320 = arith.constant 1 : i32
      %get3A_321 = arith.index_cast %get3A_320 : i32 to index
      %get3A_322 = arith.constant 48 : index
      %get3A_323 = tpu.vector_load %arg19[%get3A_321, %get3A_322] {strides = array<i32>} : memref<4x128xf32, #tpu.memory_space<vmem>>, vector<16xf32>,
      %get3A_324 = arith.constant 1 : i32
      %get3A_325 = arith.index_cast %get3A_324 : i32 to index
      %get3A_326 = arith.constant 48 : index
      %get3A_327 = tpu.vector_load %arg17[%get3A_325, %get3A_326] {strides = array<i32>} : memref<4x128xf32, #tpu.memory_space<vmem>>, vector<16xf32>,
      %add3A_328 = arith.constant 1.000000e-16 : f32
      %add3A_329 = vector.broadcast %add3A_328 : f32 to vector<16xf32>
      %add3A_330 = arith.addf %get3A_327, %add3A_329 : vector<16xf32>
      %div3A_331 = arith.divf %get3A_323, %add3A_330 : vector<16xf32>
      %swap3A_332 = arith.constant 1 : i32
      %swap3A_333 = arith.index_cast %swap3A_332 : i32 to index
      %swap3A_334 = arith.constant 48 : index
      %swap3A_335 = tpu.vector_load %arg18[%swap3A_333, %swap3A_334] {strides = array<i32>} : memref<4x128xf32, #tpu.memory_space<vmem>>, vector<16xf32>,
      tpu.vector_store %arg18[%swap3A_333, %swap3A_334], %div3A_331 {strides = array<i32>} : memref<4x128xf32, #tpu.memory_space<vmem>>, vector<16xf32>,
      %get3A_336 = arith.constant 1 : i32
      %get3A_337 = arith.index_cast %get3A_336 : i32 to index
      %get3A_338 = arith.constant 64 : index
      %get3A_339 = tpu.vector_load %arg19[%get3A_337, %get3A_338] {strides = array<i32>} : memref<4x128xf32, #tpu.memory_space<vmem>>, vector<16xf32>,
      %get3A_340 = arith.constant 1 : i32
      %get3A_341 = arith.index_cast %get3A_340 : i32 to index
      %get3A_342 = arith.constant 64 : index
      %get3A_343 = tpu.vector_load %arg17[%get3A_341, %get3A_342] {strides = array<i32>} : memref<4x128xf32, #tpu.memory_space<vmem>>, vector<16xf32>,
      %add3A_344 = arith.constant 1.000000e-16 : f32
      %add3A_345 = vector.broadcast %add3A_344 : f32 to vector<16xf32>
      %add3A_346 = arith.addf %get3A_343, %add3A_345 : vector<16xf32>
      %div3A_347 = arith.divf %get3A_339, %add3A_346 : vector<16xf32>
      %swap3A_348 = arith.constant 1 : i32
      %swap3A_349 = arith.index_cast %swap3A_348 : i32 to index
      %swap3A_350 = arith.constant 64 : index
      %swap3A_351 = tpu.vector_load %arg18[%swap3A_349, %swap3A_350] {strides = array<i32>} : memref<4x128xf32, #tpu.memory_space<vmem>>, vector<16xf32>,
      tpu.vector_store %arg18[%swap3A_349, %swap3A_350], %div3A_347 {strides = array<i32>} : memref<4x128xf32, #tpu.memory_space<vmem>>, vector<16xf32>,
      %get3A_352 = arith.constant 1 : i32
      %get3A_353 = arith.index_cast %get3A_352 : i32 to index
      %get3A_354 = arith.constant 80 : index
      %get3A_355 = tpu.vector_load %arg19[%get3A_353, %get3A_354] {strides = array<i32>} : memref<4x128xf32, #tpu.memory_space<vmem>>, vector<16xf32>,
      %get3A_356 = arith.constant 1 : i32
      %get3A_357 = arith.index_cast %get3A_356 : i32 to index
      %get3A_358 = arith.constant 80 : index
      %get3A_359 = tpu.vector_load %arg17[%get3A_357, %get3A_358] {strides = array<i32>} : memref<4x128xf32, #tpu.memory_space<vmem>>, vector<16xf32>,
      %add3A_360 = arith.constant 1.000000e-16 : f32
      %add3A_361 = vector.broadcast %add3A_360 : f32 to vector<16xf32>
      %add3A_362 = arith.addf %get3A_359, %add3A_361 : vector<16xf32>
      %div3A_363 = arith.divf %get3A_355, %add3A_362 : vector<16xf32>
      %swap3A_364 = arith.constant 1 : i32
      %swap3A_365 = arith.index_cast %swap3A_364 : i32 to index
      %swap3A_366 = arith.constant 80 : index
      %swap3A_367 = tpu.vector_load %arg18[%swap3A_365, %swap3A_366] {strides = array<i32>} : memref<4x128xf32, #tpu.memory_space<vmem>>, vector<16xf32>,
      tpu.vector_store %arg18[%swap3A_365, %swap3A_366], %div3A_363 {strides = array<i32>} : memref<4x128xf32, #tpu.memory_space<vmem>>, vector<16xf32>,
      %get3A_368 = arith.constant 1 : i32
      %get3A_369 = arith.index_cast %get3A_368 : i32 to index
      %get3A_370 = arith.constant 96 : index
      %get3A_371 = tpu.vector_load %arg19[%get3A_369, %get3A_370] {strides = array<i32>} : memref<4x128xf32, #tpu.memory_space<vmem>>, vector<16xf32>,
      %get3A_372 = arith.constant 1 : i32
      %get3A_373 = arith.index_cast %get3A_372 : i32 to index
      %get3A_374 = arith.constant 96 : index
      %get3A_375 = tpu.vector_load %arg17[%get3A_373, %get3A_374] {strides = array<i32>} : memref<4x128xf32, #tpu.memory_space<vmem>>, vector<16xf32>,
      %add3A_376 = arith.constant 1.000000e-16 : f32
      %add3A_377 = vector.broadcast %add3A_376 : f32 to vector<16xf32>
      %add3A_378 = arith.addf %get3A_375, %add3A_377 : vector<16xf32>
      %div3A_379 = arith.divf %get3A_371, %add3A_378 : vector<16xf32>
      %swap3A_380 = arith.constant 1 : i32
      %swap3A_381 = arith.index_cast %swap3A_380 : i32 to index
      %swap3A_382 = arith.constant 96 : index
      %swap3A_383 = tpu.vector_load %arg18[%swap3A_381, %swap3A_382] {strides = array<i32>} : memref<4x128xf32, #tpu.memory_space<vmem>>, vector<16xf32>,
      tpu.vector_store %arg18[%swap3A_381, %swap3A_382], %div3A_379 {strides = array<i32>} : memref<4x128xf32, #tpu.memory_space<vmem>>, vector<16xf32>,
      %get3A_384 = arith.constant 1 : i32
      %get3A_385 = arith.index_cast %get3A_384 : i32 to index
      %get3A_386 = arith.constant 112 : index
      %get3A_387 = tpu.vector_load %arg19[%get3A_385, %get3A_386] {strides = array<i32>} : memref<4x128xf32, #tpu.memory_space<vmem>>, vector<16xf32>,
      %get3A_388 = arith.constant 1 : i32
      %get3A_389 = arith.index_cast %get3A_388 : i32 to index
      %get3A_390 = arith.constant 112 : index
      %get3A_391 = tpu.vector_load %arg17[%get3A_389, %get3A_390] {strides = array<i32>} : memref<4x128xf32, #tpu.memory_space<vmem>>, vector<16xf32>,
      %add3A_392 = arith.constant 1.000000e-16 : f32
      %add3A_393 = vector.broadcast %add3A_392 : f32 to vector<16xf32>
      %add3A_394 = arith.addf %get3A_391, %add3A_393 : vector<16xf32>
      %div3A_395 = arith.divf %get3A_387, %add3A_394 : vector<16xf32>
      %swap3A_396 = arith.constant 1 : i32
      %swap3A_397 = arith.index_cast %swap3A_396 : i32 to index
      %swap3A_398 = arith.constant 112 : index
      %swap3A_399 = tpu.vector_load %arg18[%swap3A_397, %swap3A_398] {strides = array<i32>} : memref<4x128xf32, #tpu.memory_space<vmem>>, vector<16xf32>,
      tpu.vector_store %arg18[%swap3A_397, %swap3A_398], %div3A_395 {strides = array<i32>} : memref<4x128xf32, #tpu.memory_space<vmem>>, vector<16xf32>,
      %get3A_400 = arith.constant 2 : i32
      %get3A_401 = arith.index_cast %get3A_400 : i32 to index
      %get3A_402 = arith.constant 0 : index
      %get3A_403 = tpu.vector_load %arg19[%get3A_401, %get3A_402] {strides = array<i32>} : memref<4x128xf32, #tpu.memory_space<vmem>>, vector<16xf32>,
      %get3A_404 = arith.constant 2 : i32
      %get3A_405 = arith.index_cast %get3A_404 : i32 to index
      %get3A_406 = arith.constant 0 : index
      %get3A_407 = tpu.vector_load %arg17[%get3A_405, %get3A_406] {strides = array<i32>} : memref<4x128xf32, #tpu.memory_space<vmem>>, vector<16xf32>,
      %add3A_408 = arith.constant 1.000000e-16 : f32
      %add3A_409 = vector.broadcast %add3A_408 : f32 to vector<16xf32>
      %add3A_410 = arith.addf %get3A_407, %add3A_409 : vector<16xf32>
      %div3A_411 = arith.divf %get3A_403, %add3A_410 : vector<16xf32>
      %swap3A_412 = arith.constant 2 : i32
      %swap3A_413 = arith.index_cast %swap3A_412 : i32 to index
      %swap3A_414 = arith.constant 0 : index
      %swap3A_415 = tpu.vector_load %arg18[%swap3A_413, %swap3A_414] {strides = array<i32>} : memref<4x128xf32, #tpu.memory_space<vmem>>, vector<16xf32>,
      tpu.vector_store %arg18[%swap3A_413, %swap3A_414], %div3A_411 {strides = array<i32>} : memref<4x128xf32, #tpu.memory_space<vmem>>, vector<16xf32>,
      %get3A_416 = arith.constant 2 : i32
      %get3A_417 = arith.index_cast %get3A_416 : i32 to index
      %get3A_418 = arith.constant 16 : index
      %get3A_419 = tpu.vector_load %arg19[%get3A_417, %get3A_418] {strides = array<i32>} : memref<4x128xf32, #tpu.memory_space<vmem>>, vector<16xf32>,
      %get3A_420 = arith.constant 2 : i32
      %get3A_421 = arith.index_cast %get3A_420 : i32 to index
      %get3A_422 = arith.constant 16 : index
      %get3A_423 = tpu.vector_load %arg17[%get3A_421, %get3A_422] {strides = array<i32>} : memref<4x128xf32, #tpu.memory_space<vmem>>, vector<16xf32>,
      %add3A_424 = arith.constant 1.000000e-16 : f32
      %add3A_425 = vector.broadcast %add3A_424 : f32 to vector<16xf32>
      %add3A_426 = arith.addf %get3A_423, %add3A_425 : vector<16xf32>
      %div3A_427 = arith.divf %get3A_419, %add3A_426 : vector<16xf32>
      %swap3A_428 = arith.constant 2 : i32
      %swap3A_429 = arith.index_cast %swap3A_428 : i32 to index
      %swap3A_430 = arith.constant 16 : index
      %swap3A_431 = tpu.vector_load %arg18[%swap3A_429, %swap3A_430] {strides = array<i32>} : memref<4x128xf32, #tpu.memory_space<vmem>>, vector<16xf32>,
      tpu.vector_store %arg18[%swap3A_429, %swap3A_430], %div3A_427 {strides = array<i32>} : memref<4x128xf32, #tpu.memory_space<vmem>>, vector<16xf32>,
      %get3A_432 = arith.constant 2 : i32
      %get3A_433 = arith.index_cast %get3A_432 : i32 to index
      %get3A_434 = arith.constant 32 : index
      %get3A_435 = tpu.vector_load %arg19[%get3A_433, %get3A_434] {strides = array<i32>} : memref<4x128xf32, #tpu.memory_space<vmem>>, vector<16xf32>,
      %get3A_436 = arith.constant 2 : i32
      %get3A_437 = arith.index_cast %get3A_436 : i32 to index
      %get3A_438 = arith.constant 32 : index
      %get3A_439 = tpu.vector_load %arg17[%get3A_437, %get3A_438] {strides = array<i32>} : memref<4x128xf32, #tpu.memory_space<vmem>>, vector<16xf32>,
      %add3A_440 = arith.constant 1.000000e-16 : f32
      %add3A_441 = vector.broadcast %add3A_440 : f32 to vector<16xf32>
      %add3A_442 = arith.addf %get3A_439, %add3A_441 : vector<16xf32>
      %div3A_443 = arith.divf %get3A_435, %add3A_442 : vector<16xf32>
      %swap3A_444 = arith.constant 2 : i32
      %swap3A_445 = arith.index_cast %swap3A_444 : i32 to index
      %swap3A_446 = arith.constant 32 : index
      %swap3A_447 = tpu.vector_load %arg18[%swap3A_445, %swap3A_446] {strides = array<i32>} : memref<4x128xf32, #tpu.memory_space<vmem>>, vector<16xf32>,
      tpu.vector_store %arg18[%swap3A_445, %swap3A_446], %div3A_443 {strides = array<i32>} : memref<4x128xf32, #tpu.memory_space<vmem>>, vector<16xf32>,
      %get3A_448 = arith.constant 2 : i32
      %get3A_449 = arith.index_cast %get3A_448 : i32 to index
      %get3A_450 = arith.constant 48 : index
      %get3A_451 = tpu.vector_load %arg19[%get3A_449, %get3A_450] {strides = array<i32>} : memref<4x128xf32, #tpu.memory_space<vmem>>, vector<16xf32>,
      %get3A_452 = arith.constant 2 : i32
      %get3A_453 = arith.index_cast %get3A_452 : i32 to index
      %get3A_454 = arith.constant 48 : index
      %get3A_455 = tpu.vector_load %arg17[%get3A_453, %get3A_454] {strides = array<i32>} : memref<4x128xf32, #tpu.memory_space<vmem>>, vector<16xf32>,
      %add3A_456 = arith.constant 1.000000e-16 : f32
      %add3A_457 = vector.broadcast %add3A_456 : f32 to vector<16xf32>
      %add3A_458 = arith.addf %get3A_455, %add3A_457 : vector<16xf32>
      %div3A_459 = arith.divf %get3A_451, %add3A_458 : vector<16xf32>
      %swap3A_460 = arith.constant 2 : i32
      %swap3A_461 = arith.index_cast %swap3A_460 : i32 to index
      %swap3A_462 = arith.constant 48 : index
      %swap3A_463 = tpu.vector_load %arg18[%swap3A_461, %swap3A_462] {strides = array<i32>} : memref<4x128xf32, #tpu.memory_space<vmem>>, vector<16xf32>,
      tpu.vector_store %arg18[%swap3A_461, %swap3A_462], %div3A_459 {strides = array<i32>} : memref<4x128xf32, #tpu.memory_space<vmem>>, vector<16xf32>,
      %get3A_464 = arith.constant 2 : i32
      %get3A_465 = arith.index_cast %get3A_464 : i32 to index
      %get3A_466 = arith.constant 64 : index
      %get3A_467 = tpu.vector_load %arg19[%get3A_465, %get3A_466] {strides = array<i32>} : memref<4x128xf32, #tpu.memory_space<vmem>>, vector<16xf32>,
      %get3A_468 = arith.constant 2 : i32
      %get3A_469 = arith.index_cast %get3A_468 : i32 to index
      %get3A_470 = arith.constant 64 : index
      %get3A_471 = tpu.vector_load %arg17[%get3A_469, %get3A_470] {strides = array<i32>} : memref<4x128xf32, #tpu.memory_space<vmem>>, vector<16xf32>,
      %add3A_472 = arith.constant 1.000000e-16 : f32
      %add3A_473 = vector.broadcast %add3A_472 : f32 to vector<16xf32>
      %add3A_474 = arith.addf %get3A_471, %add3A_473 : vector<16xf32>
      %div3A_475 = arith.divf %get3A_467, %add3A_474 : vector<16xf32>
      %swap3A_476 = arith.constant 2 : i32
      %swap3A_477 = arith.index_cast %swap3A_476 : i32 to index
      %swap3A_478 = arith.constant 64 : index
      %swap3A_479 = tpu.vector_load %arg18[%swap3A_477, %swap3A_478] {strides = array<i32>} : memref<4x128xf32, #tpu.memory_space<vmem>>, vector<16xf32>,
      tpu.vector_store %arg18[%swap3A_477, %swap3A_478], %div3A_475 {strides = array<i32>} : memref<4x128xf32, #tpu.memory_space<vmem>>, vector<16xf32>,
      %get3A_480 = arith.constant 2 : i32
      %get3A_481 = arith.index_cast %get3A_480 : i32 to index
      %get3A_482 = arith.constant 80 : index
      %get3A_483 = tpu.vector_load %arg19[%get3A_481, %get3A_482] {strides = array<i32>} : memref<4x128xf32, #tpu.memory_space<vmem>>, vector<16xf32>,
      %get3A_484 = arith.constant 2 : i32
      %get3A_485 = arith.index_cast %get3A_484 : i32 to index
      %get3A_486 = arith.constant 80 : index
      %get3A_487 = tpu.vector_load %arg17[%get3A_485, %get3A_486] {strides = array<i32>} : memref<4x128xf32, #tpu.memory_space<vmem>>, vector<16xf32>,
      %add3A_488 = arith.constant 1.000000e-16 : f32
      %add3A_489 = vector.broadcast %add3A_488 : f32 to vector<16xf32>
      %add3A_490 = arith.addf %get3A_487, %add3A_489 : vector<16xf32>
      %div3A_491 = arith.divf %get3A_483, %add3A_490 : vector<16xf32>
      %swap3A_492 = arith.constant 2 : i32
      %swap3A_493 = arith.index_cast %swap3A_492 : i32 to index
      %swap3A_494 = arith.constant 80 : index
      %swap3A_495 = tpu.vector_load %arg18[%swap3A_493, %swap3A_494] {strides = array<i32>} : memref<4x128xf32, #tpu.memory_space<vmem>>, vector<16xf32>,
      tpu.vector_store %arg18[%swap3A_493, %swap3A_494], %div3A_491 {strides = array<i32>} : memref<4x128xf32, #tpu.memory_space<vmem>>, vector<16xf32>,
      %get3A_496 = arith.constant 2 : i32
      %get3A_497 = arith.index_cast %get3A_496 : i32 to index
      %get3A_498 = arith.constant 96 : index
      %get3A_499 = tpu.vector_load %arg19[%get3A_497, %get3A_498] {strides = array<i32>} : memref<4x128xf32, #tpu.memory_space<vmem>>, vector<16xf32>,
      %get3A_500 = arith.constant 2 : i32
      %get3A_501 = arith.index_cast %get3A_500 : i32 to index
      %get3A_502 = arith.constant 96 : index
      %get3A_503 = tpu.vector_load %arg17[%get3A_501, %get3A_502] {strides = array<i32>} : memref<4x128xf32, #tpu.memory_space<vmem>>, vector<16xf32>,
      %add3A_504 = arith.constant 1.000000e-16 : f32
      %add3A_505 = vector.broadcast %add3A_504 : f32 to vector<16xf32>
      %add3A_506 = arith.addf %get3A_503, %add3A_505 : vector<16xf32>
      %div3A_507 = arith.divf %get3A_499, %add3A_506 : vector<16xf32>
      %swap3A_508 = arith.constant 2 : i32
      %swap3A_509 = arith.index_cast %swap3A_508 : i32 to index
      %swap3A_510 = arith.constant 96 : index
      %swap3A_511 = tpu.vector_load %arg18[%swap3A_509, %swap3A_510] {strides = array<i32>} : memref<4x128xf32, #tpu.memory_space<vmem>>, vector<16xf32>,
      tpu.vector_store %arg18[%swap3A_509, %swap3A_510], %div3A_507 {strides = array<i32>} : memref<4x128xf32, #tpu.memory_space<vmem>>, vector<16xf32>,
      %get3A_512 = arith.constant 2 : i32
      %get3A_513 = arith.index_cast %get3A_512 : i32 to index
      %get3A_514 = arith.constant 112 : index
      %get3A_515 = tpu.vector_load %arg19[%get3A_513, %get3A_514] {strides = array<i32>} : memref<4x128xf32, #tpu.memory_space<vmem>>, vector<16xf32>,
      %get3A_516 = arith.constant 2 : i32
      %get3A_517 = arith.index_cast %get3A_516 : i32 to index
      %get3A_518 = arith.constant 112 : index
      %get3A_519 = tpu.vector_load %arg17[%get3A_517, %get3A_518] {strides = array<i32>} : memref<4x128xf32, #tpu.memory_space<vmem>>, vector<16xf32>,
      %add3A_520 = arith.constant 1.000000e-16 : f32
      %add3A_521 = vector.broadcast %add3A_520 : f32 to vector<16xf32>
      %add3A_522 = arith.addf %get3A_519, %add3A_521 : vector<16xf32>
      %div3A_523 = arith.divf %get3A_515, %add3A_522 : vector<16xf32>
      %swap3A_524 = arith.constant 2 : i32
      %swap3A_525 = arith.index_cast %swap3A_524 : i32 to index
      %swap3A_526 = arith.constant 112 : index
      %swap3A_527 = tpu.vector_load %arg18[%swap3A_525, %swap3A_526] {strides = array<i32>} : memref<4x128xf32, #tpu.memory_space<vmem>>, vector<16xf32>,
      tpu.vector_store %arg18[%swap3A_525, %swap3A_526], %div3A_523 {strides = array<i32>} : memref<4x128xf32, #tpu.memory_space<vmem>>, vector<16xf32>,
      %get3A_528 = arith.constant 3 : i32
      %get3A_529 = arith.index_cast %get3A_528 : i32 to index
      %get3A_530 = arith.constant 0 : index
      %get3A_531 = tpu.vector_load %arg19[%get3A_529, %get3A_530] {strides = array<i32>} : memref<4x128xf32, #tpu.memory_space<vmem>>, vector<16xf32>,
      %get3A_532 = arith.constant 3 : i32
      %get3A_533 = arith.index_cast %get3A_532 : i32 to index
      %get3A_534 = arith.constant 0 : index
      %get3A_535 = tpu.vector_load %arg17[%get3A_533, %get3A_534] {strides = array<i32>} : memref<4x128xf32, #tpu.memory_space<vmem>>, vector<16xf32>,
      %add3A_536 = arith.constant 1.000000e-16 : f32
      %add3A_537 = vector.broadcast %add3A_536 : f32 to vector<16xf32>
      %add3A_538 = arith.addf %get3A_535, %add3A_537 : vector<16xf32>
      %div3A_539 = arith.divf %get3A_531, %add3A_538 : vector<16xf32>
      %swap3A_540 = arith.constant 3 : i32
      %swap3A_541 = arith.index_cast %swap3A_540 : i32 to index
      %swap3A_542 = arith.constant 0 : index
      %swap3A_543 = tpu.vector_load %arg18[%swap3A_541, %swap3A_542] {strides = array<i32>} : memref<4x128xf32, #tpu.memory_space<vmem>>, vector<16xf32>,
      tpu.vector_store %arg18[%swap3A_541, %swap3A_542], %div3A_539 {strides = array<i32>} : memref<4x128xf32, #tpu.memory_space<vmem>>, vector<16xf32>,
      %get3A_544 = arith.constant 3 : i32
      %get3A_545 = arith.index_cast %get3A_544 : i32 to index
      %get3A_546 = arith.constant 16 : index
      %get3A_547 = tpu.vector_load %arg19[%get3A_545, %get3A_546] {strides = array<i32>} : memref<4x128xf32, #tpu.memory_space<vmem>>, vector<16xf32>,
      %get3A_548 = arith.constant 3 : i32
      %get3A_549 = arith.index_cast %get3A_548 : i32 to index
      %get3A_550 = arith.constant 16 : index
      %get3A_551 = tpu.vector_load %arg17[%get3A_549, %get3A_550] {strides = array<i32>} : memref<4x128xf32, #tpu.memory_space<vmem>>, vector<16xf32>,
      %add3A_552 = arith.constant 1.000000e-16 : f32
      %add3A_553 = vector.broadcast %add3A_552 : f32 to vector<16xf32>
      %add3A_554 = arith.addf %get3A_551, %add3A_553 : vector<16xf32>
      %div3A_555 = arith.divf %get3A_547, %add3A_554 : vector<16xf32>
      %swap3A_556 = arith.constant 3 : i32
      %swap3A_557 = arith.index_cast %swap3A_556 : i32 to index
      %swap3A_558 = arith.constant 16 : index
      %swap3A_559 = tpu.vector_load %arg18[%swap3A_557, %swap3A_558] {strides = array<i32>} : memref<4x128xf32, #tpu.memory_space<vmem>>, vector<16xf32>,
      tpu.vector_store %arg18[%swap3A_557, %swap3A_558], %div3A_555 {strides = array<i32>} : memref<4x128xf32, #tpu.memory_space<vmem>>, vector<16xf32>,
      %get3A_560 = arith.constant 3 : i32
      %get3A_561 = arith.index_cast %get3A_560 : i32 to index
      %get3A_562 = arith.constant 32 : index
      %get3A_563 = tpu.vector_load %arg19[%get3A_561, %get3A_562] {strides = array<i32>} : memref<4x128xf32, #tpu.memory_space<vmem>>, vector<16xf32>,
      %get3A_564 = arith.constant 3 : i32
      %get3A_565 = arith.index_cast %get3A_564 : i32 to index
      %get3A_566 = arith.constant 32 : index
      %get3A_567 = tpu.vector_load %arg17[%get3A_565, %get3A_566] {strides = array<i32>} : memref<4x128xf32, #tpu.memory_space<vmem>>, vector<16xf32>,
      %add3A_568 = arith.constant 1.000000e-16 : f32
      %add3A_569 = vector.broadcast %add3A_568 : f32 to vector<16xf32>
      %add3A_570 = arith.addf %get3A_567, %add3A_569 : vector<16xf32>
      %div3A_571 = arith.divf %get3A_563, %add3A_570 : vector<16xf32>
      %swap3A_572 = arith.constant 3 : i32
      %swap3A_573 = arith.index_cast %swap3A_572 : i32 to index
      %swap3A_574 = arith.constant 32 : index
      %swap3A_575 = tpu.vector_load %arg18[%swap3A_573, %swap3A_574] {strides = array<i32>} : memref<4x128xf32, #tpu.memory_space<vmem>>, vector<16xf32>,
      tpu.vector_store %arg18[%swap3A_573, %swap3A_574], %div3A_571 {strides = array<i32>} : memref<4x128xf32, #tpu.memory_space<vmem>>, vector<16xf32>,
      %get3A_576 = arith.constant 3 : i32
      %get3A_577 = arith.index_cast %get3A_576 : i32 to index
      %get3A_578 = arith.constant 48 : index
      %get3A_579 = tpu.vector_load %arg19[%get3A_577, %get3A_578] {strides = array<i32>} : memref<4x128xf32, #tpu.memory_space<vmem>>, vector<16xf32>,
      %get3A_580 = arith.constant 3 : i32
      %get3A_581 = arith.index_cast %get3A_580 : i32 to index
      %get3A_582 = arith.constant 48 : index
      %get3A_583 = tpu.vector_load %arg17[%get3A_581, %get3A_582] {strides = array<i32>} : memref<4x128xf32, #tpu.memory_space<vmem>>, vector<16xf32>,
      %add3A_584 = arith.constant 1.000000e-16 : f32
      %add3A_585 = vector.broadcast %add3A_584 : f32 to vector<16xf32>
      %add3A_586 = arith.addf %get3A_583, %add3A_585 : vector<16xf32>
      %div3A_587 = arith.divf %get3A_579, %add3A_586 : vector<16xf32>
      %swap3A_588 = arith.constant 3 : i32
      %swap3A_589 = arith.index_cast %swap3A_588 : i32 to index
      %swap3A_590 = arith.constant 48 : index
      %swap3A_591 = tpu.vector_load %arg18[%swap3A_589, %swap3A_590] {strides = array<i32>} : memref<4x128xf32, #tpu.memory_space<vmem>>, vector<16xf32>,
      tpu.vector_store %arg18[%swap3A_589, %swap3A_590], %div3A_587 {strides = array<i32>} : memref<4x128xf32, #tpu.memory_space<vmem>>, vector<16xf32>,
      %get3A_592 = arith.constant 3 : i32
      %get3A_593 = arith.index_cast %get3A_592 : i32 to index
      %get3A_594 = arith.constant 64 : index
      %get3A_595 = tpu.vector_load %arg19[%get3A_593, %get3A_594] {strides = array<i32>} : memref<4x128xf32, #tpu.memory_space<vmem>>, vector<16xf32>,
      %get3A_596 = arith.constant 3 : i32
      %get3A_597 = arith.index_cast %get3A_596 : i32 to index
      %get3A_598 = arith.constant 64 : index
      %get3A_599 = tpu.vector_load %arg17[%get3A_597, %get3A_598] {strides = array<i32>} : memref<4x128xf32, #tpu.memory_space<vmem>>, vector<16xf32>,
      %add3A_600 = arith.constant 1.000000e-16 : f32
      %add3A_601 = vector.broadcast %add3A_600 : f32 to vector<16xf32>
      %add3A_602 = arith.addf %get3A_599, %add3A_601 : vector<16xf32>
      %div3A_603 = arith.divf %get3A_595, %add3A_602 : vector<16xf32>
      %swap3A_604 = arith.constant 3 : i32
      %swap3A_605 = arith.index_cast %swap3A_604 : i32 to index
      %swap3A_606 = arith.constant 64 : index
      %swap3A_607 = tpu.vector_load %arg18[%swap3A_605, %swap3A_606] {strides = array<i32>} : memref<4x128xf32, #tpu.memory_space<vmem>>, vector<16xf32>,
      tpu.vector_store %arg18[%swap3A_605, %swap3A_606], %div3A_603 {strides = array<i32>} : memref<4x128xf32, #tpu.memory_space<vmem>>, vector<16xf32>,
      %get3A_608 = arith.constant 3 : i32
      %get3A_609 = arith.index_cast %get3A_608 : i32 to index
      %get3A_610 = arith.constant 80 : index
      %get3A_611 = tpu.vector_load %arg19[%get3A_609, %get3A_610] {strides = array<i32>} : memref<4x128xf32, #tpu.memory_space<vmem>>, vector<16xf32>,
      %get3A_612 = arith.constant 3 : i32
      %get3A_613 = arith.index_cast %get3A_612 : i32 to index
      %get3A_614 = arith.constant 80 : index
      %get3A_615 = tpu.vector_load %arg17[%get3A_613, %get3A_614] {strides = array<i32>} : memref<4x128xf32, #tpu.memory_space<vmem>>, vector<16xf32>,
      %add3A_616 = arith.constant 1.000000e-16 : f32
      %add3A_617 = vector.broadcast %add3A_616 : f32 to vector<16xf32>
      %add3A_618 = arith.addf %get3A_615, %add3A_617 : vector<16xf32>
      %div3A_619 = arith.divf %get3A_611, %add3A_618 : vector<16xf32>
      %swap3A_620 = arith.constant 3 : i32
      %swap3A_621 = arith.index_cast %swap3A_620 : i32 to index
      %swap3A_622 = arith.constant 80 : index
      %swap3A_623 = tpu.vector_load %arg18[%swap3A_621, %swap3A_622] {strides = array<i32>} : memref<4x128xf32, #tpu.memory_space<vmem>>, vector<16xf32>,
      tpu.vector_store %arg18[%swap3A_621, %swap3A_622], %div3A_619 {strides = array<i32>} : memref<4x128xf32, #tpu.memory_space<vmem>>, vector<16xf32>,
      %get3A_624 = arith.constant 3 : i32
      %get3A_625 = arith.index_cast %get3A_624 : i32 to index
      %get3A_626 = arith.constant 96 : index
      %get3A_627 = tpu.vector_load %arg19[%get3A_625, %get3A_626] {strides = array<i32>} : memref<4x128xf32, #tpu.memory_space<vmem>>, vector<16xf32>,
      %get3A_628 = arith.constant 3 : i32
      %get3A_629 = arith.index_cast %get3A_628 : i32 to index
      %get3A_630 = arith.constant 96 : index
      %get3A_631 = tpu.vector_load %arg17[%get3A_629, %get3A_630] {strides = array<i32>} : memref<4x128xf32, #tpu.memory_space<vmem>>, vector<16xf32>,
      %add3A_632 = arith.constant 1.000000e-16 : f32
      %add3A_633 = vector.broadcast %add3A_632 : f32 to vector<16xf32>
      %add3A_634 = arith.addf %get3A_631, %add3A_633 : vector<16xf32>
      %div3A_635 = arith.divf %get3A_627, %add3A_634 : vector<16xf32>
      %swap3A_636 = arith.constant 3 : i32
      %swap3A_637 = arith.index_cast %swap3A_636 : i32 to index
      %swap3A_638 = arith.constant 96 : index
      %swap3A_639 = tpu.vector_load %arg18[%swap3A_637, %swap3A_638] {strides = array<i32>} : memref<4x128xf32, #tpu.memory_space<vmem>>, vector<16xf32>,
      tpu.vector_store %arg18[%swap3A_637, %swap3A_638], %div3A_635 {strides = array<i32>} : memref<4x128xf32, #tpu.memory_space<vmem>>, vector<16xf32>,
      %get3A_640 = arith.constant 3 : i32
      %get3A_641 = arith.index_cast %get3A_640 : i32 to index
      %get3A_642 = arith.constant 112 : index
      %get3A_643 = tpu.vector_load %arg19[%get3A_641, %get3A_642] {strides = array<i32>} : memref<4x128xf32, #tpu.memory_space<vmem>>, vector<16xf32>,
      %get3A_644 = arith.constant 3 : i32
      %get3A_645 = arith.index_cast %get3A_644 : i32 to index
      %get3A_646 = arith.constant 112 : index
      %get3A_647 = tpu.vector_load %arg17[%get3A_645, %get3A_646] {strides = array<i32>} : memref<4x128xf32, #tpu.memory_space<vmem>>, vector<16xf32>,
      %add3A_648 = arith.constant 1.000000e-16 : f32
      %add3A_649 = vector.broadcast %add3A_648 : f32 to vector<16xf32>
      %add3A_650 = arith.addf %get3A_647, %add3A_649 : vector<16xf32>
      %div3A_651 = arith.divf %get3A_643, %add3A_650 : vector<16xf32>
      %swap3A_652 = arith.constant 3 : i32
      %swap3A_653 = arith.index_cast %swap3A_652 : i32 to index
      %swap3A_654 = arith.constant 112 : index
      %swap3A_655 = tpu.vector_load %arg18[%swap3A_653, %swap3A_654] {strides = array<i32>} : memref<4x128xf32, #tpu.memory_space<vmem>>, vector<16xf32>,
      tpu.vector_store %arg18[%swap3A_653, %swap3A_654], %div3A_651 {strides = array<i32>} : memref<4x128xf32, #tpu.memory_space<vmem>>, vector<16xf32>,
      %eq3A_656 = arith.constant 0 : i32
      %eq3A_657 = arith.cmpi eq, %arg0, %eq3A_656 : i32
      %convert_element_type3A_658 = arith.extui %eq3A_657 : i1 to i32
      %cond3A_659 = arith.constant 0 : i32
      %cond3A_660 = arith.cmpi ne, %convert_element_type3A_658, %cond3A_659 : i32
      scf.if %cond3A_660 {
        "tpu.region"() ({
          %run_scoped3A = tpu.sem_alloc : memref<!tpu.dma_semaphore, #tpu.memory_space<semaphore_mem>>
          %dma_start3A_661 = arith.constant 0 : i32
          %dma_start3A_662 = tpu.memref_slice %arg11[%add3A_59, %dma_start3A_661] : memref<6656x128xf32, #tpu.memory_space<hbm>> -> memref<4x128xf32, #tpu.memory_space<hbm>>
          %dma_start3A_663 = arith.constant 0 : i32
          %dma_start3A_664 = tpu.memref_slice %arg11[%add3A_59, %dma_start3A_663] : memref<6656x128xf32, #tpu.memory_space<hbm>> -> memref<4x128xf32, #tpu.memory_space<hbm>>
          tpu.enqueue_dma source(%arg18 : memref<4x128xf32, #tpu.memory_space<vmem>>) target(%dma_start3A_664 : memref<4x128xf32, #tpu.memory_space<hbm>>) target_semaphore(%run_scoped3A : memref<!tpu.dma_semaphore, #tpu.memory_space<semaphore_mem>>)
          %dma_wait3A_665 = arith.constant 0 : i32
          %dma_wait3A_666 = tpu.memref_slice %arg11[%add3A_59, %dma_wait3A_665] : memref<6656x128xf32, #tpu.memory_space<hbm>> -> memref<4x128xf32, #tpu.memory_space<hbm>>
          %dma_wait3A_667 = arith.constant 0 : i32
          %dma_wait3A_668 = tpu.memref_slice %arg11[%add3A_59, %dma_wait3A_667] : memref<6656x128xf32, #tpu.memory_space<hbm>> -> memref<4x128xf32, #tpu.memory_space<hbm>>
          tpu.wait_dma2 semaphore(%run_scoped3A : memref<!tpu.dma_semaphore, #tpu.memory_space<semaphore_mem>>) src(%arg18 : memref<4x128xf32, #tpu.memory_space<vmem>>) dst(%dma_wait3A_668 : memref<4x128xf32, #tpu.memory_space<hbm>>)
          tpu.yield
        }) : () -> ()
      } else {
      }
    }
    %scan3A_26 = arith.constant 104 : i32
    %barrier3A_27 = arith.constant 0 : index
    tpu.barrier barrier_id(%barrier3A_27)
    %eq3A = arith.constant 0 : i32
    %eq3A_28 = arith.cmpi eq, %arg0, %eq3A : i32
    %broadcast_in_dim3A_29 = vector.broadcast %eq3A_28 : i1 to vector<16xi1>
    %get3A = arith.constant 0 : i32
    %get3A_30 = arith.index_cast %get3A : i32 to index
    %get3A_31 = arith.constant 0 : index
    %get3A_32 = tpu.vector_load %arg22[%get3A_30, %get3A_31] {strides = array<i32>} : memref<2x32xf32, #tpu.memory_space<vmem>>, vector<16xf32>,
    %get3A_33 = arith.constant 1 : i32
    %get3A_34 = arith.index_cast %get3A_33 : i32 to index
    %get3A_35 = arith.constant 0 : index
    %get3A_36 = tpu.vector_load %arg22[%get3A_34, %get3A_35] {strides = array<i32>} : memref<2x32xf32, #tpu.memory_space<vmem>>, vector<16xf32>,
    %select_n3A = arith.select %broadcast_in_dim3A_29, %get3A_32, %get3A_36 : vector<16xi1>, vector<16xf32>
    %get3A_37 = arith.constant 0 : i32
    %get3A_38 = arith.index_cast %get3A_37 : i32 to index
    %get3A_39 = arith.constant 16 : index
    %get3A_40 = tpu.vector_load %arg22[%get3A_38, %get3A_39] {strides = array<i32>} : memref<2x32xf32, #tpu.memory_space<vmem>>, vector<16xf32>,
    %get3A_41 = arith.constant 1 : i32
    %get3A_42 = arith.index_cast %get3A_41 : i32 to index
    %get3A_43 = arith.constant 16 : index
    %get3A_44 = tpu.vector_load %arg22[%get3A_42, %get3A_43] {strides = array<i32>} : memref<2x32xf32, #tpu.memory_space<vmem>>, vector<16xf32>,
    %select_n3A_45 = arith.select %broadcast_in_dim3A_29, %get3A_40, %get3A_44 : vector<16xi1>, vector<16xf32>
    %scan3A_46 = arith.constant 0 : i32
    %scan3A_47 = arith.constant 25 : i32
    %scan3A_48 = arith.addi %scan3A_46, %scan3A_47 : i32
    %scan3A_49 = arith.constant 1 : i32
    scf.for %scan3A_51 = %scan3A_46 to %scan3A_48 step %scan3A_49  : i32 {
      %mul3A_52 = arith.constant 1 : i32
      %mul3A_53 = arith.muli %scan3A_51, %mul3A_52 : i32
      %add3A = arith.constant 0 : i32
      %add3A_54 = arith.addi %add3A, %mul3A_53 : i32
      %mul3A_55 = arith.constant 128 : i32
      %mul3A_56 = arith.muli %add3A_54, %mul3A_55 : i32
      %add3A_57 = arith.addi %mul3A_0, %mul3A_56 : i32
      %dma_start3A = arith.constant 0 : i32
      %dma_start3A_58 = arith.constant 0 : i32
      %dma_start3A_59 = tpu.memref_slice %arg20[%dma_start3A, %dma_start3A_58] : memref<512x32xf32, #tpu.memory_space<vmem>> -> memref<128x32xf32, #tpu.memory_space<vmem>>
      %dma_start3A_60 = arith.constant 0 : i32
      %dma_start3A_61 = tpu.memref_slice %arg13[%add3A_57, %dma_start3A_60] : memref<51200x32xf32, #tpu.memory_space<vmem_shared>> -> memref<128x32xf32, #tpu.memory_space<vmem_shared>>
      %dma_start3A_62 = arith.constant 0 : i32
      %dma_start3A_63 = arith.constant 0 : i32
      %dma_start3A_64 = tpu.memref_slice %arg20[%dma_start3A_62, %dma_start3A_63] : memref<512x32xf32, #tpu.memory_space<vmem>> -> memref<128x32xf32, #tpu.memory_space<vmem>>
      %dma_start3A_65 = arith.constant 0 : i32
      %dma_start3A_66 = tpu.memref_slice %arg13[%add3A_57, %dma_start3A_65] : memref<51200x32xf32, #tpu.memory_space<vmem_shared>> -> memref<128x32xf32, #tpu.memory_space<vmem_shared>>
      tpu.enqueue_dma source(%dma_start3A_66 : memref<128x32xf32, #tpu.memory_space<vmem_shared>>) target(%dma_start3A_64 : memref<128x32xf32, #tpu.memory_space<vmem>>) target_semaphore(%arg23 : memref<!tpu.dma_semaphore, #tpu.memory_space<semaphore_mem>>)
      %dma_start3A_67 = tpu.memref_slice %arg14[%add3A_57] : memref<51200xf32, #tpu.memory_space<vmem_shared>> -> memref<128xf32, #tpu.memory_space<vmem_shared>>
      %dma_start3A_68 = tpu.memref_slice %arg14[%add3A_57] : memref<51200xf32, #tpu.memory_space<vmem_shared>> -> memref<128xf32, #tpu.memory_space<vmem_shared>>
      tpu.enqueue_dma source(%dma_start3A_68 : memref<128xf32, #tpu.memory_space<vmem_shared>>) target(%arg21 : memref<128xf32, #tpu.memory_space<vmem>>) target_semaphore(%arg23 : memref<!tpu.dma_semaphore, #tpu.memory_space<semaphore_mem>>)
      %dma_wait3A = arith.constant 0 : i32
      %dma_wait3A_69 = arith.constant 0 : i32
      %dma_wait3A_70 = tpu.memref_slice %arg20[%dma_wait3A, %dma_wait3A_69] : memref<512x32xf32, #tpu.memory_space<vmem>> -> memref<128x32xf32, #tpu.memory_space<vmem>>
      %dma_wait3A_71 = arith.constant 0 : i32
      %dma_wait3A_72 = tpu.memref_slice %arg13[%add3A_57, %dma_wait3A_71] : memref<51200x32xf32, #tpu.memory_space<vmem_shared>> -> memref<128x32xf32, #tpu.memory_space<vmem_shared>>
      %dma_wait3A_73 = arith.constant 0 : i32
      %dma_wait3A_74 = arith.constant 0 : i32
      %dma_wait3A_75 = tpu.memref_slice %arg20[%dma_wait3A_73, %dma_wait3A_74] : memref<512x32xf32, #tpu.memory_space<vmem>> -> memref<128x32xf32, #tpu.memory_space<vmem>>
      %dma_wait3A_76 = arith.constant 0 : i32
      %dma_wait3A_77 = tpu.memref_slice %arg13[%add3A_57, %dma_wait3A_76] : memref<51200x32xf32, #tpu.memory_space<vmem_shared>> -> memref<128x32xf32, #tpu.memory_space<vmem_shared>>
      tpu.wait_dma2 semaphore(%arg23 : memref<!tpu.dma_semaphore, #tpu.memory_space<semaphore_mem>>) src(%dma_wait3A_77 : memref<128x32xf32, #tpu.memory_space<vmem_shared>>) dst(%dma_wait3A_75 : memref<128x32xf32, #tpu.memory_space<vmem>>)
      %dma_wait3A_78 = tpu.memref_slice %arg14[%add3A_57] : memref<51200xf32, #tpu.memory_space<vmem_shared>> -> memref<128xf32, #tpu.memory_space<vmem_shared>>
      %dma_wait3A_79 = tpu.memref_slice %arg14[%add3A_57] : memref<51200xf32, #tpu.memory_space<vmem_shared>> -> memref<128xf32, #tpu.memory_space<vmem_shared>>
      tpu.wait_dma2 semaphore(%arg23 : memref<!tpu.dma_semaphore, #tpu.memory_space<semaphore_mem>>) src(%dma_wait3A_79 : memref<128xf32, #tpu.memory_space<vmem_shared>>) dst(%arg21 : memref<128xf32, #tpu.memory_space<vmem>>)
      %scan3A_80 = arith.constant 0 : i32
      %scan3A_81 = arith.constant 8 : i32
      %scan3A_82 = arith.addi %scan3A_80, %scan3A_81 : i32
      %scan3A_83 = arith.constant 1 : i32
      scf.for %scan3A_98 = %scan3A_80 to %scan3A_82 step %scan3A_83  : i32 {
        %mul3A_99 = arith.constant 1 : i32
        %mul3A_100 = arith.muli %scan3A_98, %mul3A_99 : i32
        %add3A_101 = arith.constant 0 : i32
        %add3A_102 = arith.addi %add3A_101, %mul3A_100 : i32
        %mul3A_103 = arith.constant 16 : i32
        %mul3A_104 = arith.muli %add3A_102, %mul3A_103 : i32
        %get3A_105 = arith.index_cast %mul3A_104 : i32 to index
        %get3A_106 = tpu.vector_load %arg21[%get3A_105] {strides = array<i32>} : memref<128xf32, #tpu.memory_space<vmem>>, vector<16xf32>,
        %add3A_107 = arith.constant 1.000000e-16 : f32
        %add3A_108 = vector.broadcast %add3A_107 : f32 to vector<16xf32>
        %add3A_109 = arith.addf %get3A_106, %add3A_108 : vector<16xf32>
        %div3A = arith.constant 1.000000e+00 : f32
        %div3A_110 = vector.broadcast %div3A : f32 to vector<16xf32>
        %div3A_111 = arith.divf %div3A_110, %add3A_109 : vector<16xf32>
        %swap3A = arith.index_cast %mul3A_104 : i32 to index
        %swap3A_112 = tpu.vector_load %arg21[%swap3A] {strides = array<i32>} : memref<128xf32, #tpu.memory_space<vmem>>, vector<16xf32>,
        tpu.vector_store %arg21[%swap3A], %div3A_111 {strides = array<i32>} : memref<128xf32, #tpu.memory_space<vmem>>, vector<16xf32>,
      }
      %scan3A_84 = arith.constant 8 : i32
      %scan3A_85 = arith.constant 0 : i32
      %scan3A_86 = arith.constant 128 : i32
      %scan3A_87 = arith.addi %scan3A_85, %scan3A_86 : i32
      %scan3A_88 = arith.constant 4 : i32
      scf.for %scan3A_98 = %scan3A_85 to %scan3A_87 step %scan3A_88  : i32 {
        %mul3A_99 = arith.constant 1 : i32
        %mul3A_100 = arith.muli %scan3A_98, %mul3A_99 : i32
        %add3A_101 = arith.constant 0 : i32
        %add3A_102 = arith.addi %add3A_101, %mul3A_100 : i32
        %broadcast_in_dim3A_103 = vector.broadcast %add3A_102 : i32 to vector<16xi32>
        %gather3A = tpu.vector_load_idx %arg21[%broadcast_in_dim3A_103] : memref<128xf32, #tpu.memory_space<vmem>>[vector<16xi32>], vector<16xf32>,
        %get3A_104 = arith.index_cast %add3A_102 : i32 to index
        %get3A_105 = arith.constant 0 : index
        %get3A_106 = tpu.vector_load %arg20[%get3A_104, %get3A_105] {strides = array<i32>} : memref<512x32xf32, #tpu.memory_space<vmem>>, vector<16xf32>,
        %mul3A_107 = arith.mulf %get3A_106, %gather3A : vector<16xf32>
        %add3A_108 = arith.addf %mul3A_107, %select_n3A : vector<16xf32>
        %mul3A_109 = arith.constant 0.00999999977 : f32
        %mul3A_110 = vector.broadcast %mul3A_109 : f32 to vector<16xf32>
        %mul3A_111 = arith.mulf %mul3A_110, %add3A_108 : vector<16xf32>
        %max3A = arith.maximumf %add3A_108, %mul3A_111 : vector<16xf32>
        %swap3A = arith.index_cast %add3A_102 : i32 to index
        %swap3A_112 = arith.constant 0 : index
        %swap3A_113 = tpu.vector_load %arg20[%swap3A, %swap3A_112] {strides = array<i32>} : memref<512x32xf32, #tpu.memory_space<vmem>>, vector<16xf32>,
        tpu.vector_store %arg20[%swap3A, %swap3A_112], %max3A {strides = array<i32>} : memref<512x32xf32, #tpu.memory_space<vmem>>, vector<16xf32>,
        %get3A_114 = arith.index_cast %add3A_102 : i32 to index
        %get3A_115 = arith.constant 16 : index
        %get3A_116 = tpu.vector_load %arg20[%get3A_114, %get3A_115] {strides = array<i32>} : memref<512x32xf32, #tpu.memory_space<vmem>>, vector<16xf32>,
        %mul3A_117 = arith.mulf %get3A_116, %gather3A : vector<16xf32>
        %add3A_118 = arith.addf %mul3A_117, %select_n3A_45 : vector<16xf32>
        %mul3A_119 = arith.constant 0.00999999977 : f32
        %mul3A_120 = vector.broadcast %mul3A_119 : f32 to vector<16xf32>
        %mul3A_121 = arith.mulf %mul3A_120, %add3A_118 : vector<16xf32>
        %max3A_122 = arith.maximumf %add3A_118, %mul3A_121 : vector<16xf32>
        %swap3A_123 = arith.index_cast %add3A_102 : i32 to index
        %swap3A_124 = arith.constant 16 : index
        %swap3A_125 = tpu.vector_load %arg20[%swap3A_123, %swap3A_124] {strides = array<i32>} : memref<512x32xf32, #tpu.memory_space<vmem>>, vector<16xf32>,
        tpu.vector_store %arg20[%swap3A_123, %swap3A_124], %max3A_122 {strides = array<i32>} : memref<512x32xf32, #tpu.memory_space<vmem>>, vector<16xf32>,
        %scan3A_126 = arith.constant 1 : i32
        %scan3A_127 = arith.addi %scan3A_98, %scan3A_126 : i32
        %mul3A_128 = arith.constant 1 : i32
        %mul3A_129 = arith.muli %scan3A_127, %mul3A_128 : i32
        %add3A_130 = arith.constant 0 : i32
        %add3A_131 = arith.addi %add3A_130, %mul3A_129 : i32
        %broadcast_in_dim3A_132 = vector.broadcast %add3A_131 : i32 to vector<16xi32>
        %gather3A_133 = tpu.vector_load_idx %arg21[%broadcast_in_dim3A_132] : memref<128xf32, #tpu.memory_space<vmem>>[vector<16xi32>], vector<16xf32>,
        %get3A_134 = arith.index_cast %add3A_131 : i32 to index
        %get3A_135 = arith.constant 0 : index
        %get3A_136 = tpu.vector_load %arg20[%get3A_134, %get3A_135] {strides = array<i32>} : memref<512x32xf32, #tpu.memory_space<vmem>>, vector<16xf32>,
        %mul3A_137 = arith.mulf %get3A_136, %gather3A_133 : vector<16xf32>
        %add3A_138 = arith.addf %mul3A_137, %select_n3A : vector<16xf32>
        %mul3A_139 = arith.constant 0.00999999977 : f32
        %mul3A_140 = vector.broadcast %mul3A_139 : f32 to vector<16xf32>
        %mul3A_141 = arith.mulf %mul3A_140, %add3A_138 : vector<16xf32>
        %max3A_142 = arith.maximumf %add3A_138, %mul3A_141 : vector<16xf32>
        %swap3A_143 = arith.index_cast %add3A_131 : i32 to index
        %swap3A_144 = arith.constant 0 : index
        %swap3A_145 = tpu.vector_load %arg20[%swap3A_143, %swap3A_144] {strides = array<i32>} : memref<512x32xf32, #tpu.memory_space<vmem>>, vector<16xf32>,
        tpu.vector_store %arg20[%swap3A_143, %swap3A_144], %max3A_142 {strides = array<i32>} : memref<512x32xf32, #tpu.memory_space<vmem>>, vector<16xf32>,
        %get3A_146 = arith.index_cast %add3A_131 : i32 to index
        %get3A_147 = arith.constant 16 : index
        %get3A_148 = tpu.vector_load %arg20[%get3A_146, %get3A_147] {strides = array<i32>} : memref<512x32xf32, #tpu.memory_space<vmem>>, vector<16xf32>,
        %mul3A_149 = arith.mulf %get3A_148, %gather3A_133 : vector<16xf32>
        %add3A_150 = arith.addf %mul3A_149, %select_n3A_45 : vector<16xf32>
        %mul3A_151 = arith.constant 0.00999999977 : f32
        %mul3A_152 = vector.broadcast %mul3A_151 : f32 to vector<16xf32>
        %mul3A_153 = arith.mulf %mul3A_152, %add3A_150 : vector<16xf32>
        %max3A_154 = arith.maximumf %add3A_150, %mul3A_153 : vector<16xf32>
        %swap3A_155 = arith.index_cast %add3A_131 : i32 to index
        %swap3A_156 = arith.constant 16 : index
        %swap3A_157 = tpu.vector_load %arg20[%swap3A_155, %swap3A_156] {strides = array<i32>} : memref<512x32xf32, #tpu.memory_space<vmem>>, vector<16xf32>,
        tpu.vector_store %arg20[%swap3A_155, %swap3A_156], %max3A_154 {strides = array<i32>} : memref<512x32xf32, #tpu.memory_space<vmem>>, vector<16xf32>,
        %scan3A_158 = arith.constant 2 : i32
        %scan3A_159 = arith.addi %scan3A_98, %scan3A_158 : i32
        %mul3A_160 = arith.constant 1 : i32
        %mul3A_161 = arith.muli %scan3A_159, %mul3A_160 : i32
        %add3A_162 = arith.constant 0 : i32
        %add3A_163 = arith.addi %add3A_162, %mul3A_161 : i32
        %broadcast_in_dim3A_164 = vector.broadcast %add3A_163 : i32 to vector<16xi32>
        %gather3A_165 = tpu.vector_load_idx %arg21[%broadcast_in_dim3A_164] : memref<128xf32, #tpu.memory_space<vmem>>[vector<16xi32>], vector<16xf32>,
        %get3A_166 = arith.index_cast %add3A_163 : i32 to index
        %get3A_167 = arith.constant 0 : index
        %get3A_168 = tpu.vector_load %arg20[%get3A_166, %get3A_167] {strides = array<i32>} : memref<512x32xf32, #tpu.memory_space<vmem>>, vector<16xf32>,
        %mul3A_169 = arith.mulf %get3A_168, %gather3A_165 : vector<16xf32>
        %add3A_170 = arith.addf %mul3A_169, %select_n3A : vector<16xf32>
        %mul3A_171 = arith.constant 0.00999999977 : f32
        %mul3A_172 = vector.broadcast %mul3A_171 : f32 to vector<16xf32>
        %mul3A_173 = arith.mulf %mul3A_172, %add3A_170 : vector<16xf32>
        %max3A_174 = arith.maximumf %add3A_170, %mul3A_173 : vector<16xf32>
        %swap3A_175 = arith.index_cast %add3A_163 : i32 to index
        %swap3A_176 = arith.constant 0 : index
        %swap3A_177 = tpu.vector_load %arg20[%swap3A_175, %swap3A_176] {strides = array<i32>} : memref<512x32xf32, #tpu.memory_space<vmem>>, vector<16xf32>,
        tpu.vector_store %arg20[%swap3A_175, %swap3A_176], %max3A_174 {strides = array<i32>} : memref<512x32xf32, #tpu.memory_space<vmem>>, vector<16xf32>,
        %get3A_178 = arith.index_cast %add3A_163 : i32 to index
        %get3A_179 = arith.constant 16 : index
        %get3A_180 = tpu.vector_load %arg20[%get3A_178, %get3A_179] {strides = array<i32>} : memref<512x32xf32, #tpu.memory_space<vmem>>, vector<16xf32>,
        %mul3A_181 = arith.mulf %get3A_180, %gather3A_165 : vector<16xf32>
        %add3A_182 = arith.addf %mul3A_181, %select_n3A_45 : vector<16xf32>
        %mul3A_183 = arith.constant 0.00999999977 : f32
        %mul3A_184 = vector.broadcast %mul3A_183 : f32 to vector<16xf32>
        %mul3A_185 = arith.mulf %mul3A_184, %add3A_182 : vector<16xf32>
        %max3A_186 = arith.maximumf %add3A_182, %mul3A_185 : vector<16xf32>
        %swap3A_187 = arith.index_cast %add3A_163 : i32 to index
        %swap3A_188 = arith.constant 16 : index
        %swap3A_189 = tpu.vector_load %arg20[%swap3A_187, %swap3A_188] {strides = array<i32>} : memref<512x32xf32, #tpu.memory_space<vmem>>, vector<16xf32>,
        tpu.vector_store %arg20[%swap3A_187, %swap3A_188], %max3A_186 {strides = array<i32>} : memref<512x32xf32, #tpu.memory_space<vmem>>, vector<16xf32>,
        %scan3A_190 = arith.constant 3 : i32
        %scan3A_191 = arith.addi %scan3A_98, %scan3A_190 : i32
        %mul3A_192 = arith.constant 1 : i32
        %mul3A_193 = arith.muli %scan3A_191, %mul3A_192 : i32
        %add3A_194 = arith.constant 0 : i32
        %add3A_195 = arith.addi %add3A_194, %mul3A_193 : i32
        %broadcast_in_dim3A_196 = vector.broadcast %add3A_195 : i32 to vector<16xi32>
        %gather3A_197 = tpu.vector_load_idx %arg21[%broadcast_in_dim3A_196] : memref<128xf32, #tpu.memory_space<vmem>>[vector<16xi32>], vector<16xf32>,
        %get3A_198 = arith.index_cast %add3A_195 : i32 to index
        %get3A_199 = arith.constant 0 : index
        %get3A_200 = tpu.vector_load %arg20[%get3A_198, %get3A_199] {strides = array<i32>} : memref<512x32xf32, #tpu.memory_space<vmem>>, vector<16xf32>,
        %mul3A_201 = arith.mulf %get3A_200, %gather3A_197 : vector<16xf32>
        %add3A_202 = arith.addf %mul3A_201, %select_n3A : vector<16xf32>
        %mul3A_203 = arith.constant 0.00999999977 : f32
        %mul3A_204 = vector.broadcast %mul3A_203 : f32 to vector<16xf32>
        %mul3A_205 = arith.mulf %mul3A_204, %add3A_202 : vector<16xf32>
        %max3A_206 = arith.maximumf %add3A_202, %mul3A_205 : vector<16xf32>
        %swap3A_207 = arith.index_cast %add3A_195 : i32 to index
        %swap3A_208 = arith.constant 0 : index
        %swap3A_209 = tpu.vector_load %arg20[%swap3A_207, %swap3A_208] {strides = array<i32>} : memref<512x32xf32, #tpu.memory_space<vmem>>, vector<16xf32>,
        tpu.vector_store %arg20[%swap3A_207, %swap3A_208], %max3A_206 {strides = array<i32>} : memref<512x32xf32, #tpu.memory_space<vmem>>, vector<16xf32>,
        %get3A_210 = arith.index_cast %add3A_195 : i32 to index
        %get3A_211 = arith.constant 16 : index
        %get3A_212 = tpu.vector_load %arg20[%get3A_210, %get3A_211] {strides = array<i32>} : memref<512x32xf32, #tpu.memory_space<vmem>>, vector<16xf32>,
        %mul3A_213 = arith.mulf %get3A_212, %gather3A_197 : vector<16xf32>
        %add3A_214 = arith.addf %mul3A_213, %select_n3A_45 : vector<16xf32>
        %mul3A_215 = arith.constant 0.00999999977 : f32
        %mul3A_216 = vector.broadcast %mul3A_215 : f32 to vector<16xf32>
        %mul3A_217 = arith.mulf %mul3A_216, %add3A_214 : vector<16xf32>
        %max3A_218 = arith.maximumf %add3A_214, %mul3A_217 : vector<16xf32>
        %swap3A_219 = arith.index_cast %add3A_195 : i32 to index
        %swap3A_220 = arith.constant 16 : index
        %swap3A_221 = tpu.vector_load %arg20[%swap3A_219, %swap3A_220] {strides = array<i32>} : memref<512x32xf32, #tpu.memory_space<vmem>>, vector<16xf32>,
        tpu.vector_store %arg20[%swap3A_219, %swap3A_220], %max3A_218 {strides = array<i32>} : memref<512x32xf32, #tpu.memory_space<vmem>>, vector<16xf32>,
      }
      %scan3A_89 = arith.constant 128 : i32
      %eq3A_90 = arith.constant 0 : i32
      %eq3A_91 = arith.cmpi eq, %arg0, %eq3A_90 : i32
      %convert_element_type3A = arith.extui %eq3A_91 : i1 to i32
      %cond3A = arith.constant 0 : i32
      %cond3A_92 = arith.cmpi ne, %convert_element_type3A, %cond3A : i32
      scf.if %cond3A_92 {
        "tpu.region"() ({
          %run_scoped3A = tpu.sem_alloc : memref<!tpu.dma_semaphore, #tpu.memory_space<semaphore_mem>>
          %dma_start3A_98 = arith.constant 0 : i32
          %dma_start3A_99 = arith.constant 0 : i32
          %dma_start3A_100 = tpu.memref_slice %arg20[%dma_start3A_98, %dma_start3A_99] : memref<512x32xf32, #tpu.memory_space<vmem>> -> memref<128x32xf32, #tpu.memory_space<vmem>>
          %dma_start3A_101 = arith.constant 0 : i32
          %dma_start3A_102 = tpu.memref_slice %arg9[%add3A_57, %dma_start3A_101] : memref<51200x32xf32, #tpu.memory_space<hbm>> -> memref<128x32xf32, #tpu.memory_space<hbm>>
          %dma_start3A_103 = arith.constant 0 : i32
          %dma_start3A_104 = tpu.memref_slice %arg9[%add3A_57, %dma_start3A_103] : memref<51200x32xf32, #tpu.memory_space<hbm>> -> memref<128x32xf32, #tpu.memory_space<hbm>>
          %dma_start3A_105 = arith.constant 0 : i32
          %dma_start3A_106 = arith.constant 0 : i32
          %dma_start3A_107 = tpu.memref_slice %arg20[%dma_start3A_105, %dma_start3A_106] : memref<512x32xf32, #tpu.memory_space<vmem>> -> memref<128x32xf32, #tpu.memory_space<vmem>>
          tpu.enqueue_dma source(%dma_start3A_107 : memref<128x32xf32, #tpu.memory_space<vmem>>) target(%dma_start3A_104 : memref<128x32xf32, #tpu.memory_space<hbm>>) target_semaphore(%run_scoped3A : memref<!tpu.dma_semaphore, #tpu.memory_space<semaphore_mem>>)
          %dma_wait3A_108 = arith.constant 0 : i32
          %dma_wait3A_109 = arith.constant 0 : i32
          %dma_wait3A_110 = tpu.memref_slice %arg20[%dma_wait3A_108, %dma_wait3A_109] : memref<512x32xf32, #tpu.memory_space<vmem>> -> memref<128x32xf32, #tpu.memory_space<vmem>>
          %dma_wait3A_111 = arith.constant 0 : i32
          %dma_wait3A_112 = tpu.memref_slice %arg9[%add3A_57, %dma_wait3A_111] : memref<51200x32xf32, #tpu.memory_space<hbm>> -> memref<128x32xf32, #tpu.memory_space<hbm>>
          %dma_wait3A_113 = arith.constant 0 : i32
          %dma_wait3A_114 = tpu.memref_slice %arg9[%add3A_57, %dma_wait3A_113] : memref<51200x32xf32, #tpu.memory_space<hbm>> -> memref<128x32xf32, #tpu.memory_space<hbm>>
          %dma_wait3A_115 = arith.constant 0 : i32
          %dma_wait3A_116 = arith.constant 0 : i32
          %dma_wait3A_117 = tpu.memref_slice %arg20[%dma_wait3A_115, %dma_wait3A_116] : memref<512x32xf32, #tpu.memory_space<vmem>> -> memref<128x32xf32, #tpu.memory_space<vmem>>
          tpu.wait_dma2 semaphore(%run_scoped3A : memref<!tpu.dma_semaphore, #tpu.memory_space<semaphore_mem>>) src(%dma_wait3A_117 : memref<128x32xf32, #tpu.memory_space<vmem>>) dst(%dma_wait3A_114 : memref<128x32xf32, #tpu.memory_space<hbm>>)
          tpu.yield
        }) : () -> ()
      } else {
      }
      %eq3A_93 = arith.constant 1 : i32
      %eq3A_94 = arith.cmpi eq, %arg0, %eq3A_93 : i32
      %convert_element_type3A_95 = arith.extui %eq3A_94 : i1 to i32
      %cond3A_96 = arith.constant 0 : i32
      %cond3A_97 = arith.cmpi ne, %convert_element_type3A_95, %cond3A_96 : i32
      scf.if %cond3A_97 {
        "tpu.region"() ({
          %run_scoped3A = tpu.sem_alloc : memref<!tpu.dma_semaphore, #tpu.memory_space<semaphore_mem>>
          %dma_start3A_98 = arith.constant 0 : i32
          %dma_start3A_99 = arith.constant 0 : i32
          %dma_start3A_100 = tpu.memref_slice %arg20[%dma_start3A_98, %dma_start3A_99] : memref<512x32xf32, #tpu.memory_space<vmem>> -> memref<128x32xf32, #tpu.memory_space<vmem>>
          %dma_start3A_101 = arith.constant 0 : i32
          %dma_start3A_102 = tpu.memref_slice %arg10[%add3A_57, %dma_start3A_101] : memref<51200x32xf32, #tpu.memory_space<hbm>> -> memref<128x32xf32, #tpu.memory_space<hbm>>
          %dma_start3A_103 = arith.constant 0 : i32
          %dma_start3A_104 = tpu.memref_slice %arg10[%add3A_57, %dma_start3A_103] : memref<51200x32xf32, #tpu.memory_space<hbm>> -> memref<128x32xf32, #tpu.memory_space<hbm>>
          %dma_start3A_105 = arith.constant 0 : i32
          %dma_start3A_106 = arith.constant 0 : i32
          %dma_start3A_107 = tpu.memref_slice %arg20[%dma_start3A_105, %dma_start3A_106] : memref<512x32xf32, #tpu.memory_space<vmem>> -> memref<128x32xf32, #tpu.memory_space<vmem>>
          tpu.enqueue_dma source(%dma_start3A_107 : memref<128x32xf32, #tpu.memory_space<vmem>>) target(%dma_start3A_104 : memref<128x32xf32, #tpu.memory_space<hbm>>) target_semaphore(%run_scoped3A : memref<!tpu.dma_semaphore, #tpu.memory_space<semaphore_mem>>)
          %dma_wait3A_108 = arith.constant 0 : i32
          %dma_wait3A_109 = arith.constant 0 : i32
          %dma_wait3A_110 = tpu.memref_slice %arg20[%dma_wait3A_108, %dma_wait3A_109] : memref<512x32xf32, #tpu.memory_space<vmem>> -> memref<128x32xf32, #tpu.memory_space<vmem>>
          %dma_wait3A_111 = arith.constant 0 : i32
          %dma_wait3A_112 = tpu.memref_slice %arg10[%add3A_57, %dma_wait3A_111] : memref<51200x32xf32, #tpu.memory_space<hbm>> -> memref<128x32xf32, #tpu.memory_space<hbm>>
          %dma_wait3A_113 = arith.constant 0 : i32
          %dma_wait3A_114 = tpu.memref_slice %arg10[%add3A_57, %dma_wait3A_113] : memref<51200x32xf32, #tpu.memory_space<hbm>> -> memref<128x32xf32, #tpu.memory_space<hbm>>
          %dma_wait3A_115 = arith.constant 0 : i32
          %dma_wait3A_116 = arith.constant 0 : i32
          %dma_wait3A_117 = tpu.memref_slice %arg20[%dma_wait3A_115, %dma_wait3A_116] : memref<512x32xf32, #tpu.memory_space<vmem>> -> memref<128x32xf32, #tpu.memory_space<vmem>>
          tpu.wait_dma2 semaphore(%run_scoped3A : memref<!tpu.dma_semaphore, #tpu.memory_space<semaphore_mem>>) src(%dma_wait3A_117 : memref<128x32xf32, #tpu.memory_space<vmem>>) dst(%dma_wait3A_114 : memref<128x32xf32, #tpu.memory_space<hbm>>)
          tpu.yield
        }) : () -> ()
      } else {
      }
    }
    %scan3A_50 = arith.constant 25 : i32
    return
  }
}

#map = affine_map<(d0, d1) -> (0, 0)>
#map1 = affine_map<(d0, d1) -> (0)>
module attributes {stable_mosaic.version = 14 : i64} {
  func.func @kern(%arg0: i32, %arg1: i32, %arg2: memref<400x128xi32, #tpu.memory_space<hbm>>, %arg3: memref<50000x32xf32, #tpu.memory_space<hbm>>, %arg4: memref<50000x32xf32, #tpu.memory_space<hbm>>, %arg5: memref<50000xf32, #tpu.memory_space<hbm>>, %arg6: memref<50000xf32, #tpu.memory_space<hbm>>, %arg7: memref<51200x32xf32, #tpu.memory_space<hbm>>, %arg8: memref<51200x32xf32, #tpu.memory_space<hbm>>, %arg9: memref<51200xf32, #tpu.memory_space<hbm>>, %arg10: memref<51200xf32, #tpu.memory_space<hbm>>, %arg11: memref<128xi32, #tpu.memory_space<vmem>>, %arg12: memref<128x32xf32, #tpu.memory_space<vmem>>, %arg13: memref<128xf32, #tpu.memory_space<vmem>>, %arg14: memref<!tpu.dma_semaphore, #tpu.memory_space<semaphore_mem>>) attributes {dimension_semantics = [#tpu.dimension_semantics<core_parallel>, #tpu.dimension_semantics<subcore_parallel>], iteration_bounds = array<i64: 2, 16>, scalar_prefetch = 0 : i64, scratch_operands = 4 : i64, tpu.core_type = #tpu.core_type<sc_vector_subcore>, window_params = [{transform_indices = #map}, {transform_indices = #map}, {transform_indices = #map}, {transform_indices = #map1}, {transform_indices = #map1}, {transform_indices = #map}, {transform_indices = #map}, {transform_indices = #map1}, {transform_indices = #map1}]} {
    %scan3A = arith.constant 0 : i32
    %scan3A_0 = arith.constant 25 : i32
    %scan3A_1 = arith.addi %scan3A, %scan3A_0 : i32
    %scan3A_2 = arith.constant 1 : i32
    scf.for %scan3A_4 = %scan3A to %scan3A_1 step %scan3A_2  : i32 {
      %mul3A = arith.constant 1 : i32
      %mul3A_5 = arith.muli %scan3A_4, %mul3A : i32
      %add3A = arith.constant 0 : i32
      %add3A_6 = arith.addi %add3A, %mul3A_5 : i32
      %mul3A_7 = arith.constant 25 : i32
      %mul3A_8 = arith.muli %arg1, %mul3A_7 : i32
      %add3A_9 = arith.addi %mul3A_8, %add3A_6 : i32
      "tpu.region"() ({
        %run_scoped3A = tpu.sem_alloc : memref<!tpu.dma_semaphore, #tpu.memory_space<semaphore_mem>>
        %dma_start3A = arith.constant 0 : i32
        %dma_start3A_17 = tpu.memref_slice %arg2[%add3A_9, %dma_start3A] : memref<400x128xi32, #tpu.memory_space<hbm>> -> memref<1x128xi32, #tpu.memory_space<hbm>>
        %dma_start3A_18 = tpu.memref_squeeze %dma_start3A_17 : memref<1x128xi32, #tpu.memory_space<hbm>> -> memref<128xi32, #tpu.memory_space<hbm>>
        %dma_start3A_19 = arith.constant 0 : i32
        %dma_start3A_20 = tpu.memref_slice %arg2[%add3A_9, %dma_start3A_19] : memref<400x128xi32, #tpu.memory_space<hbm>> -> memref<1x128xi32, #tpu.memory_space<hbm>>
        %dma_start3A_21 = tpu.memref_squeeze %dma_start3A_20 : memref<1x128xi32, #tpu.memory_space<hbm>> -> memref<128xi32, #tpu.memory_space<hbm>>
        tpu.enqueue_dma source(%dma_start3A_21 : memref<128xi32, #tpu.memory_space<hbm>>) target(%arg11 : memref<128xi32, #tpu.memory_space<vmem>>) target_semaphore(%run_scoped3A : memref<!tpu.dma_semaphore, #tpu.memory_space<semaphore_mem>>)
        %dma_wait3A = arith.constant 0 : i32
        %dma_wait3A_22 = tpu.memref_slice %arg2[%add3A_9, %dma_wait3A] : memref<400x128xi32, #tpu.memory_space<hbm>> -> memref<1x128xi32, #tpu.memory_space<hbm>>
        %dma_wait3A_23 = tpu.memref_squeeze %dma_wait3A_22 : memref<1x128xi32, #tpu.memory_space<hbm>> -> memref<128xi32, #tpu.memory_space<hbm>>
        %dma_wait3A_24 = arith.constant 0 : i32
        %dma_wait3A_25 = tpu.memref_slice %arg2[%add3A_9, %dma_wait3A_24] : memref<400x128xi32, #tpu.memory_space<hbm>> -> memref<1x128xi32, #tpu.memory_space<hbm>>
        %dma_wait3A_26 = tpu.memref_squeeze %dma_wait3A_25 : memref<1x128xi32, #tpu.memory_space<hbm>> -> memref<128xi32, #tpu.memory_space<hbm>>
        tpu.wait_dma2 semaphore(%run_scoped3A : memref<!tpu.dma_semaphore, #tpu.memory_space<semaphore_mem>>) src(%dma_wait3A_26 : memref<128xi32, #tpu.memory_space<hbm>>) dst(%arg11 : memref<128xi32, #tpu.memory_space<vmem>>)
        tpu.yield
      }) : () -> ()
      %eq3A = arith.constant 0 : i32
      %eq3A_10 = arith.cmpi eq, %arg0, %eq3A : i32
      %convert_element_type3A = arith.extui %eq3A_10 : i1 to i32
      %cond3A = arith.constant 0 : i32
      %cond3A_11 = arith.cmpi ne, %convert_element_type3A, %cond3A : i32
      scf.if %cond3A_11 {
        %dma_start3A = arith.constant 0 : i32
        %dma_start3A_17 = arith.constant 0 : i32
        %dma_start3A_18 = tpu.memref_slice %arg3[%dma_start3A, %dma_start3A_17] : memref<50000x32xf32, #tpu.memory_space<hbm>> -> memref<50000x32xf32, #tpu.memory_space<hbm>>
        tpu.enqueue_indirect_dma source(%dma_start3A_18 : memref<50000x32xf32, #tpu.memory_space<hbm>>) target(%arg12 : memref<128x32xf32, #tpu.memory_space<vmem>>) offsets(%arg11 : memref<128xi32, #tpu.memory_space<vmem>>) semaphore(%arg14 : memref<!tpu.dma_semaphore, #tpu.memory_space<semaphore_mem>>)
        %dma_start3A_19 = arith.constant 0 : i32
        %dma_start3A_20 = tpu.memref_slice %arg5[%dma_start3A_19] : memref<50000xf32, #tpu.memory_space<hbm>> -> memref<50000xf32, #tpu.memory_space<hbm>>
        tpu.enqueue_indirect_dma source(%dma_start3A_20 : memref<50000xf32, #tpu.memory_space<hbm>>) target(%arg13 : memref<128xf32, #tpu.memory_space<vmem>>) offsets(%arg11 : memref<128xi32, #tpu.memory_space<vmem>>) semaphore(%arg14 : memref<!tpu.dma_semaphore, #tpu.memory_space<semaphore_mem>>)
        %dma_wait3A = arith.constant 0 : i32
        %dma_wait3A_21 = arith.constant 0 : i32
        %dma_wait3A_22 = tpu.memref_slice %arg3[%dma_wait3A, %dma_wait3A_21] : memref<50000x32xf32, #tpu.memory_space<hbm>> -> memref<50000x32xf32, #tpu.memory_space<hbm>>
        tpu.wait_indirect_dma semaphore(%arg14 : memref<!tpu.dma_semaphore, #tpu.memory_space<semaphore_mem>>) src(%dma_wait3A_22 : memref<50000x32xf32, #tpu.memory_space<hbm>>) dst(%arg12 : memref<128x32xf32, #tpu.memory_space<vmem>>)
        %dma_wait3A_23 = arith.constant 0 : i32
        %dma_wait3A_24 = tpu.memref_slice %arg5[%dma_wait3A_23] : memref<50000xf32, #tpu.memory_space<hbm>> -> memref<50000xf32, #tpu.memory_space<hbm>>
        tpu.wait_indirect_dma semaphore(%arg14 : memref<!tpu.dma_semaphore, #tpu.memory_space<semaphore_mem>>) src(%dma_wait3A_24 : memref<50000xf32, #tpu.memory_space<hbm>>) dst(%arg13 : memref<128xf32, #tpu.memory_space<vmem>>)
        %mul3A_25 = arith.constant 128 : i32
        %mul3A_26 = arith.muli %add3A_9, %mul3A_25 : i32
        %dma_start3A_27 = arith.constant 0 : i32
        %dma_start3A_28 = tpu.memref_slice %arg7[%mul3A_26, %dma_start3A_27] : memref<51200x32xf32, #tpu.memory_space<hbm>> -> memref<128x32xf32, #tpu.memory_space<hbm>>
        %dma_start3A_29 = arith.constant 0 : i32
        %dma_start3A_30 = tpu.memref_slice %arg7[%mul3A_26, %dma_start3A_29] : memref<51200x32xf32, #tpu.memory_space<hbm>> -> memref<128x32xf32, #tpu.memory_space<hbm>>
        tpu.enqueue_dma source(%arg12 : memref<128x32xf32, #tpu.memory_space<vmem>>) target(%dma_start3A_30 : memref<128x32xf32, #tpu.memory_space<hbm>>) target_semaphore(%arg14 : memref<!tpu.dma_semaphore, #tpu.memory_space<semaphore_mem>>)
        %mul3A_31 = arith.constant 128 : i32
        %mul3A_32 = arith.muli %add3A_9, %mul3A_31 : i32
        %dma_start3A_33 = tpu.memref_slice %arg9[%mul3A_32] : memref<51200xf32, #tpu.memory_space<hbm>> -> memref<128xf32, #tpu.memory_space<hbm>>
        %dma_start3A_34 = tpu.memref_slice %arg9[%mul3A_32] : memref<51200xf32, #tpu.memory_space<hbm>> -> memref<128xf32, #tpu.memory_space<hbm>>
        tpu.enqueue_dma source(%arg13 : memref<128xf32, #tpu.memory_space<vmem>>) target(%dma_start3A_34 : memref<128xf32, #tpu.memory_space<hbm>>) target_semaphore(%arg14 : memref<!tpu.dma_semaphore, #tpu.memory_space<semaphore_mem>>)
        %dma_wait3A_35 = arith.constant 0 : i32
        %dma_wait3A_36 = tpu.memref_slice %arg7[%mul3A_26, %dma_wait3A_35] : memref<51200x32xf32, #tpu.memory_space<hbm>> -> memref<128x32xf32, #tpu.memory_space<hbm>>
        %dma_wait3A_37 = arith.constant 0 : i32
        %dma_wait3A_38 = tpu.memref_slice %arg7[%mul3A_26, %dma_wait3A_37] : memref<51200x32xf32, #tpu.memory_space<hbm>> -> memref<128x32xf32, #tpu.memory_space<hbm>>
        tpu.wait_dma2 semaphore(%arg14 : memref<!tpu.dma_semaphore, #tpu.memory_space<semaphore_mem>>) src(%arg12 : memref<128x32xf32, #tpu.memory_space<vmem>>) dst(%dma_wait3A_38 : memref<128x32xf32, #tpu.memory_space<hbm>>)
        %dma_wait3A_39 = tpu.memref_slice %arg9[%mul3A_32] : memref<51200xf32, #tpu.memory_space<hbm>> -> memref<128xf32, #tpu.memory_space<hbm>>
        %dma_wait3A_40 = tpu.memref_slice %arg9[%mul3A_32] : memref<51200xf32, #tpu.memory_space<hbm>> -> memref<128xf32, #tpu.memory_space<hbm>>
        tpu.wait_dma2 semaphore(%arg14 : memref<!tpu.dma_semaphore, #tpu.memory_space<semaphore_mem>>) src(%arg13 : memref<128xf32, #tpu.memory_space<vmem>>) dst(%dma_wait3A_40 : memref<128xf32, #tpu.memory_space<hbm>>)
      } else {
      }
      %eq3A_12 = arith.constant 1 : i32
      %eq3A_13 = arith.cmpi eq, %arg0, %eq3A_12 : i32
      %convert_element_type3A_14 = arith.extui %eq3A_13 : i1 to i32
      %cond3A_15 = arith.constant 0 : i32
      %cond3A_16 = arith.cmpi ne, %convert_element_type3A_14, %cond3A_15 : i32
      scf.if %cond3A_16 {
        %dma_start3A = arith.constant 0 : i32
        %dma_start3A_17 = arith.constant 0 : i32
        %dma_start3A_18 = tpu.memref_slice %arg4[%dma_start3A, %dma_start3A_17] : memref<50000x32xf32, #tpu.memory_space<hbm>> -> memref<50000x32xf32, #tpu.memory_space<hbm>>
        tpu.enqueue_indirect_dma source(%dma_start3A_18 : memref<50000x32xf32, #tpu.memory_space<hbm>>) target(%arg12 : memref<128x32xf32, #tpu.memory_space<vmem>>) offsets(%arg11 : memref<128xi32, #tpu.memory_space<vmem>>) semaphore(%arg14 : memref<!tpu.dma_semaphore, #tpu.memory_space<semaphore_mem>>)
        %dma_start3A_19 = arith.constant 0 : i32
        %dma_start3A_20 = tpu.memref_slice %arg6[%dma_start3A_19] : memref<50000xf32, #tpu.memory_space<hbm>> -> memref<50000xf32, #tpu.memory_space<hbm>>
        tpu.enqueue_indirect_dma source(%dma_start3A_20 : memref<50000xf32, #tpu.memory_space<hbm>>) target(%arg13 : memref<128xf32, #tpu.memory_space<vmem>>) offsets(%arg11 : memref<128xi32, #tpu.memory_space<vmem>>) semaphore(%arg14 : memref<!tpu.dma_semaphore, #tpu.memory_space<semaphore_mem>>)
        %dma_wait3A = arith.constant 0 : i32
        %dma_wait3A_21 = arith.constant 0 : i32
        %dma_wait3A_22 = tpu.memref_slice %arg4[%dma_wait3A, %dma_wait3A_21] : memref<50000x32xf32, #tpu.memory_space<hbm>> -> memref<50000x32xf32, #tpu.memory_space<hbm>>
        tpu.wait_indirect_dma semaphore(%arg14 : memref<!tpu.dma_semaphore, #tpu.memory_space<semaphore_mem>>) src(%dma_wait3A_22 : memref<50000x32xf32, #tpu.memory_space<hbm>>) dst(%arg12 : memref<128x32xf32, #tpu.memory_space<vmem>>)
        %dma_wait3A_23 = arith.constant 0 : i32
        %dma_wait3A_24 = tpu.memref_slice %arg6[%dma_wait3A_23] : memref<50000xf32, #tpu.memory_space<hbm>> -> memref<50000xf32, #tpu.memory_space<hbm>>
        tpu.wait_indirect_dma semaphore(%arg14 : memref<!tpu.dma_semaphore, #tpu.memory_space<semaphore_mem>>) src(%dma_wait3A_24 : memref<50000xf32, #tpu.memory_space<hbm>>) dst(%arg13 : memref<128xf32, #tpu.memory_space<vmem>>)
        %mul3A_25 = arith.constant 128 : i32
        %mul3A_26 = arith.muli %add3A_9, %mul3A_25 : i32
        %dma_start3A_27 = arith.constant 0 : i32
        %dma_start3A_28 = tpu.memref_slice %arg8[%mul3A_26, %dma_start3A_27] : memref<51200x32xf32, #tpu.memory_space<hbm>> -> memref<128x32xf32, #tpu.memory_space<hbm>>
        %dma_start3A_29 = arith.constant 0 : i32
        %dma_start3A_30 = tpu.memref_slice %arg8[%mul3A_26, %dma_start3A_29] : memref<51200x32xf32, #tpu.memory_space<hbm>> -> memref<128x32xf32, #tpu.memory_space<hbm>>
        tpu.enqueue_dma source(%arg12 : memref<128x32xf32, #tpu.memory_space<vmem>>) target(%dma_start3A_30 : memref<128x32xf32, #tpu.memory_space<hbm>>) target_semaphore(%arg14 : memref<!tpu.dma_semaphore, #tpu.memory_space<semaphore_mem>>)
        %mul3A_31 = arith.constant 128 : i32
        %mul3A_32 = arith.muli %add3A_9, %mul3A_31 : i32
        %dma_start3A_33 = tpu.memref_slice %arg10[%mul3A_32] : memref<51200xf32, #tpu.memory_space<hbm>> -> memref<128xf32, #tpu.memory_space<hbm>>
        %dma_start3A_34 = tpu.memref_slice %arg10[%mul3A_32] : memref<51200xf32, #tpu.memory_space<hbm>> -> memref<128xf32, #tpu.memory_space<hbm>>
        tpu.enqueue_dma source(%arg13 : memref<128xf32, #tpu.memory_space<vmem>>) target(%dma_start3A_34 : memref<128xf32, #tpu.memory_space<hbm>>) target_semaphore(%arg14 : memref<!tpu.dma_semaphore, #tpu.memory_space<semaphore_mem>>)
        %dma_wait3A_35 = arith.constant 0 : i32
        %dma_wait3A_36 = tpu.memref_slice %arg8[%mul3A_26, %dma_wait3A_35] : memref<51200x32xf32, #tpu.memory_space<hbm>> -> memref<128x32xf32, #tpu.memory_space<hbm>>
        %dma_wait3A_37 = arith.constant 0 : i32
        %dma_wait3A_38 = tpu.memref_slice %arg8[%mul3A_26, %dma_wait3A_37] : memref<51200x32xf32, #tpu.memory_space<hbm>> -> memref<128x32xf32, #tpu.memory_space<hbm>>
        tpu.wait_dma2 semaphore(%arg14 : memref<!tpu.dma_semaphore, #tpu.memory_space<semaphore_mem>>) src(%arg12 : memref<128x32xf32, #tpu.memory_space<vmem>>) dst(%dma_wait3A_38 : memref<128x32xf32, #tpu.memory_space<hbm>>)
        %dma_wait3A_39 = tpu.memref_slice %arg10[%mul3A_32] : memref<51200xf32, #tpu.memory_space<hbm>> -> memref<128xf32, #tpu.memory_space<hbm>>
        %dma_wait3A_40 = tpu.memref_slice %arg10[%mul3A_32] : memref<51200xf32, #tpu.memory_space<hbm>> -> memref<128xf32, #tpu.memory_space<hbm>>
        tpu.wait_dma2 semaphore(%arg14 : memref<!tpu.dma_semaphore, #tpu.memory_space<semaphore_mem>>) src(%arg13 : memref<128xf32, #tpu.memory_space<vmem>>) dst(%dma_wait3A_40 : memref<128xf32, #tpu.memory_space<hbm>>)
      } else {
      }
    }
    %scan3A_3 = arith.constant 25 : i32
    return
  }
}

module attributes {stable_mosaic.version = 14 : i64} {
  func.func @body(%arg0: i32, %arg1: memref<1024x64xf32, #tpu.memory_space<vmem>>, %arg2: memref<64x64xf32, #tpu.memory_space<vmem>>, %arg3: memref<1x64xf32, #tpu.memory_space<vmem>>, %arg4: memref<1x64xf32, #tpu.memory_space<vmem>>, %arg5: memref<1024x32xf32, #tpu.memory_space<vmem>>, %arg6: memref<1024x32xf32, #tpu.memory_space<vmem>>, %arg7: memref<2x1024xf32, #tpu.memory_space<vmem>>) attributes {dimension_semantics = [#tpu.dimension_semantics<arbitrary>], iteration_bounds = array<i64: 49>, scalar_prefetch = 0 : i64, scratch_operands = 0 : i64, tpu.core_type = #tpu.core_type<tc>, window_params = [{transform_indices = @transform_0, window_bounds = array<i64: 1024, 64>}, {pipeline_mode = #tpu.pipeline_mode<synchronous>, transform_indices = @transform_1, window_bounds = array<i64: 64, 64>}, {pipeline_mode = #tpu.pipeline_mode<synchronous>, transform_indices = @transform_2, window_bounds = array<i64: 1, 64>}, {pipeline_mode = #tpu.pipeline_mode<synchronous>, transform_indices = @transform_3, window_bounds = array<i64: 1, 64>}, {transform_indices = @transform_4, window_bounds = array<i64: 1024, 32>}, {transform_indices = @transform_5, window_bounds = array<i64: 1024, 32>}, {transform_indices = @transform_6, window_bounds = array<i64: 2, 1024>}]} {
    %get3A = arith.constant 0 : index
    %get3A_0 = arith.constant 0 : index
    %get3A_1 = vector.load %arg1[%get3A, %get3A_0] : memref<1024x64xf32, #tpu.memory_space<vmem>>, vector<1024x64xf32>
    %get3A_2 = arith.constant 0 : index
    %get3A_3 = arith.constant 0 : index
    %get3A_4 = vector.load %arg2[%get3A_2, %get3A_3] : memref<64x64xf32, #tpu.memory_space<vmem>>, vector<64x64xf32>
    %dot_general3A = arith.constant dense<0.000000e+00> : vector<1024x64xf32>
    %dot_general3A_5 = tpu.matmul %get3A_1, %get3A_4, %dot_general3A {dimension_numbers = #tpu.dot_dimension_numbers<[1], [0], [0], [1], [0, 0, 1, 1], [], []>, transpose_lhs_hint = false} : vector<1024x64xf32>, vector<64x64xf32>, vector<1024x64xf32> -> vector<1024x64xf32>
    %slice3A = vector.extract_strided_slice %dot_general3A_5 {offsets = [0, 0], sizes = [1024, 32], strides = [1, 1]} : vector<1024x64xf32> to vector<1024x32xf32>
    %swap3A = arith.constant 0 : index
    %swap3A_6 = arith.constant 0 : index
    %swap3A_7 = vector.load %arg5[%swap3A, %swap3A_6] : memref<1024x32xf32, #tpu.memory_space<vmem>>, vector<1024x32xf32>
    tpu.vector_store %arg5[%swap3A, %swap3A_6], %slice3A {strides = array<i32>} : memref<1024x32xf32, #tpu.memory_space<vmem>>, vector<1024x32xf32>,
    %slice3A_8 = vector.extract_strided_slice %dot_general3A_5 {offsets = [0, 32], sizes = [1024, 32], strides = [1, 1]} : vector<1024x64xf32> to vector<1024x32xf32>
    %swap3A_9 = arith.constant 0 : index
    %swap3A_10 = arith.constant 0 : index
    %swap3A_11 = vector.load %arg6[%swap3A_9, %swap3A_10] : memref<1024x32xf32, #tpu.memory_space<vmem>>, vector<1024x32xf32>
    tpu.vector_store %arg6[%swap3A_9, %swap3A_10], %slice3A_8 {strides = array<i32>} : memref<1024x32xf32, #tpu.memory_space<vmem>>, vector<1024x32xf32>,
    %get3A_12 = arith.constant 0 : index
    %get3A_13 = arith.constant 0 : index
    %get3A_14 = vector.load %arg3[%get3A_12, %get3A_13] : memref<1x64xf32, #tpu.memory_space<vmem>>, vector<1x64xf32>
    %mul3A = vector.broadcast %get3A_14 : vector<1x64xf32> to vector<1024x64xf32>
    %mul3A_15 = arith.mulf %dot_general3A_5, %mul3A : vector<1024x64xf32>
    %reduce_sum3A = arith.constant dense<0.000000e+00> : vector<1024xf32>
    %reduce_sum3A_16 = vector.multi_reduction <add>, %mul3A_15, %reduce_sum3A [1] : vector<1024x64xf32> to vector<1024xf32>
    %broadcast_in_dim3A = vector.shape_cast %reduce_sum3A_16 : vector<1024xf32> to vector<1x1024xf32>
    %swap3A_17 = arith.constant 0 : index
    %swap3A_18 = arith.constant 0 : index
    %swap3A_19 = vector.load %arg7[%swap3A_17, %swap3A_18] : memref<2x1024xf32, #tpu.memory_space<vmem>>, vector<1x1024xf32>
    tpu.vector_store %arg7[%swap3A_17, %swap3A_18], %broadcast_in_dim3A {strides = array<i32>} : memref<2x1024xf32, #tpu.memory_space<vmem>>, vector<1x1024xf32>,
    %get3A_20 = arith.constant 0 : index
    %get3A_21 = arith.constant 0 : index
    %get3A_22 = vector.load %arg4[%get3A_20, %get3A_21] : memref<1x64xf32, #tpu.memory_space<vmem>>, vector<1x64xf32>
    %mul3A_23 = vector.broadcast %get3A_22 : vector<1x64xf32> to vector<1024x64xf32>
    %mul3A_24 = arith.mulf %dot_general3A_5, %mul3A_23 : vector<1024x64xf32>
    %reduce_sum3A_25 = arith.constant dense<0.000000e+00> : vector<1024xf32>
    %reduce_sum3A_26 = vector.multi_reduction <add>, %mul3A_24, %reduce_sum3A_25 [1] : vector<1024x64xf32> to vector<1024xf32>
    %broadcast_in_dim3A_27 = vector.shape_cast %reduce_sum3A_26 : vector<1024xf32> to vector<1x1024xf32>
    %swap3A_28 = arith.constant 1 : index
    %swap3A_29 = arith.constant 0 : index
    %swap3A_30 = vector.load %arg7[%swap3A_28, %swap3A_29] : memref<2x1024xf32, #tpu.memory_space<vmem>>, vector<1x1024xf32>
    tpu.vector_store %arg7[%swap3A_28, %swap3A_29], %broadcast_in_dim3A_27 {strides = array<i32>} : memref<2x1024xf32, #tpu.memory_space<vmem>>, vector<1x1024xf32>,
    return
  }
  func.func @transform_0(%arg0: i32) -> (i32, i32) {
    %c0_i32 = arith.constant 0 : i32
    %c0_i32_0 = arith.constant 0 : i32
    return %arg0, %c0_i32 : i32, i32
  }
  func.func @transform_1(%arg0: i32) -> (i32, i32) {
    %c0_i32 = arith.constant 0 : i32
    %c0_i32_0 = arith.constant 0 : i32
    %c0_i32_1 = arith.constant 0 : i32
    return %c0_i32, %c0_i32_0 : i32, i32
  }
  func.func @transform_2(%arg0: i32) -> (i32, i32) {
    %c0_i32 = arith.constant 0 : i32
    %c0_i32_0 = arith.constant 0 : i32
    %c0_i32_1 = arith.constant 0 : i32
    return %c0_i32, %c0_i32_0 : i32, i32
  }
  func.func @transform_3(%arg0: i32) -> (i32, i32) {
    %c0_i32 = arith.constant 0 : i32
    %c0_i32_0 = arith.constant 0 : i32
    %c0_i32_1 = arith.constant 0 : i32
    return %c0_i32, %c0_i32_0 : i32, i32
  }
  func.func @transform_4(%arg0: i32) -> (i32, i32) {
    %c0_i32 = arith.constant 0 : i32
    %c0_i32_0 = arith.constant 0 : i32
    return %arg0, %c0_i32 : i32, i32
  }
  func.func @transform_5(%arg0: i32) -> (i32, i32) {
    %c0_i32 = arith.constant 0 : i32
    %c0_i32_0 = arith.constant 0 : i32
    return %arg0, %c0_i32 : i32, i32
  }
  func.func @transform_6(%arg0: i32) -> (i32, i32) {
    %c0_i32 = arith.constant 0 : i32
    %c0_i32_0 = arith.constant 0 : i32
    return %c0_i32, %arg0 : i32, i32
  }
}

</mosaic_0001>

<sc_bundles>
// kernel: kernel.5.cloned.1.call-start
scs
__scs_entry_jumppad:
0x0: {  	(pc) =	sbr.rel $0x88, $3  }
0x1: {  	(tag) =	ssettag $0x0;
	lr =	simm.s32 $0x1  }
0x2: {  	[smem:$0x3F9A] =	sst lr;
	_ =	strace $0xD0000000  }
0x3: {  	_ = 	snop  }
0x4: {  	_ = 	snop  }
0x5: {  	_ = 	snop  }
0x6: {  	_ = 	snop  }
0x7: {  	_ = 	snop  }
__scs_overlays_trampoline_lowered:
0x8: {  	[smem:$0x3FA9] =	sst s0  }
0x9: {  	[smem:$0x3FAA] =	sst s1  }
0xa: {  	[smem:$0x3FAB] =	sst s2  }
0xb: {  	[smem:$0x3FAC] =	sst s3  }
0xc: {  	[smem:$0x3FAD] =	sst s4  }
0xd: {  	[smem:$0x3FAE] =	sst s5  }
0xe: {  	[smem:$0x3FAF] =	sst s6  }
0xf: {  	[smem:$0x3FB0] =	sst s7  }
0x10: {  	[smem:$0x3FB1] =	sst s8  }
0x11: {  	[smem:$0x3FB2] =	sst s9;
	s0 =	simm.s32 @!p0 $0x0  }
0x12: {  	s1 =	sld [smem:$0x3F98];
	s0 =	simm.s32 @p0 $0x1  }
0x13: {  	[smem:$0x3FB3] =	sst s0;
	s0 =	simm.s32 @!p1 $0x0  }
0x14: {  	s2 =	sld [smem:$0x3F97];
	s0 =	simm.s32 @p1 $0x1  }
0x15: {  	[smem:$0x3FB4] =	sst s0;
	s0 =	simm.s32 @!p2 $0x0  }
0x16: {  	s3 =	sld [smem:$0x3FDB];
	s0 =	simm.s32 @p2 $0x1  }
0x17: {  	s4 =	simm.s32 $0x1BF5;
	[smem:$0x3FB6] =	sst s0  }
0x18: {  	s0 =	sld [smem:$0x3F99];
	_ =	swait.ge [sflag:s4], $0x0  }
0x19: {  	s7 =	sld [smem:$0x3F9A]  }
0x1a: {  	s8 =	sadd.s32 $0xFFFFE003, lr  }
0x1b: {  	s9 =	sadd.s32 $0xFFFFFEF7, lr;
	s5 =	simm.s32 $0xFFFFFFFF;
	p2 =	slt.u32 s8, $0xFFFFF086  }
0x1c: {  	p1 =	slt.u32 s9, $0xF7A;
	s5 =	simm.s32 @!p2 $0x0  }
0x1d: {  	s5 =	simm.s32 @p1 $0x1;
	p0 =	seq.s32 s7, s2  }
0x1e: {  	s7 =	smul.u32 @!p0 $0xF7A, s2;
	p2 =	seq.s32 @!p0 s5, $0x0  }
0x1f: {  	s9 =	smul.u32 $0xF7A, s1;
	s8 =	simm.s32 @!p0 $0x1BF5;
	p2 =	por !p2, p0  }
0x20: {  	[sflag:s8] =	ssyncset.s32 @!p0 $0xFFFFF086;
	s6 =	sadd.s32 @!p0 s3, s7;
	s7 =	simm.s32 @!p0 $0x108  }
0x21: {  	s3 =	sadd.s32 s3, s9;
	s6 =	sadd.s32 @!p0 $0x88, s6;
	s7 =	simm.s32 @p2 $0x1082  }
0x22: {  	[simem:s7], [sflag:s8] =	dma.local @!p0 [hbm:s6], $0xF7A  }
0x23: {  	s9 =	sor.u32 $0xD0000000, s2;
	s6 =	simm.s32 $0x108;
	_ =	swait.ge @!p0 [sflag:s8], $0x0  }
0x24: {  	s3 =	sadd.s32 $0x88, s3;
	s6 =	simm.s32 @!p1 $0x1082;
	[sflag:s4] =	ssyncset.s32 $0xFFFFF086  }
0x25: {  	[simem:s6], [sflag:s4] =	dma.local [hbm:s3], $0xF7A  }
0x26: {  	[smem:$0x3F9A] =	sst s1;
	(tag) =	ssettag s2;
	_ =	strace s9  }
0x27: {  	s1 =	sld [smem:$0x3FAA]  }
0x28: {  	s2 =	sld [smem:$0x3FAB]  }
0x29: {  	s4 =	sld [smem:$0x3FAD]  }
0x2a: {  	p0 =	seq.s32 s5, $0x0;
	s5 =	sld [smem:$0x3FAE]  }
0x2b: {  	s6 =	sld [smem:$0x3FAF]  }
0x2c: {  	s7 =	sld [smem:$0x3FB0]  }
0x2d: {  	s3 =	simm.s32 $0x108;
	s8 =	sld [smem:$0x3FB1]  }
0x2e: {  	s3 =	simm.s32 @!p0 $0x1082;
	s9 =	sld [smem:$0x3FB2]  }
0x2f: {  	lr =	sadd.s32 s0, s3;
	s0 =	sld [smem:$0x3FA9]  }
0x30: {  	s3 =	sld [smem:$0x3FAC]  }
0x31: {  	[smem:$0x3FB5] =	sst s10  }
0x32: {  	s10 =	sld [smem:$0x3FB3];
	_ =	sdelay $0x3  }
0x33: {  	p0 =	seq.s32 s10, $0x1;
	s10 =	sld [smem:$0x3FB5];
	_ =	sdelay $0x3  }
0x34: {  	[smem:$0x3FB5] =	sst s10  }
0x35: {  	s10 =	sld [smem:$0x3FB4];
	_ =	sdelay $0x3  }
0x36: {  	p1 =	seq.s32 s10, $0x1;
	s10 =	sld [smem:$0x3FB5];
	_ =	sdelay $0x3  }
0x37: {  	[smem:$0x3FB5] =	sst s10  }
0x38: {  	s10 =	sld [smem:$0x3FB6]  }
0x39: {  	_ = 	snop;
	(pc) =	sbr.ind lr, $3  }
0x3a: {  	_ = 	snop  }
0x3b: {  	_ = 	snop  }
0x3c: {  	p2 =	seq.s32 s10, $0x1;
	s10 =	sld [smem:$0x3FB5]  }
0x3d: {  	_ =	shalt  }
0x3e: {  	_ =	shalt  }
0x3f: {  	_ =	shalt  }
0x40: {  	_ =	shalt  }
0x41: {  	_ =	shalt  }
0x42: {  	_ =	shalt  }
0x43: {  	_ =	shalt  }
0x44: {  	_ =	shalt  }
0x45: {  	_ =	shalt  }
0x46: {  	_ =	shalt  }
0x47: {  	_ =	shalt  }
0x48: {  	_ =	shalt  }
0x49: {  	_ =	shalt  }
0x4a: {  	_ =	shalt  }
0x4b: {  	_ =	shalt  }
0x4c: {  	_ =	shalt  }
0x4d: {  	_ =	shalt  }
0x4e: {  	_ =	shalt  }
0x4f: {  	_ =	shalt  }
0x50: {  	_ =	shalt  }
0x51: {  	_ =	shalt  }
0x52: {  	_ =	shalt  }
0x53: {  	_ =	shalt  }
0x54: {  	_ =	shalt  }
0x55: {  	_ =	shalt  }
0x56: {  	_ =	shalt  }
0x57: {  	_ =	shalt  }
0x58: {  	_ =	shalt  }
0x59: {  	_ =	shalt  }
0x5a: {  	_ =	shalt  }
0x5b: {  	_ =	shalt  }
0x5c: {  	_ =	shalt  }
0x5d: {  	_ =	shalt  }
0x5e: {  	_ =	shalt  }
0x5f: {  	_ =	shalt  }
0x60: {  	_ =	shalt  }
0x61: {  	_ =	shalt  }
0x62: {  	_ =	shalt  }
0x63: {  	_ =	shalt  }
0x64: {  	_ =	shalt  }
0x65: {  	_ =	shalt  }
0x66: {  	_ =	shalt  }
0x67: {  	_ =	shalt  }
0x68: {  	_ =	shalt  }
0x69: {  	_ =	shalt  }
0x6a: {  	_ =	shalt  }
0x6b: {  	_ =	shalt  }
0x6c: {  	_ =	shalt  }
0x6d: {  	_ =	shalt  }
0x6e: {  	_ =	shalt  }
0x6f: {  	_ =	shalt  }
0x70: {  	_ =	shalt  }
0x71: {  	_ =	shalt  }
0x72: {  	_ =	shalt  }
0x73: {  	_ =	shalt  }
0x74: {  	_ =	shalt  }
0x75: {  	_ =	shalt  }
0x76: {  	_ =	shalt  }
0x77: {  	_ =	shalt  }
0x78: {  	_ =	shalt  }
0x79: {  	_ =	shalt  }
0x7a: {  	_ =	shalt  }
0x7b: {  	_ =	shalt  }
0x7c: {  	_ =	shalt  }
0x7d: {  	_ =	shalt  }
0x7e: {  	_ =	shalt  }
0x7f: {  	_ =	shalt  }
0x80: {  	_ =	shalt  }
0x81: {  	_ =	shalt  }
0x82: {  	_ =	shalt  }
0x83: {  	_ =	shalt  }
0x84: {  	_ =	shalt  }
0x85: {  	_ =	shalt  }
0x86: {  	_ =	shalt  }
0x87: {  	_ =	shalt  }
.Lfunc_end0:
.L_simem_size_0:
called_computation_lowered:
.L_overlay_start_0:
0x88: {  	s2 =	sld [smem:$0x3FD9]  }
0x89: {  	s3 =	sld [smem:$0x3FFE];
	_ =	sdelay $0x1  }
0x8a: {  	s1 =	srdreg.scid  }
0x8b: {  	s0 =	sand.u32 $0x1, s1  }
0x8c: {  	s14 =	sshll.u32 s0, $0xA;
	s2 =	sadd.s32 s3, s2  }
0x8d: {  	s2 =	sadd.s32 s2, s14  }
0x8e: {  	[smem:$0x3FC1] =	sst s2  }
0x8f: {  	_ = 	snop  }
0x90: {  	s2 =	sld [smem:$0x3FD0];
	_ =	sdelay $0x2  }
0x91: {  	s15 =	simm.s32 $0xA;
	s4 =	simm.s32 $0x10  }
0x92: {  	[smem:s4], [sflag:s15] =	dma.local [hbm:s2], $0x1  }
0x93: {  	_ =	swait.eq [sflag:s15], $0x1  }
0x94: {  	[sflag:s15] =	ssyncset.done $0x0  }
0x95: {  	s16 =	sld [smem:$0x10];
	[sflag:s15] =	ssyncadd.s32 $0xFFFFFFFF  }
0x96: {  	s17 =	sld [smem:$0x11];
	(tm) =	ssettm $0x1  }
0x97: {  	s18 =	sld [smem:$0x3FFB];
	_ =	sdelay $0x3  }
0x98: {  	_ =	strace s18  }
0x99: {  	s4 =	sld [smem:$0x3FFC];
	_ =	sdelay $0x3  }
0x9a: {  	_ =	strace s4  }
0x9b: {  	s4 =	sld [smem:$0x3FFD];
	_ =	sdelay $0x3  }
0x9c: {  	_ =	strace s4  }
0x9d: {  	_ =	strace $0x8FFFFFFF  }
0x9e: {  	s19 =	sld [smem:$0x3FDB];
	_ =	sdelay $0x1  }
0x9f: {  	s5 =	simm.s32 $_scs_section_size  }
0xa0: {  	s6 =	simm.s32 $_size__tile_overlayer_lowered;
	s7 =	simm.s32 $_tile_overlayer_lowered  }
0xa1: {  	s22 =	simm.s32 $0x1BFF;
	s21 =	sshll.u32 s7, $0x1;
	s4 =	sadd.s32 s5, s19  }
0xa2: {  	s8 =	simm.s32 $0x0;
	s20 =	sshll.u32 s6, $0x1;
	s6 =	sadd.s32 s21, s4  }
0xa3: {  	[timem:s8], [sflag:s22] =	dma.local [hbm:s6], s20  }
0xa4: {  	_ =	swait.ge [sflag:s22], s20  }
0xa5: {  	s5 =	ssub.s32 $0x0, s20;
	[sflag:s22] =	ssyncset.done $0x0  }
0xa6: {  	[sflag:s22] =	ssyncadd.s32 s5;
	_ =	sdelay $0x1  }
0xa7: {  	s23 =	simm.s32 $0x1B8B  }
0xa8: {  	_ =	swait.ge [sflag:s23], $0x1  }
0xa9: {  	[sflag:s23] =	ssyncset.done $0x0  }
0xaa: {  	s25 =	simm.s32 $0x1B8E;
	s24 =	sld [smem:$0x3FFE];
	[sflag:s23] =	ssyncadd.s32 $0xFFFFFFFF  }
0xab: {  	s26 =	simm.s32 $execute0_lowered;
	[smem:$0x3FD2] =	sst s25  }
0xac: {  	s6 =	sshll.u32 s26, $0x1;
	_ =	strace $0x80000046;
	[dreg:$0x1] =	wrdreg $0xFFFFFFFF  }
0xad: {  	s28 =	simm.s32 $_size_execute0_lowered;
	s4 =	sadd.s32 s4, s6;
	[dreg:$0x0] =	wrdreg $0x0  }
0xae: {  	s6 =	sshll.u32 s28, $0x1;
	[dreg:$0x2] =	wrdreg s4  }
0xaf: {  	[dreg:$0x3] =	wrdreg s6  }
0xb0: {  	[dreg:$0x4] =	wrdreg $0xC0  }
0xb1: {  	_ =	task [dreg:s8], $0x5FFFF  }
0xb2: {  	[dreg:$0x1] =	wrdreg $0xFFFFFFFF  }
0xb3: {  	[dreg:$0x0] =	wrdreg $0x60  }
0xb4: {  	[dreg:$0x2] =	wrdreg s17  }
0xb5: {  	[dreg:$0x3] =	wrdreg s16  }
0xb6: {  	[dreg:$0x4] =	wrdreg s24  }
0xb7: {  	[dreg:$0x5] =	wrdreg $0x9  }
0xb8: {  	_ =	task.clear_ibuf [dreg:s8], $0x6FFFF;
	_ =	strace $0x90000046  }
0xb9: {  	s29 =	simm.s32 $0x9;
	_ =	strace $0x80000048  }
0xba: {  	_ =	swait.ge [sflag:s29], $0x1  }
0xbb: {  	[sflag:s29] =	ssyncadd.s32 $0xFFFFFFFF  }
0xbc: {  	_ =	strace $0x90000048  }
0xbd: {  	_ =	sfence  }
0xbe: {  	s30 =	sld [smem:$0x0];
	_ =	sdelay $0x2  }
0xbf: {  	s31 =	sshll.u32 s1, $0xD;
	s1 =	sshrl.u32 s1, $0x2  }
0xc0: {  	s3 =	sand.u32 $0x4000, s31;
	s1 =	sadd.s32 s1, s30  }
0xc1: {  	s0 =	sor.u32 s3, s0;
	s1 =	sshll.u32 s1, $0x11  }
0xc2: {  	s0 =	sor.u32 s1, s0  }
0xc3: {  	s0 =	sadd.s32 $0x8F2B, s0  }
0xc4: {  	[sflag:s0] =	ssyncadd.remote.s32 $0x1  }
0xc5: {  	_ =	sfence.sel $0xFFFF  }
0xc6: {  	[dreg:$0x0] =	wrdreg $0xFFFFFFFF;
	(pc) =	sbr.abs _section_cstart, $3  }
0xc7: {  	[dreg:$0x1] =	wrdreg $0xFFFFFFFF  }
0xc8: {  	_ =	task.clear_ibuf [dreg:s8], $0x2FFFF;
	_ =	strace $0x9FFFFFFF  }
0xc9: {  	(tm) =	ssettm $0x7FFFFFFF  }
tec
execute0_lowered:
.L_overlay_start_1:
0x0: {  	(tag) =	ssettag $0x1  }
0x1: {  	s8 =	rddreg [dreg:$0x0]  }
0x2: {  	s1 =	rddreg [dreg:$0x1]  }
0x3: {  	s4 =	rddreg [dreg:$0x2]  }
0x4: {  	s0 =	rddreg [dreg:$0x3];
	s2 =	simm.s32 $0x0;
	s9 =	srdreg.scid  }
0x5: {  	[smem:$0x7FF] =	sst s2;
	s5 =	sadd.s32 $0x5000, s4;
	s3 =	sadd.s32 $0x3600, s4  }
0x6: {  	s6 =	sadd.s32 $0x1C00, s4;
	s7 =	sadd.s32 $0x35E00, s4;
	s10 =	sadd.s32 $0x67E00, s4  }
0x7: {  	s11 =	sadd.s32 $0x99E00, s4;
	s12 =	sadd.s32 $0x9B800, s4;
	s4 =	stileid.u32  }
0x8: {  	s9 =	sand.u32 $0x1, s9;
	_ =	strace $0x80000047;
	s30 =	smul.u32 $0x3200, s4  }
0x9: {  	s13 =	ssub.s32 $0x2, s9;
	p0 =	seq.s32 s9, $0x1;
	s31 =	smul.u32 $0x190, s4  }
0xa: {  	s9 =	simm.s32 $0x2;
	s14 =	sshrl.u32 s13, $0x1;
	s1 =	smov.u32 @p0 s5  }
0xb: {  	s7 =	smov.u32 @p0 s10;
	s11 =	smov.u32 @p0 s12;
	s3 =	smov.u32 @p0 s6  }
0xc: {  	s10 =	simm.s32 $0x80;
	s12 =	simm.s32 $0x1;
	s13 =	ssub.s32 s13, s14  }
0xd: {  	s6 =	sadd.s32 s30, s7;
	s7 =	sadd.s32 s31, s11;
	s8 =	sadd.s32 s31, s8  }
0xe: {  	s11 =	simm.s32 $0x1080;
	s5 =	smax.u32 s13, $0x1;
	s13 =	simm.s32 $0x0  }
.LBB2_1:
0xf: {  	s14 =	sadd.s32 $0x0, s8  }
0x10: {  	[tilespmem:s2], [sflag:$0x2] =	stream.linear.gather [hbm4b:s14+s2], $0x80, $0x38;
	[tilespmem:$0x1100] =	vst v63  }
0x11: {  	_ =	swait.ge [sflag:s9], $0x80  }
0x12: {  	[sflag:s9] =	ssyncset.done $0x0  }
0x13: {  	[sflag:s9] =	ssyncadd.s32 $0xFFFFFF80  }
0x14: {  	[tilespmem:s10], [sflag:$0x1] =	stream.indirect.gather [hbm4b:s1+s10], $0x20, s2, s10, $0xb8;
	[tilespmem:$0x1100] =	vst v63  }
0x15: {  	_ = 	snop  }
0x16: {  	[tilespmem:s11], [sflag:$0x1] =	stream.indirect.gather [hbm4b:s3+s10], $0x1, s2, s10, $0xb8;
	[tilespmem:$0x1100] =	vst v63  }
0x17: {  	_ =	swait.ge [sflag:s12], $0x1000  }
0x18: {  	[sflag:s12] =	ssyncset.done $0x0  }
0x19: {  	[sflag:s12] =	ssyncadd.s32 $0xFFFFF000  }
0x1a: {  	_ =	swait.ge [sflag:s12], $0x80  }
0x1b: {  	[sflag:s12] =	ssyncset.done $0x0  }
0x1c: {  	[sflag:s12] =	ssyncadd.s32 $0xFFFFFF80  }
0x1d: {  	[hbm4b:s6+s2] =	stream.linear.scatter [tilespmem:s10], [sflag:$0x1], $0x1000, $0x38;
	[tilespmem:$0x1100] =	vst v63  }
0x1e: {  	s31 =	sadd.s32 $0x0, s7  }
0x1f: {  	[hbm4b:s31+s2] =	stream.linear.scatter [tilespmem:s11], [sflag:$0x1], $0x80, $0x38;
	[tilespmem:$0x1100] =	vst v63  }
0x20: {  	_ =	swait.ge [sflag:s12], $0x1000  }
0x21: {  	[sflag:s12] =	ssyncset.done $0x0  }
0x22: {  	[sflag:s12] =	ssyncadd.s32 $0xFFFFF000  }
0x23: {  	s16 =	simm.s32 $0x20;
	_ =	swait.ge [sflag:s12], $0x80  }
0x24: {  	s15 =	sadd.s32 $0x200, s6;
	s14 =	simm.s32 $0x10;
	[sflag:s12] =	ssyncset.done $0x0  }
.LBB2_2:
0x25: {  	s17 =	sadd.s32 s14, s8  }
0x26: {  	[sflag:s12] =	ssyncadd.s32 $0xFFFFFF80;
	s18 =	smov.u32 s16;
	s19 =	sadd.s32 $0x10, s16  }
0x27: {  	[tilespmem:s2], [sflag:$0x2] =	stream.linear.gather [hbm4b:s17+s2], $0x80, $0x38;
	[tilespmem:$0x1100] =	vst v63  }
0x28: {  	p0 =	sne.s32 s16, $0x180;
	_ =	swait.ge [sflag:s9], $0x80  }
0x29: {  	[sflag:s9] =	ssyncset.done $0x0  }
0x2a: {  	[sflag:s9] =	ssyncadd.s32 $0xFFFFFF80  }
0x2b: {  	[tilespmem:s10], [sflag:$0x1] =	stream.indirect.gather [hbm4b:s1+s10], $0x20, s2, s10, $0xb8;
	[tilespmem:$0x1100] =	vst v63  }
0x2c: {  	_ = 	snop  }
0x2d: {  	[tilespmem:s11], [sflag:$0x1] =	stream.indirect.gather [hbm4b:s3+s10], $0x1, s2, s10, $0xb8;
	[tilespmem:$0x1100] =	vst v63  }
0x2e: {  	_ =	swait.ge [sflag:s12], $0x1000  }
0x2f: {  	[sflag:s12] =	ssyncset.done $0x0  }
0x30: {  	[sflag:s12] =	ssyncadd.s32 $0xFFFFF000  }
0x31: {  	_ =	swait.ge [sflag:s12], $0x80  }
0x32: {  	[sflag:s12] =	ssyncset.done $0x0  }
0x33: {  	[sflag:s12] =	ssyncadd.s32 $0xFFFFFF80  }
0x34: {  	[hbm4b:s15+s2] =	stream.linear.scatter [tilespmem:s10], [sflag:$0x1], $0x1000, $0x38;
	[tilespmem:$0x1100] =	vst v63  }
0x35: {  	s16 =	sadd.s32 s14, s7;
	s14 =	smov.u32 s18  }
0x36: {  	[hbm4b:s16+s2] =	stream.linear.scatter [tilespmem:s11], [sflag:$0x1], $0x80, $0x38;
	[tilespmem:$0x1100] =	vst v63  }
.Ltmp0:
0x37: {  	_ =	swait.ge [sflag:s12], $0x1000;
	(pc) =	sbr.rel @p0 .LBB2_2-.Ltmp0, $4  }
0x38: {  	[sflag:s12] =	ssyncset.done $0x0  }
0x39: {  	[sflag:s12] =	ssyncadd.s32 $0xFFFFF000  }
0x3a: {  	_ =	swait.ge [sflag:s12], $0x80  }
0x3b: {  	s15 =	sadd.s32 $0x200, s15;
	s16 =	smov.u32 s19;
	[sflag:s12] =	ssyncset.done $0x0  }
0x3c: {  	s16 =	sadd.s32 s14, s8;
	[sflag:s12] =	ssyncadd.s32 $0xFFFFFF80  }
0x3d: {  	[tilespmem:s2], [sflag:$0x2] =	stream.linear.gather [hbm4b:s16+s2], $0x80, $0x38;
	[tilespmem:$0x1100] =	vst v63  }
0x3e: {  	_ =	swait.ge [sflag:s9], $0x80  }
0x3f: {  	[sflag:s9] =	ssyncset.done $0x0  }
0x40: {  	[sflag:s9] =	ssyncadd.s32 $0xFFFFFF80  }
0x41: {  	[tilespmem:s10], [sflag:$0x1] =	stream.indirect.gather [hbm4b:s1+s10], $0x20, s2, s10, $0xb8;
	[tilespmem:$0x1100] =	vst v63  }
0x42: {  	_ = 	snop  }
0x43: {  	[tilespmem:s11], [sflag:$0x1] =	stream.indirect.gather [hbm4b:s3+s10], $0x1, s2, s10, $0xb8;
	[tilespmem:$0x1100] =	vst v63  }
0x44: {  	_ =	swait.ge [sflag:s12], $0x1000  }
0x45: {  	[sflag:s12] =	ssyncset.done $0x0  }
0x46: {  	[sflag:s12] =	ssyncadd.s32 $0xFFFFF000  }
0x47: {  	_ =	swait.ge [sflag:s12], $0x80  }
0x48: {  	[sflag:s12] =	ssyncset.done $0x0  }
0x49: {  	[sflag:s12] =	ssyncadd.s32 $0xFFFFFF80  }
0x4a: {  	[hbm4b:s15+s2] =	stream.linear.scatter [tilespmem:s10], [sflag:$0x1], $0x1000, $0x38;
	[tilespmem:$0x1100] =	vst v63  }
0x4b: {  	s31 =	sadd.s32 s14, s7;
	s13 =	sadd.s32 $0x1, s13  }
0x4c: {  	[hbm4b:s31+s2] =	stream.linear.scatter [tilespmem:s11], [sflag:$0x1], $0x80, $0x38;
	[tilespmem:$0x1100] =	vst v63  }
0x4d: {  	p0 =	sne.s32 s13, s5;
	_ =	swait.ge [sflag:s12], $0x1000  }
.Ltmp1:
0x4e: {  	[sflag:s12] =	ssyncset.done $0x0;
	(pc) =	sbr.rel @p0 .LBB2_1-.Ltmp1, $4  }
0x4f: {  	[sflag:s12] =	ssyncadd.s32 $0xFFFFF000  }
0x50: {  	_ =	swait.ge [sflag:s12], $0x80  }
0x51: {  	[sflag:s12] =	ssyncset.done $0x0  }
0x52: {  	[sflag:s12] =	ssyncadd.s32 $0xFFFFFF80  }
0x53: {  	_ =	sfence.sel $0x180000  }
0x54: {  	[bflag:$0x0] =	sbarrier.arrive $0xFFFF  }
0x55: {  	p0 =	sne.s32 s4, $0x0;
	_ =	strace $0x90000047  }
0x56: {  	s0 =	sadd.s32 @!p0 $0x100000, s0;
	[bflag:$0x2] =	sbarrier.arrive $0xFFFF  }
0x57: {  	[sflag:s0] =	ssyncadd.tile.s32 @!p0 $0x1;
	_ =	shalt  }
.Lfunc_end2:
_tile_overlayer_lowered:
.L_overlay_start_2:
0x58: {  	(tag) =	ssettag $0x2  }
0x59: {  	s0 =	rddreg [dreg:$0x0];
	s2 =	stileid.u32  }
0x5a: {  	s1 =	rddreg [dreg:$0x1];
	p0 =	sne.s32 s2, $0x0  }
0x5b: {  	s3 =	rddreg [dreg:$0x2];
	[bflag:$0x3] =	sbarrier.arrive $0xFFFF;
	s2 =	simm.s32 @!p0 $0x1C02  }
0x5c: {  	[timem:s3], [sflag:s2] =	dma.local @!p0 [hbm:s0], s1  }
0x5d: {  	s0 =	simm.s32 @!p0 $0x2  }
0x5e: {  	_ =	swait.ge @!p0 [sflag:s0], s1  }
0x5f: {  	s1 =	ssub.s32 @!p0 $0x0, s1;
	[sflag:s0] =	ssyncset.done @!p0 $0x0  }
0x60: {  	[sflag:s0] =	ssyncadd.s32 @!p0 s1  }
0x61: {  	[bflag:$0x3] =	sbarrier.arrive $0xFFFF  }
0x62: {  	_ =	shalt  }

// kernel: kernel.8.cloned.1.call-start
scs
__scs_entry_jumppad:
0x0: {  	(pc) =	sbr.rel $0x88, $3  }
0x1: {  	(tag) =	ssettag $0x0;
	lr =	simm.s32 $0x1  }
0x2: {  	[smem:$0x3F9A] =	sst lr;
	_ =	strace $0xD0000000  }
0x3: {  	_ = 	snop  }
0x4: {  	_ = 	snop  }
0x5: {  	_ = 	snop  }
0x6: {  	_ = 	snop  }
0x7: {  	_ = 	snop  }
__scs_overlays_trampoline_lowered:
0x8: {  	[smem:$0x3FA9] =	sst s0  }
0x9: {  	[smem:$0x3FAA] =	sst s1  }
0xa: {  	[smem:$0x3FAB] =	sst s2  }
0xb: {  	[smem:$0x3FAC] =	sst s3  }
0xc: {  	[smem:$0x3FAD] =	sst s4  }
0xd: {  	[smem:$0x3FAE] =	sst s5  }
0xe: {  	[smem:$0x3FAF] =	sst s6  }
0xf: {  	[smem:$0x3FB0] =	sst s7  }
0x10: {  	[smem:$0x3FB1] =	sst s8  }
0x11: {  	[smem:$0x3FB2] =	sst s9;
	s0 =	simm.s32 @!p0 $0x0  }
0x12: {  	s1 =	sld [smem:$0x3F98];
	s0 =	simm.s32 @p0 $0x1  }
0x13: {  	[smem:$0x3FB3] =	sst s0;
	s0 =	simm.s32 @!p1 $0x0  }
0x14: {  	s2 =	sld [smem:$0x3F97];
	s0 =	simm.s32 @p1 $0x1  }
0x15: {  	[smem:$0x3FB4] =	sst s0;
	s0 =	simm.s32 @!p2 $0x0  }
0x16: {  	s3 =	sld [smem:$0x3FDB];
	s0 =	simm.s32 @p2 $0x1  }
0x17: {  	s4 =	simm.s32 $0x1BF5;
	[smem:$0x3FB6] =	sst s0  }
0x18: {  	s0 =	sld [smem:$0x3F99];
	_ =	swait.ge [sflag:s4], $0x0  }
0x19: {  	s7 =	sld [smem:$0x3F9A]  }
0x1a: {  	s8 =	sadd.s32 $0xFFFFE003, lr  }
0x1b: {  	s9 =	sadd.s32 $0xFFFFFEF7, lr;
	s5 =	simm.s32 $0xFFFFFFFF;
	p2 =	slt.u32 s8, $0xFFFFF086  }
0x1c: {  	p1 =	slt.u32 s9, $0xF7A;
	s5 =	simm.s32 @!p2 $0x0  }
0x1d: {  	s5 =	simm.s32 @p1 $0x1;
	p0 =	seq.s32 s7, s2  }
0x1e: {  	s7 =	smul.u32 @!p0 $0xF7A, s2;
	p2 =	seq.s32 @!p0 s5, $0x0  }
0x1f: {  	s9 =	smul.u32 $0xF7A, s1;
	s8 =	simm.s32 @!p0 $0x1BF5;
	p2 =	por !p2, p0  }
0x20: {  	[sflag:s8] =	ssyncset.s32 @!p0 $0xFFFFF086;
	s6 =	sadd.s32 @!p0 s3, s7;
	s7 =	simm.s32 @!p0 $0x108  }
0x21: {  	s3 =	sadd.s32 s3, s9;
	s6 =	sadd.s32 @!p0 $0x88, s6;
	s7 =	simm.s32 @p2 $0x1082  }
0x22: {  	[simem:s7], [sflag:s8] =	dma.local @!p0 [hbm:s6], $0xF7A  }
0x23: {  	s9 =	sor.u32 $0xD0000000, s2;
	s6 =	simm.s32 $0x108;
	_ =	swait.ge @!p0 [sflag:s8], $0x0  }
0x24: {  	s3 =	sadd.s32 $0x88, s3;
	s6 =	simm.s32 @!p1 $0x1082;
	[sflag:s4] =	ssyncset.s32 $0xFFFFF086  }
0x25: {  	[simem:s6], [sflag:s4] =	dma.local [hbm:s3], $0xF7A  }
0x26: {  	[smem:$0x3F9A] =	sst s1;
	(tag) =	ssettag s2;
	_ =	strace s9  }
0x27: {  	s1 =	sld [smem:$0x3FAA]  }
0x28: {  	s2 =	sld [smem:$0x3FAB]  }
0x29: {  	s4 =	sld [smem:$0x3FAD]  }
0x2a: {  	p0 =	seq.s32 s5, $0x0;
	s5 =	sld [smem:$0x3FAE]  }
0x2b: {  	s6 =	sld [smem:$0x3FAF]  }
0x2c: {  	s7 =	sld [smem:$0x3FB0]  }
0x2d: {  	s3 =	simm.s32 $0x108;
	s8 =	sld [smem:$0x3FB1]  }
0x2e: {  	s3 =	simm.s32 @!p0 $0x1082;
	s9 =	sld [smem:$0x3FB2]  }
0x2f: {  	lr =	sadd.s32 s0, s3;
	s0 =	sld [smem:$0x3FA9]  }
0x30: {  	s3 =	sld [smem:$0x3FAC]  }
0x31: {  	[smem:$0x3FB5] =	sst s10  }
0x32: {  	s10 =	sld [smem:$0x3FB3];
	_ =	sdelay $0x3  }
0x33: {  	p0 =	seq.s32 s10, $0x1;
	s10 =	sld [smem:$0x3FB5];
	_ =	sdelay $0x3  }
0x34: {  	[smem:$0x3FB5] =	sst s10  }
0x35: {  	s10 =	sld [smem:$0x3FB4];
	_ =	sdelay $0x3  }
0x36: {  	p1 =	seq.s32 s10, $0x1;
	s10 =	sld [smem:$0x3FB5];
	_ =	sdelay $0x3  }
0x37: {  	[smem:$0x3FB5] =	sst s10  }
0x38: {  	s10 =	sld [smem:$0x3FB6]  }
0x39: {  	_ = 	snop;
	(pc) =	sbr.ind lr, $3  }
0x3a: {  	_ = 	snop  }
0x3b: {  	_ = 	snop  }
0x3c: {  	p2 =	seq.s32 s10, $0x1;
	s10 =	sld [smem:$0x3FB5]  }
0x3d: {  	_ =	shalt  }
0x3e: {  	_ =	shalt  }
0x3f: {  	_ =	shalt  }
0x40: {  	_ =	shalt  }
0x41: {  	_ =	shalt  }
0x42: {  	_ =	shalt  }
0x43: {  	_ =	shalt  }
0x44: {  	_ =	shalt  }
0x45: {  	_ =	shalt  }
0x46: {  	_ =	shalt  }
0x47: {  	_ =	shalt  }
0x48: {  	_ =	shalt  }
0x49: {  	_ =	shalt  }
0x4a: {  	_ =	shalt  }
0x4b: {  	_ =	shalt  }
0x4c: {  	_ =	shalt  }
0x4d: {  	_ =	shalt  }
0x4e: {  	_ =	shalt  }
0x4f: {  	_ =	shalt  }
0x50: {  	_ =	shalt  }
0x51: {  	_ =	shalt  }
0x52: {  	_ =	shalt  }
0x53: {  	_ =	shalt  }
0x54: {  	_ =	shalt  }
0x55: {  	_ =	shalt  }
0x56: {  	_ =	shalt  }
0x57: {  	_ =	shalt  }
0x58: {  	_ =	shalt  }
0x59: {  	_ =	shalt  }
0x5a: {  	_ =	shalt  }
0x5b: {  	_ =	shalt  }
0x5c: {  	_ =	shalt  }
0x5d: {  	_ =	shalt  }
0x5e: {  	_ =	shalt  }
0x5f: {  	_ =	shalt  }
0x60: {  	_ =	shalt  }
0x61: {  	_ =	shalt  }
0x62: {  	_ =	shalt  }
0x63: {  	_ =	shalt  }
0x64: {  	_ =	shalt  }
0x65: {  	_ =	shalt  }
0x66: {  	_ =	shalt  }
0x67: {  	_ =	shalt  }
0x68: {  	_ =	shalt  }
0x69: {  	_ =	shalt  }
0x6a: {  	_ =	shalt  }
0x6b: {  	_ =	shalt  }
0x6c: {  	_ =	shalt  }
0x6d: {  	_ =	shalt  }
0x6e: {  	_ =	shalt  }
0x6f: {  	_ =	shalt  }
0x70: {  	_ =	shalt  }
0x71: {  	_ =	shalt  }
0x72: {  	_ =	shalt  }
0x73: {  	_ =	shalt  }
0x74: {  	_ =	shalt  }
0x75: {  	_ =	shalt  }
0x76: {  	_ =	shalt  }
0x77: {  	_ =	shalt  }
0x78: {  	_ =	shalt  }
0x79: {  	_ =	shalt  }
0x7a: {  	_ =	shalt  }
0x7b: {  	_ =	shalt  }
0x7c: {  	_ =	shalt  }
0x7d: {  	_ =	shalt  }
0x7e: {  	_ =	shalt  }
0x7f: {  	_ =	shalt  }
0x80: {  	_ =	shalt  }
0x81: {  	_ =	shalt  }
0x82: {  	_ =	shalt  }
0x83: {  	_ =	shalt  }
0x84: {  	_ =	shalt  }
0x85: {  	_ =	shalt  }
0x86: {  	_ =	shalt  }
0x87: {  	_ =	shalt  }
.Lfunc_end0:
.L_simem_size_0:
called_computation.1_lowered:
.L_overlay_start_0:
0x88: {  	s2 =	sld [smem:$0x3FD9]  }
0x89: {  	s3 =	sld [smem:$0x3FFE];
	_ =	sdelay $0x1  }
0x8a: {  	s1 =	srdreg.scid  }
0x8b: {  	s0 =	sand.u32 $0x1, s1  }
0x8c: {  	s14 =	sshll.u32 s0, $0xA;
	s2 =	sadd.s32 s3, s2  }
0x8d: {  	s2 =	sadd.s32 s2, s14  }
0x8e: {  	[smem:$0x3FC1] =	sst s2  }
0x8f: {  	_ = 	snop  }
0x90: {  	s2 =	sld [smem:$0x3FD0];
	_ =	sdelay $0x2  }
0x91: {  	s4 =	simm.s32 $0xA;
	s5 =	simm.s32 $0x10;
	s15 =	sld [smem:$0x3FC3]  }
0x92: {  	[smem:s5], [sflag:s4] =	dma.local [hbm:s2], $0x1  }
0x93: {  	_ =	swait.eq [sflag:s4], $0x1  }
0x94: {  	[sflag:s4] =	ssyncset.done $0x0  }
0x95: {  	[sflag:s4] =	ssyncadd.s32 $0xFFFFFFFF  }
0x96: {  	s16 =	sld [smem:$0x10];
	(tm) =	ssettm $0x1  }
0x97: {  	s17 =	sld [smem:$0x3FFB];
	_ =	sdelay $0x3  }
0x98: {  	_ =	strace s17  }
0x99: {  	s4 =	sld [smem:$0x3FFC];
	_ =	sdelay $0x3  }
0x9a: {  	_ =	strace s4  }
0x9b: {  	s4 =	sld [smem:$0x3FFD];
	_ =	sdelay $0x3  }
0x9c: {  	_ =	strace s4  }
0x9d: {  	_ =	strace $0x8FFFFFFF  }
0x9e: {  	s18 =	sld [smem:$0x3FDB];
	_ =	sdelay $0x1  }
0x9f: {  	s19 =	simm.s32 $_scs_section_size  }
0xa0: {  	s6 =	simm.s32 $_size__tile_overlayer_lowered;
	s7 =	simm.s32 $_tile_overlayer_lowered  }
0xa1: {  	s22 =	simm.s32 $0x1BFF;
	s21 =	sshll.u32 s7, $0x1;
	s4 =	sadd.s32 s19, s18  }
0xa2: {  	s8 =	simm.s32 $0x0;
	s20 =	sshll.u32 s6, $0x1;
	s6 =	sadd.s32 s21, s4  }
0xa3: {  	[timem:s8], [sflag:s22] =	dma.local [hbm:s6], s20  }
0xa4: {  	_ =	swait.ge [sflag:s22], s20  }
0xa5: {  	s5 =	ssub.s32 $0x0, s20;
	[sflag:s22] =	ssyncset.done $0x0  }
0xa6: {  	[sflag:s22] =	ssyncadd.s32 s5;
	_ =	sdelay $0x1  }
0xa7: {  	s23 =	simm.s32 $0x1B8B  }
0xa8: {  	_ =	swait.ge [sflag:s23], $0x1  }
0xa9: {  	[sflag:s23] =	ssyncset.done $0x0  }
0xaa: {  	s25 =	simm.s32 $0x1B8E;
	s24 =	sld [smem:$0x3FFE];
	[sflag:s23] =	ssyncadd.s32 $0xFFFFFFFF  }
0xab: {  	s26 =	simm.s32 $execute0_lowered;
	[smem:$0x3FD2] =	sst s25  }
0xac: {  	s6 =	sshll.u32 s26, $0x1;
	_ =	strace $0x80000049;
	[dreg:$0x1] =	wrdreg $0xFFFFFFFF  }
0xad: {  	s28 =	simm.s32 $_size_execute0_lowered;
	s4 =	sadd.s32 s4, s6;
	[dreg:$0x0] =	wrdreg $0x0  }
0xae: {  	s6 =	sshll.u32 s28, $0x1;
	[dreg:$0x2] =	wrdreg s4  }
0xaf: {  	[dreg:$0x3] =	wrdreg s6  }
0xb0: {  	[dreg:$0x4] =	wrdreg $0xC0  }
0xb1: {  	_ =	task [dreg:s8], $0x5FFFF  }
0xb2: {  	[dreg:$0x1] =	wrdreg $0xFFFFFFFF  }
0xb3: {  	[dreg:$0x0] =	wrdreg $0x60  }
0xb4: {  	[dreg:$0x2] =	wrdreg s24  }
0xb5: {  	[dreg:$0x3] =	wrdreg s15  }
0xb6: {  	[dreg:$0x4] =	wrdreg s16  }
0xb7: {  	[dreg:$0x5] =	wrdreg $0x0  }
0xb8: {  	[dreg:$0x6] =	wrdreg $0x190000  }
0xb9: {  	[dreg:$0x7] =	wrdreg $0x9  }
0xba: {  	_ =	task.clear_ibuf [dreg:s8], $0x8FFFF;
	_ =	strace $0x90000049  }
0xbb: {  	s29 =	simm.s32 $0x9;
	_ =	strace $0x8000004B  }
0xbc: {  	_ =	swait.ge [sflag:s29], $0x1  }
0xbd: {  	[sflag:s29] =	ssyncadd.s32 $0xFFFFFFFF  }
0xbe: {  	_ =	strace $0x9000004B  }
0xbf: {  	_ =	sfence  }
0xc0: {  	s30 =	sld [smem:$0x0];
	_ =	sdelay $0x2  }
0xc1: {  	s31 =	sshll.u32 s1, $0xD;
	s1 =	sshrl.u32 s1, $0x2  }
0xc2: {  	s3 =	sand.u32 $0x4000, s31;
	s1 =	sadd.s32 s1, s30  }
0xc3: {  	s0 =	sor.u32 s3, s0;
	s1 =	sshll.u32 s1, $0x11  }
0xc4: {  	s0 =	sor.u32 s1, s0  }
0xc5: {  	s0 =	sadd.s32 $0x8F2B, s0  }
0xc6: {  	[sflag:s0] =	ssyncadd.remote.s32 $0x1  }
0xc7: {  	_ =	sfence.sel $0xFFFF  }
0xc8: {  	[dreg:$0x0] =	wrdreg $0xFFFFFFFF;
	(pc) =	sbr.abs _section_cstart, $3  }
0xc9: {  	[dreg:$0x1] =	wrdreg $0xFFFFFFFF  }
0xca: {  	_ =	task.clear_ibuf [dreg:s8], $0x2FFFF;
	_ =	strace $0x9FFFFFFF  }
0xcb: {  	(tm) =	ssettm $0x7FFFFFFF  }
tec
execute0_lowered:
.L_overlay_start_1:
0x0: {  	(tag) =	ssettag $0x1  }
0x1: {  	s0 =	rddreg [dreg:$0x0]  }
0x2: {  	s1 =	rddreg [dreg:$0x2]  }
0x3: {  	s9 =	rddreg [dreg:$0x3]  }
0x4: {  	s3 =	rddreg [dreg:$0x4];
	s4 =	simm.s32 $0x0;
	s19 =	srdreg.scid  }
0x5: {  	s11 =	stileid.u32;
	s28 =	simm.s32 $0x19E80;
	s29 =	simm.s32 $0x1  }
0x6: {  	s30 =	simm.s32 $0x80;
	s15 =	simm.s32 $0x19F00;
	s31 =	simm.s32 $0x1C680  }
0x7: {  	s17 =	simm.s32 $0x5;
	[smem:$0x7FF] =	sst s4;
	s2 =	sadd.s32 $0xB7200, s0  }
0x8: {  	s10 =	sadd.s32 $0x9D200, s0;
	s12 =	sadd.s32 $0x67E00, s0;
	s6 =	smul.u32 $0xC80, s11  }
0x9: {  	s5 =	sadd.s32 $0x99E00, s0;
	s18 =	sadd.s32 $0x9B800, s0;
	s8 =	smul.u32 $0xD000, s11  }
0xa: {  	s21 =	smul.u32 $0x3200, s11;
	_ =	strace $0x8000004A;
	[dreg:$0x6] =	wrdreg s2  }
0xb: {  	s13 =	sadd.s32 $0xD1200, s0;
	s22 =	smul.u32 $0x64000, s11;
	[dreg:$0x9] =	wrdreg s5  }
0xc: {  	s14 =	sadd.s32 $0x1C00, s0;
	s25 =	smul.u32 $0x1A00, s11;
	[dreg:$0xa] =	wrdreg s18  }
0xd: {  	s11 =	simm.s32 $0x2;
	s2 =	sadd.s32 $0x35E00, s0;
	[dreg:$0x7] =	wrdreg s10  }
0xe: {  	s5 =	sand.u32 $0x1, s19;
	[dreg:$0xc] =	wrdreg s6;
	s6 =	sadd.s32 $0x1BC00, s0  }
0xf: {  	s7 =	ssub.s32 $0x2, s5;
	[dreg:$0xd] =	wrdreg s8;
	p0 =	seq.s32 s5, $0x0  }
0x10: {  	s23 =	sshrl.u32 s21, $0x2;
	s24 =	sshrl.u32 s22, $0x2;
	s21 =	simm.s32 $0x1A680  }
0x11: {  	s22 =	simm.s32 $0x4;
	p1 =	sne.s32 s5, $0x0;
	s20 =	sshrl.u32 s7, $0x1  }
0x12: {  	s12 =	smov.u32 @p0 s2;
	s14 =	smov.u32 @p0 s6;
	s13 =	smov.u32 @p0 s1  }
0x13: {  	s16 =	sadd.s32 s23, s3;
	s26 =	sadd.s32 s24, s9;
	s19 =	sadd.s32 s25, s6  }
0x14: {  	s23 =	simm.s32 $0x1E680;
	s24 =	simm.s32 $0x1A100;
	[dreg:$0x8] =	wrdreg s12  }
0x15: {  	s1 =	simm.s32 $0x1A180;
	s6 =	simm.s32 $0x1A200;
	[dreg:$0xb] =	wrdreg s13  }
0x16: {  	s2 =	simm.s32 $0x0;
	s0 =	ssub.s32 s7, s20;
	[dreg:$0x10] =	wrdreg s26  }
0x17: {  	[dreg:$0xe] =	wrdreg s14;
	s18 =	sadd.s32 s25, s14;
	s0 =	smax.u32 s0, $0x1  }
0x18: {  	s20 =	sadd.s32 s25, s10;
	[dreg:$0xf] =	wrdreg s0;
	s0 =	simm.s32 $0x1E710  }
0x19: {  	v1 =	vimm.s32 $0x0;
	vm0 =	vcmask $0x300;
	s7 =	simm.s32 $0x1A080;
	s25 =	simm.s32 $0x19F80;
	s0 =	simm.s32 @!p0 $0x1E730  }
0x1a: {  	v0 =	vimm.f32 $0.0e+00;
	v1 =	vsel vm0, $0x3, v1;
	s12 =	simm.s32 $0x1A000;
	s13 =	simm.s32 $0x1A480;
	[dreg:$0x11] =	wrdreg s0  }
.LBB2_1:
0x1b: {  	[dreg:$0x12] =	wrdreg s2;
	s2 =	simm.s32 $0x80;
	s5 =	simm.s32 $0x0  }
.LBB2_2:
0x1c: {  	p2 =	sne.s32 s2, $0x3F80;
	[tilespmem:s5+$0x1A680] =	vst v0;
	s8 =	smov.u32 s2;
	s2 =	sadd.s32 $0x80, s2  }
.Ltmp0:
0x1d: {  	[tilespmem:s5+$0x1A690] =	vst v0;
	(pc) =	sbr.rel @p2 .LBB2_2-.Ltmp0, $2  }
0x1e: {  	_ =	sdelay $0x2  }
0x1f: {  	s5 =	sshra.s32 s8, $0x2  }
0x20: {  	[tilespmem:s5+$0x1A680] =	vst v0  }
0x21: {  	[tilespmem:s5+$0x1A690] =	vst v0  }
0x22: {  	[tilespmem:$0x1E680] =	vst v0  }
0x23: {  	[tilespmem:$0x1E690] =	vst v0  }
0x24: {  	[tilespmem:$0x1E6A0] =	vst v0  }
0x25: {  	[tilespmem:$0x1E6B0] =	vst v0  }
0x26: {  	[tilespmem:$0x1E6C0] =	vst v0  }
0x27: {  	[tilespmem:$0x1E6D0] =	vst v0  }
0x28: {  	[tilespmem:$0x1E6E0] =	vst v0  }
0x29: {  	s5 =	rddreg [dreg:$0x10];
	[tilespmem:$0x1E6F0] =	vst v0  }
0x2a: {  	[spmem:s5] =	stream.linear.scatter [tilespmem:s21], [sflag:$0x4], $0x1000, $0x38;
	[tilespmem:$0x1E740] =	vst v63  }
0x2b: {  	_ =	swait.ge [sflag:s22], $0x1000  }
0x2c: {  	[sflag:s22] =	ssyncset.done $0x0  }
0x2d: {  	s2 =	sadd.s32 $0x0, s16;
	[sflag:s22] =	ssyncadd.s32 $0xFFFFF000  }
0x2e: {  	[spmem:s2] =	stream.linear.scatter [tilespmem:s23], [sflag:$0x4], $0x80, $0x38;
	[tilespmem:$0x1E740] =	vst v63  }
0x2f: {  	_ =	swait.ge [sflag:s22], $0x80  }
0x30: {  	s2 =	simm.s32 $0x200;
	[sflag:s22] =	ssyncset.done $0x0  }
.LBB2_4:
0x31: {  	p2 =	sne.s32 s2, $0x3000;
	[sflag:s22] =	ssyncadd.s32 $0xFFFFFF80;
	s5 =	sadd.s32 $0x1000, s5  }
0x32: {  	[spmem:s5] =	stream.linear.scatter [tilespmem:s21], [sflag:$0x4], $0x1000, $0x38;
	[tilespmem:$0x1E740] =	vst v63  }
0x33: {  	s8 =	smov.u32 s2;
	s2 =	sadd.s32 $0x200, s2;
	_ =	swait.ge [sflag:s22], $0x1000  }
.Ltmp1:
0x34: {  	s8 =	sshra.s32 s8, $0x2;
	[sflag:s22] =	ssyncset.done $0x0;
	(pc) =	sbr.rel @p2 .LBB2_4-.Ltmp1, $4  }
0x35: {  	s8 =	sadd.s32 s8, s16;
	[sflag:s22] =	ssyncadd.s32 $0xFFFFF000  }
0x36: {  	[spmem:s8] =	stream.linear.scatter [tilespmem:s23], [sflag:$0x4], $0x80, $0x38;
	[tilespmem:$0x1E740] =	vst v63  }
0x37: {  	_ =	swait.ge [sflag:s22], $0x80  }
0x38: {  	[sflag:s22] =	ssyncset.done $0x0  }
0x39: {  	[sflag:s22] =	ssyncadd.s32 $0xFFFFFF80  }
0x3a: {  	s8 =	simm.s32 $0x0;
	s2 =	simm.s32 $0x1E700;
	s0 =	rddreg [dreg:$0x1]  }
0x3b: {  	[tilespmem:s2], [sflag:$0x4] =	stream.linear.gather [hbm4b:s0+s8], $0x40, $0x38;
	[tilespmem:$0x1E740] =	vst v63  }
0x3c: {  	_ =	swait.ge [sflag:s22], $0x40  }
0x3d: {  	[sflag:s22] =	ssyncset.done $0x0  }
0x3e: {  	[sflag:s22] =	ssyncadd.s32 $0xFFFFFFC0  }
0x3f: {  	[bflag:$0x0] =	sbarrier.arrive $0xFFFF  }
0x40: {  	s5 =	simm.s32 $0x1D680;
	s0 =	rddreg [dreg:$0x3]  }
.LBB2_6:
0x41: {  	s2 =	sshll.u32 s8, $0x9;
	s26 =	rddreg [dreg:$0xd]  }
0x42: {  	[dreg:$0x13] =	wrdreg s8;
	s2 =	sadd.s32 s26, s2  }
0x43: {  	s9 =	rddreg [dreg:$0x6];
	s14 =	sshrl.u32 s2, $0x3  }
0x44: {  	s8 =	simm.s32 $0x19C80;
	s10 =	rddreg [dreg:$0x7];
	s2 =	sadd.s32 s9, s14  }
0x45: {  	[tilespmem:s8], [sflag:$0x1] =	stream.linear.gather [hbm4b:s2+s4], $0x200, $0x38;
	[tilespmem:$0x1E740] =	vst v63  }
0x46: {  	s2 =	sadd.s32 s10, s14  }
0x47: {  	[tilespmem:s28], [sflag:$0x1] =	stream.linear.gather [hbm4b:s2+s4], $0x200, $0x38;
	[tilespmem:$0x1E740] =	vst v63  }
0x48: {  	_ =	swait.ge [sflag:s29], $0x200  }
0x49: {  	[sflag:s29] =	ssyncset.done $0x0  }
0x4a: {  	[sflag:s29] =	ssyncadd.s32 $0xFFFFFE00  }
0x4b: {  	_ =	swait.ge [sflag:s29], $0x200  }
0x4c: {  	[sflag:s29] =	ssyncset.done $0x0  }
0x4d: {  	s9 =	rddreg [dreg:$0x8];
	[sflag:s29] =	ssyncadd.s32 $0xFFFFFE00  }
0x4e: {  	[tilespmem:s21], [sflag:$0x1] =	stream.indirect.gather [hbm4b:s9+s30], $0x20, s8, s30, $0xb8;
	[tilespmem:$0x1E740] =	vst v63  }
0x4f: {  	s26 =	simm.s32 $0x1B680;
	s10 =	simm.s32 $0x19D00  }
0x50: {  	[tilespmem:s26], [sflag:$0x1] =	stream.indirect.gather [hbm4b:s9+s30], $0x20, s10, s30, $0xb8;
	[tilespmem:$0x1E740] =	vst v63  }
0x51: {  	s2 =	rddreg [dreg:$0x9]  }
0x52: {  	[tilespmem:s7], [sflag:$0x2] =	stream.indirect.gather [hbm4b:s2+s30], $0x1, s8, s30, $0xb8;
	[tilespmem:$0x1E740] =	vst v63  }
0x53: {  	s26 =	simm.s32 $0x1A280;
	s8 =	rddreg [dreg:$0xa]  }
0x54: {  	[tilespmem:s26], [sflag:$0x2] =	stream.indirect.gather [hbm4b:s8+s30], $0x1, s28, s30, $0xb8;
	[tilespmem:$0x1E740] =	vst v63  }
0x55: {  	_ = 	snop  }
0x56: {  	[tilespmem:s24], [sflag:$0x2] =	stream.indirect.gather [hbm4b:s2+s30], $0x1, s10, s30, $0xb8;
	[tilespmem:$0x1E740] =	vst v63  }
0x57: {  	s26 =	simm.s32 $0x1A300  }
0x58: {  	[tilespmem:s26], [sflag:$0x2] =	stream.indirect.gather [hbm4b:s8+s30], $0x1, s15, s30, $0xb8;
	[tilespmem:$0x1E740] =	vst v63  }
0x59: {  	s10 =	simm.s32 $0x19D80  }
0x5a: {  	[tilespmem:s1], [sflag:$0x2] =	stream.indirect.gather [hbm4b:s2+s30], $0x1, s10, s30, $0xb8;
	[tilespmem:$0x1E740] =	vst v63  }
0x5b: {  	s26 =	simm.s32 $0x1A380  }
0x5c: {  	[tilespmem:s26], [sflag:$0x2] =	stream.indirect.gather [hbm4b:s8+s30], $0x1, s25, s30, $0xb8;
	[tilespmem:$0x1E740] =	vst v63  }
0x5d: {  	s26 =	simm.s32 $0x19E00  }
0x5e: {  	[tilespmem:s6], [sflag:$0x2] =	stream.indirect.gather [hbm4b:s2+s30], $0x1, s26, s30, $0xb8;
	[tilespmem:$0x1E740] =	vst v63  }
0x5f: {  	s2 =	simm.s32 $0x1A400  }
0x60: {  	[tilespmem:s2], [sflag:$0x2] =	stream.indirect.gather [hbm4b:s8+s30], $0x1, s12, s30, $0xb8;
	[tilespmem:$0x1E740] =	vst v63  }
0x61: {  	_ =	swait.ge [sflag:s11], $0x80  }
0x62: {  	[sflag:s11] =	ssyncset.done $0x0  }
0x63: {  	[sflag:s11] =	ssyncadd.s32 $0xFFFFFF80  }
0x64: {  	_ =	swait.ge [sflag:s11], $0x80  }
0x65: {  	[sflag:s11] =	ssyncset.done $0x0  }
0x66: {  	[sflag:s11] =	ssyncadd.s32 $0xFFFFFF80  }
0x67: {  	_ =	swait.ge [sflag:s11], $0x80  }
0x68: {  	[sflag:s11] =	ssyncset.done $0x0  }
0x69: {  	[sflag:s11] =	ssyncadd.s32 $0xFFFFFF80  }
0x6a: {  	_ =	swait.ge [sflag:s11], $0x80  }
0x6b: {  	[sflag:s11] =	ssyncset.done $0x0  }
0x6c: {  	[sflag:s11] =	ssyncadd.s32 $0xFFFFFF80  }
0x6d: {  	_ =	swait.ge [sflag:s11], $0x80  }
0x6e: {  	[sflag:s11] =	ssyncset.done $0x0  }
0x6f: {  	[sflag:s11] =	ssyncadd.s32 $0xFFFFFF80  }
0x70: {  	_ =	swait.ge [sflag:s11], $0x80  }
0x71: {  	[sflag:s11] =	ssyncset.done $0x0  }
0x72: {  	[sflag:s11] =	ssyncadd.s32 $0xFFFFFF80  }
0x73: {  	_ =	swait.ge [sflag:s11], $0x80  }
0x74: {  	[sflag:s11] =	ssyncset.done $0x0  }
0x75: {  	[sflag:s11] =	ssyncadd.s32 $0xFFFFFF80  }
0x76: {  	_ =	swait.ge [sflag:s11], $0x80  }
0x77: {  	[sflag:s11] =	ssyncset.done $0x0  }
0x78: {  	[sflag:s11] =	ssyncadd.s32 $0xFFFFFF80  }
0x79: {  	v2 =	vld [tilespmem:$0x1A080]  }
0x7a: {  	v3 =	vld [tilespmem:$0x1A280]  }
0x7b: {  	v4 =	vld [tilespmem:$0x1A090]  }
0x7c: {  	v5 =	vld [tilespmem:$0x1A290]  }
0x7d: {  	v6 =	vld [tilespmem:$0x1A0A0]  }
0x7e: {  	v7 =	vld [tilespmem:$0x1A2A0]  }
0x7f: {  	v8 =	vld [tilespmem:$0x1A0B0]  }
0x80: {  	v9 =	vld [tilespmem:$0x1A2B0]  }
0x81: {  	v10 =	vld [tilespmem:$0x1A0C0]  }
0x82: {  	v11 =	vld [tilespmem:$0x1A2C0];
	v2 =	vadd.f32 v3, v2  }
0x83: {  	v12 =	vld [tilespmem:$0x1A2D0]  }
0x84: {  	v14 =	vld [tilespmem:$0x1A2E0];
	v4 =	vadd.f32 v5, v4;
	v13 =	vmul.f32 $2.000000030e-01, v2  }
0x85: {  	v15 =	vld [tilespmem:$0x1A2F0]  }
0x86: {  	v35 =	vld [tilespmem:$0x1A100];
	v6 =	vadd.f32 v7, v6;
	v33 =	vmul.f32 $2.000000030e-01, v4;
	v2 =	vmax.f32 v2, v13  }
0x87: {  	v3 =	vld [tilespmem:$0x1A0D0];
	v2 =	vmul.f32 $1.442695020e+00, v2  }
0x88: {  	v37 =	vld [tilespmem:$0x1A110];
	v8 =	vadd.f32 v9, v8;
	v34 =	vmul.f32 $2.000000030e-01, v6;
	v4 =	vmax.f32 v4, v33  }
0x89: {  	v5 =	vld [tilespmem:$0x1A0E0];
	(erf) = vpow2.f32 v2;
	v2 =	vmul.f32 $1.442695020e+00, v4  }
0x8a: {  	v39 =	vld [tilespmem:$0x1A120];
	v10 =	vadd.f32 v11, v10;
	v36 =	vmul.f32 $2.000000030e-01, v8;
	v6 =	vmax.f32 v6, v34  }
0x8b: {  	v7 =	vld [tilespmem:$0x1A0F0];
	(erf) = vpow2.f32 v2;
	v2 =	vmul.f32 $1.442695020e+00, v6  }
0x8c: {  	v40 =	vld [tilespmem:$0x1A320];
	v38 =	vmul.f32 $2.000000030e-01, v10;
	v8 =	vmax.f32 v8, v36;
	v3 =	vadd.f32 v12, v3  }
0x8d: {  	v4 =	vld [tilespmem:$0x1A300];
	(erf) = vpow2.f32 v2;
	v2 =	vmul.f32 $1.442695020e+00, v8  }
0x8e: {  	v42 =	vld [tilespmem:$0x1A130];
	v10 =	vmax.f32 v10, v38;
	v5 =	vadd.f32 v14, v5;
	v41 =	vmul.f32 $2.000000030e-01, v3  }
0x8f: {  	v6 =	vld [tilespmem:$0x1A310];
	(erf) = vpow2.f32 v2;
	v2 =	vmul.f32 $1.442695020e+00, v10  }
0x90: {  	v43 =	vld [tilespmem:$0x1A330];
	v7 =	vadd.f32 v15, v7;
	v44 =	vmul.f32 $2.000000030e-01, v5;
	v3 =	vmax.f32 v3, v41  }
0x91: {  	v45 =	vld [tilespmem:$0x1A140];
	(erf) = vpow2.f32 v2;
	v2 =	vmul.f32 $1.442695020e+00, v3  }
0x92: {  	v47 =	vld [tilespmem:$0x1A150];
	v46 =	vmul.f32 $2.000000030e-01, v7;
	v5 =	vmax.f32 v5, v44;
	v4 =	vadd.f32 v4, v35  }
0x93: {  	v49 =	vld [tilespmem:$0x1A160];
	(erf) = vpow2.f32 v2;
	v2 =	vmul.f32 $1.442695020e+00, v5  }
0x94: {  	v51 =	vld [tilespmem:$0x1A170];
	v7 =	vmax.f32 v7, v46;
	v48 =	vmul.f32 $2.000000030e-01, v4;
	v6 =	vadd.f32 v6, v37  }
0x95: {  	v3 =	vld [tilespmem:$0x1A340];
	(erf) = vpow2.f32 v2;
	v2 =	vmul.f32 $1.442695020e+00, v7  }
0x96: {  	v53 =	vld [tilespmem:$0x1A180];
	v8 =	vadd.f32 v40, v39;
	v4 =	vmax.f32 v4, v48;
	v50 =	vmul.f32 $2.000000030e-01, v6  }
0x97: {  	v5 =	vld [tilespmem:$0x1A350];
	(erf) = vpow2.f32 v2;
	v2 =	vmul.f32 $1.442695020e+00, v4  }
0x98: {  	v55 =	vld [tilespmem:$0x1A190];
	v52 =	vmul.f32 $2.000000030e-01, v8;
	v10 =	vadd.f32 v43, v42;
	v6 =	vmax.f32 v6, v50  }
0x99: {  	v7 =	vld [tilespmem:$0x1A360];
	(erf) = vpow2.f32 v2;
	v2 =	vmul.f32 $1.442695020e+00, v6  }
0x9a: {  	v56 =	vld [tilespmem:$0x1A390];
	v8 =	vmax.f32 v8, v52;
	v54 =	vmul.f32 $2.000000030e-01, v10;
	v3 =	vadd.f32 v3, v45  }
0x9b: {  	v4 =	vld [tilespmem:$0x1A370];
	(erf) = vpow2.f32 v2;
	v2 =	vmul.f32 $1.442695020e+00, v8  }
0x9c: {  	v58 =	vld [tilespmem:$0x1A1A0];
	v10 =	vmax.f32 v10, v54;
	v57 =	vmul.f32 $2.000000030e-01, v3;
	v5 =	vadd.f32 v5, v47  }
0x9d: {  	v6 =	vld [tilespmem:$0x1A380];
	(erf) = vpow2.f32 v2;
	v2 =	vmul.f32 $1.442695020e+00, v10  }
0x9e: {  	v59 =	vld [tilespmem:$0x1A3A0];
	v3 =	vmax.f32 v3, v57;
	v60 =	vmul.f32 $2.000000030e-01, v5;
	v7 =	vadd.f32 v7, v49  }
0x9f: {  	v61 =	vld [tilespmem:$0x1A1B0];
	(erf) = vpow2.f32 v2;
	v2 =	vmul.f32 $1.442695020e+00, v3  }
0xa0: {  	v63 =	vld [tilespmem:$0x1A1C0];
	v5 =	vmax.f32 v5, v60;
	v62 =	vmul.f32 $2.000000030e-01, v7;
	v4 =	vadd.f32 v4, v51  }
0xa1: {  	v25 =	vld [tilespmem:$0x1A1D0];
	v16 =	vpop (erf);
	(erf) = vpow2.f32 v2;
	v2 =	vmul.f32 $1.442695020e+00, v5  }
0xa2: {  	v27 =	vld [tilespmem:$0x1A1E0];
	v7 =	vmax.f32 v7, v62;
	v24 =	vmul.f32 $2.000000030e-01, v4;
	v6 =	vadd.f32 v6, v53  }
0xa3: {  	v17 =	vpop (erf);
	v3 =	vld [tilespmem:$0x1A3B0];
	(erf) = vpow2.f32 v2;
	v2 =	vmul.f32 $1.442695020e+00, v7  }
0xa4: {  	v29 =	vld [tilespmem:$0x1A1F0];
	v8 =	vadd.f32 v56, v55;
	v4 =	vmax.f32 v4, v24;
	v26 =	vmul.f32 $2.000000030e-01, v6  }
0xa5: {  	v18 =	vpop (erf);
	v5 =	vld [tilespmem:$0x1A3C0];
	(erf) = vpow2.f32 v2;
	v2 =	vmul.f32 $1.442695020e+00, v4  }
0xa6: {  	v31 =	vld [tilespmem:$0x1A200];
	v9 =	vadd.f32 v59, v58;
	v28 =	vmul.f32 $2.000000030e-01, v8;
	v6 =	vmax.f32 v6, v26  }
0xa7: {  	v19 =	vpop (erf);
	v7 =	vld [tilespmem:$0x1A3D0];
	(erf) = vpow2.f32 v2;
	v2 =	vmul.f32 $1.442695020e+00, v6  }
0xa8: {  	v32 =	vld [tilespmem:$0x1A400];
	v30 =	vmul.f32 $2.000000030e-01, v9;
	v8 =	vmax.f32 v8, v28;
	v3 =	vadd.f32 v3, v61  }
0xa9: {  	v20 =	vpop (erf);
	v4 =	vld [tilespmem:$0x1A3E0];
	(erf) = vpow2.f32 v2;
	v2 =	vmul.f32 $1.442695020e+00, v8  }
0xaa: {  	v9 =	vmax.f32 v9, v30;
	v34 =	vld [tilespmem:$0x1A210];
	v33 =	vmul.f32 $2.000000030e-01, v3;
	v5 =	vadd.f32 v5, v63  }
0xab: {  	v21 =	vpop (erf);
	v6 =	vld [tilespmem:$0x1A3F0];
	(erf) = vpow2.f32 v2;
	v2 =	vmul.f32 $1.442695020e+00, v9  }
0xac: {  	v46 =	vld [tilespmem:$0x1A250];
	v3 =	vmax.f32 v3, v33;
	v36 =	vmul.f32 $2.000000030e-01, v5;
	v7 =	vadd.f32 v7, v25  }
0xad: {  	v35 =	vld [tilespmem:$0x1A410];
	v22 =	vpop (erf);
	(erf) = vpow2.f32 v2;
	v2 =	vmul.f32 $1.442695020e+00, v3  }
0xae: {  	v37 =	vld [tilespmem:$0x1A220];
	v5 =	vmax.f32 v5, v36;
	v39 =	vmul.f32 $2.000000030e-01, v7;
	v4 =	vadd.f32 v4, v27  }
0xaf: {  	v38 =	vpop (erf);
	v3 =	vld [tilespmem:$0x1A420];
	(erf) = vpow2.f32 v2;
	v2 =	vmul.f32 $1.442695020e+00, v5  }
0xb0: {  	v40 =	vld [tilespmem:$0x1A230];
	[tilespmem:$0x1A480] =	vst v16;
	v7 =	vmax.f32 v7, v39;
	v42 =	vmul.f32 $2.000000030e-01, v4;
	v6 =	vadd.f32 v6, v29  }
0xb1: {  	v43 =	vld [tilespmem:$0x1A240];
	[tilespmem:$0x1A490] =	vst v17;
	v41 =	vpop (erf);
	(erf) = vpow2.f32 v2;
	v2 =	vmul.f32 $1.442695020e+00, v7  }
0xb2: {  	v52 =	vld [tilespmem:$0x1A460];
	[tilespmem:$0x1A4A0] =	vst v18;
	v8 =	vadd.f32 v32, v31;
	v4 =	vmax.f32 v4, v42;
	v45 =	vmul.f32 $2.000000030e-01, v6  }
0xb3: {  	v47 =	vld [tilespmem:$0x1A450];
	[tilespmem:$0x1A4B0] =	vst v19;
	v44 =	vpop (erf);
	(erf) = vpow2.f32 v2;
	v2 =	vmul.f32 $1.442695020e+00, v4;
	v4 =	vadd.f32 v35, v34  }
0xb4: {  	[tilespmem:$0x1A4C0] =	vst v20;
	v48 =	vmul.f32 $2.000000030e-01, v8;
	v5 =	vld [tilespmem:$0x1A430];
	v6 =	vmax.f32 v6, v45;
	v3 =	vadd.f32 v3, v37  }
0xb5: {  	[tilespmem:$0x1A4D0] =	vst v21;
	v7 =	vld [tilespmem:$0x1A440];
	v6 =	vmul.f32 $1.442695020e+00, v6;
	v51 =	vmul.f32 $2.000000030e-01, v4  }
0xb6: {  	v49 =	vld [tilespmem:$0x1A260];
	[tilespmem:$0x1A4E0] =	vst v22;
	v50 =	vpop (erf);
	v54 =	vmul.f32 $2.000000030e-01, v3;
	(erf) = vpow2.f32 v2  }
0xb7: {  	v55 =	vld [tilespmem:$0x1A270];
	[tilespmem:$0x1A4F0] =	vst v38;
	v53 =	vpop (erf);
	v2 =	vmax.f32 v8, v48;
	(erf) = vpow2.f32 v6;
	v4 =	vmax.f32 v4, v51  }
0xb8: {  	[tilespmem:$0x1A500] =	vst v41;
	v2 =	vmul.f32 $1.442695020e+00, v2;
	v6 =	vld [tilespmem:$0x1A470];
	v4 =	vmul.f32 $1.442695020e+00, v4  }
0xb9: {  	[tilespmem:$0x1A510] =	vst v44;
	v5 =	vadd.f32 v5, v40;
	v3 =	vmax.f32 v3, v54  }
0xba: {  	[tilespmem:$0x1A520] =	vst v50;
	v56 =	vpop (erf);
	v3 =	vmul.f32 $1.442695020e+00, v3;
	(erf) = vpow2.f32 v2;
	v2 =	vadd.f32 v7, v43  }
0xbb: {  	v57 =	vadd.f32 v47, v46;
	[tilespmem:$0x1A530] =	vst v53;
	v58 =	vmul.f32 $2.000000030e-01, v5;
	v7 =	vpop (erf);
	(erf) = vpow2.f32 v4  }
0xbc: {  	[tilespmem:$0x1A550] =	vst v7;
	v7 =	vadd.f32 v52, v49;
	v4 =	vpop (erf);
	(erf) = vpow2.f32 v3;
	v3 =	vmul.f32 $2.000000030e-01, v2  }
0xbd: {  	v6 =	vadd.f32 v6, v55;
	[tilespmem:$0x1A560] =	vst v4;
	v4 =	vmax.f32 v5, v58;
	v5 =	vmul.f32 $2.000000030e-01, v57  }
0xbe: {  	[tilespmem:$0x1A540] =	vst v56;
	v59 =	vpop (erf);
	v4 =	vmul.f32 $1.442695020e+00, v4;
	v2 =	vmax.f32 v2, v3;
	v3 =	vmul.f32 $2.000000030e-01, v7  }
0xbf: {  	v62 =	vmul.f32 $2.000000030e-01, v6;
	v60 =	vpop (erf);
	[tilespmem:$0x1A570] =	vst v59;
	v2 =	vmul.f32 $1.442695020e+00, v2;
	v5 =	vmax.f32 v57, v5  }
0xc0: {  	v61 =	vpop (erf);
	[tilespmem:$0x1A580] =	vst v60;
	(erf) = vpow2.f32 v4;
	v3 =	vmax.f32 v7, v3;
	v4 =	vmul.f32 $1.442695020e+00, v5  }
0xc1: {  	[tilespmem:$0x1A590] =	vst v61;
	v63 =	vpop (erf);
	(erf) = vpow2.f32 v2;
	v2 =	vmax.f32 v6, v62;
	v3 =	vmul.f32 $1.442695020e+00, v3  }
0xc2: {  	[tilespmem:$0x1A5A0] =	vst v63;
	v5 =	vpop (erf);
	v2 =	vmul.f32 $1.442695020e+00, v2  }
0xc3: {  	(erf) = vpow2.f32 v4;
	[tilespmem:$0x1A5B0] =	vst v5;
	v5 =	vpop (erf)  }
0xc4: {  	[tilespmem:$0x1A5C0] =	vst v5;
	v4 =	vpop (erf);
	(erf) = vpow2.f32 v3  }
0xc5: {  	[tilespmem:$0x1A5D0] =	vst v4;
	v3 =	vpop (erf);
	(erf) = vpow2.f32 v2  }
0xc6: {  	v2 =	vpop (erf);
	[tilespmem:$0x1A5E0] =	vst v3  }
0xc7: {  	v3 =	vpop (erf);
	[tilespmem:$0x1A5F0] =	vst v2  }
0xc8: {  	v2 =	vpop (erf);
	[tilespmem:$0x1A600] =	vst v3  }
0xc9: {  	v3 =	vpop (erf);
	[tilespmem:$0x1A610] =	vst v2  }
0xca: {  	v2 =	vpop (erf);
	[tilespmem:$0x1A620] =	vst v3  }
0xcb: {  	v3 =	vpop (erf);
	[tilespmem:$0x1A630] =	vst v2  }
0xcc: {  	v2 =	vpop (erf);
	[tilespmem:$0x1A640] =	vst v3  }
0xcd: {  	v3 =	vpop (erf);
	[tilespmem:$0x1A650] =	vst v2  }
0xce: {  	[tilespmem:$0x1A660] =	vst v3;
	v2 =	vpop (erf)  }
0xcf: {  	[tilespmem:$0x1A670] =	vst v2  }
0xd0: {  	[spmem:s3] =	stream.indirect.scatter.add.f32 [tilespmem:s13], [sflag:$0x2], $0x1, s28, s30, $0xb8;
	[tilespmem:$0x1E740] =	vst v63  }
0xd1: {  	s8 =	simm.s32 $0x1A500  }
0xd2: {  	[spmem:s3] =	stream.indirect.scatter.add.f32 [tilespmem:s8], [sflag:$0x2], $0x1, s15, s30, $0xb8;
	[tilespmem:$0x1E740] =	vst v63  }
0xd3: {  	s8 =	simm.s32 $0x1A580  }
0xd4: {  	[spmem:s3] =	stream.indirect.scatter.add.f32 [tilespmem:s8], [sflag:$0x2], $0x1, s25, s30, $0xb8;
	[tilespmem:$0x1E740] =	vst v63  }
0xd5: {  	s8 =	simm.s32 $0x1A600  }
0xd6: {  	[spmem:s3] =	stream.indirect.scatter.add.f32 [tilespmem:s8], [sflag:$0x2], $0x1, s12, s30, $0xb8;
	[tilespmem:$0x1E740] =	vst v63  }
0xd7: {  	s8 =	rddreg [dreg:$0xe]  }
0xd8: {  	s2 =	sadd.s32 s8, s14;
	s14 =	simm.s32 $0x0  }
0xd9: {  	[hbm4b:s2+s4] =	stream.linear.scatter [tilespmem:s13], [sflag:$0x4], $0x200, $0x38;
	[tilespmem:$0x1E740] =	vst v63  }
0xda: {  	s8 =	sand.u32 $0x78, s14;
	_ =	swait.ge [sflag:s22], $0x200  }
0xdb: {  	v2 =	vmov s8;
	[sflag:s22] =	ssyncset.done $0x0  }
0xdc: {  	s8 =	sand.u32 $0xFFFFFF80, s14;
	v2 =	vshrl.u32 v2, $0x3;
	[sflag:s22] =	ssyncadd.s32 $0xFFFFFE00  }
0xdd: {  	v2 =	vshll.u32 v2, v1;
	[tilespmem:s31], [sflag:$0x3] =	stream.indirect.gather [hbm4b:s9+s30], $0x20, s10, s30, $0xb8;
	[tilespmem:$0x1E740] =	vst v63  }
0xde: {  	v2 =	vor.u32 s8, v2  }
0xdf: {  	v2 =	vbroadcast v2, $0x0;
	[tilespmem:s5], [sflag:$0x3] =	stream.indirect.gather [hbm4b:s9+s30], $0x20, s26, s30, $0xb8;
	[tilespmem:$0x1E740] =	vst v63  }
0xe0: {  	_ =	swait.ge [sflag:s29], $0x2000  }
0xe1: {  	s9 =	simm.s32 $0x1;
	[sflag:s29] =	ssyncset.done $0x0  }
0xe2: {  	s2 =	simm.s32 $0x1A700;
	s10 =	sand.u32 $0x79, s9;
	[sflag:s29] =	ssyncadd.s32 $0xFFFFE000  }
0xe3: {  	v3 =	vmov s10;
	v4 =	vld [tilespmem:s2+$0xFFFFFF90]  }
0xe4: {  	v3 =	vshrl.u32 v3, $0x3;
	v5 =	vld [tilespmem:s2+$0xFFFFFF80]  }
0xe5: {  	v3 =	vshll.u32 v3, v1;
	v2 =	vld.idx.msk [tilespmem:v2+s13+$0x0], $0xffff  }
0xe6: {  	v3 =	vor.u32 s8, v3  }
0xe7: {  	v3 =	vadd.s32 $0x1, v3  }
0xe8: {  	v3 =	vbroadcast v3, $0x0;
	_ =	sdelay $0x1  }
0xe9: {  	s26 =	simm.s32 $0x2;
	v4 =	vmul.f32 v4, v2;
	v2 =	vmul.f32 v5, v2  }
0xea: {  	s9 =	sand.u32 $0x7A, s26  }
0xeb: {  	v5 =	vld [tilespmem:s2+$0xFFFFFFB0];
	[tilespmem:s2+$0xFFFFFF80] =	vst v2;
	v2 =	vmov s9  }
0xec: {  	[tilespmem:s2+$0xFFFFFF90] =	vst v4;
	v4 =	vld [tilespmem:s2+$0xFFFFFFA0];
	v2 =	vshrl.u32 v2, $0x3  }
0xed: {  	v3 =	vld.idx.msk [tilespmem:v3+s13+$0x0], $0xffff;
	v2 =	vshll.u32 v2, v1  }
0xee: {  	v2 =	vor.u32 s8, v2  }
0xef: {  	v2 =	vadd.s32 $0x2, v2  }
0xf0: {  	v2 =	vbroadcast v2, $0x0;
	_ =	sdelay $0x1  }
0xf1: {  	s31 =	simm.s32 $0x3;
	v4 =	vmul.f32 v4, v3;
	v3 =	vmul.f32 v5, v3  }
0xf2: {  	s9 =	sand.u32 $0x7B, s31  }
0xf3: {  	v5 =	vld [tilespmem:s2+$0xFFFFFFD0];
	[tilespmem:s2+$0xFFFFFFB0] =	vst v3;
	v3 =	vmov s9  }
0xf4: {  	[tilespmem:s2+$0xFFFFFFA0] =	vst v4;
	v4 =	vld [tilespmem:s2+$0xFFFFFFC0];
	v3 =	vshrl.u32 v3, $0x3  }
0xf5: {  	v3 =	vshll.u32 v3, v1;
	v2 =	vld.idx.msk [tilespmem:v2+s13+$0x0], $0xffff  }
0xf6: {  	v3 =	vor.u32 s8, v3  }
0xf7: {  	v3 =	vadd.s32 $0x3, v3  }
0xf8: {  	v3 =	vbroadcast v3, $0x0;
	_ =	sdelay $0x1  }
0xf9: {  	s5 =	simm.s32 $0x4;
	v4 =	vmul.f32 v4, v2;
	v2 =	vmul.f32 v5, v2  }
0xfa: {  	s9 =	sand.u32 $0x7C, s5  }
0xfb: {  	v5 =	vld [tilespmem:s2+$0xFFFFFFF0];
	[tilespmem:s2+$0xFFFFFFD0] =	vst v2;
	v2 =	vmov s9  }
0xfc: {  	[tilespmem:s2+$0xFFFFFFC0] =	vst v4;
	v4 =	vld [tilespmem:s2+$0xFFFFFFE0];
	v2 =	vshrl.u32 v2, $0x3  }
0xfd: {  	v3 =	vld.idx.msk [tilespmem:v3+s13+$0x0], $0xffff;
	v2 =	vshll.u32 v2, v1  }
0xfe: {  	v2 =	vor.u32 s8, v2  }
0xff: {  	v2 =	vadd.s32 $0x4, v2  }
0x100: {  	v2 =	vbroadcast v2, $0x0;
	_ =	sdelay $0x1  }
0x101: {  	s10 =	simm.s32 $0x5;
	v4 =	vmul.f32 v4, v3;
	v3 =	vmul.f32 v5, v3  }
0x102: {  	s9 =	sand.u32 $0x7D, s10  }
0x103: {  	v5 =	vld [tilespmem:s2+$0x10];
	[tilespmem:s2+$0xFFFFFFF0] =	vst v3;
	v3 =	vmov s9  }
0x104: {  	[tilespmem:s2+$0xFFFFFFE0] =	vst v4;
	v4 =	vld [tilespmem:s2+$0x0];
	v3 =	vshrl.u32 v3, $0x3  }
0x105: {  	v3 =	vshll.u32 v3, v1;
	v2 =	vld.idx.msk [tilespmem:v2+s13+$0x0], $0xffff  }
0x106: {  	v3 =	vor.u32 s8, v3  }
0x107: {  	v3 =	vadd.s32 $0x5, v3  }
0x108: {  	v3 =	vbroadcast v3, $0x0;
	_ =	sdelay $0x1  }
0x109: {  	s26 =	simm.s32 $0x6;
	v4 =	vmul.f32 v4, v2;
	v2 =	vmul.f32 v5, v2  }
0x10a: {  	s9 =	sand.u32 $0x7E, s26  }
0x10b: {  	[tilespmem:s2+$0x10] =	vst v2;
	v2 =	vmov s9  }
0x10c: {  	[tilespmem:s2+$0x0] =	vst v4;
	v4 =	vld [tilespmem:s2+$0x20];
	v2 =	vshrl.u32 v2, $0x3  }
0x10d: {  	v3 =	vld.idx.msk [tilespmem:v3+s13+$0x0], $0xffff;
	v2 =	vshll.u32 v2, v1  }
0x10e: {  	v5 =	vld [tilespmem:s2+$0x30];
	v2 =	vor.u32 s8, v2  }
0x10f: {  	v2 =	vadd.s32 $0x6, v2  }
0x110: {  	v2 =	vbroadcast v2, $0x0;
	_ =	sdelay $0x1  }
0x111: {  	v4 =	vmul.f32 v4, v3  }
0x112: {  	s31 =	simm.s32 $0x7;
	v3 =	vmul.f32 v5, v3  }
0x113: {  	s9 =	sand.u32 $0x7F, s31;
	[tilespmem:s2+$0x20] =	vst v4  }
0x114: {  	[tilespmem:s2+$0x30] =	vst v3;
	v3 =	vld [tilespmem:s2+$0x50];
	v4 =	vmov s9  }
0x115: {  	v5 =	vld.idx.msk [tilespmem:v2+s13+$0x0], $0xffff;
	v2 =	vshrl.u32 v4, $0x3  }
0x116: {  	v4 =	vld [tilespmem:s2+$0x40];
	v2 =	vshll.u32 v2, v1  }
0x117: {  	v2 =	vor.u32 s8, v2  }
0x118: {  	v2 =	vadd.s32 $0x7, v2  }
0x119: {  	v2 =	vbroadcast v2, $0x0;
	_ =	sdelay $0x1  }
0x11a: {  	s9 =	simm.s32 $0x1A700;
	v4 =	vmul.f32 v4, v5;
	v3 =	vmul.f32 v3, v5  }
.LBB2_7:
0x11b: {  	s31 =	smov.u32 s14;
	s14 =	sadd.s32 $0x8, s14  }
0x11c: {  	s8 =	sand.u32 $0x78, s14;
	p2 =	slt.u32 s14, $0xF8;
	[tilespmem:s2+$0x40] =	vst v4  }
0x11d: {  	v4 =	vmov s8;
	[tilespmem:s2+$0x50] =	vst v3;
	v3 =	vld [tilespmem:s2+$0x60]  }
0x11e: {  	v4 =	vshrl.u32 v4, $0x3;
	v2 =	vld.idx.msk [tilespmem:v2+s13+$0x0], $0xffff  }
0x11f: {  	s26 =	sand.u32 $0xFFFFFF80, s14;
	v4 =	vshll.u32 v4, v1;
	v5 =	vld [tilespmem:s2+$0x70]  }
0x120: {  	v4 =	vor.u32 s26, v4  }
0x121: {  	v4 =	vbroadcast v4, $0x0;
	_ =	sdelay $0x2  }
0x122: {  	v3 =	vmul.f32 v3, v2;
	v2 =	vmul.f32 v5, v2  }
0x123: {  	s8 =	sadd.s32 $0x9, s31  }
0x124: {  	s8 =	sand.u32 $0x79, s8;
	s2 =	sadd.s32 $0x100, s2;
	[tilespmem:s9+$0x60] =	vst v3  }
0x125: {  	v5 =	vmov s8;
	v3 =	vld [tilespmem:s2+$0xFFFFFF90];
	[tilespmem:s9+$0x70] =	vst v2;
	s9 =	smov.u32 s2  }
0x126: {  	v2 =	vld.idx.msk [tilespmem:v4+s13+$0x0], $0xffff;
	v4 =	vshrl.u32 v5, $0x3  }
0x127: {  	v5 =	vld [tilespmem:s2+$0xFFFFFF80];
	v4 =	vshll.u32 v4, v1  }
0x128: {  	v4 =	vor.u32 s26, v4  }
0x129: {  	v4 =	vadd.s32 $0x1, v4  }
0x12a: {  	v4 =	vbroadcast v4, $0x0;
	_ =	sdelay $0x1  }
0x12b: {  	v5 =	vmul.f32 v5, v2;
	v2 =	vmul.f32 v3, v2  }
0x12c: {  	s8 =	sadd.s32 $0xA, s31  }
0x12d: {  	s8 =	sand.u32 $0x7A, s8;
	[tilespmem:s2+$0xFFFFFF90] =	vst v2  }
0x12e: {  	v3 =	vmov s8;
	[tilespmem:s2+$0xFFFFFF80] =	vst v5;
	v2 =	vld [tilespmem:s2+$0xFFFFFFB0]  }
0x12f: {  	v3 =	vshrl.u32 v3, $0x3;
	v4 =	vld.idx.msk [tilespmem:v4+s13+$0x0], $0xffff  }
0x130: {  	v3 =	vshll.u32 v3, v1;
	v5 =	vld [tilespmem:s2+$0xFFFFFFA0]  }
0x131: {  	v3 =	vor.u32 s26, v3  }
0x132: {  	v3 =	vadd.s32 $0x2, v3  }
0x133: {  	v3 =	vbroadcast v3, $0x0;
	_ =	sdelay $0x1  }
0x134: {  	v2 =	vmul.f32 v2, v4;
	v5 =	vmul.f32 v5, v4  }
0x135: {  	s8 =	sadd.s32 $0xB, s31  }
0x136: {  	s8 =	sand.u32 $0x7B, s8;
	[tilespmem:s2+$0xFFFFFFA0] =	vst v5  }
0x137: {  	v4 =	vmov s8;
	[tilespmem:s2+$0xFFFFFFB0] =	vst v2;
	v2 =	vld [tilespmem:s2+$0xFFFFFFD0]  }
0x138: {  	v4 =	vshrl.u32 v4, $0x3;
	v3 =	vld.idx.msk [tilespmem:v3+s13+$0x0], $0xffff  }
0x139: {  	v4 =	vshll.u32 v4, v1;
	v5 =	vld [tilespmem:s2+$0xFFFFFFC0]  }
0x13a: {  	v4 =	vor.u32 s26, v4  }
0x13b: {  	v4 =	vadd.s32 $0x3, v4  }
0x13c: {  	v4 =	vbroadcast v4, $0x0;
	_ =	sdelay $0x1  }
0x13d: {  	v2 =	vmul.f32 v2, v3;
	v5 =	vmul.f32 v5, v3  }
0x13e: {  	s8 =	sadd.s32 $0xC, s31  }
0x13f: {  	s8 =	sand.u32 $0x7C, s8;
	[tilespmem:s2+$0xFFFFFFC0] =	vst v5  }
0x140: {  	v3 =	vmov s8;
	[tilespmem:s2+$0xFFFFFFD0] =	vst v2;
	v2 =	vld [tilespmem:s2+$0xFFFFFFF0]  }
0x141: {  	v3 =	vshrl.u32 v3, $0x3;
	v4 =	vld.idx.msk [tilespmem:v4+s13+$0x0], $0xffff  }
0x142: {  	v3 =	vshll.u32 v3, v1;
	v5 =	vld [tilespmem:s2+$0xFFFFFFE0]  }
0x143: {  	v3 =	vor.u32 s26, v3  }
0x144: {  	v3 =	vadd.s32 $0x4, v3  }
0x145: {  	v3 =	vbroadcast v3, $0x0;
	_ =	sdelay $0x1  }
0x146: {  	v2 =	vmul.f32 v2, v4;
	v5 =	vmul.f32 v5, v4  }
0x147: {  	s8 =	sadd.s32 $0xD, s31  }
0x148: {  	s8 =	sand.u32 $0x7D, s8;
	[tilespmem:s2+$0xFFFFFFE0] =	vst v5  }
0x149: {  	v4 =	vmov s8;
	[tilespmem:s2+$0xFFFFFFF0] =	vst v2;
	v2 =	vld [tilespmem:s2+$0x10]  }
0x14a: {  	v4 =	vshrl.u32 v4, $0x3;
	v3 =	vld.idx.msk [tilespmem:v3+s13+$0x0], $0xffff  }
0x14b: {  	v4 =	vshll.u32 v4, v1;
	v5 =	vld [tilespmem:s2+$0x0]  }
0x14c: {  	v4 =	vor.u32 s26, v4  }
0x14d: {  	v4 =	vadd.s32 $0x5, v4  }
0x14e: {  	v4 =	vbroadcast v4, $0x0;
	_ =	sdelay $0x1  }
0x14f: {  	v2 =	vmul.f32 v2, v3;
	v5 =	vmul.f32 v5, v3  }
0x150: {  	s8 =	sadd.s32 $0xE, s31  }
0x151: {  	s8 =	sand.u32 $0x7E, s8;
	[tilespmem:s2+$0x0] =	vst v5  }
0x152: {  	v3 =	vmov s8;
	[tilespmem:s2+$0x10] =	vst v2;
	v2 =	vld [tilespmem:s2+$0x30]  }
0x153: {  	v3 =	vshrl.u32 v3, $0x3;
	v4 =	vld.idx.msk [tilespmem:v4+s13+$0x0], $0xffff  }
0x154: {  	v3 =	vshll.u32 v3, v1;
	v5 =	vld [tilespmem:s2+$0x20]  }
0x155: {  	v3 =	vor.u32 s26, v3  }
0x156: {  	v3 =	vadd.s32 $0x6, v3  }
0x157: {  	v3 =	vbroadcast v3, $0x0;
	_ =	sdelay $0x1  }
0x158: {  	v2 =	vmul.f32 v2, v4;
	v5 =	vmul.f32 v5, v4  }
0x159: {  	s8 =	sadd.s32 $0xF, s31  }
0x15a: {  	s8 =	sand.u32 $0x7F, s8;
	[tilespmem:s2+$0x20] =	vst v5  }
0x15b: {  	[tilespmem:s2+$0x30] =	vst v2;
	v5 =	vld [tilespmem:s2+$0x50];
	v2 =	vmov s8  }
0x15c: {  	v3 =	vld.idx.msk [tilespmem:v3+s13+$0x0], $0xffff;
	v2 =	vshrl.u32 v2, $0x3  }
0x15d: {  	v4 =	vld [tilespmem:s2+$0x40];
	v2 =	vshll.u32 v2, v1  }
.Ltmp2:
0x15e: {  	v2 =	vor.u32 s26, v2;
	(pc) =	sbr.rel @p2 .LBB2_7-.Ltmp2, $3  }
0x15f: {  	v2 =	vadd.s32 $0x7, v2  }
0x160: {  	v2 =	vbroadcast v2, $0x0;
	_ =	sdelay $0x1  }
0x161: {  	v4 =	vmul.f32 v4, v3;
	v3 =	vmul.f32 v5, v3  }
0x162: {  	_ =	sdelay $0x1  }
0x163: {  	[tilespmem:s2+$0x40] =	vst v4  }
0x164: {  	[tilespmem:s2+$0x50] =	vst v3;
	v3 =	vld [tilespmem:s2+$0x60]  }
0x165: {  	v2 =	vld.idx.msk [tilespmem:v2+s13+$0x0], $0xffff  }
0x166: {  	v4 =	vld [tilespmem:s2+$0x70];
	_ =	sdelay $0x3  }
0x167: {  	s14 =	simm.s32 $0x0;
	v3 =	vmul.f32 v3, v2  }
0x168: {  	s5 =	sand.u32 $0x78, s14;
	v2 =	vmul.f32 v4, v2  }
0x169: {  	s8 =	simm.s32 $0x100;
	v4 =	vmov s5;
	[tilespmem:s9+$0x60] =	vst v3  }
0x16a: {  	s2 =	sand.u32 $0xFFFFFF80, s8;
	v3 =	vshrl.u32 v4, $0x3;
	[tilespmem:s9+$0x70] =	vst v2  }
0x16b: {  	v2 =	vshll.u32 v3, v1;
	[spmem:s0] =	stream.indirect.scatter.add.f32 [tilespmem:s21], [sflag:$0x1], $0x20, s28, s30, $0xb8;
	[tilespmem:$0x1E740] =	vst v63  }
0x16c: {  	s10 =	simm.s32 $0x1B680;
	s5 =	simm.s32 $0x3;
	v2 =	vor.u32 s2, v2  }
0x16d: {  	v2 =	vbroadcast v2, $0x0;
	[spmem:s0] =	stream.indirect.scatter.add.f32 [tilespmem:s10], [sflag:$0x1], $0x20, s15, s30, $0xb8;
	[tilespmem:$0x1E740] =	vst v63  }
0x16e: {  	_ =	swait.ge [sflag:s5], $0x2000  }
0x16f: {  	s26 =	simm.s32 $0x101;
	[sflag:s5] =	ssyncset.done $0x0  }
0x170: {  	s31 =	simm.s32 $0x1C770;
	s8 =	sand.u32 $0x79, s26;
	[sflag:s5] =	ssyncadd.s32 $0xFFFFE000  }
0x171: {  	v3 =	vmov s8;
	v4 =	vld [tilespmem:s31+$0xFFFFFF20]  }
0x172: {  	v3 =	vshrl.u32 v3, $0x3;
	v5 =	vld [tilespmem:s31+$0xFFFFFF10]  }
0x173: {  	s2 =	sand.u32 $0xFFFFFF80, s26;
	v3 =	vshll.u32 v3, v1;
	v2 =	vld.idx.msk [tilespmem:v2+s13+$0x0], $0xffff  }
0x174: {  	v3 =	vor.u32 s2, v3  }
0x175: {  	v3 =	vadd.s32 $0x1, v3  }
0x176: {  	v3 =	vbroadcast v3, $0x0;
	_ =	sdelay $0x1  }
0x177: {  	s5 =	simm.s32 $0x102;
	v4 =	vmul.f32 v4, v2;
	v2 =	vmul.f32 v5, v2  }
0x178: {  	s9 =	sand.u32 $0x7A, s5  }
0x179: {  	v5 =	vld [tilespmem:s31+$0xFFFFFF40];
	[tilespmem:s31+$0xFFFFFF10] =	vst v2;
	v2 =	vmov s9  }
0x17a: {  	[tilespmem:s31+$0xFFFFFF20] =	vst v4;
	v4 =	vld [tilespmem:s31+$0xFFFFFF30];
	v2 =	vshrl.u32 v2, $0x3  }
0x17b: {  	s2 =	sand.u32 $0xFFFFFF80, s5;
	v3 =	vld.idx.msk [tilespmem:v3+s13+$0x0], $0xffff;
	v2 =	vshll.u32 v2, v1  }
0x17c: {  	v2 =	vor.u32 s2, v2  }
0x17d: {  	v2 =	vadd.s32 $0x2, v2  }
0x17e: {  	v2 =	vbroadcast v2, $0x0;
	_ =	sdelay $0x1  }
0x17f: {  	s10 =	simm.s32 $0x103;
	v4 =	vmul.f32 v4, v3;
	v3 =	vmul.f32 v5, v3  }
0x180: {  	s26 =	sand.u32 $0x7B, s10  }
0x181: {  	v5 =	vld [tilespmem:s31+$0xFFFFFF60];
	[tilespmem:s31+$0xFFFFFF40] =	vst v3;
	v3 =	vmov s26  }
0x182: {  	[tilespmem:s31+$0xFFFFFF30] =	vst v4;
	v4 =	vld [tilespmem:s31+$0xFFFFFF50];
	v3 =	vshrl.u32 v3, $0x3  }
0x183: {  	s2 =	sand.u32 $0xFFFFFF80, s10;
	v3 =	vshll.u32 v3, v1;
	v2 =	vld.idx.msk [tilespmem:v2+s13+$0x0], $0xffff  }
0x184: {  	v3 =	vor.u32 s2, v3  }
0x185: {  	v3 =	vadd.s32 $0x3, v3  }
0x186: {  	v3 =	vbroadcast v3, $0x0;
	_ =	sdelay $0x1  }
0x187: {  	s5 =	simm.s32 $0x104;
	v4 =	vmul.f32 v4, v2;
	v2 =	vmul.f32 v5, v2  }
0x188: {  	s9 =	sand.u32 $0x7C, s5  }
0x189: {  	v5 =	vld [tilespmem:s31+$0xFFFFFF80];
	[tilespmem:s31+$0xFFFFFF60] =	vst v2;
	v2 =	vmov s9  }
0x18a: {  	[tilespmem:s31+$0xFFFFFF50] =	vst v4;
	v4 =	vld [tilespmem:s31+$0xFFFFFF70];
	v2 =	vshrl.u32 v2, $0x3  }
0x18b: {  	s2 =	sand.u32 $0xFFFFFF80, s5;
	v3 =	vld.idx.msk [tilespmem:v3+s13+$0x0], $0xffff;
	v2 =	vshll.u32 v2, v1  }
0x18c: {  	v2 =	vor.u32 s2, v2  }
0x18d: {  	v2 =	vadd.s32 $0x4, v2  }
0x18e: {  	v2 =	vbroadcast v2, $0x0;
	_ =	sdelay $0x1  }
0x18f: {  	s10 =	simm.s32 $0x105;
	v4 =	vmul.f32 v4, v3;
	v3 =	vmul.f32 v5, v3  }
0x190: {  	s26 =	sand.u32 $0x7D, s10  }
0x191: {  	v5 =	vld [tilespmem:s31+$0xFFFFFFA0];
	[tilespmem:s31+$0xFFFFFF80] =	vst v3;
	v3 =	vmov s26  }
0x192: {  	[tilespmem:s31+$0xFFFFFF70] =	vst v4;
	v4 =	vld [tilespmem:s31+$0xFFFFFF90];
	v3 =	vshrl.u32 v3, $0x3  }
0x193: {  	s2 =	sand.u32 $0xFFFFFF80, s10;
	v3 =	vshll.u32 v3, v1;
	v2 =	vld.idx.msk [tilespmem:v2+s13+$0x0], $0xffff  }
0x194: {  	v3 =	vor.u32 s2, v3  }
0x195: {  	v3 =	vadd.s32 $0x5, v3  }
0x196: {  	v3 =	vbroadcast v3, $0x0;
	_ =	sdelay $0x1  }
0x197: {  	s5 =	simm.s32 $0x106;
	v4 =	vmul.f32 v4, v2;
	v2 =	vmul.f32 v5, v2  }
0x198: {  	s9 =	sand.u32 $0x7E, s5  }
0x199: {  	[tilespmem:s31+$0xFFFFFFA0] =	vst v2;
	v2 =	vmov s9  }
0x19a: {  	[tilespmem:s31+$0xFFFFFF90] =	vst v4;
	v4 =	vld [tilespmem:s31+$0xFFFFFFB0];
	v2 =	vshrl.u32 v2, $0x3  }
0x19b: {  	s2 =	sand.u32 $0xFFFFFF80, s5;
	v3 =	vld.idx.msk [tilespmem:v3+s13+$0x0], $0xffff;
	v2 =	vshll.u32 v2, v1  }
0x19c: {  	v5 =	vld [tilespmem:s31+$0xFFFFFFC0];
	v2 =	vor.u32 s2, v2  }
0x19d: {  	v2 =	vadd.s32 $0x6, v2  }
0x19e: {  	v2 =	vbroadcast v2, $0x0;
	_ =	sdelay $0x1  }
0x19f: {  	v4 =	vmul.f32 v4, v3  }
0x1a0: {  	s10 =	simm.s32 $0x107;
	v3 =	vmul.f32 v5, v3  }
0x1a1: {  	s26 =	sand.u32 $0x7F, s10;
	[tilespmem:s31+$0xFFFFFFB0] =	vst v4  }
0x1a2: {  	[tilespmem:s31+$0xFFFFFFC0] =	vst v3;
	v3 =	vld [tilespmem:s31+$0xFFFFFFE0];
	v4 =	vmov s26  }
0x1a3: {  	v5 =	vld.idx.msk [tilespmem:v2+s13+$0x0], $0xffff;
	v2 =	vshrl.u32 v4, $0x3  }
0x1a4: {  	s2 =	sand.u32 $0xFFFFFF80, s10;
	v4 =	vld [tilespmem:s31+$0xFFFFFFD0];
	v2 =	vshll.u32 v2, v1  }
0x1a5: {  	v2 =	vor.u32 s2, v2  }
0x1a6: {  	v2 =	vadd.s32 $0x7, v2  }
0x1a7: {  	v2 =	vbroadcast v2, $0x0;
	_ =	sdelay $0x1  }
0x1a8: {  	s2 =	simm.s32 $0x1C770;
	v4 =	vmul.f32 v4, v5;
	v3 =	vmul.f32 v3, v5  }
.LBB2_9:
0x1a9: {  	s9 =	smov.u32 s14;
	s14 =	sadd.s32 $0x8, s14  }
0x1aa: {  	s8 =	sand.u32 $0x78, s14;
	p2 =	slt.u32 s14, $0xF8;
	[tilespmem:s31+$0xFFFFFFD0] =	vst v4  }
0x1ab: {  	v4 =	vmov s8;
	[tilespmem:s31+$0xFFFFFFE0] =	vst v3;
	v3 =	vld [tilespmem:s31+$0xFFFFFFF0]  }
0x1ac: {  	s8 =	sadd.s32 $0x108, s9;
	v4 =	vshrl.u32 v4, $0x3;
	v2 =	vld.idx.msk [tilespmem:v2+s13+$0x0], $0xffff  }
0x1ad: {  	s8 =	sand.u32 $0xFFFFFF80, s8;
	v4 =	vshll.u32 v4, v1;
	v5 =	vld [tilespmem:s31+$0x0]  }
0x1ae: {  	v4 =	vor.u32 s8, v4  }
0x1af: {  	v4 =	vbroadcast v4, $0x0;
	_ =	sdelay $0x2  }
0x1b0: {  	v3 =	vmul.f32 v3, v2;
	v2 =	vmul.f32 v5, v2  }
0x1b1: {  	s8 =	sadd.s32 $0x109, s9  }
0x1b2: {  	s31 =	sadd.s32 $0x100, s31;
	s10 =	sand.u32 $0x79, s8;
	[tilespmem:s2+$0xFFFFFFF0] =	vst v3  }
0x1b3: {  	v5 =	vmov s10;
	v3 =	vld [tilespmem:s31+$0xFFFFFF20];
	[tilespmem:s2+$0x0] =	vst v2;
	s2 =	smov.u32 s31  }
0x1b4: {  	v2 =	vld.idx.msk [tilespmem:v4+s13+$0x0], $0xffff;
	v4 =	vshrl.u32 v5, $0x3  }
0x1b5: {  	s8 =	sand.u32 $0xFFFFFF80, s8;
	v5 =	vld [tilespmem:s31+$0xFFFFFF10];
	v4 =	vshll.u32 v4, v1  }
0x1b6: {  	v4 =	vor.u32 s8, v4  }
0x1b7: {  	v4 =	vadd.s32 $0x1, v4  }
0x1b8: {  	v4 =	vbroadcast v4, $0x0;
	_ =	sdelay $0x1  }
0x1b9: {  	v5 =	vmul.f32 v5, v2;
	v2 =	vmul.f32 v3, v2  }
0x1ba: {  	s8 =	sadd.s32 $0x10A, s9  }
0x1bb: {  	s10 =	sand.u32 $0x7A, s8;
	[tilespmem:s31+$0xFFFFFF20] =	vst v2  }
0x1bc: {  	v3 =	vmov s10;
	[tilespmem:s31+$0xFFFFFF10] =	vst v5;
	v2 =	vld [tilespmem:s31+$0xFFFFFF40]  }
0x1bd: {  	v3 =	vshrl.u32 v3, $0x3;
	v4 =	vld.idx.msk [tilespmem:v4+s13+$0x0], $0xffff  }
0x1be: {  	s8 =	sand.u32 $0xFFFFFF80, s8;
	v3 =	vshll.u32 v3, v1;
	v5 =	vld [tilespmem:s31+$0xFFFFFF30]  }
0x1bf: {  	v3 =	vor.u32 s8, v3  }
0x1c0: {  	v3 =	vadd.s32 $0x2, v3  }
0x1c1: {  	v3 =	vbroadcast v3, $0x0;
	_ =	sdelay $0x1  }
0x1c2: {  	v2 =	vmul.f32 v2, v4;
	v5 =	vmul.f32 v5, v4  }
0x1c3: {  	s8 =	sadd.s32 $0x10B, s9  }
0x1c4: {  	s10 =	sand.u32 $0x7B, s8;
	[tilespmem:s31+$0xFFFFFF30] =	vst v5  }
0x1c5: {  	v4 =	vmov s10;
	[tilespmem:s31+$0xFFFFFF40] =	vst v2;
	v2 =	vld [tilespmem:s31+$0xFFFFFF60]  }
0x1c6: {  	v4 =	vshrl.u32 v4, $0x3;
	v3 =	vld.idx.msk [tilespmem:v3+s13+$0x0], $0xffff  }
0x1c7: {  	s8 =	sand.u32 $0xFFFFFF80, s8;
	v4 =	vshll.u32 v4, v1;
	v5 =	vld [tilespmem:s31+$0xFFFFFF50]  }
0x1c8: {  	v4 =	vor.u32 s8, v4  }
0x1c9: {  	v4 =	vadd.s32 $0x3, v4  }
0x1ca: {  	v4 =	vbroadcast v4, $0x0;
	_ =	sdelay $0x1  }
0x1cb: {  	v2 =	vmul.f32 v2, v3;
	v5 =	vmul.f32 v5, v3  }
0x1cc: {  	s8 =	sadd.s32 $0x10C, s9  }
0x1cd: {  	s10 =	sand.u32 $0x7C, s8;
	[tilespmem:s31+$0xFFFFFF50] =	vst v5  }
0x1ce: {  	v3 =	vmov s10;
	[tilespmem:s31+$0xFFFFFF60] =	vst v2;
	v2 =	vld [tilespmem:s31+$0xFFFFFF80]  }
0x1cf: {  	v3 =	vshrl.u32 v3, $0x3;
	v4 =	vld.idx.msk [tilespmem:v4+s13+$0x0], $0xffff  }
0x1d0: {  	s8 =	sand.u32 $0xFFFFFF80, s8;
	v3 =	vshll.u32 v3, v1;
	v5 =	vld [tilespmem:s31+$0xFFFFFF70]  }
0x1d1: {  	v3 =	vor.u32 s8, v3  }
0x1d2: {  	v3 =	vadd.s32 $0x4, v3  }
0x1d3: {  	v3 =	vbroadcast v3, $0x0;
	_ =	sdelay $0x1  }
0x1d4: {  	v2 =	vmul.f32 v2, v4;
	v5 =	vmul.f32 v5, v4  }
0x1d5: {  	s8 =	sadd.s32 $0x10D, s9  }
0x1d6: {  	s10 =	sand.u32 $0x7D, s8;
	[tilespmem:s31+$0xFFFFFF70] =	vst v5  }
0x1d7: {  	v4 =	vmov s10;
	[tilespmem:s31+$0xFFFFFF80] =	vst v2;
	v2 =	vld [tilespmem:s31+$0xFFFFFFA0]  }
0x1d8: {  	v4 =	vshrl.u32 v4, $0x3;
	v3 =	vld.idx.msk [tilespmem:v3+s13+$0x0], $0xffff  }
0x1d9: {  	s8 =	sand.u32 $0xFFFFFF80, s8;
	v4 =	vshll.u32 v4, v1;
	v5 =	vld [tilespmem:s31+$0xFFFFFF90]  }
0x1da: {  	v4 =	vor.u32 s8, v4  }
0x1db: {  	v4 =	vadd.s32 $0x5, v4  }
0x1dc: {  	v4 =	vbroadcast v4, $0x0;
	_ =	sdelay $0x1  }
0x1dd: {  	v2 =	vmul.f32 v2, v3;
	v5 =	vmul.f32 v5, v3  }
0x1de: {  	s8 =	sadd.s32 $0x10E, s9  }
0x1df: {  	s10 =	sand.u32 $0x7E, s8;
	[tilespmem:s31+$0xFFFFFF90] =	vst v5  }
0x1e0: {  	v3 =	vmov s10;
	[tilespmem:s31+$0xFFFFFFA0] =	vst v2;
	v2 =	vld [tilespmem:s31+$0xFFFFFFC0]  }
0x1e1: {  	v3 =	vshrl.u32 v3, $0x3;
	v4 =	vld.idx.msk [tilespmem:v4+s13+$0x0], $0xffff  }
0x1e2: {  	s8 =	sand.u32 $0xFFFFFF80, s8;
	v3 =	vshll.u32 v3, v1;
	v5 =	vld [tilespmem:s31+$0xFFFFFFB0]  }
0x1e3: {  	v3 =	vor.u32 s8, v3  }
0x1e4: {  	v3 =	vadd.s32 $0x6, v3  }
0x1e5: {  	v3 =	vbroadcast v3, $0x0;
	_ =	sdelay $0x1  }
0x1e6: {  	v2 =	vmul.f32 v2, v4;
	v5 =	vmul.f32 v5, v4  }
0x1e7: {  	s8 =	sadd.s32 $0x10F, s9  }
0x1e8: {  	s9 =	sand.u32 $0x7F, s8;
	[tilespmem:s31+$0xFFFFFFB0] =	vst v5  }
0x1e9: {  	[tilespmem:s31+$0xFFFFFFC0] =	vst v2;
	v5 =	vld [tilespmem:s31+$0xFFFFFFE0];
	v2 =	vmov s9  }
0x1ea: {  	v3 =	vld.idx.msk [tilespmem:v3+s13+$0x0], $0xffff;
	v2 =	vshrl.u32 v2, $0x3  }
0x1eb: {  	s8 =	sand.u32 $0xFFFFFF80, s8;
	v4 =	vld [tilespmem:s31+$0xFFFFFFD0];
	v2 =	vshll.u32 v2, v1  }
.Ltmp3:
0x1ec: {  	v2 =	vor.u32 s8, v2;
	(pc) =	sbr.rel @p2 .LBB2_9-.Ltmp3, $3  }
0x1ed: {  	v2 =	vadd.s32 $0x7, v2  }
0x1ee: {  	v2 =	vbroadcast v2, $0x0;
	_ =	sdelay $0x1  }
0x1ef: {  	v4 =	vmul.f32 v4, v3;
	v3 =	vmul.f32 v5, v3  }
0x1f0: {  	_ =	sdelay $0x1  }
0x1f1: {  	[tilespmem:s31+$0xFFFFFFD0] =	vst v4  }
0x1f2: {  	[tilespmem:s31+$0xFFFFFFE0] =	vst v3;
	v3 =	vld [tilespmem:s31+$0xFFFFFFF0]  }
0x1f3: {  	v2 =	vld.idx.msk [tilespmem:v2+s13+$0x0], $0xffff  }
0x1f4: {  	v63 =	vld [tilespmem:s31+$0x0];
	_ =	sdelay $0x3  }
0x1f5: {  	v3 =	vmul.f32 v3, v2  }
0x1f6: {  	v2 =	vmul.f32 v63, v2  }
0x1f7: {  	[tilespmem:s2+$0xFFFFFFF0] =	vst v3  }
0x1f8: {  	s31 =	simm.s32 $0x1C680;
	[tilespmem:s2+$0x0] =	vst v2  }
0x1f9: {  	[spmem:s0] =	stream.indirect.scatter.add.f32 [tilespmem:s31], [sflag:$0x3], $0x20, s25, s30, $0xb8;
	[tilespmem:$0x1E740] =	vst v63  }
0x1fa: {  	s5 =	simm.s32 $0x1D680  }
0x1fb: {  	[spmem:s0] =	stream.indirect.scatter.add.f32 [tilespmem:s5], [sflag:$0x3], $0x20, s12, s30, $0xb8;
	[tilespmem:$0x1E740] =	vst v63  }
0x1fc: {  	_ =	swait.ge [sflag:s29], $0x1000  }
0x1fd: {  	[sflag:s29] =	ssyncset.done $0x0  }
0x1fe: {  	[sflag:s29] =	ssyncadd.s32 $0xFFFFF000  }
0x1ff: {  	_ =	swait.ge [sflag:s29], $0x1000  }
0x200: {  	[sflag:s29] =	ssyncset.done $0x0  }
0x201: {  	s26 =	simm.s32 $0x3;
	[sflag:s29] =	ssyncadd.s32 $0xFFFFF000  }
0x202: {  	_ =	swait.ge [sflag:s26], $0x1000  }
0x203: {  	[sflag:s26] =	ssyncset.done $0x0  }
0x204: {  	[sflag:s26] =	ssyncadd.s32 $0xFFFFF000  }
0x205: {  	_ =	swait.ge [sflag:s26], $0x1000  }
0x206: {  	[sflag:s26] =	ssyncset.done $0x0  }
0x207: {  	[sflag:s26] =	ssyncadd.s32 $0xFFFFF000  }
0x208: {  	_ =	swait.ge [sflag:s11], $0x80  }
0x209: {  	[sflag:s11] =	ssyncset.done $0x0  }
0x20a: {  	[sflag:s11] =	ssyncadd.s32 $0xFFFFFF80  }
0x20b: {  	_ =	swait.ge [sflag:s11], $0x80  }
0x20c: {  	[sflag:s11] =	ssyncset.done $0x0  }
0x20d: {  	[sflag:s11] =	ssyncadd.s32 $0xFFFFFF80  }
0x20e: {  	_ =	swait.ge [sflag:s11], $0x80  }
0x20f: {  	[sflag:s11] =	ssyncset.done $0x0  }
0x210: {  	[sflag:s11] =	ssyncadd.s32 $0xFFFFFF80  }
0x211: {  	_ =	swait.ge [sflag:s11], $0x80  }
0x212: {  	s8 =	rddreg [dreg:$0x13]  }
0x213: {  	s8 =	sadd.s32 $0x1, s8  }
0x214: {  	p2 =	sne.s32 s8, $0x68  }
.Ltmp4:
0x215: {  	_ = 	snop;
	(pc) =	sbr.rel @p2 .LBB2_6-.Ltmp4, $3  }
0x216: {  	_ =	sdelay $0x1  }
0x217: {  	[sflag:s11] =	ssyncset.done $0x0  }
0x218: {  	[sflag:s11] =	ssyncadd.s32 $0xFFFFFF80  }
0x219: {  	[bflag:$0x0] =	sbarrier.arrive $0xFFFF;
	s2 =	sadd.s32 $0x0, s20  }
0x21a: {  	[tilespmem:s28], [sflag:$0x5] =	stream.linear.gather [hbm4b:s2+s4], $0x200, $0x38;
	[tilespmem:$0x1E740] =	vst v63  }
0x21b: {  	_ =	swait.ge [sflag:s17], $0x200  }
0x21c: {  	[sflag:s17] =	ssyncset.done $0x0  }
0x21d: {  	[sflag:s17] =	ssyncadd.s32 $0xFFFFFE00  }
0x21e: {  	[tilespmem:s7], [sflag:$0x1] =	stream.indirect.gather [spmem:s3], $0x1, s28, s30, $0xb8;
	[tilespmem:$0x1E740] =	vst v63  }
0x21f: {  	_ = 	snop  }
0x220: {  	[tilespmem:s24], [sflag:$0x1] =	stream.indirect.gather [spmem:s3], $0x1, s15, s30, $0xb8;
	[tilespmem:$0x1E740] =	vst v63  }
0x221: {  	_ = 	snop  }
0x222: {  	[tilespmem:s1], [sflag:$0x1] =	stream.indirect.gather [spmem:s3], $0x1, s25, s30, $0xb8;
	[tilespmem:$0x1E740] =	vst v63  }
0x223: {  	_ = 	snop  }
0x224: {  	[tilespmem:s6], [sflag:$0x1] =	stream.indirect.gather [spmem:s3], $0x1, s12, s30, $0xb8;
	[tilespmem:$0x1E740] =	vst v63  }
0x225: {  	s31 =	sadd.s32 $0x0, s18  }
0x226: {  	[tilespmem:s13], [sflag:$0x5] =	stream.linear.gather [hbm4b:s31+s4], $0x200, $0x38;
	[tilespmem:$0x1E740] =	vst v63  }
0x227: {  	_ =	swait.ge [sflag:s17], $0x200  }
0x228: {  	[sflag:s17] =	ssyncset.done $0x0  }
0x229: {  	[sflag:s17] =	ssyncadd.s32 $0xFFFFFE00  }
0x22a: {  	_ =	swait.ge [sflag:s29], $0x80  }
0x22b: {  	[sflag:s29] =	ssyncset.done $0x0  }
0x22c: {  	[sflag:s29] =	ssyncadd.s32 $0xFFFFFF80  }
0x22d: {  	_ =	swait.ge [sflag:s29], $0x80  }
0x22e: {  	[sflag:s29] =	ssyncset.done $0x0  }
0x22f: {  	[sflag:s29] =	ssyncadd.s32 $0xFFFFFF80  }
0x230: {  	_ =	swait.ge [sflag:s29], $0x80  }
0x231: {  	[sflag:s29] =	ssyncset.done $0x0  }
0x232: {  	[sflag:s29] =	ssyncadd.s32 $0xFFFFFF80  }
0x233: {  	_ =	swait.ge [sflag:s29], $0x80  }
0x234: {  	[sflag:s29] =	ssyncset.done $0x0  }
0x235: {  	[sflag:s29] =	ssyncadd.s32 $0xFFFFFF80  }
0x236: {  	v3 =	vld [tilespmem:$0x1A640]  }
0x237: {  	v2 =	vld [tilespmem:$0x1A630]  }
0x238: {  	v10 =	vld [tilespmem:$0x1A590]  }
0x239: {  	v19 =	vld [tilespmem:$0x1A670]  }
0x23a: {  	v4 =	vld [tilespmem:$0x1A240]  }
0x23b: {  	v5 =	vld [tilespmem:$0x1A270]  }
0x23c: {  	v7 =	vld [tilespmem:$0x1A230]  }
0x23d: {  	v14 =	vld [tilespmem:$0x1A1A0]  }
0x23e: {  	v6 =	vld [tilespmem:$0x1A490]  }
0x23f: {  	v15 =	vld [tilespmem:$0x1A190];
	v4 =	vadd.f32 $1.000000020e-16, v4  }
0x240: {  	v12 =	vld [tilespmem:$0x1A620];
	v5 =	vadd.f32 $1.000000020e-16, v5  }
0x241: {  	v16 =	vld [tilespmem:$0x1A180];
	v7 =	vadd.f32 $1.000000020e-16, v7;
	(erf) = vrcp.f32 v4  }
0x242: {  	v17 =	vld [tilespmem:$0x1A170];
	(erf) = vrcp.f32 v5  }
0x243: {  	v5 =	vld [tilespmem:$0x1A220];
	(erf) = vrcp.f32 v7  }
0x244: {  	v13 =	vld [tilespmem:$0x1A5C0]  }
0x245: {  	v20 =	vld [tilespmem:$0x1A160]  }
0x246: {  	v18 =	vld [tilespmem:$0x1A150]  }
0x247: {  	v21 =	vld [tilespmem:$0x1A1C0]  }
0x248: {  	v9 =	vld [tilespmem:$0x1A120];
	v8 =	vadd.f32 $1.000000020e-16, v5  }
0x249: {  	v4 =	vld [tilespmem:$0x1A140]  }
0x24a: {  	v7 =	vld [tilespmem:$0x1A130];
	v11 =	vpop (erf);
	(erf) = vrcp.f32 v8  }
0x24b: {  	v5 =	vld [tilespmem:$0x1A1B0];
	v22 =	vpop (erf)  }
0x24c: {  	s5 =	simm.s32 $0x0;
	s14 =	simm.s32 $0x40;
	v21 =	vadd.f32 $1.000000020e-16, v21;
	v8 =	vmul.f32 v11, v3;
	v11 =	vld [tilespmem:$0x1A0F0];
	v19 =	vmul.f32 v22, v19;
	v3 =	vpop (erf)  }
.LBB2_12:
0x24d: {  	v22 =	vld [tilespmem:$0x1A110];
	s9 =	smov.u32 s14;
	s14 =	sadd.s32 $0x40, s14  }
0x24e: {  	v20 =	vadd.f32 $1.000000020e-16, v20;
	p2 =	sne.s32 s14, $0x1A00;
	v23 =	vld [tilespmem:$0x1A0E0];
	[tilespmem:$0x1A470] =	vst v19;
	(erf) = vrcp.f32 v21  }
0x24f: {  	v17 =	vadd.f32 $1.000000020e-16, v17;
	v19 =	vld [tilespmem:$0x1A0B0]  }
0x250: {  	v18 =	vadd.f32 $1.000000020e-16, v18;
	v21 =	vld [tilespmem:$0x1A260];
	(erf) = vrcp.f32 v20  }
0x251: {  	v20 =	vld [tilespmem:$0x1A0A0];
	(erf) = vrcp.f32 v17  }
0x252: {  	v16 =	vadd.f32 $1.000000020e-16, v16;
	v17 =	vld [tilespmem:$0x1A090];
	(erf) = vrcp.f32 v18  }
0x253: {  	v15 =	vadd.f32 $1.000000020e-16, v15;
	v18 =	vld [tilespmem:$0x1A080];
	v24 =	vpop (erf)  }
0x254: {  	v14 =	vadd.f32 $1.000000020e-16, v14;
	v25 =	vld [tilespmem:$0x1A480];
	v12 =	vmul.f32 v24, v12;
	(erf) = vrcp.f32 v16  }
0x255: {  	v16 =	vld [tilespmem:$0x1A560];
	(erf) = vrcp.f32 v15  }
0x256: {  	v15 =	vadd.f32 $1.000000020e-16, v20;
	v20 =	vld [tilespmem:$0x1A570];
	[tilespmem:$0x1A420] =	vst v12;
	(erf) = vrcp.f32 v14  }
0x257: {  	v12 =	vadd.f32 $1.000000020e-16, v17;
	v14 =	vld [tilespmem:$0x1A550];
	v17 =	vpop (erf)  }
0x258: {  	v18 =	vadd.f32 $1.000000020e-16, v18;
	v28 =	vmul.f32 v17, v13;
	v17 =	vld [tilespmem:$0x1A1D0]  }
0x259: {  	v24 =	vld [tilespmem:$0x1A580];
	v26 =	vpop (erf)  }
0x25a: {  	v27 =	vld [tilespmem:$0x1A0D0];
	v16 =	vmul.f32 v26, v16;
	[tilespmem:$0x1A3C0] =	vst v28;
	(erf) = vrcp.f32 v15;
	v13 =	vpop (erf)  }
0x25b: {  	v26 =	vadd.f32 $1.000000020e-16, v21;
	v13 =	vmul.f32 v13, v20;
	v15 =	vld [tilespmem:$0x1A5A0];
	(erf) = vrcp.f32 v12;
	v12 =	vpop (erf)  }
0x25c: {  	v21 =	vld [tilespmem:$0x1A4A0];
	v12 =	vmul.f32 v12, v14;
	(erf) = vrcp.f32 v18  }
0x25d: {  	[tilespmem:$0x1A360] =	vst v16;
	v14 =	vadd.f32 $1.000000020e-16, v17;
	v16 =	vld [tilespmem:$0x1A1F0];
	v17 =	vpop (erf);
	(erf) = vrcp.f32 v26  }
0x25e: {  	v18 =	vadd.f32 $1.000000020e-16, v19;
	v17 =	vmul.f32 v17, v24;
	v19 =	vld [tilespmem:$0x1A1E0];
	v20 =	vpop (erf)  }
0x25f: {  	v24 =	vadd.f32 $1.000000020e-16, v27;
	v10 =	vmul.f32 v20, v10;
	v20 =	vld [tilespmem:$0x1A200];
	v26 =	vpop (erf);
	(erf) = vrcp.f32 v14  }
0x260: {  	[tilespmem:$0x1A380] =	vst v17;
	v14 =	vmul.f32 v26, v15;
	v15 =	vld [tilespmem:$0x1A210];
	(erf) = vrcp.f32 v18  }
0x261: {  	v17 =	vadd.f32 $1.000000020e-16, v23;
	[tilespmem:$0x1A350] =	vst v12;
	v12 =	vld [tilespmem:$0x1A5D0];
	(erf) = vrcp.f32 v24  }
0x262: {  	v18 =	vadd.f32 $1.000000020e-16, v22;
	[tilespmem:$0x1A390] =	vst v10;
	v10 =	vadd.f32 $1.000000020e-16, v16;
	v16 =	vld [tilespmem:$0x1A660]  }
0x263: {  	v22 =	vld [tilespmem:$0x1A100];
	[tilespmem:$0x1A3A0] =	vst v14;
	v14 =	vadd.f32 $1.000000020e-16, v19;
	v19 =	vpop (erf);
	(erf) = vrcp.f32 v17  }
0x264: {  	v24 =	vadd.f32 $1.000000020e-16, v11;
	v17 =	vld [tilespmem:$0x1A0C0];
	[tilespmem:$0x1A370] =	vst v13;
	v13 =	vpop (erf);
	(erf) = vrcp.f32 v18  }
0x265: {  	v20 =	vadd.f32 $1.000000020e-16, v20;
	v18 =	vld [tilespmem:$0x1A4B0];
	v15 =	vadd.f32 $1.000000020e-16, v15;
	v23 =	vpop (erf);
	(erf) = vrcp.f32 v14  }
0x266: {  	v26 =	vmul.f32 v19, v21;
	v19 =	vld [tilespmem:$0x1A4D0];
	(erf) = vrcp.f32 v24;
	v11 =	vpop (erf)  }
0x267: {  	v21 =	vld [tilespmem:$0x1A250];
	v24 =	vmul.f32 v11, v16;
	(erf) = vrcp.f32 v10  }
0x268: {  	v6 =	vmul.f32 v13, v6;
	[tilespmem:$0x1A2A0] =	vst v26;
	v10 =	vld [tilespmem:$0x1A4E0];
	v13 =	vadd.f32 $1.000000020e-16, v22;
	v14 =	vpop (erf);
	(erf) = vrcp.f32 v15  }
0x269: {  	v17 =	vadd.f32 $1.000000020e-16, v17;
	v16 =	vld [tilespmem:$0x1A510];
	v12 =	vmul.f32 v14, v12;
	[tilespmem:$0x1A460] =	vst v24;
	v11 =	vpop (erf);
	(erf) = vrcp.f32 v20  }
0x26a: {  	v9 =	vadd.f32 $1.000000020e-16, v9;
	[tilespmem:$0x1A290] =	vst v6;
	v6 =	vmul.f32 v11, v18;
	v11 =	vld [tilespmem:$0x1A5E0];
	v14 =	vpop (erf);
	(erf) = vrcp.f32 v13  }
0x26b: {  	v7 =	vadd.f32 $1.000000020e-16, v7;
	v13 =	vmul.f32 v14, v19;
	v14 =	vld [tilespmem:$0x1A4F0];
	[tilespmem:$0x1A440] =	vst v8;
	(erf) = vrcp.f32 v17  }
0x26c: {  	v8 =	vmul.f32 v23, v25;
	v17 =	vadd.f32 $1.000000020e-16, v5;
	[tilespmem:$0x1A3D0] =	vst v12;
	v12 =	vld [tilespmem:$0x1A5F0];
	v15 =	vpop (erf);
	(erf) = vrcp.f32 v9  }
0x26d: {  	[tilespmem:$0x1A2D0] =	vst v13;
	v9 =	vmul.f32 v15, v10;
	v10 =	vld [tilespmem:$0x1A610];
	v13 =	vadd.f32 $1.000000020e-16, v21;
	v15 =	vpop (erf);
	(erf) = vrcp.f32 v7  }
0x26e: {  	[tilespmem:$0x1A280] =	vst v8;
	v7 =	vmul.f32 v15, v16;
	v15 =	vadd.f32 $1.000000020e-16, v4;
	v8 =	vld [tilespmem:$0x1A600];
	(erf) = vrcp.f32 v17;
	v5 =	vpop (erf)  }
0x26f: {  	[tilespmem:$0x1A2E0] =	vst v9;
	v9 =	vld [tilespmem:$0x1A500];
	v16 =	vmul.f32 v5, v11;
	v11 =	vpop (erf);
	(erf) = vrcp.f32 v13  }
0x270: {  	v13 =	vld [tilespmem:$0x1A4C0];
	v11 =	vmul.f32 v11, v14;
	[tilespmem:$0x1A310] =	vst v7;
	(erf) = vrcp.f32 v15;
	v4 =	vpop (erf)  }
0x271: {  	v7 =	vld [tilespmem:$0x1A520];
	[tilespmem:$0x1A3E0] =	vst v16;
	v4 =	vmul.f32 v4, v12;
	v5 =	vpop (erf)  }
0x272: {  	[tilespmem:$0x1A2F0] =	vst v11;
	v11 =	vld [tilespmem:$0x1A530];
	v5 =	vmul.f32 v5, v10;
	v10 =	vpop (erf)  }
0x273: {  	v12 =	vld [tilespmem:$0x1A5B0];
	[tilespmem:$0x1A3F0] =	vst v4;
	v14 =	vmul.f32 v10, v8;
	v8 =	vpop (erf)  }
0x274: {  	[tilespmem:$0x1A2B0] =	vst v6;
	v15 =	vmul.f32 v8, v9;
	v8 =	vld [tilespmem:$0x1A650];
	v9 =	vpop (erf)  }
0x275: {  	v9 =	vmul.f32 v9, v13;
	v10 =	vld [tilespmem:$0x1A540];
	[tilespmem:$0x1A400] =	vst v14;
	v4 =	vpop (erf)  }
0x276: {  	[tilespmem:$0x1A300] =	vst v15;
	v4 =	vmul.f32 v4, v7;
	v6 =	vpop (erf)  }
0x277: {  	[tilespmem:$0x1A2C0] =	vst v9;
	v6 =	vmul.f32 v6, v11;
	v7 =	vpop (erf)  }
0x278: {  	[tilespmem:$0x1A320] =	vst v4;
	v4 =	vmul.f32 v7, v12;
	v7 =	vpop (erf)  }
0x279: {  	[tilespmem:$0x1A330] =	vst v6;
	v6 =	vmul.f32 v7, v8;
	v7 =	vpop (erf)  }
0x27a: {  	v2 =	vmul.f32 v3, v2;
	v7 =	vmul.f32 v7, v10;
	[tilespmem:$0x1A3B0] =	vst v4  }
0x27b: {  	[tilespmem:$0x1A450] =	vst v6  }
0x27c: {  	[tilespmem:$0x1A430] =	vst v2  }
0x27d: {  	s31 =	simm.s32 @!p1 $0x4;
	[tilespmem:$0x1A340] =	vst v7  }
0x27e: {  	s5 =	sadd.s32 @!p1 s5, s19;
	s26 =	simm.s32 @!p1 $0x0;
	s2 =	simm.s32 @!p1 $0x1A280;
	[tilespmem:$0x1A410] =	vst v5  }
0x27f: {  	[hbm4b:s5+s26] =	stream.linear.scatter @!p1 [tilespmem:s2], [sflag:$0x4], $0x200, $0x38;
	[tilespmem:$0x1E740] =	vst v63  }
0x280: {  	s5 =	smov.u32 s9;
	_ =	swait.ge @!p1 [sflag:s31], $0x200  }
0x281: {  	[sflag:s31] =	ssyncset.done @!p1 $0x0  }
0x282: {  	s8 =	sadd.s32 s5, s20;
	[sflag:s31] =	ssyncadd.s32 @!p1 $0xFFFFFE00  }
0x283: {  	[tilespmem:s28], [sflag:$0x5] =	stream.linear.gather [hbm4b:s8+s4], $0x200, $0x38;
	[tilespmem:$0x1E740] =	vst v63  }
0x284: {  	_ =	swait.ge [sflag:s17], $0x200  }
0x285: {  	[sflag:s17] =	ssyncset.done $0x0  }
0x286: {  	[sflag:s17] =	ssyncadd.s32 $0xFFFFFE00  }
0x287: {  	[tilespmem:s7], [sflag:$0x1] =	stream.indirect.gather [spmem:s3], $0x1, s28, s30, $0xb8;
	[tilespmem:$0x1E740] =	vst v63  }
0x288: {  	_ = 	snop  }
0x289: {  	[tilespmem:s24], [sflag:$0x1] =	stream.indirect.gather [spmem:s3], $0x1, s15, s30, $0xb8;
	[tilespmem:$0x1E740] =	vst v63  }
0x28a: {  	_ = 	snop  }
0x28b: {  	[tilespmem:s1], [sflag:$0x1] =	stream.indirect.gather [spmem:s3], $0x1, s25, s30, $0xb8;
	[tilespmem:$0x1E740] =	vst v63  }
0x28c: {  	_ = 	snop  }
0x28d: {  	[tilespmem:s6], [sflag:$0x1] =	stream.indirect.gather [spmem:s3], $0x1, s12, s30, $0xb8;
	[tilespmem:$0x1E740] =	vst v63  }
0x28e: {  	s8 =	sadd.s32 s5, s18  }
0x28f: {  	[tilespmem:s13], [sflag:$0x5] =	stream.linear.gather [hbm4b:s8+s4], $0x200, $0x38;
	[tilespmem:$0x1E740] =	vst v63  }
0x290: {  	_ =	swait.ge [sflag:s17], $0x200  }
0x291: {  	[sflag:s17] =	ssyncset.done $0x0  }
0x292: {  	[sflag:s17] =	ssyncadd.s32 $0xFFFFFE00  }
0x293: {  	_ =	swait.ge [sflag:s29], $0x80  }
0x294: {  	[sflag:s29] =	ssyncset.done $0x0  }
0x295: {  	[sflag:s29] =	ssyncadd.s32 $0xFFFFFF80  }
0x296: {  	_ =	swait.ge [sflag:s29], $0x80  }
0x297: {  	[sflag:s29] =	ssyncset.done $0x0  }
0x298: {  	[sflag:s29] =	ssyncadd.s32 $0xFFFFFF80  }
0x299: {  	_ =	swait.ge [sflag:s29], $0x80  }
0x29a: {  	[sflag:s29] =	ssyncset.done $0x0  }
0x29b: {  	[sflag:s29] =	ssyncadd.s32 $0xFFFFFF80  }
0x29c: {  	_ =	swait.ge [sflag:s29], $0x80  }
0x29d: {  	[sflag:s29] =	ssyncset.done $0x0  }
0x29e: {  	[sflag:s29] =	ssyncadd.s32 $0xFFFFFF80  }
0x29f: {  	v3 =	vld [tilespmem:$0x1A640]  }
0x2a0: {  	v2 =	vld [tilespmem:$0x1A630]  }
0x2a1: {  	v10 =	vld [tilespmem:$0x1A590]  }
0x2a2: {  	v19 =	vld [tilespmem:$0x1A670]  }
0x2a3: {  	v4 =	vld [tilespmem:$0x1A240]  }
0x2a4: {  	v5 =	vld [tilespmem:$0x1A270]  }
0x2a5: {  	v7 =	vld [tilespmem:$0x1A230]  }
0x2a6: {  	v14 =	vld [tilespmem:$0x1A1A0]  }
0x2a7: {  	v6 =	vld [tilespmem:$0x1A490]  }
0x2a8: {  	v15 =	vld [tilespmem:$0x1A190];
	v4 =	vadd.f32 $1.000000020e-16, v4  }
0x2a9: {  	v12 =	vld [tilespmem:$0x1A620];
	v5 =	vadd.f32 $1.000000020e-16, v5  }
0x2aa: {  	v16 =	vld [tilespmem:$0x1A180];
	v7 =	vadd.f32 $1.000000020e-16, v7;
	(erf) = vrcp.f32 v4  }
0x2ab: {  	v17 =	vld [tilespmem:$0x1A170];
	(erf) = vrcp.f32 v5  }
0x2ac: {  	v5 =	vld [tilespmem:$0x1A220];
	(erf) = vrcp.f32 v7  }
0x2ad: {  	v13 =	vld [tilespmem:$0x1A5C0]  }
0x2ae: {  	v20 =	vld [tilespmem:$0x1A160]  }
0x2af: {  	v18 =	vld [tilespmem:$0x1A150]  }
0x2b0: {  	v21 =	vld [tilespmem:$0x1A1C0]  }
.Ltmp5:
0x2b1: {  	v4 =	vld [tilespmem:$0x1A140];
	v9 =	vadd.f32 $1.000000020e-16, v5;
	(pc) =	sbr.rel @p2 .LBB2_12-.Ltmp5, $4  }
0x2b2: {  	v5 =	vld [tilespmem:$0x1A1B0]  }
0x2b3: {  	v7 =	vld [tilespmem:$0x1A130];
	(erf) = vrcp.f32 v9;
	v8 =	vpop (erf)  }
0x2b4: {  	v9 =	vld [tilespmem:$0x1A120];
	v8 =	vmul.f32 v8, v3;
	v3 =	vpop (erf)  }
0x2b5: {  	v11 =	vld [tilespmem:$0x1A0F0];
	v21 =	vadd.f32 $1.000000020e-16, v21;
	v19 =	vmul.f32 v3, v19;
	v3 =	vpop (erf)  }
0x2b6: {  	v22 =	vld [tilespmem:$0x1A110]  }
0x2b7: {  	v23 =	vld [tilespmem:$0x1A0E0]  }
0x2b8: {  	v24 =	vld [tilespmem:$0x1A0B0]  }
0x2b9: {  	v25 =	vld [tilespmem:$0x1A260];
	v20 =	vadd.f32 $1.000000020e-16, v20  }
0x2ba: {  	v26 =	vld [tilespmem:$0x1A0A0];
	v17 =	vadd.f32 $1.000000020e-16, v17;
	(erf) = vrcp.f32 v21  }
0x2bb: {  	v60 =	vld [tilespmem:$0x1A090];
	v18 =	vadd.f32 $1.000000020e-16, v18;
	(erf) = vrcp.f32 v20  }
0x2bc: {  	v61 =	vld [tilespmem:$0x1A080];
	v16 =	vadd.f32 $1.000000020e-16, v16;
	(erf) = vrcp.f32 v17  }
0x2bd: {  	v15 =	vadd.f32 $1.000000020e-16, v15;
	v62 =	vld [tilespmem:$0x1A560];
	(erf) = vrcp.f32 v18  }
0x2be: {  	v14 =	vadd.f32 $1.000000020e-16, v14;
	v63 =	vld [tilespmem:$0x1A570];
	(erf) = vrcp.f32 v16  }
0x2bf: {  	v34 =	vld [tilespmem:$0x1A1D0];
	v33 =	vadd.f32 $1.000000020e-16, v26;
	(erf) = vrcp.f32 v15  }
0x2c0: {  	v36 =	vld [tilespmem:$0x1A550];
	v35 =	vadd.f32 $1.000000020e-16, v60;
	(erf) = vrcp.f32 v14  }
0x2c1: {  	v27 =	vld [tilespmem:$0x1A0D0];
	(erf) = vrcp.f32 v33  }
0x2c2: {  	v28 =	vld [tilespmem:$0x1A580];
	v37 =	vpop (erf);
	(erf) = vrcp.f32 v35  }
0x2c3: {  	v29 =	vld [tilespmem:$0x1A5A0];
	v20 =	vadd.f32 $1.000000020e-16, v61;
	v38 =	vpop (erf)  }
0x2c4: {  	v30 =	vld [tilespmem:$0x1A4A0];
	v25 =	vadd.f32 $1.000000020e-16, v25;
	v39 =	vpop (erf)  }
0x2c5: {  	v41 =	vld [tilespmem:$0x1A1E0];
	v26 =	vadd.f32 $1.000000020e-16, v34;
	(erf) = vrcp.f32 v20;
	v40 =	vpop (erf)  }
0x2c6: {  	v43 =	vld [tilespmem:$0x1A1F0];
	v2 =	vmul.f32 v3, v2;
	v24 =	vadd.f32 $1.000000020e-16, v24;
	(erf) = vrcp.f32 v25;
	v42 =	vpop (erf)  }
0x2c7: {  	v47 =	vld [tilespmem:$0x1A200];
	[tilespmem:$0x1A440] =	vst v8;
	v5 =	vadd.f32 $1.000000020e-16, v5;
	v44 =	vadd.f32 $1.000000020e-16, v27;
	(erf) = vrcp.f32 v26;
	v46 =	vpop (erf)  }
0x2c8: {  	v50 =	vld [tilespmem:$0x1A210];
	[tilespmem:$0x1A470] =	vst v19;
	v23 =	vadd.f32 $1.000000020e-16, v23;
	v12 =	vmul.f32 v37, v12;
	(erf) = vrcp.f32 v24;
	v49 =	vpop (erf)  }
0x2c9: {  	v53 =	vld [tilespmem:$0x1A660];
	[tilespmem:$0x1A430] =	vst v2;
	v52 =	vadd.f32 $1.000000020e-16, v22;
	v13 =	vmul.f32 v38, v13;
	(erf) = vrcp.f32 v44;
	v51 =	vpop (erf)  }
0x2ca: {  	v54 =	vld [tilespmem:$0x1A100];
	v55 =	vadd.f32 $1.000000020e-16, v41;
	[tilespmem:$0x1A420] =	vst v12;
	v45 =	vmul.f32 v39, v62;
	(erf) = vrcp.f32 v23;
	v56 =	vpop (erf)  }
0x2cb: {  	v57 =	vld [tilespmem:$0x1A0C0];
	v11 =	vadd.f32 $1.000000020e-16, v11;
	[tilespmem:$0x1A3C0] =	vst v13;
	v15 =	vmul.f32 v40, v63;
	v58 =	vpop (erf);
	(erf) = vrcp.f32 v52  }
0x2cc: {  	v59 =	vld [tilespmem:$0x1A5D0];
	v60 =	vadd.f32 $1.000000020e-16, v43;
	v14 =	vmul.f32 v42, v36;
	[tilespmem:$0x1A360] =	vst v45;
	(erf) = vrcp.f32 v55  }
0x2cd: {  	v17 =	vld [tilespmem:$0x1A480];
	v62 =	vadd.f32 $1.000000020e-16, v50;
	v48 =	vmul.f32 v46, v28;
	[tilespmem:$0x1A370] =	vst v15;
	(erf) = vrcp.f32 v11  }
0x2ce: {  	v31 =	vld [tilespmem:$0x1A510];
	v26 =	vadd.f32 $1.000000020e-16, v47;
	v10 =	vmul.f32 v49, v10;
	[tilespmem:$0x1A350] =	vst v14;
	v61 =	vpop (erf);
	(erf) = vrcp.f32 v60  }
0x2cf: {  	v27 =	vld [tilespmem:$0x1A250];
	v13 =	vadd.f32 $1.000000020e-16, v54;
	[tilespmem:$0x1A380] =	vst v48;
	v12 =	vmul.f32 v51, v29;
	v25 =	vpop (erf);
	(erf) = vrcp.f32 v62  }
0x2d0: {  	v42 =	vld [tilespmem:$0x1A4B0];
	[tilespmem:$0x1A390] =	vst v10;
	v63 =	vmul.f32 v56, v30;
	v30 =	vadd.f32 $1.000000020e-16, v57;
	v29 =	vpop (erf);
	(erf) = vrcp.f32 v26  }
0x2d1: {  	v34 =	vadd.f32 $1.000000020e-16, v9;
	v35 =	vld [tilespmem:$0x1A5E0];
	[tilespmem:$0x1A3A0] =	vst v12;
	v6 =	vmul.f32 v58, v6;
	v32 =	vpop (erf);
	(erf) = vrcp.f32 v13  }
0x2d2: {  	v7 =	vadd.f32 $1.000000020e-16, v7;
	v24 =	vld [tilespmem:$0x1A4D0];
	[tilespmem:$0x1A2A0] =	vst v63;
	v39 =	vmul.f32 v61, v17;
	v36 =	vpop (erf);
	(erf) = vrcp.f32 v30  }
0x2d3: {  	v40 =	vld [tilespmem:$0x1A5F0];
	v11 =	vmul.f32 v25, v53;
	[tilespmem:$0x1A290] =	vst v6;
	v41 =	vpop (erf);
	(erf) = vrcp.f32 v34  }
0x2d4: {  	v28 =	vld [tilespmem:$0x1A4E0];
	v33 =	vmul.f32 v29, v59;
	[tilespmem:$0x1A280] =	vst v39;
	v44 =	vpop (erf);
	(erf) = vrcp.f32 v7  }
0x2d5: {  	v46 =	vld [tilespmem:$0x1A600];
	[tilespmem:$0x1A460] =	vst v11;
	v6 =	vmul.f32 v32, v42;
	(erf) = vrcp.f32 v5;
	v5 =	vpop (erf)  }
0x2d6: {  	v43 =	vadd.f32 $1.000000020e-16, v27;
	v38 =	vld [tilespmem:$0x1A4F0];
	[tilespmem:$0x1A3D0] =	vst v33;
	v5 =	vmul.f32 v5, v35;
	v48 =	vpop (erf)  }
0x2d7: {  	v4 =	vadd.f32 $1.000000020e-16, v4;
	v37 =	vmul.f32 v36, v24;
	[tilespmem:$0x1A2B0] =	vst v6;
	v50 =	vpop (erf)  }
0x2d8: {  	v47 =	vld [tilespmem:$0x1A500];
	(erf) = vrcp.f32 v43;
	[tilespmem:$0x1A3E0] =	vst v5;
	v5 =	vmul.f32 v50, v40;
	v51 =	vpop (erf)  }
0x2d9: {  	v49 =	vld [tilespmem:$0x1A4C0];
	v10 =	vmul.f32 v41, v28;
	[tilespmem:$0x1A2D0] =	vst v37;
	(erf) = vrcp.f32 v4;
	v53 =	vpop (erf)  }
0x2da: {  	v45 =	vmul.f32 v44, v31;
	v4 =	vld [tilespmem:$0x1A520];
	[tilespmem:$0x1A3F0] =	vst v5;
	v5 =	vmul.f32 v53, v46  }
0x2db: {  	v52 =	vld [tilespmem:$0x1A530];
	[tilespmem:$0x1A2E0] =	vst v10;
	v9 =	vmul.f32 v48, v38  }
0x2dc: {  	v54 =	vld [tilespmem:$0x1A5B0];
	[tilespmem:$0x1A310] =	vst v45;
	v55 =	vpop (erf)  }
0x2dd: {  	v57 =	vld [tilespmem:$0x1A650];
	[tilespmem:$0x1A2F0] =	vst v9;
	v56 =	vmul.f32 v55, v47;
	v58 =	vpop (erf)  }
0x2de: {  	v59 =	vld [tilespmem:$0x1A540];
	v10 =	vmul.f32 v58, v49;
	[tilespmem:$0x1A400] =	vst v5;
	v5 =	vpop (erf)  }
0x2df: {  	v60 =	vld [tilespmem:$0x1A610];
	[tilespmem:$0x1A300] =	vst v56;
	v4 =	vmul.f32 v5, v4;
	v5 =	vpop (erf)  }
0x2e0: {  	[tilespmem:$0x1A2C0] =	vst v10;
	v5 =	vmul.f32 v5, v52;
	v61 =	vpop (erf)  }
0x2e1: {  	[tilespmem:$0x1A320] =	vst v4;
	v4 =	vmul.f32 v61, v54;
	v62 =	vpop (erf)  }
0x2e2: {  	[tilespmem:$0x1A330] =	vst v5;
	v5 =	vmul.f32 v62, v57;
	v63 =	vpop (erf)  }
0x2e3: {  	[tilespmem:$0x1A3B0] =	vst v4;
	v3 =	vmul.f32 v63, v59  }
0x2e4: {  	v4 =	vmul.f32 v51, v60;
	[tilespmem:$0x1A450] =	vst v5  }
0x2e5: {  	[tilespmem:$0x1A340] =	vst v3  }
0x2e6: {  	s5 =	sadd.s32 @!p1 s5, s19;
	[tilespmem:$0x1A410] =	vst v4  }
0x2e7: {  	[hbm4b:s5+s26] =	stream.linear.scatter @!p1 [tilespmem:s2], [sflag:$0x4], $0x200, $0x38;
	[tilespmem:$0x1E740] =	vst v63  }
0x2e8: {  	_ =	swait.ge @!p1 [sflag:s31], $0x200  }
0x2e9: {  	[sflag:s31] =	ssyncset.done @!p1 $0x0  }
0x2ea: {  	s2 =	simm.s32 $0x1E700;
	[sflag:s31] =	ssyncadd.s32 @!p1 $0xFFFFFE00  }
0x2eb: {  	s2 =	simm.s32 @!p0 $0x1E720;
	[bflag:$0x0] =	sbarrier.arrive $0xFFFF  }
0x2ec: {  	s5 =	simm.s32 $0x5;
	v2 =	vld [tilespmem:s2+$0x0];
	s26 =	rddreg [dreg:$0x11]  }
0x2ed: {  	s5 =	simm.s32 @!p0 $0x4;
	s31 =	simm.s32 $0x0;
	v3 =	vld [tilespmem:s26+$0x0]  }
.LBB2_14:
0x2ee: {  	s2 =	sshll.u32 s31, $0x7;
	s8 =	rddreg [dreg:$0xc]  }
0x2ef: {  	s26 =	sadd.s32 s8, s2  }
0x2f0: {  	s2 =	sshll.u32 s26, $0x5  }
0x2f1: {  	s2 =	sand.u32 $0x3FFFFFE0, s2  }
0x2f2: {  	s2 =	sadd.s32 s2, s0  }
0x2f3: {  	[tilespmem:s21], [sflag:$0x1] =	stream.linear.gather [spmem:s2], $0x1000, $0x38;
	[tilespmem:$0x1E740] =	vst v63  }
0x2f4: {  	s0 =	sadd.s32 s26, s3  }
0x2f5: {  	[tilespmem:s23], [sflag:$0x1] =	stream.linear.gather [spmem:s0], $0x80, $0x38;
	[tilespmem:$0x1E740] =	vst v63  }
0x2f6: {  	_ =	swait.ge [sflag:s29], $0x1000  }
0x2f7: {  	[sflag:s29] =	ssyncset.done $0x0  }
0x2f8: {  	[sflag:s29] =	ssyncadd.s32 $0xFFFFF000  }
0x2f9: {  	_ =	swait.ge [sflag:s29], $0x80  }
0x2fa: {  	[sflag:s29] =	ssyncset.done $0x0  }
0x2fb: {  	[sflag:s29] =	ssyncadd.s32 $0xFFFFFF80  }
0x2fc: {  	v4 =	vld [tilespmem:$0x1E680]  }
0x2fd: {  	v5 =	vld [tilespmem:$0x1E690];
	_ =	sdelay $0x1  }
0x2fe: {  	v6 =	vld [tilespmem:$0x1E6A0]  }
0x2ff: {  	v7 =	vld [tilespmem:$0x1E6B0]  }
0x300: {  	v8 =	vld [tilespmem:$0x1E6C0];
	v4 =	vadd.f32 $1.000000020e-16, v4  }
0x301: {  	v9 =	vld [tilespmem:$0x1E6D0];
	v5 =	vadd.f32 $1.000000020e-16, v5  }
0x302: {  	v10 =	vld [tilespmem:$0x1E6E0];
	(erf) = vrcp.f32 v4  }
0x303: {  	v4 =	vadd.f32 $1.000000020e-16, v6;
	v6 =	vld [tilespmem:$0x1E6F0];
	(erf) = vrcp.f32 v5  }
0x304: {  	v5 =	vadd.f32 $1.000000020e-16, v7  }
0x305: {  	(erf) = vrcp.f32 v4;
	v4 =	vadd.f32 $1.000000020e-16, v8  }
0x306: {  	(erf) = vrcp.f32 v5;
	v5 =	vadd.f32 $1.000000020e-16, v9  }
0x307: {  	(erf) = vrcp.f32 v4;
	v4 =	vadd.f32 $1.000000020e-16, v10  }
0x308: {  	(erf) = vrcp.f32 v5;
	v5 =	vadd.f32 $1.000000020e-16, v6  }
0x309: {  	(erf) = vrcp.f32 v4  }
0x30a: {  	(erf) = vrcp.f32 v5  }
0x30b: {  	v4 =	vpop (erf)  }
0x30c: {  	s8 =	simm.s32 $0x0;
	v5 =	vpop (erf)  }
0x30d: {  	[tilespmem:$0x1E690] =	vst v5;
	v5 =	vmov s8  }
0x30e: {  	[tilespmem:$0x1E680] =	vst v4;
	v4 =	vpop (erf)  }
0x30f: {  	v6 =	vpop (erf);
	[tilespmem:$0x1E6A0] =	vst v4;
	v4 =	vand.u32 $0xFFFFFFFC, v5  }
0x310: {  	[tilespmem:$0x1E6B0] =	vst v6;
	v4 =	vbroadcast v4, $0x0;
	v5 =	vpop (erf)  }
0x311: {  	v6 =	vpop (erf);
	[tilespmem:$0x1E6C0] =	vst v5  }
0x312: {  	v5 =	vpop (erf);
	[tilespmem:$0x1E6D0] =	vst v6  }
0x313: {  	[tilespmem:$0x1E6E0] =	vst v5;
	v5 =	vpop (erf)  }
0x314: {  	s2 =	simm.s32 $0x1A6C0;
	[tilespmem:$0x1E6F0] =	vst v5  }
0x315: {  	v5 =	vld [tilespmem:s2+$0xFFFFFFC0]  }
0x316: {  	v4 =	vld.idx.msk [tilespmem:v4+s23+$0x0], $0xffff  }
0x317: {  	v6 =	vld [tilespmem:s2+$0xFFFFFFD0];
	_ =	sdelay $0x3  }
0x318: {  	s9 =	simm.s32 $0x1;
	v5 =	vmul.f32 v5, v4  }
0x319: {  	v4 =	vmul.f32 v6, v4;
	v6 =	vmov s9  }
0x31a: {  	v6 =	vand.u32 $0xFFFFFFFD, v6;
	v5 =	vadd.f32 v5, v2  }
0x31b: {  	v4 =	vadd.f32 v4, v3;
	v6 =	vbroadcast v6, $0x0  }
0x31c: {  	v7 =	vmul.f32 $9.999999770e-03, v5  }
0x31d: {  	v8 =	vmul.f32 $9.999999770e-03, v4  }
0x31e: {  	v5 =	vmax.f32 v5, v7  }
0x31f: {  	v4 =	vmax.f32 v4, v8;
	[tilespmem:s2+$0xFFFFFFC0] =	vst v5  }
0x320: {  	[tilespmem:s2+$0xFFFFFFD0] =	vst v4;
	v5 =	vld [tilespmem:s2+$0xFFFFFFE0]  }
0x321: {  	v4 =	vld.idx.msk [tilespmem:v6+s23+$0x0], $0xffff  }
0x322: {  	v6 =	vld [tilespmem:s2+$0xFFFFFFF0];
	_ =	sdelay $0x3  }
0x323: {  	s10 =	simm.s32 $0x2;
	v5 =	vmul.f32 v5, v4  }
0x324: {  	v4 =	vmul.f32 v6, v4;
	v6 =	vmov s10  }
0x325: {  	v6 =	vand.u32 $0xFFFFFFFE, v6;
	v5 =	vadd.f32 v5, v2  }
0x326: {  	v4 =	vadd.f32 v4, v3;
	v6 =	vbroadcast v6, $0x0  }
0x327: {  	v7 =	vmul.f32 $9.999999770e-03, v5  }
0x328: {  	v8 =	vmul.f32 $9.999999770e-03, v4  }
0x329: {  	v5 =	vmax.f32 v5, v7  }
0x32a: {  	v4 =	vmax.f32 v4, v8;
	[tilespmem:s2+$0xFFFFFFE0] =	vst v5  }
0x32b: {  	[tilespmem:s2+$0xFFFFFFF0] =	vst v4;
	v4 =	vld [tilespmem:s2+$0x0]  }
0x32c: {  	v5 =	vld.idx.msk [tilespmem:v6+s23+$0x0], $0xffff  }
0x32d: {  	v6 =	vld [tilespmem:s2+$0x10];
	_ =	sdelay $0x3  }
0x32e: {  	v4 =	vmul.f32 v4, v5  }
0x32f: {  	v5 =	vmul.f32 v6, v5  }
0x330: {  	v4 =	vadd.f32 v4, v2  }
0x331: {  	s14 =	simm.s32 $0x3;
	v5 =	vadd.f32 v5, v3  }
0x332: {  	v7 =	vmov s14;
	v6 =	vmul.f32 $9.999999770e-03, v4  }
0x333: {  	v8 =	vmul.f32 $9.999999770e-03, v5  }
0x334: {  	v4 =	vmax.f32 v4, v6  }
0x335: {  	v5 =	vmax.f32 v5, v8;
	v6 =	vld [tilespmem:s2+$0x30];
	[tilespmem:s2+$0x0] =	vst v4  }
0x336: {  	[tilespmem:s2+$0x10] =	vst v5;
	v4 =	vld [tilespmem:s2+$0x20]  }
0x337: {  	v5 =	vld.idx.msk [tilespmem:v7+s23+$0x0], $0xffff;
	_ =	sdelay $0x3  }
0x338: {  	s9 =	simm.s32 $0x4  }
0x339: {  	v4 =	vmul.f32 v4, v5;
	v5 =	vmul.f32 v6, v5;
	v6 =	vmov s9  }
0x33a: {  	v7 =	vand.u32 $0xFFFFFFFC, v6  }
0x33b: {  	s8 =	simm.s32 $0x8;
	s14 =	simm.s32 $0x1A6C0;
	v6 =	vadd.f32 v4, v2;
	v5 =	vadd.f32 v5, v3;
	v4 =	vbroadcast v7, $0x0  }
.LBB2_15:
0x33c: {  	p2 =	slt.u32 s8, $0x7C  }
0x33d: {  	v7 =	vmul.f32 $9.999999770e-03, v6;
	v8 =	vmul.f32 $9.999999770e-03, v5;
	s2 =	sadd.s32 $0x80, s2;
	s10 =	smov.u32 s8;
	s8 =	sadd.s32 $0x4, s8  }
0x33e: {  	_ = 	snop  }
0x33f: {  	v6 =	vmax.f32 v6, v7;
	v5 =	vmax.f32 v5, v8  }
0x340: {  	[tilespmem:s14+$0x20] =	vst v6  }
0x341: {  	v6 =	vld [tilespmem:s2+$0xFFFFFFC0];
	[tilespmem:s14+$0x30] =	vst v5;
	s14 =	smov.u32 s2  }
0x342: {  	v4 =	vld.idx.msk [tilespmem:v4+s23+$0x0], $0xffff  }
0x343: {  	v5 =	vld [tilespmem:s2+$0xFFFFFFD0];
	_ =	sdelay $0x3  }
0x344: {  	s0 =	sadd.s32 $0x1, s9  }
0x345: {  	v6 =	vmul.f32 v6, v4;
	v4 =	vmul.f32 v5, v4;
	v5 =	vmov s0  }
0x346: {  	v5 =	vand.u32 $0xFFFFFFFD, v5  }
0x347: {  	v6 =	vadd.f32 v6, v2;
	v4 =	vadd.f32 v4, v3;
	v5 =	vbroadcast v5, $0x0;
	_ =	sdelay $0x1  }
0x348: {  	v7 =	vmul.f32 $9.999999770e-03, v6;
	v8 =	vmul.f32 $9.999999770e-03, v4;
	_ =	sdelay $0x1  }
0x349: {  	v6 =	vmax.f32 v6, v7;
	v4 =	vmax.f32 v4, v8  }
0x34a: {  	[tilespmem:s2+$0xFFFFFFC0] =	vst v6  }
0x34b: {  	[tilespmem:s2+$0xFFFFFFD0] =	vst v4;
	v4 =	vld [tilespmem:s2+$0xFFFFFFF0]  }
0x34c: {  	v5 =	vld.idx.msk [tilespmem:v5+s23+$0x0], $0xffff  }
0x34d: {  	v6 =	vld [tilespmem:s2+$0xFFFFFFE0];
	_ =	sdelay $0x2  }
0x34e: {  	s0 =	sadd.s32 $0x2, s9  }
0x34f: {  	v7 =	vmov s0  }
0x350: {  	v4 =	vmul.f32 v4, v5;
	v6 =	vmul.f32 v6, v5;
	v5 =	vand.u32 $0xFFFFFFFE, v7  }
0x351: {  	v5 =	vbroadcast v5, $0x0  }
0x352: {  	v4 =	vadd.f32 v4, v3;
	v6 =	vadd.f32 v6, v2;
	_ =	sdelay $0x1  }
0x353: {  	v8 =	vmul.f32 $9.999999770e-03, v4;
	v7 =	vmul.f32 $9.999999770e-03, v6;
	_ =	sdelay $0x1  }
0x354: {  	v4 =	vmax.f32 v4, v8;
	v6 =	vmax.f32 v6, v7  }
0x355: {  	[tilespmem:s2+$0xFFFFFFE0] =	vst v6  }
0x356: {  	[tilespmem:s2+$0xFFFFFFF0] =	vst v4;
	v4 =	vld [tilespmem:s2+$0x0]  }
0x357: {  	v5 =	vld.idx.msk [tilespmem:v5+s23+$0x0], $0xffff  }
0x358: {  	v6 =	vld [tilespmem:s2+$0x10];
	_ =	sdelay $0x4  }
0x359: {  	s0 =	sadd.s32 $0x3, s9;
	s9 =	smov.u32 s10;
	v4 =	vmul.f32 v4, v5;
	v5 =	vmul.f32 v6, v5  }
0x35a: {  	v6 =	vmov s0  }
0x35b: {  	v4 =	vadd.f32 v4, v2;
	v5 =	vadd.f32 v5, v3;
	_ =	sdelay $0x1  }
0x35c: {  	v7 =	vmul.f32 $9.999999770e-03, v4;
	v8 =	vmul.f32 $9.999999770e-03, v5;
	_ =	sdelay $0x1  }
0x35d: {  	v4 =	vmax.f32 v4, v7;
	v5 =	vmax.f32 v5, v8  }
0x35e: {  	[tilespmem:s2+$0x0] =	vst v4  }
0x35f: {  	[tilespmem:s2+$0x10] =	vst v5;
	v4 =	vld [tilespmem:s2+$0x20]  }
0x360: {  	v5 =	vld.idx.msk [tilespmem:v6+s23+$0x0], $0xffff  }
0x361: {  	v6 =	vld [tilespmem:s2+$0x30];
	_ =	sdelay $0x3  }
.Ltmp6:
0x362: {  	(pc) =	sbr.rel @p2 .LBB2_15-.Ltmp6, $4  }
0x363: {  	v4 =	vmul.f32 v4, v5;
	v5 =	vmul.f32 v6, v5  }
0x364: {  	v6 =	vmov s9  }
0x365: {  	v7 =	vand.u32 $0xFFFFFFFC, v6;
	v6 =	vadd.f32 v4, v2;
	v5 =	vadd.f32 v5, v3  }
0x366: {  	v4 =	vbroadcast v7, $0x0  }
0x367: {  	v7 =	vmul.f32 $9.999999770e-03, v6  }
0x368: {  	v8 =	vmul.f32 $9.999999770e-03, v5  }
0x369: {  	v6 =	vmax.f32 v6, v7  }
0x36a: {  	s2 =	sadd.s32 $0x80, s2;
	v5 =	vmax.f32 v5, v8;
	[tilespmem:s14+$0x20] =	vst v6  }
0x36b: {  	v49 =	vld [tilespmem:s2+$0xFFFFFFC0];
	[tilespmem:s14+$0x30] =	vst v5  }
0x36c: {  	v4 =	vld.idx.msk [tilespmem:v4+s23+$0x0], $0xffff  }
0x36d: {  	v5 =	vld [tilespmem:s2+$0xFFFFFFD0];
	_ =	sdelay $0x3  }
0x36e: {  	s0 =	sadd.s32 $0x1, s9;
	v6 =	vmul.f32 v49, v4  }
0x36f: {  	v4 =	vmul.f32 v5, v4;
	v5 =	vmov s0  }
0x370: {  	v5 =	vand.u32 $0xFFFFFFFD, v5;
	v6 =	vadd.f32 v6, v2  }
0x371: {  	v4 =	vadd.f32 v4, v3;
	v5 =	vbroadcast v5, $0x0  }
0x372: {  	v50 =	vmul.f32 $9.999999770e-03, v6  }
0x373: {  	v51 =	vmul.f32 $9.999999770e-03, v4  }
0x374: {  	v6 =	vmax.f32 v6, v50  }
0x375: {  	v4 =	vmax.f32 v4, v51;
	[tilespmem:s2+$0xFFFFFFC0] =	vst v6  }
0x376: {  	[tilespmem:s2+$0xFFFFFFD0] =	vst v4  }
0x377: {  	v4 =	vld.idx.msk [tilespmem:v5+s23+$0x0], $0xffff  }
0x378: {  	v5 =	vld [tilespmem:s2+$0xFFFFFFE0]  }
0x379: {  	v52 =	vld [tilespmem:s2+$0xFFFFFFF0];
	_ =	sdelay $0x3  }
0x37a: {  	s8 =	sadd.s32 $0x2, s9;
	v5 =	vmul.f32 v5, v4  }
0x37b: {  	v53 =	vmov s8;
	v4 =	vmul.f32 v52, v4  }
0x37c: {  	v54 =	vand.u32 $0xFFFFFFFE, v53;
	v5 =	vadd.f32 v5, v2  }
0x37d: {  	v6 =	vbroadcast v54, $0x0;
	v4 =	vadd.f32 v4, v3  }
0x37e: {  	v55 =	vmul.f32 $9.999999770e-03, v5  }
0x37f: {  	v56 =	vmul.f32 $9.999999770e-03, v4  }
0x380: {  	v5 =	vmax.f32 v5, v55  }
0x381: {  	v4 =	vmax.f32 v4, v56;
	[tilespmem:s2+$0xFFFFFFE0] =	vst v5  }
0x382: {  	[tilespmem:s2+$0xFFFFFFF0] =	vst v4;
	v4 =	vld [tilespmem:s2+$0x0]  }
0x383: {  	v5 =	vld.idx.msk [tilespmem:v6+s23+$0x0], $0xffff  }
0x384: {  	v57 =	vld [tilespmem:s2+$0x10];
	_ =	sdelay $0x3  }
0x385: {  	v4 =	vmul.f32 v4, v5  }
0x386: {  	v5 =	vmul.f32 v57, v5  }
0x387: {  	v4 =	vadd.f32 v4, v2  }
0x388: {  	s10 =	sadd.s32 $0x3, s9;
	v5 =	vadd.f32 v5, v3  }
0x389: {  	v58 =	vmov s10;
	v59 =	vmul.f32 $9.999999770e-03, v4  }
0x38a: {  	v60 =	vmul.f32 $9.999999770e-03, v5  }
0x38b: {  	v4 =	vmax.f32 v4, v59  }
0x38c: {  	v5 =	vmax.f32 v5, v60;
	[tilespmem:s2+$0x0] =	vst v4  }
0x38d: {  	[tilespmem:s2+$0x10] =	vst v5;
	v4 =	vld [tilespmem:s2+$0x20]  }
0x38e: {  	v5 =	vld.idx.msk [tilespmem:v58+s23+$0x0], $0xffff  }
0x38f: {  	v61 =	vld [tilespmem:s2+$0x30];
	_ =	sdelay $0x3  }
0x390: {  	v4 =	vmul.f32 v4, v5  }
0x391: {  	v5 =	vmul.f32 v61, v5  }
0x392: {  	v4 =	vadd.f32 v4, v2  }
0x393: {  	v5 =	vadd.f32 v5, v3  }
0x394: {  	v62 =	vmul.f32 $9.999999770e-03, v4  }
0x395: {  	v63 =	vmul.f32 $9.999999770e-03, v5  }
0x396: {  	v4 =	vmax.f32 v4, v62  }
0x397: {  	s31 =	sadd.s32 $0x1, s31;
	s14 =	sshll.u32 s26, $0x2;
	s26 =	rddreg [dreg:$0xb];
	v5 =	vmax.f32 v5, v63;
	[tilespmem:s2+$0x20] =	vst v4  }
0x398: {  	p2 =	sne.s32 s31, $0x19;
	s0 =	sadd.s32 s26, s14;
	[tilespmem:s2+$0x30] =	vst v5  }
0x399: {  	[hbm4b:s0+s4] =	stream.linear.scatter [tilespmem:s21], [sflag:s5], $0x1000, $0x38;
	[tilespmem:$0x1E740] =	vst v63  }
.Ltmp7:
0x39a: {  	_ = 	snop;
	(pc) =	sbr.rel @p2 .LBB2_14-.Ltmp7, $4  }
0x39b: {  	_ =	swait.ge [sflag:s5], $0x1000  }
0x39c: {  	[sflag:s5] =	ssyncset.done $0x0  }
0x39d: {  	[sflag:s5] =	ssyncadd.s32 $0xFFFFF000  }
0x39e: {  	s0 =	rddreg [dreg:$0x3]  }
0x39f: {  	s2 =	rddreg [dreg:$0x12]  }
0x3a0: {  	s0 =	rddreg [dreg:$0xf];
	s2 =	sadd.s32 $0x1, s2  }
0x3a1: {  	p2 =	sne.s32 s2, s0  }
.Ltmp8:
0x3a2: {  	_ = 	snop;
	(pc) =	sbr.rel @p2 .LBB2_1-.Ltmp8, $2  }
0x3a3: {  	_ =	sdelay $0x2  }
0x3a4: {  	s31 =	simm.s32 $0x1C680  }
0x3a5: {  	_ =	sfence.sel $0x180000  }
0x3a6: {  	[bflag:$0x0] =	sbarrier.arrive $0xFFFF  }
0x3a7: {  	_ =	strace $0x9000004A  }
0x3a8: {  	s0 =	stileid.u32;
	[bflag:$0x2] =	sbarrier.arrive $0xFFFF  }
0x3a9: {  	p0 =	sne.s32 s0, $0x0;
	s0 =	rddreg [dreg:$0x5]  }
0x3aa: {  	s0 =	sadd.s32 @!p0 $0x100000, s0  }
0x3ab: {  	[sflag:s0] =	ssyncadd.tile.s32 @!p0 $0x1;
	_ =	shalt  }
.Lfunc_end2:
_tile_overlayer_lowered:
.L_overlay_start_2:
0x3ac: {  	(tag) =	ssettag $0x2  }
0x3ad: {  	s0 =	rddreg [dreg:$0x0];
	s2 =	stileid.u32  }
0x3ae: {  	s1 =	rddreg [dreg:$0x1];
	p0 =	sne.s32 s2, $0x0  }
0x3af: {  	s3 =	rddreg [dreg:$0x2];
	[bflag:$0x3] =	sbarrier.arrive $0xFFFF;
	s2 =	simm.s32 @!p0 $0x1C04  }
0x3b0: {  	[timem:s3], [sflag:s2] =	dma.local @!p0 [hbm:s0], s1  }
0x3b1: {  	s0 =	simm.s32 @!p0 $0x4  }
0x3b2: {  	_ =	swait.ge @!p0 [sflag:s0], s1  }
0x3b3: {  	s1 =	ssub.s32 @!p0 $0x0, s1;
	[sflag:s0] =	ssyncset.done @!p0 $0x0  }
0x3b4: {  	[sflag:s0] =	ssyncadd.s32 @!p0 s1  }
0x3b5: {  	[bflag:$0x3] =	sbarrier.arrive $0xFFFF  }
0x3b6: {  	_ =	shalt  }

</sc_bundles>
